<compile_context>
chip_gen: v7x
topology: tpu7x:2x2x1
jax: 0.10.2.dev20260603
libtpu: 0.0.44.dev20260713+nightly
codegen_flags: <defaults>
</compile_context>

<pallas_src>
import functools

import jax
import jax.numpy as jnp
from jax import lax
from jax.experimental import pallas as pl
from jax.experimental.pallas import tpu as pltpu
from jax.experimental.pallas import tpu_sc as plsc

W = 1024
EPS = 1e-10
INVALID = -1


def _sc_gather_rows(d2, t2, rowd, rowt):
    NP = rowd.shape[0]
    PW = NP // 32
    mesh = plsc.VectorSubcoreMesh(core_axis_name="c", subcore_axis_name="s")

    @functools.partial(
        pl.kernel,
        out_type=[jax.ShapeDtypeStruct((NP, 128), jnp.float32),
                  jax.ShapeDtypeStruct((NP, 128), jnp.float32)],
        mesh=mesh,
        scratch_types=[pltpu.VMEM((PW,), jnp.int32),
                       pltpu.VMEM((PW,), jnp.int32),
                       pltpu.VMEM((PW, 128), jnp.float32),
                       pltpu.VMEM((PW, 128), jnp.float32),
                       pltpu.SemaphoreType.DMA,
                       pltpu.SemaphoreType.DMA],
    )
    def k(d_hbm, t_hbm, rowd_hbm, rowt_hbm, qr_hbm, pr_hbm,
          idxd, idxt, bufd, buft, sem1, sem2):
        wid = lax.axis_index("s") * 2 + lax.axis_index("c")
        base = wid * PW
        pltpu.sync_copy(rowd_hbm.at[pl.ds(base, PW)], idxd)
        pltpu.sync_copy(rowt_hbm.at[pl.ds(base, PW)], idxt)
        cp1 = pltpu.async_copy(d_hbm.at[idxd], bufd, sem1)
        cp2 = pltpu.async_copy(t_hbm.at[idxt], buft, sem2)
        cp1.wait()
        cp2.wait()
        pltpu.sync_copy(bufd, qr_hbm.at[pl.ds(base, PW)])
        pltpu.sync_copy(buft, pr_hbm.at[pl.ds(base, PW)])

    return k(d2, t2, rowd, rowt)


def _k1_body(*refs, V, C, S, CP):
    sr_ref, st_ref = refs[2 * S:]
    Kp1 = refs[S].shape[1]
    K = Kp1 - 1

    for s in range(S):
        d = refs[s][0]
        t = refs[S + s][0]
        t8 = t[:K, :]
        r = jnp.maximum(t8 - d, 0.0)
        for cl in range(CP):
            c = s * CP + cl
            rs = r[:, cl * W:(cl + 1) * W]
            ts = t[:, cl * W:(cl + 1) * W]
            if (c + 1) * W > V:
                m = (lax.broadcasted_iota(jnp.int32, (Kp1, W), 1)
                     + c * W) < V
                ts = jnp.where(m, ts, 0.0)
                rs = jnp.where(m[:K], rs, 0.0)
            sr_ref[0, :, c:c + 1] = rs.sum(-1, keepdims=True)
            st_ref[0, :, c:c + 1] = ts.sum(-1, keepdims=True)


def _run_k1(draft, target):
    B, K, V = draft.shape
    C = pl.cdiv(V, W)
    S = 7
    CP = C // S
    PV = CP * W
    d_specs = [pl.BlockSpec((1, K, PV), functools.partial(
        lambda b, ss: (b, 0, ss), ss=s)) for s in range(S)]
    t_specs = [pl.BlockSpec((1, K + 1, PV), functools.partial(
        lambda b, ss: (b, 0, ss), ss=s)) for s in range(S)]
    return pl.pallas_call(
        functools.partial(_k1_body, V=V, C=C, S=S, CP=CP),
        grid=(B,),
        in_specs=d_specs + t_specs,
        out_specs=[
            pl.BlockSpec((1, K, C), lambda b: (b, 0, 0)),
            pl.BlockSpec((1, K + 1, C), lambda b: (b, 0, 0)),
        ],
        out_shape=[
            jax.ShapeDtypeStruct((B, K, C), jnp.float32),
            jax.ShapeDtypeStruct((B, K + 1, C), jnp.float32),
        ],
    )(*([draft] * S), *([target] * S))


def _k2_body(sr_ref, st_ref, u_ref, qr_ref, pr_ref, ohd_ref, oht_ref, ua_ref,
             cstar_ref, base_ref, thr_ref, flag_ref, na_ref):
    N, C = sr_ref.shape
    sr = sr_ref[...]
    st = st_ref[...]
    u = u_ref[...]

    s_tot = sr.sum(-1, keepdims=True)
    kpos = lax.broadcasted_iota(jnp.int32, (N, 1), 0) % 9
    use_r = (s_tot > EPS) & (kpos < 8)
    sel = jnp.where(use_r, sr, st)
    thr = jnp.where(use_r, u * s_tot, u)

    ci_ = lax.broadcasted_iota(jnp.int32, (C, C), 0)
    cj_ = lax.broadcasted_iota(jnp.int32, (C, C), 1)
    utri = (ci_ <= cj_).astype(jnp.float32)
    cc = jax.lax.dot_general(sel, utri, (((1,), (0,)), ((), ())),
                             preferred_element_type=jnp.float32)
    cstar = (cc < thr).astype(jnp.int32).sum(-1, keepdims=True)
    cstar = jnp.minimum(cstar, C - 1)
    cj = lax.broadcasted_iota(jnp.int32, (N, C), 1)
    base = jnp.where(cj < cstar, sel, 0.0).sum(-1, keepdims=True)

    cstar_ref[...] = cstar
    base_ref[...] = base
    thr_ref[...] = thr
    flag_ref[...] = use_r.astype(jnp.int32)

    q = (qr_ref[...] * ohd_ref[...]).sum(-1)
    p = (pr_ref[...] * oht_ref[...]).sum(-1)
    ua = ua_ref[...]
    acc_prob = jnp.minimum(1.0, p / jnp.maximum(q, EPS))
    rejected = (ua > acc_prob).astype(jnp.float32)
    K = rejected.shape[1]
    ki_ = lax.broadcasted_iota(jnp.int32, (K, K), 0)
    kj_ = lax.broadcasted_iota(jnp.int32, (K, K), 1)
    ktri = (ki_ <= kj_).astype(jnp.float32)
    cumrej = jax.lax.dot_general(rejected, ktri, (((1,), (0,)), ((), ())),
                                 preferred_element_type=jnp.float32)
    na = (cumrej == 0.0).astype(jnp.int32).sum(-1, keepdims=True)
    na_ref[...] = na


def _run_k2(sr_pairs, st_pairs, u_col, qr, pr, ohd, oht, ua):
    B = ua.shape[0]
    N = sr_pairs.shape[0]
    return pl.pallas_call(
        _k2_body,
        out_shape=[
            jax.ShapeDtypeStruct((N, 1), jnp.int32),
            jax.ShapeDtypeStruct((N, 1), jnp.float32),
            jax.ShapeDtypeStruct((N, 1), jnp.float32),
            jax.ShapeDtypeStruct((N, 1), jnp.int32),
            jax.ShapeDtypeStruct((B, 1), jnp.int32),
        ],
    )(sr_pairs, st_pairs, u_col, qr, pr, ohd, oht, ua)


def _k3_body(cs_ref, d_ref, t_ref, thr_ref, base_ref, flag_ref, na_ref,
             ids_ref, out_ref, *, V):
    b = pl.program_id(0)

    thr = thr_ref[0]
    base = base_ref[0]
    flag = flag_ref[0]

    rows = []
    cbase = []
    for k in range(9):
        cstar_k = cs_ref[b * 9 + k]
        t = t_ref[k][0:1, k:k + 1, :][0]
        if k < 8:
            d = d_ref[k][0:1, k:k + 1, :][0]
            fk = flag[0:1, k:k + 1]
            vals = jnp.where(fk > 0, jnp.maximum(t - d, 0.0), t)
        else:
            vals = t
        li = lax.broadcasted_iota(jnp.int32, (1, W), 1) + cstar_k * W
        vals = jnp.where(li < V, vals, 0.0)
        rows.append(vals)
        cbase.append(cstar_k * W)
    vals9 = jnp.concatenate(rows, axis=0)

    wi_ = lax.broadcasted_iota(jnp.int32, (W, W), 0)
    wj_ = lax.broadcasted_iota(jnp.int32, (W, W), 1)
    utri = (wi_ <= wj_).astype(jnp.float32)
    cum9 = jax.lax.dot_general(vals9, utri, (((1,), (0,)), ((), ())),
                               preferred_element_type=jnp.float32)
    toks = []
    for k in range(9):
        cum_k = cum9[k:k + 1, :] + base[0:1, k:k + 1]
        cnt_k = (cum_k < thr[0:1, k:k + 1]).astype(jnp.int32).sum(
            -1, keepdims=True)
        toks.append(jnp.minimum(cbase[k] + cnt_k, V - 1))
    rec = jnp.concatenate(toks, axis=-1)

    ids_ext = jnp.concatenate(
        [ids_ref[0], jnp.zeros((1, 1), jnp.int32)], axis=-1)
    pos = lax.broadcasted_iota(jnp.int32, (1, 9), 1)
    na = na_ref[0]
    out_ref[0] = jnp.where(pos < na, ids_ext,
                           jnp.where(pos == na, rec,
                                     jnp.full((1, 9), INVALID, jnp.int32)))


def _run_k3(cstar_flat, draft, target, thr, base, flag, na, ids):
    B, K, V = draft.shape
    d_specs = [
        pl.BlockSpec((1, K, W), functools.partial(
            lambda b, cs, kk: (b, 0, cs[b * 9 + kk]), kk=k))
        for k in range(8)
    ]
    t_specs = [
        pl.BlockSpec((1, K + 1, W), functools.partial(
            lambda b, cs, kk: (b, 0, cs[b * 9 + kk]), kk=k))
        for k in range(9)
    ]
    grid_spec = pltpu.PrefetchScalarGridSpec(
        num_scalar_prefetch=1,
        grid=(B,),
        in_specs=d_specs + t_specs + [
            pl.BlockSpec((1, 1, 9), lambda b, cs: (b, 0, 0)),
            pl.BlockSpec((1, 1, 9), lambda b, cs: (b, 0, 0)),
            pl.BlockSpec((1, 1, 9), lambda b, cs: (b, 0, 0)),
            pl.BlockSpec((1, 1, 1), lambda b, cs: (b, 0, 0)),
            pl.BlockSpec((1, 1, 8), lambda b, cs: (b, 0, 0)),
        ],
        out_specs=pl.BlockSpec((1, 1, 9), lambda b, cs: (b, 0, 0)),
    )

    def body(cs_ref, *refs):
        return _k3_body(cs_ref, refs[0:8], refs[8:17], *refs[17:], V=V)

    out = pl.pallas_call(
        body,
        grid_spec=grid_spec,
        out_shape=jax.ShapeDtypeStruct((B, 1, 9), jnp.int32),
    )(cstar_flat, *([draft] * 8), *([target] * 9),
      thr, base, flag, na, ids)
    return out.reshape(B, 9)


def kernel(draft_probs, target_probs, uniform_accept, uniform_sample,
           draft_token_ids):
    B, K, V = draft_probs.shape
    C = pl.cdiv(V, W)

    prn = jnp.arange(B * K, dtype=jnp.int32)
    idsf = draft_token_ids.reshape(-1)
    flatd = prn * V + idsf
    flatt = (prn + prn // K) * V + idsf
    qrows, prows = _sc_gather_rows(
        draft_probs.reshape(B * K * V // 128, 128),
        target_probs.reshape(B * (K + 1) * V // 128, 128),
        flatd // 128, flatt // 128)
    lane = jnp.arange(128, dtype=jnp.int32)[None, :]
    ohd = (flatd[:, None] % 128 == lane).astype(jnp.float32)
    oht = (flatt[:, None] % 128 == lane).astype(jnp.float32)

    srT, stT = _run_k1(draft_probs, target_probs)

    sr_pairs = jnp.concatenate(
        [srT, jnp.zeros((B, 1, C), jnp.float32)], axis=1).reshape(B * (K + 1), C)
    st_pairs = stT.reshape(B * (K + 1), C)
    u_col = uniform_sample.reshape(B * (K + 1), 1)

    cstar, base, thr, flag, na = _run_k2(sr_pairs, st_pairs, u_col,
                                         qrows.reshape(B, K, 128),
                                         prows.reshape(B, K, 128),
                                         ohd.reshape(B, K, 128),
                                         oht.reshape(B, K, 128),
                                         uniform_accept)

    thr9 = thr.reshape(B, 1, K + 1)
    base9 = base.reshape(B, 1, K + 1)
    flag9 = flag.reshape(B, 1, K + 1)
    na9 = na.reshape(B, 1, 1)
    ids9 = draft_token_ids.reshape(B, 1, K)
    cstar_flat = cstar.reshape(B * (K + 1))

    return _run_k3(cstar_flat, draft_probs, target_probs,
                   thr9, base9, flag9, na9, ids9)

# --- scband reference (transcript-rebuilt; emitter-appended) ---
"""Pipeline reference for scband-rejection-sampler-33131377721929 (READ-ONLY COPY).

The authoritative reference and input builder live on the scoring server;
editing this copy changes nothing except your own understanding.
"""

import jax, jax.numpy as jnp
import numpy as np

INVALID_TOKEN_ID = -1


def setup_inputs(seed: int = 0) -> dict:
    key = jax.random.key(seed)
    k1, k2, k3, k4, k5 = jax.random.split(key, 5)
    B, K, V = 32, 8, 100000
    draft_probs = jax.random.uniform(k1, (B, K, V), dtype=jnp.float32)
    draft_probs = draft_probs / draft_probs.sum(-1, keepdims=True)
    target_probs = jax.random.uniform(k2, (B, K + 1, V), dtype=jnp.float32)
    target_probs = target_probs / target_probs.sum(-1, keepdims=True)
    uniform_accept = jax.random.uniform(k3, (B, K), dtype=jnp.float32)
    uniform_sample = jax.random.uniform(k4, (B, K + 1), dtype=jnp.float32)
    draft_token_ids = jax.random.randint(k5, (B, K), 0, V, dtype=jnp.int32)
    return {
        'draft_probs': draft_probs,
        'target_probs': target_probs,
        'uniform_accept': uniform_accept,
        'uniform_sample': uniform_sample,
        'draft_token_ids': draft_token_ids,
    }


def reference(draft_probs, target_probs, uniform_accept, uniform_sample, draft_token_ids):
    # Non-greedy native rejection sampling path of vLLM's RejectionSampler.
    # draft_probs:  [B, K, V]   (normalized)
    # target_probs: [B, K+1, V] (normalized; position K is the bonus position)
    B, K, V = draft_probs.shape
    idx = draft_token_ids[..., None]
    # gather draft/target probability of each proposed draft token
    q = jnp.take_along_axis(draft_probs, idx, axis=-1)[..., 0]               # [B, K]
    p = jnp.take_along_axis(target_probs[:, :K, :], idx, axis=-1)[..., 0]    # [B, K]
    accept_prob = jnp.minimum(1.0, p / jnp.maximum(q, 1e-10))
    accepted = uniform_accept <= accept_prob                                 # [B, K]
    accept_cum = jnp.cumprod(accepted.astype(jnp.int32), axis=1)
    num_accepted = accept_cum.sum(axis=1)                                    # [B]
    # recovered (residual) distribution: relu(p - q) renormalized
    recovered = jnp.maximum(target_probs[:, :K, :] - draft_probs, 0.0)
    recovered_sum = recovered.sum(-1, keepdims=True)
    recovered = jnp.where(recovered_sum > 1e-10,
                          recovered / jnp.maximum(recovered_sum, 1e-10),
                          target_probs[:, :K, :])
    # inverse-CDF (multinomial) sampling from recovered distribution
    cdf = jnp.cumsum(recovered, axis=-1)
    rec_tok = jnp.sum((cdf < uniform_sample[:, :K, None]).astype(jnp.int32), axis=-1)
    rec_tok = jnp.clip(rec_tok, 0, V - 1)                                    # [B, K]
    # bonus token sampled from the final target distribution
    bonus_cdf = jnp.cumsum(target_probs[:, K, :], axis=-1)
    bonus_tok = jnp.clip(jnp.sum((bonus_cdf < uniform_sample[:, K, None]).astype(jnp.int32), axis=-1), 0, V - 1)  # [B]
    pos = jnp.arange(K + 1)[None, :]
    draft_ext = jnp.concatenate([draft_token_ids, jnp.zeros((B, 1), dtype=draft_token_ids.dtype)], axis=1)
    rec_ext = jnp.concatenate([rec_tok, bonus_tok[:, None]], axis=1).astype(draft_token_ids.dtype)
    out = jnp.where(pos < num_accepted[:, None], draft_ext,
                    jnp.where(pos == num_accepted[:, None], rec_ext,
                              jnp.full_like(draft_ext, INVALID_TOKEN_ID)))
    return out

if __name__ == "__main__":
    import jax
    _d = setup_inputs()
    print(jax.jit(kernel)(*tuple(_d.values())))

</pallas_src>

<mosaic_0001>
#map = affine_map<(d0, d1) -> (0, 0)>
#map1 = affine_map<(d0, d1) -> (0)>
module attributes {stable_mosaic.version = 14 : i64} {
  func.func @k(%arg0: i32, %arg1: i32, %arg2: memref<200000x128xf32, #tpu.memory_space<hbm>>, %arg3: memref<225000x128xf32, #tpu.memory_space<hbm>>, %arg4: memref<256xi32, #tpu.memory_space<hbm>>, %arg5: memref<256xi32, #tpu.memory_space<hbm>>, %arg6: memref<256x128xf32, #tpu.memory_space<hbm>>, %arg7: memref<256x128xf32, #tpu.memory_space<hbm>>, %arg8: memref<8xi32, #tpu.memory_space<vmem>>, %arg9: memref<8xi32, #tpu.memory_space<vmem>>, %arg10: memref<8x128xf32, #tpu.memory_space<vmem>>, %arg11: memref<8x128xf32, #tpu.memory_space<vmem>>, %arg12: memref<!tpu.dma_semaphore, #tpu.memory_space<semaphore_mem>>, %arg13: memref<!tpu.dma_semaphore, #tpu.memory_space<semaphore_mem>>) attributes {dimension_semantics = [#tpu.dimension_semantics<core_parallel>, #tpu.dimension_semantics<subcore_parallel>], iteration_bounds = array<i64: 2, 16>, scalar_prefetch = 0 : i64, scratch_operands = 6 : i64, tpu.core_type = #tpu.core_type<sc_vector_subcore>, window_params = [{transform_indices = #map}, {transform_indices = #map}, {transform_indices = #map1}, {transform_indices = #map1}, {transform_indices = #map}, {transform_indices = #map}]} {
    %mul3A = arith.constant 2 : i32
    %mul3A_0 = arith.muli %arg1, %mul3A : i32
    %add3A = arith.addi %mul3A_0, %arg0 : i32
    %mul3A_1 = arith.constant 8 : i32
    %mul3A_2 = arith.muli %add3A, %mul3A_1 : i32
    "tpu.region"() ({
      %run_scoped3A = tpu.sem_alloc : memref<!tpu.dma_semaphore, #tpu.memory_space<semaphore_mem>>
      %dma_start3A_13 = tpu.memref_slice %arg4[%mul3A_2] : memref<256xi32, #tpu.memory_space<hbm>> -> memref<8xi32, #tpu.memory_space<hbm>>
      %dma_start3A_14 = tpu.memref_slice %arg4[%mul3A_2] : memref<256xi32, #tpu.memory_space<hbm>> -> memref<8xi32, #tpu.memory_space<hbm>>
      tpu.enqueue_dma source(%dma_start3A_14 : memref<8xi32, #tpu.memory_space<hbm>>) target(%arg8 : memref<8xi32, #tpu.memory_space<vmem>>) target_semaphore(%run_scoped3A : memref<!tpu.dma_semaphore, #tpu.memory_space<semaphore_mem>>)
      %dma_wait3A_15 = tpu.memref_slice %arg4[%mul3A_2] : memref<256xi32, #tpu.memory_space<hbm>> -> memref<8xi32, #tpu.memory_space<hbm>>
      %dma_wait3A_16 = tpu.memref_slice %arg4[%mul3A_2] : memref<256xi32, #tpu.memory_space<hbm>> -> memref<8xi32, #tpu.memory_space<hbm>>
      tpu.wait_dma2 semaphore(%run_scoped3A : memref<!tpu.dma_semaphore, #tpu.memory_space<semaphore_mem>>) src(%dma_wait3A_16 : memref<8xi32, #tpu.memory_space<hbm>>) dst(%arg8 : memref<8xi32, #tpu.memory_space<vmem>>)
      tpu.yield
    }) : () -> ()
    "tpu.region"() ({
      %run_scoped3A = tpu.sem_alloc : memref<!tpu.dma_semaphore, #tpu.memory_space<semaphore_mem>>
      %dma_start3A_13 = tpu.memref_slice %arg5[%mul3A_2] : memref<256xi32, #tpu.memory_space<hbm>> -> memref<8xi32, #tpu.memory_space<hbm>>
      %dma_start3A_14 = tpu.memref_slice %arg5[%mul3A_2] : memref<256xi32, #tpu.memory_space<hbm>> -> memref<8xi32, #tpu.memory_space<hbm>>
      tpu.enqueue_dma source(%dma_start3A_14 : memref<8xi32, #tpu.memory_space<hbm>>) target(%arg9 : memref<8xi32, #tpu.memory_space<vmem>>) target_semaphore(%run_scoped3A : memref<!tpu.dma_semaphore, #tpu.memory_space<semaphore_mem>>)
      %dma_wait3A_15 = tpu.memref_slice %arg5[%mul3A_2] : memref<256xi32, #tpu.memory_space<hbm>> -> memref<8xi32, #tpu.memory_space<hbm>>
      %dma_wait3A_16 = tpu.memref_slice %arg5[%mul3A_2] : memref<256xi32, #tpu.memory_space<hbm>> -> memref<8xi32, #tpu.memory_space<hbm>>
      tpu.wait_dma2 semaphore(%run_scoped3A : memref<!tpu.dma_semaphore, #tpu.memory_space<semaphore_mem>>) src(%dma_wait3A_16 : memref<8xi32, #tpu.memory_space<hbm>>) dst(%arg9 : memref<8xi32, #tpu.memory_space<vmem>>)
      tpu.yield
    }) : () -> ()
    %dma_start3A = arith.constant 0 : i32
    %dma_start3A_3 = arith.constant 0 : i32
    %dma_start3A_4 = tpu.memref_slice %arg2[%dma_start3A, %dma_start3A_3] : memref<200000x128xf32, #tpu.memory_space<hbm>> -> memref<200000x128xf32, #tpu.memory_space<hbm>>
    tpu.enqueue_indirect_dma source(%dma_start3A_4 : memref<200000x128xf32, #tpu.memory_space<hbm>>) target(%arg10 : memref<8x128xf32, #tpu.memory_space<vmem>>) offsets(%arg8 : memref<8xi32, #tpu.memory_space<vmem>>) semaphore(%arg12 : memref<!tpu.dma_semaphore, #tpu.memory_space<semaphore_mem>>)
    %dma_start3A_5 = arith.constant 0 : i32
    %dma_start3A_6 = arith.constant 0 : i32
    %dma_start3A_7 = tpu.memref_slice %arg3[%dma_start3A_5, %dma_start3A_6] : memref<225000x128xf32, #tpu.memory_space<hbm>> -> memref<225000x128xf32, #tpu.memory_space<hbm>>
    tpu.enqueue_indirect_dma source(%dma_start3A_7 : memref<225000x128xf32, #tpu.memory_space<hbm>>) target(%arg11 : memref<8x128xf32, #tpu.memory_space<vmem>>) offsets(%arg9 : memref<8xi32, #tpu.memory_space<vmem>>) semaphore(%arg13 : memref<!tpu.dma_semaphore, #tpu.memory_space<semaphore_mem>>)
    %dma_wait3A = arith.constant 0 : i32
    %dma_wait3A_8 = arith.constant 0 : i32
    %dma_wait3A_9 = tpu.memref_slice %arg2[%dma_wait3A, %dma_wait3A_8] : memref<200000x128xf32, #tpu.memory_space<hbm>> -> memref<200000x128xf32, #tpu.memory_space<hbm>>
    tpu.wait_indirect_dma semaphore(%arg12 : memref<!tpu.dma_semaphore, #tpu.memory_space<semaphore_mem>>) src(%dma_wait3A_9 : memref<200000x128xf32, #tpu.memory_space<hbm>>) dst(%arg10 : memref<8x128xf32, #tpu.memory_space<vmem>>)
    %dma_wait3A_10 = arith.constant 0 : i32
    %dma_wait3A_11 = arith.constant 0 : i32
    %dma_wait3A_12 = tpu.memref_slice %arg3[%dma_wait3A_10, %dma_wait3A_11] : memref<225000x128xf32, #tpu.memory_space<hbm>> -> memref<225000x128xf32, #tpu.memory_space<hbm>>
    tpu.wait_indirect_dma semaphore(%arg13 : memref<!tpu.dma_semaphore, #tpu.memory_space<semaphore_mem>>) src(%dma_wait3A_12 : memref<225000x128xf32, #tpu.memory_space<hbm>>) dst(%arg11 : memref<8x128xf32, #tpu.memory_space<vmem>>)
    "tpu.region"() ({
      %run_scoped3A = tpu.sem_alloc : memref<!tpu.dma_semaphore, #tpu.memory_space<semaphore_mem>>
      %dma_start3A_13 = arith.constant 0 : i32
      %dma_start3A_14 = tpu.memref_slice %arg6[%mul3A_2, %dma_start3A_13] : memref<256x128xf32, #tpu.memory_space<hbm>> -> memref<8x128xf32, #tpu.memory_space<hbm>>
      %dma_start3A_15 = arith.constant 0 : i32
      %dma_start3A_16 = tpu.memref_slice %arg6[%mul3A_2, %dma_start3A_15] : memref<256x128xf32, #tpu.memory_space<hbm>> -> memref<8x128xf32, #tpu.memory_space<hbm>>
      tpu.enqueue_dma source(%arg10 : memref<8x128xf32, #tpu.memory_space<vmem>>) target(%dma_start3A_16 : memref<8x128xf32, #tpu.memory_space<hbm>>) target_semaphore(%run_scoped3A : memref<!tpu.dma_semaphore, #tpu.memory_space<semaphore_mem>>)
      %dma_wait3A_17 = arith.constant 0 : i32
      %dma_wait3A_18 = tpu.memref_slice %arg6[%mul3A_2, %dma_wait3A_17] : memref<256x128xf32, #tpu.memory_space<hbm>> -> memref<8x128xf32, #tpu.memory_space<hbm>>
      %dma_wait3A_19 = arith.constant 0 : i32
      %dma_wait3A_20 = tpu.memref_slice %arg6[%mul3A_2, %dma_wait3A_19] : memref<256x128xf32, #tpu.memory_space<hbm>> -> memref<8x128xf32, #tpu.memory_space<hbm>>
      tpu.wait_dma2 semaphore(%run_scoped3A : memref<!tpu.dma_semaphore, #tpu.memory_space<semaphore_mem>>) src(%arg10 : memref<8x128xf32, #tpu.memory_space<vmem>>) dst(%dma_wait3A_20 : memref<8x128xf32, #tpu.memory_space<hbm>>)
      tpu.yield
    }) : () -> ()
    "tpu.region"() ({
      %run_scoped3A = tpu.sem_alloc : memref<!tpu.dma_semaphore, #tpu.memory_space<semaphore_mem>>
      %dma_start3A_13 = arith.constant 0 : i32
      %dma_start3A_14 = tpu.memref_slice %arg7[%mul3A_2, %dma_start3A_13] : memref<256x128xf32, #tpu.memory_space<hbm>> -> memref<8x128xf32, #tpu.memory_space<hbm>>
      %dma_start3A_15 = arith.constant 0 : i32
      %dma_start3A_16 = tpu.memref_slice %arg7[%mul3A_2, %dma_start3A_15] : memref<256x128xf32, #tpu.memory_space<hbm>> -> memref<8x128xf32, #tpu.memory_space<hbm>>
      tpu.enqueue_dma source(%arg11 : memref<8x128xf32, #tpu.memory_space<vmem>>) target(%dma_start3A_16 : memref<8x128xf32, #tpu.memory_space<hbm>>) target_semaphore(%run_scoped3A : memref<!tpu.dma_semaphore, #tpu.memory_space<semaphore_mem>>)
      %dma_wait3A_17 = arith.constant 0 : i32
      %dma_wait3A_18 = tpu.memref_slice %arg7[%mul3A_2, %dma_wait3A_17] : memref<256x128xf32, #tpu.memory_space<hbm>> -> memref<8x128xf32, #tpu.memory_space<hbm>>
      %dma_wait3A_19 = arith.constant 0 : i32
      %dma_wait3A_20 = tpu.memref_slice %arg7[%mul3A_2, %dma_wait3A_19] : memref<256x128xf32, #tpu.memory_space<hbm>> -> memref<8x128xf32, #tpu.memory_space<hbm>>
      tpu.wait_dma2 semaphore(%run_scoped3A : memref<!tpu.dma_semaphore, #tpu.memory_space<semaphore_mem>>) src(%arg11 : memref<8x128xf32, #tpu.memory_space<vmem>>) dst(%dma_wait3A_20 : memref<8x128xf32, #tpu.memory_space<hbm>>)
      tpu.yield
    }) : () -> ()
    return
  }
}

module attributes {stable_mosaic.version = 14 : i64} {
  func.func @_k1_body(%arg0: i32, %arg1: memref<1x8x14336xf32, #tpu.memory_space<vmem>>, %arg2: memref<1x8x14336xf32, #tpu.memory_space<vmem>>, %arg3: memref<1x8x14336xf32, #tpu.memory_space<vmem>>, %arg4: memref<1x8x14336xf32, #tpu.memory_space<vmem>>, %arg5: memref<1x8x14336xf32, #tpu.memory_space<vmem>>, %arg6: memref<1x8x14336xf32, #tpu.memory_space<vmem>>, %arg7: memref<1x8x14336xf32, #tpu.memory_space<vmem>>, %arg8: memref<1x9x14336xf32, #tpu.memory_space<vmem>>, %arg9: memref<1x9x14336xf32, #tpu.memory_space<vmem>>, %arg10: memref<1x9x14336xf32, #tpu.memory_space<vmem>>, %arg11: memref<1x9x14336xf32, #tpu.memory_space<vmem>>, %arg12: memref<1x9x14336xf32, #tpu.memory_space<vmem>>, %arg13: memref<1x9x14336xf32, #tpu.memory_space<vmem>>, %arg14: memref<1x9x14336xf32, #tpu.memory_space<vmem>>, %arg15: memref<1x8x98xf32, #tpu.memory_space<vmem>>, %arg16: memref<1x9x98xf32, #tpu.memory_space<vmem>>) attributes {dimension_semantics = [#tpu.dimension_semantics<arbitrary>], iteration_bounds = array<i64: 32>, scalar_prefetch = 0 : i64, scratch_operands = 0 : i64, tpu.core_type = #tpu.core_type<tc>, window_params = [{transform_indices = @transform_0, window_bounds = array<i64: 1, 8, 14336>}, {transform_indices = @transform_1, window_bounds = array<i64: 1, 8, 14336>}, {transform_indices = @transform_2, window_bounds = array<i64: 1, 8, 14336>}, {transform_indices = @transform_3, window_bounds = array<i64: 1, 8, 14336>}, {transform_indices = @transform_4, window_bounds = array<i64: 1, 8, 14336>}, {transform_indices = @transform_5, window_bounds = array<i64: 1, 8, 14336>}, {transform_indices = @transform_6, window_bounds = array<i64: 1, 8, 14336>}, {transform_indices = @transform_7, window_bounds = array<i64: 1, 9, 14336>}, {transform_indices = @transform_8, window_bounds = array<i64: 1, 9, 14336>}, {transform_indices = @transform_9, window_bounds = array<i64: 1, 9, 14336>}, {transform_indices = @transform_10, window_bounds = array<i64: 1, 9, 14336>}, {transform_indices = @transform_11, window_bounds = array<i64: 1, 9, 14336>}, {transform_indices = @transform_12, window_bounds = array<i64: 1, 9, 14336>}, {transform_indices = @transform_13, window_bounds = array<i64: 1, 9, 14336>}, {transform_indices = @transform_14, window_bounds = array<i64: 1, 8, 98>}, {transform_indices = @transform_15, window_bounds = array<i64: 1, 9, 98>}]} {
    %get3A = arith.constant 0 : index
    %get3A_0 = arith.constant 0 : index
    %get3A_1 = arith.constant 0 : index
    %get3A_2 = vector.load %arg1[%get3A, %get3A_0, %get3A_1] : memref<1x8x14336xf32, #tpu.memory_space<vmem>>, vector<1x8x14336xf32>
    %get3A_3 = vector.shape_cast %get3A_2 : vector<1x8x14336xf32> to vector<8x14336xf32>
    %get3A_4 = arith.constant 0 : index
    %get3A_5 = arith.constant 0 : index
    %get3A_6 = arith.constant 0 : index
    %get3A_7 = vector.load %arg8[%get3A_4, %get3A_5, %get3A_6] : memref<1x9x14336xf32, #tpu.memory_space<vmem>>, vector<1x9x14336xf32>
    %get3A_8 = vector.shape_cast %get3A_7 : vector<1x9x14336xf32> to vector<9x14336xf32>
    %slice3A = vector.extract_strided_slice %get3A_8 {offsets = [0, 0], sizes = [8, 14336], strides = [1, 1]} : vector<9x14336xf32> to vector<8x14336xf32>
    %sub3A = arith.subf %slice3A, %get3A_3 : vector<8x14336xf32>
    %max3A = arith.constant 0.000000e+00 : f32
    %max3A_9 = vector.broadcast %max3A : f32 to vector<8x14336xf32>
    %max3A_10 = arith.maximumf %sub3A, %max3A_9 : vector<8x14336xf32>
    %slice3A_11 = vector.extract_strided_slice %max3A_10 {offsets = [0, 0], sizes = [8, 1024], strides = [1, 1]} : vector<8x14336xf32> to vector<8x1024xf32>
    %slice3A_12 = vector.extract_strided_slice %get3A_8 {offsets = [0, 0], sizes = [9, 1024], strides = [1, 1]} : vector<9x14336xf32> to vector<9x1024xf32>
    %reduce_sum3A = arith.constant dense<0.000000e+00> : vector<8xf32>
    %reduce_sum3A_13 = vector.multi_reduction <add>, %slice3A_11, %reduce_sum3A [1] : vector<8x1024xf32> to vector<8xf32>
    %broadcast_in_dim3A = vector.shape_cast %reduce_sum3A_13 : vector<8xf32> to vector<8x1xf32>
    %swap3A = arith.constant 0 : index
    %swap3A_14 = arith.constant 0 : index
    %swap3A_15 = arith.constant 0 : index
    %swap3A_16 = vector.load %arg15[%swap3A, %swap3A_14, %swap3A_15] : memref<1x8x98xf32, #tpu.memory_space<vmem>>, vector<1x8x1xf32>
    %swap3A_17 = vector.shape_cast %swap3A_16 : vector<1x8x1xf32> to vector<8x1xf32>
    %swap3A_18 = vector.shape_cast %broadcast_in_dim3A : vector<8x1xf32> to vector<1x8x1xf32>
    tpu.vector_store %arg15[%swap3A, %swap3A_14, %swap3A_15], %swap3A_18 {strides = array<i32>} : memref<1x8x98xf32, #tpu.memory_space<vmem>>, vector<1x8x1xf32>,
    %reduce_sum3A_19 = arith.constant dense<0.000000e+00> : vector<9xf32>
    %reduce_sum3A_20 = vector.multi_reduction <add>, %slice3A_12, %reduce_sum3A_19 [1] : vector<9x1024xf32> to vector<9xf32>
    %broadcast_in_dim3A_21 = vector.shape_cast %reduce_sum3A_20 : vector<9xf32> to vector<9x1xf32>
    %swap3A_22 = arith.constant 0 : index
    %swap3A_23 = arith.constant 0 : index
    %swap3A_24 = arith.constant 0 : index
    %swap3A_25 = vector.load %arg16[%swap3A_22, %swap3A_23, %swap3A_24] : memref<1x9x98xf32, #tpu.memory_space<vmem>>, vector<1x9x1xf32>
    %swap3A_26 = vector.shape_cast %swap3A_25 : vector<1x9x1xf32> to vector<9x1xf32>
    %swap3A_27 = vector.shape_cast %broadcast_in_dim3A_21 : vector<9x1xf32> to vector<1x9x1xf32>
    tpu.vector_store %arg16[%swap3A_22, %swap3A_23, %swap3A_24], %swap3A_27 {strides = array<i32>} : memref<1x9x98xf32, #tpu.memory_space<vmem>>, vector<1x9x1xf32>,
    %slice3A_28 = vector.extract_strided_slice %max3A_10 {offsets = [0, 1024], sizes = [8, 1024], strides = [1, 1]} : vector<8x14336xf32> to vector<8x1024xf32>
    %slice3A_29 = vector.extract_strided_slice %get3A_8 {offsets = [0, 1024], sizes = [9, 1024], strides = [1, 1]} : vector<9x14336xf32> to vector<9x1024xf32>
    %reduce_sum3A_30 = arith.constant dense<0.000000e+00> : vector<8xf32>
    %reduce_sum3A_31 = vector.multi_reduction <add>, %slice3A_28, %reduce_sum3A_30 [1] : vector<8x1024xf32> to vector<8xf32>
    %broadcast_in_dim3A_32 = vector.shape_cast %reduce_sum3A_31 : vector<8xf32> to vector<8x1xf32>
    %swap3A_33 = arith.constant 0 : index
    %swap3A_34 = arith.constant 0 : index
    %swap3A_35 = arith.constant 1 : index
    %swap3A_36 = vector.load %arg15[%swap3A_33, %swap3A_34, %swap3A_35] : memref<1x8x98xf32, #tpu.memory_space<vmem>>, vector<1x8x1xf32>
    %swap3A_37 = vector.shape_cast %swap3A_36 : vector<1x8x1xf32> to vector<8x1xf32>
    %swap3A_38 = vector.shape_cast %broadcast_in_dim3A_32 : vector<8x1xf32> to vector<1x8x1xf32>
    tpu.vector_store %arg15[%swap3A_33, %swap3A_34, %swap3A_35], %swap3A_38 {strides = array<i32>} : memref<1x8x98xf32, #tpu.memory_space<vmem>>, vector<1x8x1xf32>,
    %reduce_sum3A_39 = arith.constant dense<0.000000e+00> : vector<9xf32>
    %reduce_sum3A_40 = vector.multi_reduction <add>, %slice3A_29, %reduce_sum3A_39 [1] : vector<9x1024xf32> to vector<9xf32>
    %broadcast_in_dim3A_41 = vector.shape_cast %reduce_sum3A_40 : vector<9xf32> to vector<9x1xf32>
    %swap3A_42 = arith.constant 0 : index
    %swap3A_43 = arith.constant 0 : index
    %swap3A_44 = arith.constant 1 : index
    %swap3A_45 = vector.load %arg16[%swap3A_42, %swap3A_43, %swap3A_44] : memref<1x9x98xf32, #tpu.memory_space<vmem>>, vector<1x9x1xf32>
    %swap3A_46 = vector.shape_cast %swap3A_45 : vector<1x9x1xf32> to vector<9x1xf32>
    %swap3A_47 = vector.shape_cast %broadcast_in_dim3A_41 : vector<9x1xf32> to vector<1x9x1xf32>
    tpu.vector_store %arg16[%swap3A_42, %swap3A_43, %swap3A_44], %swap3A_47 {strides = array<i32>} : memref<1x9x98xf32, #tpu.memory_space<vmem>>, vector<1x9x1xf32>,
    %slice3A_48 = vector.extract_strided_slice %max3A_10 {offsets = [0, 2048], sizes = [8, 1024], strides = [1, 1]} : vector<8x14336xf32> to vector<8x1024xf32>
    %slice3A_49 = vector.extract_strided_slice %get3A_8 {offsets = [0, 2048], sizes = [9, 1024], strides = [1, 1]} : vector<9x14336xf32> to vector<9x1024xf32>
    %reduce_sum3A_50 = arith.constant dense<0.000000e+00> : vector<8xf32>
    %reduce_sum3A_51 = vector.multi_reduction <add>, %slice3A_48, %reduce_sum3A_50 [1] : vector<8x1024xf32> to vector<8xf32>
    %broadcast_in_dim3A_52 = vector.shape_cast %reduce_sum3A_51 : vector<8xf32> to vector<8x1xf32>
    %swap3A_53 = arith.constant 0 : index
    %swap3A_54 = arith.constant 0 : index
    %swap3A_55 = arith.constant 2 : index
    %swap3A_56 = vector.load %arg15[%swap3A_53, %swap3A_54, %swap3A_55] : memref<1x8x98xf32, #tpu.memory_space<vmem>>, vector<1x8x1xf32>
    %swap3A_57 = vector.shape_cast %swap3A_56 : vector<1x8x1xf32> to vector<8x1xf32>
    %swap3A_58 = vector.shape_cast %broadcast_in_dim3A_52 : vector<8x1xf32> to vector<1x8x1xf32>
    tpu.vector_store %arg15[%swap3A_53, %swap3A_54, %swap3A_55], %swap3A_58 {strides = array<i32>} : memref<1x8x98xf32, #tpu.memory_space<vmem>>, vector<1x8x1xf32>,
    %reduce_sum3A_59 = arith.constant dense<0.000000e+00> : vector<9xf32>
    %reduce_sum3A_60 = vector.multi_reduction <add>, %slice3A_49, %reduce_sum3A_59 [1] : vector<9x1024xf32> to vector<9xf32>
    %broadcast_in_dim3A_61 = vector.shape_cast %reduce_sum3A_60 : vector<9xf32> to vector<9x1xf32>
    %swap3A_62 = arith.constant 0 : index
    %swap3A_63 = arith.constant 0 : index
    %swap3A_64 = arith.constant 2 : index
    %swap3A_65 = vector.load %arg16[%swap3A_62, %swap3A_63, %swap3A_64] : memref<1x9x98xf32, #tpu.memory_space<vmem>>, vector<1x9x1xf32>
    %swap3A_66 = vector.shape_cast %swap3A_65 : vector<1x9x1xf32> to vector<9x1xf32>
    %swap3A_67 = vector.shape_cast %broadcast_in_dim3A_61 : vector<9x1xf32> to vector<1x9x1xf32>
    tpu.vector_store %arg16[%swap3A_62, %swap3A_63, %swap3A_64], %swap3A_67 {strides = array<i32>} : memref<1x9x98xf32, #tpu.memory_space<vmem>>, vector<1x9x1xf32>,
    %slice3A_68 = vector.extract_strided_slice %max3A_10 {offsets = [0, 3072], sizes = [8, 1024], strides = [1, 1]} : vector<8x14336xf32> to vector<8x1024xf32>
    %slice3A_69 = vector.extract_strided_slice %get3A_8 {offsets = [0, 3072], sizes = [9, 1024], strides = [1, 1]} : vector<9x14336xf32> to vector<9x1024xf32>
    %reduce_sum3A_70 = arith.constant dense<0.000000e+00> : vector<8xf32>
    %reduce_sum3A_71 = vector.multi_reduction <add>, %slice3A_68, %reduce_sum3A_70 [1] : vector<8x1024xf32> to vector<8xf32>
    %broadcast_in_dim3A_72 = vector.shape_cast %reduce_sum3A_71 : vector<8xf32> to vector<8x1xf32>
    %swap3A_73 = arith.constant 0 : index
    %swap3A_74 = arith.constant 0 : index
    %swap3A_75 = arith.constant 3 : index
    %swap3A_76 = vector.load %arg15[%swap3A_73, %swap3A_74, %swap3A_75] : memref<1x8x98xf32, #tpu.memory_space<vmem>>, vector<1x8x1xf32>
    %swap3A_77 = vector.shape_cast %swap3A_76 : vector<1x8x1xf32> to vector<8x1xf32>
    %swap3A_78 = vector.shape_cast %broadcast_in_dim3A_72 : vector<8x1xf32> to vector<1x8x1xf32>
    tpu.vector_store %arg15[%swap3A_73, %swap3A_74, %swap3A_75], %swap3A_78 {strides = array<i32>} : memref<1x8x98xf32, #tpu.memory_space<vmem>>, vector<1x8x1xf32>,
    %reduce_sum3A_79 = arith.constant dense<0.000000e+00> : vector<9xf32>
    %reduce_sum3A_80 = vector.multi_reduction <add>, %slice3A_69, %reduce_sum3A_79 [1] : vector<9x1024xf32> to vector<9xf32>
    %broadcast_in_dim3A_81 = vector.shape_cast %reduce_sum3A_80 : vector<9xf32> to vector<9x1xf32>
    %swap3A_82 = arith.constant 0 : index
    %swap3A_83 = arith.constant 0 : index
    %swap3A_84 = arith.constant 3 : index
    %swap3A_85 = vector.load %arg16[%swap3A_82, %swap3A_83, %swap3A_84] : memref<1x9x98xf32, #tpu.memory_space<vmem>>, vector<1x9x1xf32>
    %swap3A_86 = vector.shape_cast %swap3A_85 : vector<1x9x1xf32> to vector<9x1xf32>
    %swap3A_87 = vector.shape_cast %broadcast_in_dim3A_81 : vector<9x1xf32> to vector<1x9x1xf32>
    tpu.vector_store %arg16[%swap3A_82, %swap3A_83, %swap3A_84], %swap3A_87 {strides = array<i32>} : memref<1x9x98xf32, #tpu.memory_space<vmem>>, vector<1x9x1xf32>,
    %slice3A_88 = vector.extract_strided_slice %max3A_10 {offsets = [0, 4096], sizes = [8, 1024], strides = [1, 1]} : vector<8x14336xf32> to vector<8x1024xf32>
    %slice3A_89 = vector.extract_strided_slice %get3A_8 {offsets = [0, 4096], sizes = [9, 1024], strides = [1, 1]} : vector<9x14336xf32> to vector<9x1024xf32>
    %reduce_sum3A_90 = arith.constant dense<0.000000e+00> : vector<8xf32>
    %reduce_sum3A_91 = vector.multi_reduction <add>, %slice3A_88, %reduce_sum3A_90 [1] : vector<8x1024xf32> to vector<8xf32>
    %broadcast_in_dim3A_92 = vector.shape_cast %reduce_sum3A_91 : vector<8xf32> to vector<8x1xf32>
    %swap3A_93 = arith.constant 0 : index
    %swap3A_94 = arith.constant 0 : index
    %swap3A_95 = arith.constant 4 : index
    %swap3A_96 = vector.load %arg15[%swap3A_93, %swap3A_94, %swap3A_95] : memref<1x8x98xf32, #tpu.memory_space<vmem>>, vector<1x8x1xf32>
    %swap3A_97 = vector.shape_cast %swap3A_96 : vector<1x8x1xf32> to vector<8x1xf32>
    %swap3A_98 = vector.shape_cast %broadcast_in_dim3A_92 : vector<8x1xf32> to vector<1x8x1xf32>
    tpu.vector_store %arg15[%swap3A_93, %swap3A_94, %swap3A_95], %swap3A_98 {strides = array<i32>} : memref<1x8x98xf32, #tpu.memory_space<vmem>>, vector<1x8x1xf32>,
    %reduce_sum3A_99 = arith.constant dense<0.000000e+00> : vector<9xf32>
    %reduce_sum3A_100 = vector.multi_reduction <add>, %slice3A_89, %reduce_sum3A_99 [1] : vector<9x1024xf32> to vector<9xf32>
    %broadcast_in_dim3A_101 = vector.shape_cast %reduce_sum3A_100 : vector<9xf32> to vector<9x1xf32>
    %swap3A_102 = arith.constant 0 : index
    %swap3A_103 = arith.constant 0 : index
    %swap3A_104 = arith.constant 4 : index
    %swap3A_105 = vector.load %arg16[%swap3A_102, %swap3A_103, %swap3A_104] : memref<1x9x98xf32, #tpu.memory_space<vmem>>, vector<1x9x1xf32>
    %swap3A_106 = vector.shape_cast %swap3A_105 : vector<1x9x1xf32> to vector<9x1xf32>
    %swap3A_107 = vector.shape_cast %broadcast_in_dim3A_101 : vector<9x1xf32> to vector<1x9x1xf32>
    tpu.vector_store %arg16[%swap3A_102, %swap3A_103, %swap3A_104], %swap3A_107 {strides = array<i32>} : memref<1x9x98xf32, #tpu.memory_space<vmem>>, vector<1x9x1xf32>,
    %slice3A_108 = vector.extract_strided_slice %max3A_10 {offsets = [0, 5120], sizes = [8, 1024], strides = [1, 1]} : vector<8x14336xf32> to vector<8x1024xf32>
    %slice3A_109 = vector.extract_strided_slice %get3A_8 {offsets = [0, 5120], sizes = [9, 1024], strides = [1, 1]} : vector<9x14336xf32> to vector<9x1024xf32>
    %reduce_sum3A_110 = arith.constant dense<0.000000e+00> : vector<8xf32>
    %reduce_sum3A_111 = vector.multi_reduction <add>, %slice3A_108, %reduce_sum3A_110 [1] : vector<8x1024xf32> to vector<8xf32>
    %broadcast_in_dim3A_112 = vector.shape_cast %reduce_sum3A_111 : vector<8xf32> to vector<8x1xf32>
    %swap3A_113 = arith.constant 0 : index
    %swap3A_114 = arith.constant 0 : index
    %swap3A_115 = arith.constant 5 : index
    %swap3A_116 = vector.load %arg15[%swap3A_113, %swap3A_114, %swap3A_115] : memref<1x8x98xf32, #tpu.memory_space<vmem>>, vector<1x8x1xf32>
    %swap3A_117 = vector.shape_cast %swap3A_116 : vector<1x8x1xf32> to vector<8x1xf32>
    %swap3A_118 = vector.shape_cast %broadcast_in_dim3A_112 : vector<8x1xf32> to vector<1x8x1xf32>
    tpu.vector_store %arg15[%swap3A_113, %swap3A_114, %swap3A_115], %swap3A_118 {strides = array<i32>} : memref<1x8x98xf32, #tpu.memory_space<vmem>>, vector<1x8x1xf32>,
    %reduce_sum3A_119 = arith.constant dense<0.000000e+00> : vector<9xf32>
    %reduce_sum3A_120 = vector.multi_reduction <add>, %slice3A_109, %reduce_sum3A_119 [1] : vector<9x1024xf32> to vector<9xf32>
    %broadcast_in_dim3A_121 = vector.shape_cast %reduce_sum3A_120 : vector<9xf32> to vector<9x1xf32>
    %swap3A_122 = arith.constant 0 : index
    %swap3A_123 = arith.constant 0 : index
    %swap3A_124 = arith.constant 5 : index
    %swap3A_125 = vector.load %arg16[%swap3A_122, %swap3A_123, %swap3A_124] : memref<1x9x98xf32, #tpu.memory_space<vmem>>, vector<1x9x1xf32>
    %swap3A_126 = vector.shape_cast %swap3A_125 : vector<1x9x1xf32> to vector<9x1xf32>
    %swap3A_127 = vector.shape_cast %broadcast_in_dim3A_121 : vector<9x1xf32> to vector<1x9x1xf32>
    tpu.vector_store %arg16[%swap3A_122, %swap3A_123, %swap3A_124], %swap3A_127 {strides = array<i32>} : memref<1x9x98xf32, #tpu.memory_space<vmem>>, vector<1x9x1xf32>,
    %slice3A_128 = vector.extract_strided_slice %max3A_10 {offsets = [0, 6144], sizes = [8, 1024], strides = [1, 1]} : vector<8x14336xf32> to vector<8x1024xf32>
    %slice3A_129 = vector.extract_strided_slice %get3A_8 {offsets = [0, 6144], sizes = [9, 1024], strides = [1, 1]} : vector<9x14336xf32> to vector<9x1024xf32>
    %reduce_sum3A_130 = arith.constant dense<0.000000e+00> : vector<8xf32>
    %reduce_sum3A_131 = vector.multi_reduction <add>, %slice3A_128, %reduce_sum3A_130 [1] : vector<8x1024xf32> to vector<8xf32>
    %broadcast_in_dim3A_132 = vector.shape_cast %reduce_sum3A_131 : vector<8xf32> to vector<8x1xf32>
    %swap3A_133 = arith.constant 0 : index
    %swap3A_134 = arith.constant 0 : index
    %swap3A_135 = arith.constant 6 : index
    %swap3A_136 = vector.load %arg15[%swap3A_133, %swap3A_134, %swap3A_135] : memref<1x8x98xf32, #tpu.memory_space<vmem>>, vector<1x8x1xf32>
    %swap3A_137 = vector.shape_cast %swap3A_136 : vector<1x8x1xf32> to vector<8x1xf32>
    %swap3A_138 = vector.shape_cast %broadcast_in_dim3A_132 : vector<8x1xf32> to vector<1x8x1xf32>
    tpu.vector_store %arg15[%swap3A_133, %swap3A_134, %swap3A_135], %swap3A_138 {strides = array<i32>} : memref<1x8x98xf32, #tpu.memory_space<vmem>>, vector<1x8x1xf32>,
    %reduce_sum3A_139 = arith.constant dense<0.000000e+00> : vector<9xf32>
    %reduce_sum3A_140 = vector.multi_reduction <add>, %slice3A_129, %reduce_sum3A_139 [1] : vector<9x1024xf32> to vector<9xf32>
    %broadcast_in_dim3A_141 = vector.shape_cast %reduce_sum3A_140 : vector<9xf32> to vector<9x1xf32>
    %swap3A_142 = arith.constant 0 : index
    %swap3A_143 = arith.constant 0 : index
    %swap3A_144 = arith.constant 6 : index
    %swap3A_145 = vector.load %arg16[%swap3A_142, %swap3A_143, %swap3A_144] : memref<1x9x98xf32, #tpu.memory_space<vmem>>, vector<1x9x1xf32>
    %swap3A_146 = vector.shape_cast %swap3A_145 : vector<1x9x1xf32> to vector<9x1xf32>
    %swap3A_147 = vector.shape_cast %broadcast_in_dim3A_141 : vector<9x1xf32> to vector<1x9x1xf32>
    tpu.vector_store %arg16[%swap3A_142, %swap3A_143, %swap3A_144], %swap3A_147 {strides = array<i32>} : memref<1x9x98xf32, #tpu.memory_space<vmem>>, vector<1x9x1xf32>,
    %slice3A_148 = vector.extract_strided_slice %max3A_10 {offsets = [0, 7168], sizes = [8, 1024], strides = [1, 1]} : vector<8x14336xf32> to vector<8x1024xf32>
    %slice3A_149 = vector.extract_strided_slice %get3A_8 {offsets = [0, 7168], sizes = [9, 1024], strides = [1, 1]} : vector<9x14336xf32> to vector<9x1024xf32>
    %reduce_sum3A_150 = arith.constant dense<0.000000e+00> : vector<8xf32>
    %reduce_sum3A_151 = vector.multi_reduction <add>, %slice3A_148, %reduce_sum3A_150 [1] : vector<8x1024xf32> to vector<8xf32>
    %broadcast_in_dim3A_152 = vector.shape_cast %reduce_sum3A_151 : vector<8xf32> to vector<8x1xf32>
    %swap3A_153 = arith.constant 0 : index
    %swap3A_154 = arith.constant 0 : index
    %swap3A_155 = arith.constant 7 : index
    %swap3A_156 = vector.load %arg15[%swap3A_153, %swap3A_154, %swap3A_155] : memref<1x8x98xf32, #tpu.memory_space<vmem>>, vector<1x8x1xf32>
    %swap3A_157 = vector.shape_cast %swap3A_156 : vector<1x8x1xf32> to vector<8x1xf32>
    %swap3A_158 = vector.shape_cast %broadcast_in_dim3A_152 : vector<8x1xf32> to vector<1x8x1xf32>
    tpu.vector_store %arg15[%swap3A_153, %swap3A_154, %swap3A_155], %swap3A_158 {strides = array<i32>} : memref<1x8x98xf32, #tpu.memory_space<vmem>>, vector<1x8x1xf32>,
    %reduce_sum3A_159 = arith.constant dense<0.000000e+00> : vector<9xf32>
    %reduce_sum3A_160 = vector.multi_reduction <add>, %slice3A_149, %reduce_sum3A_159 [1] : vector<9x1024xf32> to vector<9xf32>
    %broadcast_in_dim3A_161 = vector.shape_cast %reduce_sum3A_160 : vector<9xf32> to vector<9x1xf32>
    %swap3A_162 = arith.constant 0 : index
    %swap3A_163 = arith.constant 0 : index
    %swap3A_164 = arith.constant 7 : index
    %swap3A_165 = vector.load %arg16[%swap3A_162, %swap3A_163, %swap3A_164] : memref<1x9x98xf32, #tpu.memory_space<vmem>>, vector<1x9x1xf32>
    %swap3A_166 = vector.shape_cast %swap3A_165 : vector<1x9x1xf32> to vector<9x1xf32>
    %swap3A_167 = vector.shape_cast %broadcast_in_dim3A_161 : vector<9x1xf32> to vector<1x9x1xf32>
    tpu.vector_store %arg16[%swap3A_162, %swap3A_163, %swap3A_164], %swap3A_167 {strides = array<i32>} : memref<1x9x98xf32, #tpu.memory_space<vmem>>, vector<1x9x1xf32>,
    %slice3A_168 = vector.extract_strided_slice %max3A_10 {offsets = [0, 8192], sizes = [8, 1024], strides = [1, 1]} : vector<8x14336xf32> to vector<8x1024xf32>
    %slice3A_169 = vector.extract_strided_slice %get3A_8 {offsets = [0, 8192], sizes = [9, 1024], strides = [1, 1]} : vector<9x14336xf32> to vector<9x1024xf32>
    %reduce_sum3A_170 = arith.constant dense<0.000000e+00> : vector<8xf32>
    %reduce_sum3A_171 = vector.multi_reduction <add>, %slice3A_168, %reduce_sum3A_170 [1] : vector<8x1024xf32> to vector<8xf32>
    %broadcast_in_dim3A_172 = vector.shape_cast %reduce_sum3A_171 : vector<8xf32> to vector<8x1xf32>
    %swap3A_173 = arith.constant 0 : index
    %swap3A_174 = arith.constant 0 : index
    %swap3A_175 = arith.constant 8 : index
    %swap3A_176 = vector.load %arg15[%swap3A_173, %swap3A_174, %swap3A_175] : memref<1x8x98xf32, #tpu.memory_space<vmem>>, vector<1x8x1xf32>
    %swap3A_177 = vector.shape_cast %swap3A_176 : vector<1x8x1xf32> to vector<8x1xf32>
    %swap3A_178 = vector.shape_cast %broadcast_in_dim3A_172 : vector<8x1xf32> to vector<1x8x1xf32>
    tpu.vector_store %arg15[%swap3A_173, %swap3A_174, %swap3A_175], %swap3A_178 {strides = array<i32>} : memref<1x8x98xf32, #tpu.memory_space<vmem>>, vector<1x8x1xf32>,
    %reduce_sum3A_179 = arith.constant dense<0.000000e+00> : vector<9xf32>
    %reduce_sum3A_180 = vector.multi_reduction <add>, %slice3A_169, %reduce_sum3A_179 [1] : vector<9x1024xf32> to vector<9xf32>
    %broadcast_in_dim3A_181 = vector.shape_cast %reduce_sum3A_180 : vector<9xf32> to vector<9x1xf32>
    %swap3A_182 = arith.constant 0 : index
    %swap3A_183 = arith.constant 0 : index
    %swap3A_184 = arith.constant 8 : index
    %swap3A_185 = vector.load %arg16[%swap3A_182, %swap3A_183, %swap3A_184] : memref<1x9x98xf32, #tpu.memory_space<vmem>>, vector<1x9x1xf32>
    %swap3A_186 = vector.shape_cast %swap3A_185 : vector<1x9x1xf32> to vector<9x1xf32>
    %swap3A_187 = vector.shape_cast %broadcast_in_dim3A_181 : vector<9x1xf32> to vector<1x9x1xf32>
    tpu.vector_store %arg16[%swap3A_182, %swap3A_183, %swap3A_184], %swap3A_187 {strides = array<i32>} : memref<1x9x98xf32, #tpu.memory_space<vmem>>, vector<1x9x1xf32>,
    %slice3A_188 = vector.extract_strided_slice %max3A_10 {offsets = [0, 9216], sizes = [8, 1024], strides = [1, 1]} : vector<8x14336xf32> to vector<8x1024xf32>
    %slice3A_189 = vector.extract_strided_slice %get3A_8 {offsets = [0, 9216], sizes = [9, 1024], strides = [1, 1]} : vector<9x14336xf32> to vector<9x1024xf32>
    %reduce_sum3A_190 = arith.constant dense<0.000000e+00> : vector<8xf32>
    %reduce_sum3A_191 = vector.multi_reduction <add>, %slice3A_188, %reduce_sum3A_190 [1] : vector<8x1024xf32> to vector<8xf32>
    %broadcast_in_dim3A_192 = vector.shape_cast %reduce_sum3A_191 : vector<8xf32> to vector<8x1xf32>
    %swap3A_193 = arith.constant 0 : index
    %swap3A_194 = arith.constant 0 : index
    %swap3A_195 = arith.constant 9 : index
    %swap3A_196 = vector.load %arg15[%swap3A_193, %swap3A_194, %swap3A_195] : memref<1x8x98xf32, #tpu.memory_space<vmem>>, vector<1x8x1xf32>
    %swap3A_197 = vector.shape_cast %swap3A_196 : vector<1x8x1xf32> to vector<8x1xf32>
    %swap3A_198 = vector.shape_cast %broadcast_in_dim3A_192 : vector<8x1xf32> to vector<1x8x1xf32>
    tpu.vector_store %arg15[%swap3A_193, %swap3A_194, %swap3A_195], %swap3A_198 {strides = array<i32>} : memref<1x8x98xf32, #tpu.memory_space<vmem>>, vector<1x8x1xf32>,
    %reduce_sum3A_199 = arith.constant dense<0.000000e+00> : vector<9xf32>
    %reduce_sum3A_200 = vector.multi_reduction <add>, %slice3A_189, %reduce_sum3A_199 [1] : vector<9x1024xf32> to vector<9xf32>
    %broadcast_in_dim3A_201 = vector.shape_cast %reduce_sum3A_200 : vector<9xf32> to vector<9x1xf32>
    %swap3A_202 = arith.constant 0 : index
    %swap3A_203 = arith.constant 0 : index
    %swap3A_204 = arith.constant 9 : index
    %swap3A_205 = vector.load %arg16[%swap3A_202, %swap3A_203, %swap3A_204] : memref<1x9x98xf32, #tpu.memory_space<vmem>>, vector<1x9x1xf32>
    %swap3A_206 = vector.shape_cast %swap3A_205 : vector<1x9x1xf32> to vector<9x1xf32>
    %swap3A_207 = vector.shape_cast %broadcast_in_dim3A_201 : vector<9x1xf32> to vector<1x9x1xf32>
    tpu.vector_store %arg16[%swap3A_202, %swap3A_203, %swap3A_204], %swap3A_207 {strides = array<i32>} : memref<1x9x98xf32, #tpu.memory_space<vmem>>, vector<1x9x1xf32>,
    %slice3A_208 = vector.extract_strided_slice %max3A_10 {offsets = [0, 10240], sizes = [8, 1024], strides = [1, 1]} : vector<8x14336xf32> to vector<8x1024xf32>
    %slice3A_209 = vector.extract_strided_slice %get3A_8 {offsets = [0, 10240], sizes = [9, 1024], strides = [1, 1]} : vector<9x14336xf32> to vector<9x1024xf32>
    %reduce_sum3A_210 = arith.constant dense<0.000000e+00> : vector<8xf32>
    %reduce_sum3A_211 = vector.multi_reduction <add>, %slice3A_208, %reduce_sum3A_210 [1] : vector<8x1024xf32> to vector<8xf32>
    %broadcast_in_dim3A_212 = vector.shape_cast %reduce_sum3A_211 : vector<8xf32> to vector<8x1xf32>
    %swap3A_213 = arith.constant 0 : index
    %swap3A_214 = arith.constant 0 : index
    %swap3A_215 = arith.constant 10 : index
    %swap3A_216 = vector.load %arg15[%swap3A_213, %swap3A_214, %swap3A_215] : memref<1x8x98xf32, #tpu.memory_space<vmem>>, vector<1x8x1xf32>
    %swap3A_217 = vector.shape_cast %swap3A_216 : vector<1x8x1xf32> to vector<8x1xf32>
    %swap3A_218 = vector.shape_cast %broadcast_in_dim3A_212 : vector<8x1xf32> to vector<1x8x1xf32>
    tpu.vector_store %arg15[%swap3A_213, %swap3A_214, %swap3A_215], %swap3A_218 {strides = array<i32>} : memref<1x8x98xf32, #tpu.memory_space<vmem>>, vector<1x8x1xf32>,
    %reduce_sum3A_219 = arith.constant dense<0.000000e+00> : vector<9xf32>
    %reduce_sum3A_220 = vector.multi_reduction <add>, %slice3A_209, %reduce_sum3A_219 [1] : vector<9x1024xf32> to vector<9xf32>
    %broadcast_in_dim3A_221 = vector.shape_cast %reduce_sum3A_220 : vector<9xf32> to vector<9x1xf32>
    %swap3A_222 = arith.constant 0 : index
    %swap3A_223 = arith.constant 0 : index
    %swap3A_224 = arith.constant 10 : index
    %swap3A_225 = vector.load %arg16[%swap3A_222, %swap3A_223, %swap3A_224] : memref<1x9x98xf32, #tpu.memory_space<vmem>>, vector<1x9x1xf32>
    %swap3A_226 = vector.shape_cast %swap3A_225 : vector<1x9x1xf32> to vector<9x1xf32>
    %swap3A_227 = vector.shape_cast %broadcast_in_dim3A_221 : vector<9x1xf32> to vector<1x9x1xf32>
    tpu.vector_store %arg16[%swap3A_222, %swap3A_223, %swap3A_224], %swap3A_227 {strides = array<i32>} : memref<1x9x98xf32, #tpu.memory_space<vmem>>, vector<1x9x1xf32>,
    %slice3A_228 = vector.extract_strided_slice %max3A_10 {offsets = [0, 11264], sizes = [8, 1024], strides = [1, 1]} : vector<8x14336xf32> to vector<8x1024xf32>
    %slice3A_229 = vector.extract_strided_slice %get3A_8 {offsets = [0, 11264], sizes = [9, 1024], strides = [1, 1]} : vector<9x14336xf32> to vector<9x1024xf32>
    %reduce_sum3A_230 = arith.constant dense<0.000000e+00> : vector<8xf32>
    %reduce_sum3A_231 = vector.multi_reduction <add>, %slice3A_228, %reduce_sum3A_230 [1] : vector<8x1024xf32> to vector<8xf32>
    %broadcast_in_dim3A_232 = vector.shape_cast %reduce_sum3A_231 : vector<8xf32> to vector<8x1xf32>
    %swap3A_233 = arith.constant 0 : index
    %swap3A_234 = arith.constant 0 : index
    %swap3A_235 = arith.constant 11 : index
    %swap3A_236 = vector.load %arg15[%swap3A_233, %swap3A_234, %swap3A_235] : memref<1x8x98xf32, #tpu.memory_space<vmem>>, vector<1x8x1xf32>
    %swap3A_237 = vector.shape_cast %swap3A_236 : vector<1x8x1xf32> to vector<8x1xf32>
    %swap3A_238 = vector.shape_cast %broadcast_in_dim3A_232 : vector<8x1xf32> to vector<1x8x1xf32>
    tpu.vector_store %arg15[%swap3A_233, %swap3A_234, %swap3A_235], %swap3A_238 {strides = array<i32>} : memref<1x8x98xf32, #tpu.memory_space<vmem>>, vector<1x8x1xf32>,
    %reduce_sum3A_239 = arith.constant dense<0.000000e+00> : vector<9xf32>
    %reduce_sum3A_240 = vector.multi_reduction <add>, %slice3A_229, %reduce_sum3A_239 [1] : vector<9x1024xf32> to vector<9xf32>
    %broadcast_in_dim3A_241 = vector.shape_cast %reduce_sum3A_240 : vector<9xf32> to vector<9x1xf32>
    %swap3A_242 = arith.constant 0 : index
    %swap3A_243 = arith.constant 0 : index
    %swap3A_244 = arith.constant 11 : index
    %swap3A_245 = vector.load %arg16[%swap3A_242, %swap3A_243, %swap3A_244] : memref<1x9x98xf32, #tpu.memory_space<vmem>>, vector<1x9x1xf32>
    %swap3A_246 = vector.shape_cast %swap3A_245 : vector<1x9x1xf32> to vector<9x1xf32>
    %swap3A_247 = vector.shape_cast %broadcast_in_dim3A_241 : vector<9x1xf32> to vector<1x9x1xf32>
    tpu.vector_store %arg16[%swap3A_242, %swap3A_243, %swap3A_244], %swap3A_247 {strides = array<i32>} : memref<1x9x98xf32, #tpu.memory_space<vmem>>, vector<1x9x1xf32>,
    %slice3A_248 = vector.extract_strided_slice %max3A_10 {offsets = [0, 12288], sizes = [8, 1024], strides = [1, 1]} : vector<8x14336xf32> to vector<8x1024xf32>
    %slice3A_249 = vector.extract_strided_slice %get3A_8 {offsets = [0, 12288], sizes = [9, 1024], strides = [1, 1]} : vector<9x14336xf32> to vector<9x1024xf32>
    %reduce_sum3A_250 = arith.constant dense<0.000000e+00> : vector<8xf32>
    %reduce_sum3A_251 = vector.multi_reduction <add>, %slice3A_248, %reduce_sum3A_250 [1] : vector<8x1024xf32> to vector<8xf32>
    %broadcast_in_dim3A_252 = vector.shape_cast %reduce_sum3A_251 : vector<8xf32> to vector<8x1xf32>
    %swap3A_253 = arith.constant 0 : index
    %swap3A_254 = arith.constant 0 : index
    %swap3A_255 = arith.constant 12 : index
    %swap3A_256 = vector.load %arg15[%swap3A_253, %swap3A_254, %swap3A_255] : memref<1x8x98xf32, #tpu.memory_space<vmem>>, vector<1x8x1xf32>
    %swap3A_257 = vector.shape_cast %swap3A_256 : vector<1x8x1xf32> to vector<8x1xf32>
    %swap3A_258 = vector.shape_cast %broadcast_in_dim3A_252 : vector<8x1xf32> to vector<1x8x1xf32>
    tpu.vector_store %arg15[%swap3A_253, %swap3A_254, %swap3A_255], %swap3A_258 {strides = array<i32>} : memref<1x8x98xf32, #tpu.memory_space<vmem>>, vector<1x8x1xf32>,
    %reduce_sum3A_259 = arith.constant dense<0.000000e+00> : vector<9xf32>
    %reduce_sum3A_260 = vector.multi_reduction <add>, %slice3A_249, %reduce_sum3A_259 [1] : vector<9x1024xf32> to vector<9xf32>
    %broadcast_in_dim3A_261 = vector.shape_cast %reduce_sum3A_260 : vector<9xf32> to vector<9x1xf32>
    %swap3A_262 = arith.constant 0 : index
    %swap3A_263 = arith.constant 0 : index
    %swap3A_264 = arith.constant 12 : index
    %swap3A_265 = vector.load %arg16[%swap3A_262, %swap3A_263, %swap3A_264] : memref<1x9x98xf32, #tpu.memory_space<vmem>>, vector<1x9x1xf32>
    %swap3A_266 = vector.shape_cast %swap3A_265 : vector<1x9x1xf32> to vector<9x1xf32>
    %swap3A_267 = vector.shape_cast %broadcast_in_dim3A_261 : vector<9x1xf32> to vector<1x9x1xf32>
    tpu.vector_store %arg16[%swap3A_262, %swap3A_263, %swap3A_264], %swap3A_267 {strides = array<i32>} : memref<1x9x98xf32, #tpu.memory_space<vmem>>, vector<1x9x1xf32>,
    %slice3A_268 = vector.extract_strided_slice %max3A_10 {offsets = [0, 13312], sizes = [8, 1024], strides = [1, 1]} : vector<8x14336xf32> to vector<8x1024xf32>
    %slice3A_269 = vector.extract_strided_slice %get3A_8 {offsets = [0, 13312], sizes = [9, 1024], strides = [1, 1]} : vector<9x14336xf32> to vector<9x1024xf32>
    %reduce_sum3A_270 = arith.constant dense<0.000000e+00> : vector<8xf32>
    %reduce_sum3A_271 = vector.multi_reduction <add>, %slice3A_268, %reduce_sum3A_270 [1] : vector<8x1024xf32> to vector<8xf32>
    %broadcast_in_dim3A_272 = vector.shape_cast %reduce_sum3A_271 : vector<8xf32> to vector<8x1xf32>
    %swap3A_273 = arith.constant 0 : index
    %swap3A_274 = arith.constant 0 : index
    %swap3A_275 = arith.constant 13 : index
    %swap3A_276 = vector.load %arg15[%swap3A_273, %swap3A_274, %swap3A_275] : memref<1x8x98xf32, #tpu.memory_space<vmem>>, vector<1x8x1xf32>
    %swap3A_277 = vector.shape_cast %swap3A_276 : vector<1x8x1xf32> to vector<8x1xf32>
    %swap3A_278 = vector.shape_cast %broadcast_in_dim3A_272 : vector<8x1xf32> to vector<1x8x1xf32>
    tpu.vector_store %arg15[%swap3A_273, %swap3A_274, %swap3A_275], %swap3A_278 {strides = array<i32>} : memref<1x8x98xf32, #tpu.memory_space<vmem>>, vector<1x8x1xf32>,
    %reduce_sum3A_279 = arith.constant dense<0.000000e+00> : vector<9xf32>
    %reduce_sum3A_280 = vector.multi_reduction <add>, %slice3A_269, %reduce_sum3A_279 [1] : vector<9x1024xf32> to vector<9xf32>
    %broadcast_in_dim3A_281 = vector.shape_cast %reduce_sum3A_280 : vector<9xf32> to vector<9x1xf32>
    %swap3A_282 = arith.constant 0 : index
    %swap3A_283 = arith.constant 0 : index
    %swap3A_284 = arith.constant 13 : index
    %swap3A_285 = vector.load %arg16[%swap3A_282, %swap3A_283, %swap3A_284] : memref<1x9x98xf32, #tpu.memory_space<vmem>>, vector<1x9x1xf32>
    %swap3A_286 = vector.shape_cast %swap3A_285 : vector<1x9x1xf32> to vector<9x1xf32>
    %swap3A_287 = vector.shape_cast %broadcast_in_dim3A_281 : vector<9x1xf32> to vector<1x9x1xf32>
    tpu.vector_store %arg16[%swap3A_282, %swap3A_283, %swap3A_284], %swap3A_287 {strides = array<i32>} : memref<1x9x98xf32, #tpu.memory_space<vmem>>, vector<1x9x1xf32>,
    %get3A_288 = arith.constant 0 : index
    %get3A_289 = arith.constant 0 : index
    %get3A_290 = arith.constant 0 : index
    %get3A_291 = vector.load %arg2[%get3A_288, %get3A_289, %get3A_290] : memref<1x8x14336xf32, #tpu.memory_space<vmem>>, vector<1x8x14336xf32>
    %get3A_292 = vector.shape_cast %get3A_291 : vector<1x8x14336xf32> to vector<8x14336xf32>
    %get3A_293 = arith.constant 0 : index
    %get3A_294 = arith.constant 0 : index
    %get3A_295 = arith.constant 0 : index
    %get3A_296 = vector.load %arg9[%get3A_293, %get3A_294, %get3A_295] : memref<1x9x14336xf32, #tpu.memory_space<vmem>>, vector<1x9x14336xf32>
    %get3A_297 = vector.shape_cast %get3A_296 : vector<1x9x14336xf32> to vector<9x14336xf32>
    %slice3A_298 = vector.extract_strided_slice %get3A_297 {offsets = [0, 0], sizes = [8, 14336], strides = [1, 1]} : vector<9x14336xf32> to vector<8x14336xf32>
    %sub3A_299 = arith.subf %slice3A_298, %get3A_292 : vector<8x14336xf32>
    %max3A_300 = arith.constant 0.000000e+00 : f32
    %max3A_301 = vector.broadcast %max3A_300 : f32 to vector<8x14336xf32>
    %max3A_302 = arith.maximumf %sub3A_299, %max3A_301 : vector<8x14336xf32>
    %slice3A_303 = vector.extract_strided_slice %max3A_302 {offsets = [0, 0], sizes = [8, 1024], strides = [1, 1]} : vector<8x14336xf32> to vector<8x1024xf32>
    %slice3A_304 = vector.extract_strided_slice %get3A_297 {offsets = [0, 0], sizes = [9, 1024], strides = [1, 1]} : vector<9x14336xf32> to vector<9x1024xf32>
    %reduce_sum3A_305 = arith.constant dense<0.000000e+00> : vector<8xf32>
    %reduce_sum3A_306 = vector.multi_reduction <add>, %slice3A_303, %reduce_sum3A_305 [1] : vector<8x1024xf32> to vector<8xf32>
    %broadcast_in_dim3A_307 = vector.shape_cast %reduce_sum3A_306 : vector<8xf32> to vector<8x1xf32>
    %swap3A_308 = arith.constant 0 : index
    %swap3A_309 = arith.constant 0 : index
    %swap3A_310 = arith.constant 14 : index
    %swap3A_311 = vector.load %arg15[%swap3A_308, %swap3A_309, %swap3A_310] : memref<1x8x98xf32, #tpu.memory_space<vmem>>, vector<1x8x1xf32>
    %swap3A_312 = vector.shape_cast %swap3A_311 : vector<1x8x1xf32> to vector<8x1xf32>
    %swap3A_313 = vector.shape_cast %broadcast_in_dim3A_307 : vector<8x1xf32> to vector<1x8x1xf32>
    tpu.vector_store %arg15[%swap3A_308, %swap3A_309, %swap3A_310], %swap3A_313 {strides = array<i32>} : memref<1x8x98xf32, #tpu.memory_space<vmem>>, vector<1x8x1xf32>,
    %reduce_sum3A_314 = arith.constant dense<0.000000e+00> : vector<9xf32>
    %reduce_sum3A_315 = vector.multi_reduction <add>, %slice3A_304, %reduce_sum3A_314 [1] : vector<9x1024xf32> to vector<9xf32>
    %broadcast_in_dim3A_316 = vector.shape_cast %reduce_sum3A_315 : vector<9xf32> to vector<9x1xf32>
    %swap3A_317 = arith.constant 0 : index
    %swap3A_318 = arith.constant 0 : index
    %swap3A_319 = arith.constant 14 : index
    %swap3A_320 = vector.load %arg16[%swap3A_317, %swap3A_318, %swap3A_319] : memref<1x9x98xf32, #tpu.memory_space<vmem>>, vector<1x9x1xf32>
    %swap3A_321 = vector.shape_cast %swap3A_320 : vector<1x9x1xf32> to vector<9x1xf32>
    %swap3A_322 = vector.shape_cast %broadcast_in_dim3A_316 : vector<9x1xf32> to vector<1x9x1xf32>
    tpu.vector_store %arg16[%swap3A_317, %swap3A_318, %swap3A_319], %swap3A_322 {strides = array<i32>} : memref<1x9x98xf32, #tpu.memory_space<vmem>>, vector<1x9x1xf32>,
    %slice3A_323 = vector.extract_strided_slice %max3A_302 {offsets = [0, 1024], sizes = [8, 1024], strides = [1, 1]} : vector<8x14336xf32> to vector<8x1024xf32>
    %slice3A_324 = vector.extract_strided_slice %get3A_297 {offsets = [0, 1024], sizes = [9, 1024], strides = [1, 1]} : vector<9x14336xf32> to vector<9x1024xf32>
    %reduce_sum3A_325 = arith.constant dense<0.000000e+00> : vector<8xf32>
    %reduce_sum3A_326 = vector.multi_reduction <add>, %slice3A_323, %reduce_sum3A_325 [1] : vector<8x1024xf32> to vector<8xf32>
    %broadcast_in_dim3A_327 = vector.shape_cast %reduce_sum3A_326 : vector<8xf32> to vector<8x1xf32>
    %swap3A_328 = arith.constant 0 : index
    %swap3A_329 = arith.constant 0 : index
    %swap3A_330 = arith.constant 15 : index
    %swap3A_331 = vector.load %arg15[%swap3A_328, %swap3A_329, %swap3A_330] : memref<1x8x98xf32, #tpu.memory_space<vmem>>, vector<1x8x1xf32>
    %swap3A_332 = vector.shape_cast %swap3A_331 : vector<1x8x1xf32> to vector<8x1xf32>
    %swap3A_333 = vector.shape_cast %broadcast_in_dim3A_327 : vector<8x1xf32> to vector<1x8x1xf32>
    tpu.vector_store %arg15[%swap3A_328, %swap3A_329, %swap3A_330], %swap3A_333 {strides = array<i32>} : memref<1x8x98xf32, #tpu.memory_space<vmem>>, vector<1x8x1xf32>,
    %reduce_sum3A_334 = arith.constant dense<0.000000e+00> : vector<9xf32>
    %reduce_sum3A_335 = vector.multi_reduction <add>, %slice3A_324, %reduce_sum3A_334 [1] : vector<9x1024xf32> to vector<9xf32>
    %broadcast_in_dim3A_336 = vector.shape_cast %reduce_sum3A_335 : vector<9xf32> to vector<9x1xf32>
    %swap3A_337 = arith.constant 0 : index
    %swap3A_338 = arith.constant 0 : index
    %swap3A_339 = arith.constant 15 : index
    %swap3A_340 = vector.load %arg16[%swap3A_337, %swap3A_338, %swap3A_339] : memref<1x9x98xf32, #tpu.memory_space<vmem>>, vector<1x9x1xf32>
    %swap3A_341 = vector.shape_cast %swap3A_340 : vector<1x9x1xf32> to vector<9x1xf32>
    %swap3A_342 = vector.shape_cast %broadcast_in_dim3A_336 : vector<9x1xf32> to vector<1x9x1xf32>
    tpu.vector_store %arg16[%swap3A_337, %swap3A_338, %swap3A_339], %swap3A_342 {strides = array<i32>} : memref<1x9x98xf32, #tpu.memory_space<vmem>>, vector<1x9x1xf32>,
    %slice3A_343 = vector.extract_strided_slice %max3A_302 {offsets = [0, 2048], sizes = [8, 1024], strides = [1, 1]} : vector<8x14336xf32> to vector<8x1024xf32>
    %slice3A_344 = vector.extract_strided_slice %get3A_297 {offsets = [0, 2048], sizes = [9, 1024], strides = [1, 1]} : vector<9x14336xf32> to vector<9x1024xf32>
    %reduce_sum3A_345 = arith.constant dense<0.000000e+00> : vector<8xf32>
    %reduce_sum3A_346 = vector.multi_reduction <add>, %slice3A_343, %reduce_sum3A_345 [1] : vector<8x1024xf32> to vector<8xf32>
    %broadcast_in_dim3A_347 = vector.shape_cast %reduce_sum3A_346 : vector<8xf32> to vector<8x1xf32>
    %swap3A_348 = arith.constant 0 : index
    %swap3A_349 = arith.constant 0 : index
    %swap3A_350 = arith.constant 16 : index
    %swap3A_351 = vector.load %arg15[%swap3A_348, %swap3A_349, %swap3A_350] : memref<1x8x98xf32, #tpu.memory_space<vmem>>, vector<1x8x1xf32>
    %swap3A_352 = vector.shape_cast %swap3A_351 : vector<1x8x1xf32> to vector<8x1xf32>
    %swap3A_353 = vector.shape_cast %broadcast_in_dim3A_347 : vector<8x1xf32> to vector<1x8x1xf32>
    tpu.vector_store %arg15[%swap3A_348, %swap3A_349, %swap3A_350], %swap3A_353 {strides = array<i32>} : memref<1x8x98xf32, #tpu.memory_space<vmem>>, vector<1x8x1xf32>,
    %reduce_sum3A_354 = arith.constant dense<0.000000e+00> : vector<9xf32>
    %reduce_sum3A_355 = vector.multi_reduction <add>, %slice3A_344, %reduce_sum3A_354 [1] : vector<9x1024xf32> to vector<9xf32>
    %broadcast_in_dim3A_356 = vector.shape_cast %reduce_sum3A_355 : vector<9xf32> to vector<9x1xf32>
    %swap3A_357 = arith.constant 0 : index
    %swap3A_358 = arith.constant 0 : index
    %swap3A_359 = arith.constant 16 : index
    %swap3A_360 = vector.load %arg16[%swap3A_357, %swap3A_358, %swap3A_359] : memref<1x9x98xf32, #tpu.memory_space<vmem>>, vector<1x9x1xf32>
    %swap3A_361 = vector.shape_cast %swap3A_360 : vector<1x9x1xf32> to vector<9x1xf32>
    %swap3A_362 = vector.shape_cast %broadcast_in_dim3A_356 : vector<9x1xf32> to vector<1x9x1xf32>
    tpu.vector_store %arg16[%swap3A_357, %swap3A_358, %swap3A_359], %swap3A_362 {strides = array<i32>} : memref<1x9x98xf32, #tpu.memory_space<vmem>>, vector<1x9x1xf32>,
    %slice3A_363 = vector.extract_strided_slice %max3A_302 {offsets = [0, 3072], sizes = [8, 1024], strides = [1, 1]} : vector<8x14336xf32> to vector<8x1024xf32>
    %slice3A_364 = vector.extract_strided_slice %get3A_297 {offsets = [0, 3072], sizes = [9, 1024], strides = [1, 1]} : vector<9x14336xf32> to vector<9x1024xf32>
    %reduce_sum3A_365 = arith.constant dense<0.000000e+00> : vector<8xf32>
    %reduce_sum3A_366 = vector.multi_reduction <add>, %slice3A_363, %reduce_sum3A_365 [1] : vector<8x1024xf32> to vector<8xf32>
    %broadcast_in_dim3A_367 = vector.shape_cast %reduce_sum3A_366 : vector<8xf32> to vector<8x1xf32>
    %swap3A_368 = arith.constant 0 : index
    %swap3A_369 = arith.constant 0 : index
    %swap3A_370 = arith.constant 17 : index
    %swap3A_371 = vector.load %arg15[%swap3A_368, %swap3A_369, %swap3A_370] : memref<1x8x98xf32, #tpu.memory_space<vmem>>, vector<1x8x1xf32>
    %swap3A_372 = vector.shape_cast %swap3A_371 : vector<1x8x1xf32> to vector<8x1xf32>
    %swap3A_373 = vector.shape_cast %broadcast_in_dim3A_367 : vector<8x1xf32> to vector<1x8x1xf32>
    tpu.vector_store %arg15[%swap3A_368, %swap3A_369, %swap3A_370], %swap3A_373 {strides = array<i32>} : memref<1x8x98xf32, #tpu.memory_space<vmem>>, vector<1x8x1xf32>,
    %reduce_sum3A_374 = arith.constant dense<0.000000e+00> : vector<9xf32>
    %reduce_sum3A_375 = vector.multi_reduction <add>, %slice3A_364, %reduce_sum3A_374 [1] : vector<9x1024xf32> to vector<9xf32>
    %broadcast_in_dim3A_376 = vector.shape_cast %reduce_sum3A_375 : vector<9xf32> to vector<9x1xf32>
    %swap3A_377 = arith.constant 0 : index
    %swap3A_378 = arith.constant 0 : index
    %swap3A_379 = arith.constant 17 : index
    %swap3A_380 = vector.load %arg16[%swap3A_377, %swap3A_378, %swap3A_379] : memref<1x9x98xf32, #tpu.memory_space<vmem>>, vector<1x9x1xf32>
    %swap3A_381 = vector.shape_cast %swap3A_380 : vector<1x9x1xf32> to vector<9x1xf32>
    %swap3A_382 = vector.shape_cast %broadcast_in_dim3A_376 : vector<9x1xf32> to vector<1x9x1xf32>
    tpu.vector_store %arg16[%swap3A_377, %swap3A_378, %swap3A_379], %swap3A_382 {strides = array<i32>} : memref<1x9x98xf32, #tpu.memory_space<vmem>>, vector<1x9x1xf32>,
    %slice3A_383 = vector.extract_strided_slice %max3A_302 {offsets = [0, 4096], sizes = [8, 1024], strides = [1, 1]} : vector<8x14336xf32> to vector<8x1024xf32>
    %slice3A_384 = vector.extract_strided_slice %get3A_297 {offsets = [0, 4096], sizes = [9, 1024], strides = [1, 1]} : vector<9x14336xf32> to vector<9x1024xf32>
    %reduce_sum3A_385 = arith.constant dense<0.000000e+00> : vector<8xf32>
    %reduce_sum3A_386 = vector.multi_reduction <add>, %slice3A_383, %reduce_sum3A_385 [1] : vector<8x1024xf32> to vector<8xf32>
    %broadcast_in_dim3A_387 = vector.shape_cast %reduce_sum3A_386 : vector<8xf32> to vector<8x1xf32>
    %swap3A_388 = arith.constant 0 : index
    %swap3A_389 = arith.constant 0 : index
    %swap3A_390 = arith.constant 18 : index
    %swap3A_391 = vector.load %arg15[%swap3A_388, %swap3A_389, %swap3A_390] : memref<1x8x98xf32, #tpu.memory_space<vmem>>, vector<1x8x1xf32>
    %swap3A_392 = vector.shape_cast %swap3A_391 : vector<1x8x1xf32> to vector<8x1xf32>
    %swap3A_393 = vector.shape_cast %broadcast_in_dim3A_387 : vector<8x1xf32> to vector<1x8x1xf32>
    tpu.vector_store %arg15[%swap3A_388, %swap3A_389, %swap3A_390], %swap3A_393 {strides = array<i32>} : memref<1x8x98xf32, #tpu.memory_space<vmem>>, vector<1x8x1xf32>,
    %reduce_sum3A_394 = arith.constant dense<0.000000e+00> : vector<9xf32>
    %reduce_sum3A_395 = vector.multi_reduction <add>, %slice3A_384, %reduce_sum3A_394 [1] : vector<9x1024xf32> to vector<9xf32>
    %broadcast_in_dim3A_396 = vector.shape_cast %reduce_sum3A_395 : vector<9xf32> to vector<9x1xf32>
    %swap3A_397 = arith.constant 0 : index
    %swap3A_398 = arith.constant 0 : index
    %swap3A_399 = arith.constant 18 : index
    %swap3A_400 = vector.load %arg16[%swap3A_397, %swap3A_398, %swap3A_399] : memref<1x9x98xf32, #tpu.memory_space<vmem>>, vector<1x9x1xf32>
    %swap3A_401 = vector.shape_cast %swap3A_400 : vector<1x9x1xf32> to vector<9x1xf32>
    %swap3A_402 = vector.shape_cast %broadcast_in_dim3A_396 : vector<9x1xf32> to vector<1x9x1xf32>
    tpu.vector_store %arg16[%swap3A_397, %swap3A_398, %swap3A_399], %swap3A_402 {strides = array<i32>} : memref<1x9x98xf32, #tpu.memory_space<vmem>>, vector<1x9x1xf32>,
    %slice3A_403 = vector.extract_strided_slice %max3A_302 {offsets = [0, 5120], sizes = [8, 1024], strides = [1, 1]} : vector<8x14336xf32> to vector<8x1024xf32>
    %slice3A_404 = vector.extract_strided_slice %get3A_297 {offsets = [0, 5120], sizes = [9, 1024], strides = [1, 1]} : vector<9x14336xf32> to vector<9x1024xf32>
    %reduce_sum3A_405 = arith.constant dense<0.000000e+00> : vector<8xf32>
    %reduce_sum3A_406 = vector.multi_reduction <add>, %slice3A_403, %reduce_sum3A_405 [1] : vector<8x1024xf32> to vector<8xf32>
    %broadcast_in_dim3A_407 = vector.shape_cast %reduce_sum3A_406 : vector<8xf32> to vector<8x1xf32>
    %swap3A_408 = arith.constant 0 : index
    %swap3A_409 = arith.constant 0 : index
    %swap3A_410 = arith.constant 19 : index
    %swap3A_411 = vector.load %arg15[%swap3A_408, %swap3A_409, %swap3A_410] : memref<1x8x98xf32, #tpu.memory_space<vmem>>, vector<1x8x1xf32>
    %swap3A_412 = vector.shape_cast %swap3A_411 : vector<1x8x1xf32> to vector<8x1xf32>
    %swap3A_413 = vector.shape_cast %broadcast_in_dim3A_407 : vector<8x1xf32> to vector<1x8x1xf32>
    tpu.vector_store %arg15[%swap3A_408, %swap3A_409, %swap3A_410], %swap3A_413 {strides = array<i32>} : memref<1x8x98xf32, #tpu.memory_space<vmem>>, vector<1x8x1xf32>,
    %reduce_sum3A_414 = arith.constant dense<0.000000e+00> : vector<9xf32>
    %reduce_sum3A_415 = vector.multi_reduction <add>, %slice3A_404, %reduce_sum3A_414 [1] : vector<9x1024xf32> to vector<9xf32>
    %broadcast_in_dim3A_416 = vector.shape_cast %reduce_sum3A_415 : vector<9xf32> to vector<9x1xf32>
    %swap3A_417 = arith.constant 0 : index
    %swap3A_418 = arith.constant 0 : index
    %swap3A_419 = arith.constant 19 : index
    %swap3A_420 = vector.load %arg16[%swap3A_417, %swap3A_418, %swap3A_419] : memref<1x9x98xf32, #tpu.memory_space<vmem>>, vector<1x9x1xf32>
    %swap3A_421 = vector.shape_cast %swap3A_420 : vector<1x9x1xf32> to vector<9x1xf32>
    %swap3A_422 = vector.shape_cast %broadcast_in_dim3A_416 : vector<9x1xf32> to vector<1x9x1xf32>
    tpu.vector_store %arg16[%swap3A_417, %swap3A_418, %swap3A_419], %swap3A_422 {strides = array<i32>} : memref<1x9x98xf32, #tpu.memory_space<vmem>>, vector<1x9x1xf32>,
    %slice3A_423 = vector.extract_strided_slice %max3A_302 {offsets = [0, 6144], sizes = [8, 1024], strides = [1, 1]} : vector<8x14336xf32> to vector<8x1024xf32>
    %slice3A_424 = vector.extract_strided_slice %get3A_297 {offsets = [0, 6144], sizes = [9, 1024], strides = [1, 1]} : vector<9x14336xf32> to vector<9x1024xf32>
    %reduce_sum3A_425 = arith.constant dense<0.000000e+00> : vector<8xf32>
    %reduce_sum3A_426 = vector.multi_reduction <add>, %slice3A_423, %reduce_sum3A_425 [1] : vector<8x1024xf32> to vector<8xf32>
    %broadcast_in_dim3A_427 = vector.shape_cast %reduce_sum3A_426 : vector<8xf32> to vector<8x1xf32>
    %swap3A_428 = arith.constant 0 : index
    %swap3A_429 = arith.constant 0 : index
    %swap3A_430 = arith.constant 20 : index
    %swap3A_431 = vector.load %arg15[%swap3A_428, %swap3A_429, %swap3A_430] : memref<1x8x98xf32, #tpu.memory_space<vmem>>, vector<1x8x1xf32>
    %swap3A_432 = vector.shape_cast %swap3A_431 : vector<1x8x1xf32> to vector<8x1xf32>
    %swap3A_433 = vector.shape_cast %broadcast_in_dim3A_427 : vector<8x1xf32> to vector<1x8x1xf32>
    tpu.vector_store %arg15[%swap3A_428, %swap3A_429, %swap3A_430], %swap3A_433 {strides = array<i32>} : memref<1x8x98xf32, #tpu.memory_space<vmem>>, vector<1x8x1xf32>,
    %reduce_sum3A_434 = arith.constant dense<0.000000e+00> : vector<9xf32>
    %reduce_sum3A_435 = vector.multi_reduction <add>, %slice3A_424, %reduce_sum3A_434 [1] : vector<9x1024xf32> to vector<9xf32>
    %broadcast_in_dim3A_436 = vector.shape_cast %reduce_sum3A_435 : vector<9xf32> to vector<9x1xf32>
    %swap3A_437 = arith.constant 0 : index
    %swap3A_438 = arith.constant 0 : index
    %swap3A_439 = arith.constant 20 : index
    %swap3A_440 = vector.load %arg16[%swap3A_437, %swap3A_438, %swap3A_439] : memref<1x9x98xf32, #tpu.memory_space<vmem>>, vector<1x9x1xf32>
    %swap3A_441 = vector.shape_cast %swap3A_440 : vector<1x9x1xf32> to vector<9x1xf32>
    %swap3A_442 = vector.shape_cast %broadcast_in_dim3A_436 : vector<9x1xf32> to vector<1x9x1xf32>
    tpu.vector_store %arg16[%swap3A_437, %swap3A_438, %swap3A_439], %swap3A_442 {strides = array<i32>} : memref<1x9x98xf32, #tpu.memory_space<vmem>>, vector<1x9x1xf32>,
    %slice3A_443 = vector.extract_strided_slice %max3A_302 {offsets = [0, 7168], sizes = [8, 1024], strides = [1, 1]} : vector<8x14336xf32> to vector<8x1024xf32>
    %slice3A_444 = vector.extract_strided_slice %get3A_297 {offsets = [0, 7168], sizes = [9, 1024], strides = [1, 1]} : vector<9x14336xf32> to vector<9x1024xf32>
    %reduce_sum3A_445 = arith.constant dense<0.000000e+00> : vector<8xf32>
    %reduce_sum3A_446 = vector.multi_reduction <add>, %slice3A_443, %reduce_sum3A_445 [1] : vector<8x1024xf32> to vector<8xf32>
    %broadcast_in_dim3A_447 = vector.shape_cast %reduce_sum3A_446 : vector<8xf32> to vector<8x1xf32>
    %swap3A_448 = arith.constant 0 : index
    %swap3A_449 = arith.constant 0 : index
    %swap3A_450 = arith.constant 21 : index
    %swap3A_451 = vector.load %arg15[%swap3A_448, %swap3A_449, %swap3A_450] : memref<1x8x98xf32, #tpu.memory_space<vmem>>, vector<1x8x1xf32>
    %swap3A_452 = vector.shape_cast %swap3A_451 : vector<1x8x1xf32> to vector<8x1xf32>
    %swap3A_453 = vector.shape_cast %broadcast_in_dim3A_447 : vector<8x1xf32> to vector<1x8x1xf32>
    tpu.vector_store %arg15[%swap3A_448, %swap3A_449, %swap3A_450], %swap3A_453 {strides = array<i32>} : memref<1x8x98xf32, #tpu.memory_space<vmem>>, vector<1x8x1xf32>,
    %reduce_sum3A_454 = arith.constant dense<0.000000e+00> : vector<9xf32>
    %reduce_sum3A_455 = vector.multi_reduction <add>, %slice3A_444, %reduce_sum3A_454 [1] : vector<9x1024xf32> to vector<9xf32>
    %broadcast_in_dim3A_456 = vector.shape_cast %reduce_sum3A_455 : vector<9xf32> to vector<9x1xf32>
    %swap3A_457 = arith.constant 0 : index
    %swap3A_458 = arith.constant 0 : index
    %swap3A_459 = arith.constant 21 : index
    %swap3A_460 = vector.load %arg16[%swap3A_457, %swap3A_458, %swap3A_459] : memref<1x9x98xf32, #tpu.memory_space<vmem>>, vector<1x9x1xf32>
    %swap3A_461 = vector.shape_cast %swap3A_460 : vector<1x9x1xf32> to vector<9x1xf32>
    %swap3A_462 = vector.shape_cast %broadcast_in_dim3A_456 : vector<9x1xf32> to vector<1x9x1xf32>
    tpu.vector_store %arg16[%swap3A_457, %swap3A_458, %swap3A_459], %swap3A_462 {strides = array<i32>} : memref<1x9x98xf32, #tpu.memory_space<vmem>>, vector<1x9x1xf32>,
    %slice3A_463 = vector.extract_strided_slice %max3A_302 {offsets = [0, 8192], sizes = [8, 1024], strides = [1, 1]} : vector<8x14336xf32> to vector<8x1024xf32>
    %slice3A_464 = vector.extract_strided_slice %get3A_297 {offsets = [0, 8192], sizes = [9, 1024], strides = [1, 1]} : vector<9x14336xf32> to vector<9x1024xf32>
    %reduce_sum3A_465 = arith.constant dense<0.000000e+00> : vector<8xf32>
    %reduce_sum3A_466 = vector.multi_reduction <add>, %slice3A_463, %reduce_sum3A_465 [1] : vector<8x1024xf32> to vector<8xf32>
    %broadcast_in_dim3A_467 = vector.shape_cast %reduce_sum3A_466 : vector<8xf32> to vector<8x1xf32>
    %swap3A_468 = arith.constant 0 : index
    %swap3A_469 = arith.constant 0 : index
    %swap3A_470 = arith.constant 22 : index
    %swap3A_471 = vector.load %arg15[%swap3A_468, %swap3A_469, %swap3A_470] : memref<1x8x98xf32, #tpu.memory_space<vmem>>, vector<1x8x1xf32>
    %swap3A_472 = vector.shape_cast %swap3A_471 : vector<1x8x1xf32> to vector<8x1xf32>
    %swap3A_473 = vector.shape_cast %broadcast_in_dim3A_467 : vector<8x1xf32> to vector<1x8x1xf32>
    tpu.vector_store %arg15[%swap3A_468, %swap3A_469, %swap3A_470], %swap3A_473 {strides = array<i32>} : memref<1x8x98xf32, #tpu.memory_space<vmem>>, vector<1x8x1xf32>,
    %reduce_sum3A_474 = arith.constant dense<0.000000e+00> : vector<9xf32>
    %reduce_sum3A_475 = vector.multi_reduction <add>, %slice3A_464, %reduce_sum3A_474 [1] : vector<9x1024xf32> to vector<9xf32>
    %broadcast_in_dim3A_476 = vector.shape_cast %reduce_sum3A_475 : vector<9xf32> to vector<9x1xf32>
    %swap3A_477 = arith.constant 0 : index
    %swap3A_478 = arith.constant 0 : index
    %swap3A_479 = arith.constant 22 : index
    %swap3A_480 = vector.load %arg16[%swap3A_477, %swap3A_478, %swap3A_479] : memref<1x9x98xf32, #tpu.memory_space<vmem>>, vector<1x9x1xf32>
    %swap3A_481 = vector.shape_cast %swap3A_480 : vector<1x9x1xf32> to vector<9x1xf32>
    %swap3A_482 = vector.shape_cast %broadcast_in_dim3A_476 : vector<9x1xf32> to vector<1x9x1xf32>
    tpu.vector_store %arg16[%swap3A_477, %swap3A_478, %swap3A_479], %swap3A_482 {strides = array<i32>} : memref<1x9x98xf32, #tpu.memory_space<vmem>>, vector<1x9x1xf32>,
    %slice3A_483 = vector.extract_strided_slice %max3A_302 {offsets = [0, 9216], sizes = [8, 1024], strides = [1, 1]} : vector<8x14336xf32> to vector<8x1024xf32>
    %slice3A_484 = vector.extract_strided_slice %get3A_297 {offsets = [0, 9216], sizes = [9, 1024], strides = [1, 1]} : vector<9x14336xf32> to vector<9x1024xf32>
    %reduce_sum3A_485 = arith.constant dense<0.000000e+00> : vector<8xf32>
    %reduce_sum3A_486 = vector.multi_reduction <add>, %slice3A_483, %reduce_sum3A_485 [1] : vector<8x1024xf32> to vector<8xf32>
    %broadcast_in_dim3A_487 = vector.shape_cast %reduce_sum3A_486 : vector<8xf32> to vector<8x1xf32>
    %swap3A_488 = arith.constant 0 : index
    %swap3A_489 = arith.constant 0 : index
    %swap3A_490 = arith.constant 23 : index
    %swap3A_491 = vector.load %arg15[%swap3A_488, %swap3A_489, %swap3A_490] : memref<1x8x98xf32, #tpu.memory_space<vmem>>, vector<1x8x1xf32>
    %swap3A_492 = vector.shape_cast %swap3A_491 : vector<1x8x1xf32> to vector<8x1xf32>
    %swap3A_493 = vector.shape_cast %broadcast_in_dim3A_487 : vector<8x1xf32> to vector<1x8x1xf32>
    tpu.vector_store %arg15[%swap3A_488, %swap3A_489, %swap3A_490], %swap3A_493 {strides = array<i32>} : memref<1x8x98xf32, #tpu.memory_space<vmem>>, vector<1x8x1xf32>,
    %reduce_sum3A_494 = arith.constant dense<0.000000e+00> : vector<9xf32>
    %reduce_sum3A_495 = vector.multi_reduction <add>, %slice3A_484, %reduce_sum3A_494 [1] : vector<9x1024xf32> to vector<9xf32>
    %broadcast_in_dim3A_496 = vector.shape_cast %reduce_sum3A_495 : vector<9xf32> to vector<9x1xf32>
    %swap3A_497 = arith.constant 0 : index
    %swap3A_498 = arith.constant 0 : index
    %swap3A_499 = arith.constant 23 : index
    %swap3A_500 = vector.load %arg16[%swap3A_497, %swap3A_498, %swap3A_499] : memref<1x9x98xf32, #tpu.memory_space<vmem>>, vector<1x9x1xf32>
    %swap3A_501 = vector.shape_cast %swap3A_500 : vector<1x9x1xf32> to vector<9x1xf32>
    %swap3A_502 = vector.shape_cast %broadcast_in_dim3A_496 : vector<9x1xf32> to vector<1x9x1xf32>
    tpu.vector_store %arg16[%swap3A_497, %swap3A_498, %swap3A_499], %swap3A_502 {strides = array<i32>} : memref<1x9x98xf32, #tpu.memory_space<vmem>>, vector<1x9x1xf32>,
    %slice3A_503 = vector.extract_strided_slice %max3A_302 {offsets = [0, 10240], sizes = [8, 1024], strides = [1, 1]} : vector<8x14336xf32> to vector<8x1024xf32>
    %slice3A_504 = vector.extract_strided_slice %get3A_297 {offsets = [0, 10240], sizes = [9, 1024], strides = [1, 1]} : vector<9x14336xf32> to vector<9x1024xf32>
    %reduce_sum3A_505 = arith.constant dense<0.000000e+00> : vector<8xf32>
    %reduce_sum3A_506 = vector.multi_reduction <add>, %slice3A_503, %reduce_sum3A_505 [1] : vector<8x1024xf32> to vector<8xf32>
    %broadcast_in_dim3A_507 = vector.shape_cast %reduce_sum3A_506 : vector<8xf32> to vector<8x1xf32>
    %swap3A_508 = arith.constant 0 : index
    %swap3A_509 = arith.constant 0 : index
    %swap3A_510 = arith.constant 24 : index
    %swap3A_511 = vector.load %arg15[%swap3A_508, %swap3A_509, %swap3A_510] : memref<1x8x98xf32, #tpu.memory_space<vmem>>, vector<1x8x1xf32>
    %swap3A_512 = vector.shape_cast %swap3A_511 : vector<1x8x1xf32> to vector<8x1xf32>
    %swap3A_513 = vector.shape_cast %broadcast_in_dim3A_507 : vector<8x1xf32> to vector<1x8x1xf32>
    tpu.vector_store %arg15[%swap3A_508, %swap3A_509, %swap3A_510], %swap3A_513 {strides = array<i32>} : memref<1x8x98xf32, #tpu.memory_space<vmem>>, vector<1x8x1xf32>,
    %reduce_sum3A_514 = arith.constant dense<0.000000e+00> : vector<9xf32>
    %reduce_sum3A_515 = vector.multi_reduction <add>, %slice3A_504, %reduce_sum3A_514 [1] : vector<9x1024xf32> to vector<9xf32>
    %broadcast_in_dim3A_516 = vector.shape_cast %reduce_sum3A_515 : vector<9xf32> to vector<9x1xf32>
    %swap3A_517 = arith.constant 0 : index
    %swap3A_518 = arith.constant 0 : index
    %swap3A_519 = arith.constant 24 : index
    %swap3A_520 = vector.load %arg16[%swap3A_517, %swap3A_518, %swap3A_519] : memref<1x9x98xf32, #tpu.memory_space<vmem>>, vector<1x9x1xf32>
    %swap3A_521 = vector.shape_cast %swap3A_520 : vector<1x9x1xf32> to vector<9x1xf32>
    %swap3A_522 = vector.shape_cast %broadcast_in_dim3A_516 : vector<9x1xf32> to vector<1x9x1xf32>
    tpu.vector_store %arg16[%swap3A_517, %swap3A_518, %swap3A_519], %swap3A_522 {strides = array<i32>} : memref<1x9x98xf32, #tpu.memory_space<vmem>>, vector<1x9x1xf32>,
    %slice3A_523 = vector.extract_strided_slice %max3A_302 {offsets = [0, 11264], sizes = [8, 1024], strides = [1, 1]} : vector<8x14336xf32> to vector<8x1024xf32>
    %slice3A_524 = vector.extract_strided_slice %get3A_297 {offsets = [0, 11264], sizes = [9, 1024], strides = [1, 1]} : vector<9x14336xf32> to vector<9x1024xf32>
    %reduce_sum3A_525 = arith.constant dense<0.000000e+00> : vector<8xf32>
    %reduce_sum3A_526 = vector.multi_reduction <add>, %slice3A_523, %reduce_sum3A_525 [1] : vector<8x1024xf32> to vector<8xf32>
    %broadcast_in_dim3A_527 = vector.shape_cast %reduce_sum3A_526 : vector<8xf32> to vector<8x1xf32>
    %swap3A_528 = arith.constant 0 : index
    %swap3A_529 = arith.constant 0 : index
    %swap3A_530 = arith.constant 25 : index
    %swap3A_531 = vector.load %arg15[%swap3A_528, %swap3A_529, %swap3A_530] : memref<1x8x98xf32, #tpu.memory_space<vmem>>, vector<1x8x1xf32>
    %swap3A_532 = vector.shape_cast %swap3A_531 : vector<1x8x1xf32> to vector<8x1xf32>
    %swap3A_533 = vector.shape_cast %broadcast_in_dim3A_527 : vector<8x1xf32> to vector<1x8x1xf32>
    tpu.vector_store %arg15[%swap3A_528, %swap3A_529, %swap3A_530], %swap3A_533 {strides = array<i32>} : memref<1x8x98xf32, #tpu.memory_space<vmem>>, vector<1x8x1xf32>,
    %reduce_sum3A_534 = arith.constant dense<0.000000e+00> : vector<9xf32>
    %reduce_sum3A_535 = vector.multi_reduction <add>, %slice3A_524, %reduce_sum3A_534 [1] : vector<9x1024xf32> to vector<9xf32>
    %broadcast_in_dim3A_536 = vector.shape_cast %reduce_sum3A_535 : vector<9xf32> to vector<9x1xf32>
    %swap3A_537 = arith.constant 0 : index
    %swap3A_538 = arith.constant 0 : index
    %swap3A_539 = arith.constant 25 : index
    %swap3A_540 = vector.load %arg16[%swap3A_537, %swap3A_538, %swap3A_539] : memref<1x9x98xf32, #tpu.memory_space<vmem>>, vector<1x9x1xf32>
    %swap3A_541 = vector.shape_cast %swap3A_540 : vector<1x9x1xf32> to vector<9x1xf32>
    %swap3A_542 = vector.shape_cast %broadcast_in_dim3A_536 : vector<9x1xf32> to vector<1x9x1xf32>
    tpu.vector_store %arg16[%swap3A_537, %swap3A_538, %swap3A_539], %swap3A_542 {strides = array<i32>} : memref<1x9x98xf32, #tpu.memory_space<vmem>>, vector<1x9x1xf32>,
    %slice3A_543 = vector.extract_strided_slice %max3A_302 {offsets = [0, 12288], sizes = [8, 1024], strides = [1, 1]} : vector<8x14336xf32> to vector<8x1024xf32>
    %slice3A_544 = vector.extract_strided_slice %get3A_297 {offsets = [0, 12288], sizes = [9, 1024], strides = [1, 1]} : vector<9x14336xf32> to vector<9x1024xf32>
    %reduce_sum3A_545 = arith.constant dense<0.000000e+00> : vector<8xf32>
    %reduce_sum3A_546 = vector.multi_reduction <add>, %slice3A_543, %reduce_sum3A_545 [1] : vector<8x1024xf32> to vector<8xf32>
    %broadcast_in_dim3A_547 = vector.shape_cast %reduce_sum3A_546 : vector<8xf32> to vector<8x1xf32>
    %swap3A_548 = arith.constant 0 : index
    %swap3A_549 = arith.constant 0 : index
    %swap3A_550 = arith.constant 26 : index
    %swap3A_551 = vector.load %arg15[%swap3A_548, %swap3A_549, %swap3A_550] : memref<1x8x98xf32, #tpu.memory_space<vmem>>, vector<1x8x1xf32>
    %swap3A_552 = vector.shape_cast %swap3A_551 : vector<1x8x1xf32> to vector<8x1xf32>
    %swap3A_553 = vector.shape_cast %broadcast_in_dim3A_547 : vector<8x1xf32> to vector<1x8x1xf32>
    tpu.vector_store %arg15[%swap3A_548, %swap3A_549, %swap3A_550], %swap3A_553 {strides = array<i32>} : memref<1x8x98xf32, #tpu.memory_space<vmem>>, vector<1x8x1xf32>,
    %reduce_sum3A_554 = arith.constant dense<0.000000e+00> : vector<9xf32>
    %reduce_sum3A_555 = vector.multi_reduction <add>, %slice3A_544, %reduce_sum3A_554 [1] : vector<9x1024xf32> to vector<9xf32>
    %broadcast_in_dim3A_556 = vector.shape_cast %reduce_sum3A_555 : vector<9xf32> to vector<9x1xf32>
    %swap3A_557 = arith.constant 0 : index
    %swap3A_558 = arith.constant 0 : index
    %swap3A_559 = arith.constant 26 : index
    %swap3A_560 = vector.load %arg16[%swap3A_557, %swap3A_558, %swap3A_559] : memref<1x9x98xf32, #tpu.memory_space<vmem>>, vector<1x9x1xf32>
    %swap3A_561 = vector.shape_cast %swap3A_560 : vector<1x9x1xf32> to vector<9x1xf32>
    %swap3A_562 = vector.shape_cast %broadcast_in_dim3A_556 : vector<9x1xf32> to vector<1x9x1xf32>
    tpu.vector_store %arg16[%swap3A_557, %swap3A_558, %swap3A_559], %swap3A_562 {strides = array<i32>} : memref<1x9x98xf32, #tpu.memory_space<vmem>>, vector<1x9x1xf32>,
    %slice3A_563 = vector.extract_strided_slice %max3A_302 {offsets = [0, 13312], sizes = [8, 1024], strides = [1, 1]} : vector<8x14336xf32> to vector<8x1024xf32>
    %slice3A_564 = vector.extract_strided_slice %get3A_297 {offsets = [0, 13312], sizes = [9, 1024], strides = [1, 1]} : vector<9x14336xf32> to vector<9x1024xf32>
    %reduce_sum3A_565 = arith.constant dense<0.000000e+00> : vector<8xf32>
    %reduce_sum3A_566 = vector.multi_reduction <add>, %slice3A_563, %reduce_sum3A_565 [1] : vector<8x1024xf32> to vector<8xf32>
    %broadcast_in_dim3A_567 = vector.shape_cast %reduce_sum3A_566 : vector<8xf32> to vector<8x1xf32>
    %swap3A_568 = arith.constant 0 : index
    %swap3A_569 = arith.constant 0 : index
    %swap3A_570 = arith.constant 27 : index
    %swap3A_571 = vector.load %arg15[%swap3A_568, %swap3A_569, %swap3A_570] : memref<1x8x98xf32, #tpu.memory_space<vmem>>, vector<1x8x1xf32>
    %swap3A_572 = vector.shape_cast %swap3A_571 : vector<1x8x1xf32> to vector<8x1xf32>
    %swap3A_573 = vector.shape_cast %broadcast_in_dim3A_567 : vector<8x1xf32> to vector<1x8x1xf32>
    tpu.vector_store %arg15[%swap3A_568, %swap3A_569, %swap3A_570], %swap3A_573 {strides = array<i32>} : memref<1x8x98xf32, #tpu.memory_space<vmem>>, vector<1x8x1xf32>,
    %reduce_sum3A_574 = arith.constant dense<0.000000e+00> : vector<9xf32>
    %reduce_sum3A_575 = vector.multi_reduction <add>, %slice3A_564, %reduce_sum3A_574 [1] : vector<9x1024xf32> to vector<9xf32>
    %broadcast_in_dim3A_576 = vector.shape_cast %reduce_sum3A_575 : vector<9xf32> to vector<9x1xf32>
    %swap3A_577 = arith.constant 0 : index
    %swap3A_578 = arith.constant 0 : index
    %swap3A_579 = arith.constant 27 : index
    %swap3A_580 = vector.load %arg16[%swap3A_577, %swap3A_578, %swap3A_579] : memref<1x9x98xf32, #tpu.memory_space<vmem>>, vector<1x9x1xf32>
    %swap3A_581 = vector.shape_cast %swap3A_580 : vector<1x9x1xf32> to vector<9x1xf32>
    %swap3A_582 = vector.shape_cast %broadcast_in_dim3A_576 : vector<9x1xf32> to vector<1x9x1xf32>
    tpu.vector_store %arg16[%swap3A_577, %swap3A_578, %swap3A_579], %swap3A_582 {strides = array<i32>} : memref<1x9x98xf32, #tpu.memory_space<vmem>>, vector<1x9x1xf32>,
    %get3A_583 = arith.constant 0 : index
    %get3A_584 = arith.constant 0 : index
    %get3A_585 = arith.constant 0 : index
    %get3A_586 = vector.load %arg3[%get3A_583, %get3A_584, %get3A_585] : memref<1x8x14336xf32, #tpu.memory_space<vmem>>, vector<1x8x14336xf32>
    %get3A_587 = vector.shape_cast %get3A_586 : vector<1x8x14336xf32> to vector<8x14336xf32>
    %get3A_588 = arith.constant 0 : index
    %get3A_589 = arith.constant 0 : index
    %get3A_590 = arith.constant 0 : index
    %get3A_591 = vector.load %arg10[%get3A_588, %get3A_589, %get3A_590] : memref<1x9x14336xf32, #tpu.memory_space<vmem>>, vector<1x9x14336xf32>
    %get3A_592 = vector.shape_cast %get3A_591 : vector<1x9x14336xf32> to vector<9x14336xf32>
    %slice3A_593 = vector.extract_strided_slice %get3A_592 {offsets = [0, 0], sizes = [8, 14336], strides = [1, 1]} : vector<9x14336xf32> to vector<8x14336xf32>
    %sub3A_594 = arith.subf %slice3A_593, %get3A_587 : vector<8x14336xf32>
    %max3A_595 = arith.constant 0.000000e+00 : f32
    %max3A_596 = vector.broadcast %max3A_595 : f32 to vector<8x14336xf32>
    %max3A_597 = arith.maximumf %sub3A_594, %max3A_596 : vector<8x14336xf32>
    %slice3A_598 = vector.extract_strided_slice %max3A_597 {offsets = [0, 0], sizes = [8, 1024], strides = [1, 1]} : vector<8x14336xf32> to vector<8x1024xf32>
    %slice3A_599 = vector.extract_strided_slice %get3A_592 {offsets = [0, 0], sizes = [9, 1024], strides = [1, 1]} : vector<9x14336xf32> to vector<9x1024xf32>
    %reduce_sum3A_600 = arith.constant dense<0.000000e+00> : vector<8xf32>
    %reduce_sum3A_601 = vector.multi_reduction <add>, %slice3A_598, %reduce_sum3A_600 [1] : vector<8x1024xf32> to vector<8xf32>
    %broadcast_in_dim3A_602 = vector.shape_cast %reduce_sum3A_601 : vector<8xf32> to vector<8x1xf32>
    %swap3A_603 = arith.constant 0 : index
    %swap3A_604 = arith.constant 0 : index
    %swap3A_605 = arith.constant 28 : index
    %swap3A_606 = vector.load %arg15[%swap3A_603, %swap3A_604, %swap3A_605] : memref<1x8x98xf32, #tpu.memory_space<vmem>>, vector<1x8x1xf32>
    %swap3A_607 = vector.shape_cast %swap3A_606 : vector<1x8x1xf32> to vector<8x1xf32>
    %swap3A_608 = vector.shape_cast %broadcast_in_dim3A_602 : vector<8x1xf32> to vector<1x8x1xf32>
    tpu.vector_store %arg15[%swap3A_603, %swap3A_604, %swap3A_605], %swap3A_608 {strides = array<i32>} : memref<1x8x98xf32, #tpu.memory_space<vmem>>, vector<1x8x1xf32>,
    %reduce_sum3A_609 = arith.constant dense<0.000000e+00> : vector<9xf32>
    %reduce_sum3A_610 = vector.multi_reduction <add>, %slice3A_599, %reduce_sum3A_609 [1] : vector<9x1024xf32> to vector<9xf32>
    %broadcast_in_dim3A_611 = vector.shape_cast %reduce_sum3A_610 : vector<9xf32> to vector<9x1xf32>
    %swap3A_612 = arith.constant 0 : index
    %swap3A_613 = arith.constant 0 : index
    %swap3A_614 = arith.constant 28 : index
    %swap3A_615 = vector.load %arg16[%swap3A_612, %swap3A_613, %swap3A_614] : memref<1x9x98xf32, #tpu.memory_space<vmem>>, vector<1x9x1xf32>
    %swap3A_616 = vector.shape_cast %swap3A_615 : vector<1x9x1xf32> to vector<9x1xf32>
    %swap3A_617 = vector.shape_cast %broadcast_in_dim3A_611 : vector<9x1xf32> to vector<1x9x1xf32>
    tpu.vector_store %arg16[%swap3A_612, %swap3A_613, %swap3A_614], %swap3A_617 {strides = array<i32>} : memref<1x9x98xf32, #tpu.memory_space<vmem>>, vector<1x9x1xf32>,
    %slice3A_618 = vector.extract_strided_slice %max3A_597 {offsets = [0, 1024], sizes = [8, 1024], strides = [1, 1]} : vector<8x14336xf32> to vector<8x1024xf32>
    %slice3A_619 = vector.extract_strided_slice %get3A_592 {offsets = [0, 1024], sizes = [9, 1024], strides = [1, 1]} : vector<9x14336xf32> to vector<9x1024xf32>
    %reduce_sum3A_620 = arith.constant dense<0.000000e+00> : vector<8xf32>
    %reduce_sum3A_621 = vector.multi_reduction <add>, %slice3A_618, %reduce_sum3A_620 [1] : vector<8x1024xf32> to vector<8xf32>
    %broadcast_in_dim3A_622 = vector.shape_cast %reduce_sum3A_621 : vector<8xf32> to vector<8x1xf32>
    %swap3A_623 = arith.constant 0 : index
    %swap3A_624 = arith.constant 0 : index
    %swap3A_625 = arith.constant 29 : index
    %swap3A_626 = vector.load %arg15[%swap3A_623, %swap3A_624, %swap3A_625] : memref<1x8x98xf32, #tpu.memory_space<vmem>>, vector<1x8x1xf32>
    %swap3A_627 = vector.shape_cast %swap3A_626 : vector<1x8x1xf32> to vector<8x1xf32>
    %swap3A_628 = vector.shape_cast %broadcast_in_dim3A_622 : vector<8x1xf32> to vector<1x8x1xf32>
    tpu.vector_store %arg15[%swap3A_623, %swap3A_624, %swap3A_625], %swap3A_628 {strides = array<i32>} : memref<1x8x98xf32, #tpu.memory_space<vmem>>, vector<1x8x1xf32>,
    %reduce_sum3A_629 = arith.constant dense<0.000000e+00> : vector<9xf32>
    %reduce_sum3A_630 = vector.multi_reduction <add>, %slice3A_619, %reduce_sum3A_629 [1] : vector<9x1024xf32> to vector<9xf32>
    %broadcast_in_dim3A_631 = vector.shape_cast %reduce_sum3A_630 : vector<9xf32> to vector<9x1xf32>
    %swap3A_632 = arith.constant 0 : index
    %swap3A_633 = arith.constant 0 : index
    %swap3A_634 = arith.constant 29 : index
    %swap3A_635 = vector.load %arg16[%swap3A_632, %swap3A_633, %swap3A_634] : memref<1x9x98xf32, #tpu.memory_space<vmem>>, vector<1x9x1xf32>
    %swap3A_636 = vector.shape_cast %swap3A_635 : vector<1x9x1xf32> to vector<9x1xf32>
    %swap3A_637 = vector.shape_cast %broadcast_in_dim3A_631 : vector<9x1xf32> to vector<1x9x1xf32>
    tpu.vector_store %arg16[%swap3A_632, %swap3A_633, %swap3A_634], %swap3A_637 {strides = array<i32>} : memref<1x9x98xf32, #tpu.memory_space<vmem>>, vector<1x9x1xf32>,
    %slice3A_638 = vector.extract_strided_slice %max3A_597 {offsets = [0, 2048], sizes = [8, 1024], strides = [1, 1]} : vector<8x14336xf32> to vector<8x1024xf32>
    %slice3A_639 = vector.extract_strided_slice %get3A_592 {offsets = [0, 2048], sizes = [9, 1024], strides = [1, 1]} : vector<9x14336xf32> to vector<9x1024xf32>
    %reduce_sum3A_640 = arith.constant dense<0.000000e+00> : vector<8xf32>
    %reduce_sum3A_641 = vector.multi_reduction <add>, %slice3A_638, %reduce_sum3A_640 [1] : vector<8x1024xf32> to vector<8xf32>
    %broadcast_in_dim3A_642 = vector.shape_cast %reduce_sum3A_641 : vector<8xf32> to vector<8x1xf32>
    %swap3A_643 = arith.constant 0 : index
    %swap3A_644 = arith.constant 0 : index
    %swap3A_645 = arith.constant 30 : index
    %swap3A_646 = vector.load %arg15[%swap3A_643, %swap3A_644, %swap3A_645] : memref<1x8x98xf32, #tpu.memory_space<vmem>>, vector<1x8x1xf32>
    %swap3A_647 = vector.shape_cast %swap3A_646 : vector<1x8x1xf32> to vector<8x1xf32>
    %swap3A_648 = vector.shape_cast %broadcast_in_dim3A_642 : vector<8x1xf32> to vector<1x8x1xf32>
    tpu.vector_store %arg15[%swap3A_643, %swap3A_644, %swap3A_645], %swap3A_648 {strides = array<i32>} : memref<1x8x98xf32, #tpu.memory_space<vmem>>, vector<1x8x1xf32>,
    %reduce_sum3A_649 = arith.constant dense<0.000000e+00> : vector<9xf32>
    %reduce_sum3A_650 = vector.multi_reduction <add>, %slice3A_639, %reduce_sum3A_649 [1] : vector<9x1024xf32> to vector<9xf32>
    %broadcast_in_dim3A_651 = vector.shape_cast %reduce_sum3A_650 : vector<9xf32> to vector<9x1xf32>
    %swap3A_652 = arith.constant 0 : index
    %swap3A_653 = arith.constant 0 : index
    %swap3A_654 = arith.constant 30 : index
    %swap3A_655 = vector.load %arg16[%swap3A_652, %swap3A_653, %swap3A_654] : memref<1x9x98xf32, #tpu.memory_space<vmem>>, vector<1x9x1xf32>
    %swap3A_656 = vector.shape_cast %swap3A_655 : vector<1x9x1xf32> to vector<9x1xf32>
    %swap3A_657 = vector.shape_cast %broadcast_in_dim3A_651 : vector<9x1xf32> to vector<1x9x1xf32>
    tpu.vector_store %arg16[%swap3A_652, %swap3A_653, %swap3A_654], %swap3A_657 {strides = array<i32>} : memref<1x9x98xf32, #tpu.memory_space<vmem>>, vector<1x9x1xf32>,
    %slice3A_658 = vector.extract_strided_slice %max3A_597 {offsets = [0, 3072], sizes = [8, 1024], strides = [1, 1]} : vector<8x14336xf32> to vector<8x1024xf32>
    %slice3A_659 = vector.extract_strided_slice %get3A_592 {offsets = [0, 3072], sizes = [9, 1024], strides = [1, 1]} : vector<9x14336xf32> to vector<9x1024xf32>
    %reduce_sum3A_660 = arith.constant dense<0.000000e+00> : vector<8xf32>
    %reduce_sum3A_661 = vector.multi_reduction <add>, %slice3A_658, %reduce_sum3A_660 [1] : vector<8x1024xf32> to vector<8xf32>
    %broadcast_in_dim3A_662 = vector.shape_cast %reduce_sum3A_661 : vector<8xf32> to vector<8x1xf32>
    %swap3A_663 = arith.constant 0 : index
    %swap3A_664 = arith.constant 0 : index
    %swap3A_665 = arith.constant 31 : index
    %swap3A_666 = vector.load %arg15[%swap3A_663, %swap3A_664, %swap3A_665] : memref<1x8x98xf32, #tpu.memory_space<vmem>>, vector<1x8x1xf32>
    %swap3A_667 = vector.shape_cast %swap3A_666 : vector<1x8x1xf32> to vector<8x1xf32>
    %swap3A_668 = vector.shape_cast %broadcast_in_dim3A_662 : vector<8x1xf32> to vector<1x8x1xf32>
    tpu.vector_store %arg15[%swap3A_663, %swap3A_664, %swap3A_665], %swap3A_668 {strides = array<i32>} : memref<1x8x98xf32, #tpu.memory_space<vmem>>, vector<1x8x1xf32>,
    %reduce_sum3A_669 = arith.constant dense<0.000000e+00> : vector<9xf32>
    %reduce_sum3A_670 = vector.multi_reduction <add>, %slice3A_659, %reduce_sum3A_669 [1] : vector<9x1024xf32> to vector<9xf32>
    %broadcast_in_dim3A_671 = vector.shape_cast %reduce_sum3A_670 : vector<9xf32> to vector<9x1xf32>
    %swap3A_672 = arith.constant 0 : index
    %swap3A_673 = arith.constant 0 : index
    %swap3A_674 = arith.constant 31 : index
    %swap3A_675 = vector.load %arg16[%swap3A_672, %swap3A_673, %swap3A_674] : memref<1x9x98xf32, #tpu.memory_space<vmem>>, vector<1x9x1xf32>
    %swap3A_676 = vector.shape_cast %swap3A_675 : vector<1x9x1xf32> to vector<9x1xf32>
    %swap3A_677 = vector.shape_cast %broadcast_in_dim3A_671 : vector<9x1xf32> to vector<1x9x1xf32>
    tpu.vector_store %arg16[%swap3A_672, %swap3A_673, %swap3A_674], %swap3A_677 {strides = array<i32>} : memref<1x9x98xf32, #tpu.memory_space<vmem>>, vector<1x9x1xf32>,
    %slice3A_678 = vector.extract_strided_slice %max3A_597 {offsets = [0, 4096], sizes = [8, 1024], strides = [1, 1]} : vector<8x14336xf32> to vector<8x1024xf32>
    %slice3A_679 = vector.extract_strided_slice %get3A_592 {offsets = [0, 4096], sizes = [9, 1024], strides = [1, 1]} : vector<9x14336xf32> to vector<9x1024xf32>
    %reduce_sum3A_680 = arith.constant dense<0.000000e+00> : vector<8xf32>
    %reduce_sum3A_681 = vector.multi_reduction <add>, %slice3A_678, %reduce_sum3A_680 [1] : vector<8x1024xf32> to vector<8xf32>
    %broadcast_in_dim3A_682 = vector.shape_cast %reduce_sum3A_681 : vector<8xf32> to vector<8x1xf32>
    %swap3A_683 = arith.constant 0 : index
    %swap3A_684 = arith.constant 0 : index
    %swap3A_685 = arith.constant 32 : index
    %swap3A_686 = vector.load %arg15[%swap3A_683, %swap3A_684, %swap3A_685] : memref<1x8x98xf32, #tpu.memory_space<vmem>>, vector<1x8x1xf32>
    %swap3A_687 = vector.shape_cast %swap3A_686 : vector<1x8x1xf32> to vector<8x1xf32>
    %swap3A_688 = vector.shape_cast %broadcast_in_dim3A_682 : vector<8x1xf32> to vector<1x8x1xf32>
    tpu.vector_store %arg15[%swap3A_683, %swap3A_684, %swap3A_685], %swap3A_688 {strides = array<i32>} : memref<1x8x98xf32, #tpu.memory_space<vmem>>, vector<1x8x1xf32>,
    %reduce_sum3A_689 = arith.constant dense<0.000000e+00> : vector<9xf32>
    %reduce_sum3A_690 = vector.multi_reduction <add>, %slice3A_679, %reduce_sum3A_689 [1] : vector<9x1024xf32> to vector<9xf32>
    %broadcast_in_dim3A_691 = vector.shape_cast %reduce_sum3A_690 : vector<9xf32> to vector<9x1xf32>
    %swap3A_692 = arith.constant 0 : index
    %swap3A_693 = arith.constant 0 : index
    %swap3A_694 = arith.constant 32 : index
    %swap3A_695 = vector.load %arg16[%swap3A_692, %swap3A_693, %swap3A_694] : memref<1x9x98xf32, #tpu.memory_space<vmem>>, vector<1x9x1xf32>
    %swap3A_696 = vector.shape_cast %swap3A_695 : vector<1x9x1xf32> to vector<9x1xf32>
    %swap3A_697 = vector.shape_cast %broadcast_in_dim3A_691 : vector<9x1xf32> to vector<1x9x1xf32>
    tpu.vector_store %arg16[%swap3A_692, %swap3A_693, %swap3A_694], %swap3A_697 {strides = array<i32>} : memref<1x9x98xf32, #tpu.memory_space<vmem>>, vector<1x9x1xf32>,
    %slice3A_698 = vector.extract_strided_slice %max3A_597 {offsets = [0, 5120], sizes = [8, 1024], strides = [1, 1]} : vector<8x14336xf32> to vector<8x1024xf32>
    %slice3A_699 = vector.extract_strided_slice %get3A_592 {offsets = [0, 5120], sizes = [9, 1024], strides = [1, 1]} : vector<9x14336xf32> to vector<9x1024xf32>
    %reduce_sum3A_700 = arith.constant dense<0.000000e+00> : vector<8xf32>
    %reduce_sum3A_701 = vector.multi_reduction <add>, %slice3A_698, %reduce_sum3A_700 [1] : vector<8x1024xf32> to vector<8xf32>
    %broadcast_in_dim3A_702 = vector.shape_cast %reduce_sum3A_701 : vector<8xf32> to vector<8x1xf32>
    %swap3A_703 = arith.constant 0 : index
    %swap3A_704 = arith.constant 0 : index
    %swap3A_705 = arith.constant 33 : index
    %swap3A_706 = vector.load %arg15[%swap3A_703, %swap3A_704, %swap3A_705] : memref<1x8x98xf32, #tpu.memory_space<vmem>>, vector<1x8x1xf32>
    %swap3A_707 = vector.shape_cast %swap3A_706 : vector<1x8x1xf32> to vector<8x1xf32>
    %swap3A_708 = vector.shape_cast %broadcast_in_dim3A_702 : vector<8x1xf32> to vector<1x8x1xf32>
    tpu.vector_store %arg15[%swap3A_703, %swap3A_704, %swap3A_705], %swap3A_708 {strides = array<i32>} : memref<1x8x98xf32, #tpu.memory_space<vmem>>, vector<1x8x1xf32>,
    %reduce_sum3A_709 = arith.constant dense<0.000000e+00> : vector<9xf32>
    %reduce_sum3A_710 = vector.multi_reduction <add>, %slice3A_699, %reduce_sum3A_709 [1] : vector<9x1024xf32> to vector<9xf32>
    %broadcast_in_dim3A_711 = vector.shape_cast %reduce_sum3A_710 : vector<9xf32> to vector<9x1xf32>
    %swap3A_712 = arith.constant 0 : index
    %swap3A_713 = arith.constant 0 : index
    %swap3A_714 = arith.constant 33 : index
    %swap3A_715 = vector.load %arg16[%swap3A_712, %swap3A_713, %swap3A_714] : memref<1x9x98xf32, #tpu.memory_space<vmem>>, vector<1x9x1xf32>
    %swap3A_716 = vector.shape_cast %swap3A_715 : vector<1x9x1xf32> to vector<9x1xf32>
    %swap3A_717 = vector.shape_cast %broadcast_in_dim3A_711 : vector<9x1xf32> to vector<1x9x1xf32>
    tpu.vector_store %arg16[%swap3A_712, %swap3A_713, %swap3A_714], %swap3A_717 {strides = array<i32>} : memref<1x9x98xf32, #tpu.memory_space<vmem>>, vector<1x9x1xf32>,
    %slice3A_718 = vector.extract_strided_slice %max3A_597 {offsets = [0, 6144], sizes = [8, 1024], strides = [1, 1]} : vector<8x14336xf32> to vector<8x1024xf32>
    %slice3A_719 = vector.extract_strided_slice %get3A_592 {offsets = [0, 6144], sizes = [9, 1024], strides = [1, 1]} : vector<9x14336xf32> to vector<9x1024xf32>
    %reduce_sum3A_720 = arith.constant dense<0.000000e+00> : vector<8xf32>
    %reduce_sum3A_721 = vector.multi_reduction <add>, %slice3A_718, %reduce_sum3A_720 [1] : vector<8x1024xf32> to vector<8xf32>
    %broadcast_in_dim3A_722 = vector.shape_cast %reduce_sum3A_721 : vector<8xf32> to vector<8x1xf32>
    %swap3A_723 = arith.constant 0 : index
    %swap3A_724 = arith.constant 0 : index
    %swap3A_725 = arith.constant 34 : index
    %swap3A_726 = vector.load %arg15[%swap3A_723, %swap3A_724, %swap3A_725] : memref<1x8x98xf32, #tpu.memory_space<vmem>>, vector<1x8x1xf32>
    %swap3A_727 = vector.shape_cast %swap3A_726 : vector<1x8x1xf32> to vector<8x1xf32>
    %swap3A_728 = vector.shape_cast %broadcast_in_dim3A_722 : vector<8x1xf32> to vector<1x8x1xf32>
    tpu.vector_store %arg15[%swap3A_723, %swap3A_724, %swap3A_725], %swap3A_728 {strides = array<i32>} : memref<1x8x98xf32, #tpu.memory_space<vmem>>, vector<1x8x1xf32>,
    %reduce_sum3A_729 = arith.constant dense<0.000000e+00> : vector<9xf32>
    %reduce_sum3A_730 = vector.multi_reduction <add>, %slice3A_719, %reduce_sum3A_729 [1] : vector<9x1024xf32> to vector<9xf32>
    %broadcast_in_dim3A_731 = vector.shape_cast %reduce_sum3A_730 : vector<9xf32> to vector<9x1xf32>
    %swap3A_732 = arith.constant 0 : index
    %swap3A_733 = arith.constant 0 : index
    %swap3A_734 = arith.constant 34 : index
    %swap3A_735 = vector.load %arg16[%swap3A_732, %swap3A_733, %swap3A_734] : memref<1x9x98xf32, #tpu.memory_space<vmem>>, vector<1x9x1xf32>
    %swap3A_736 = vector.shape_cast %swap3A_735 : vector<1x9x1xf32> to vector<9x1xf32>
    %swap3A_737 = vector.shape_cast %broadcast_in_dim3A_731 : vector<9x1xf32> to vector<1x9x1xf32>
    tpu.vector_store %arg16[%swap3A_732, %swap3A_733, %swap3A_734], %swap3A_737 {strides = array<i32>} : memref<1x9x98xf32, #tpu.memory_space<vmem>>, vector<1x9x1xf32>,
    %slice3A_738 = vector.extract_strided_slice %max3A_597 {offsets = [0, 7168], sizes = [8, 1024], strides = [1, 1]} : vector<8x14336xf32> to vector<8x1024xf32>
    %slice3A_739 = vector.extract_strided_slice %get3A_592 {offsets = [0, 7168], sizes = [9, 1024], strides = [1, 1]} : vector<9x14336xf32> to vector<9x1024xf32>
    %reduce_sum3A_740 = arith.constant dense<0.000000e+00> : vector<8xf32>
    %reduce_sum3A_741 = vector.multi_reduction <add>, %slice3A_738, %reduce_sum3A_740 [1] : vector<8x1024xf32> to vector<8xf32>
    %broadcast_in_dim3A_742 = vector.shape_cast %reduce_sum3A_741 : vector<8xf32> to vector<8x1xf32>
    %swap3A_743 = arith.constant 0 : index
    %swap3A_744 = arith.constant 0 : index
    %swap3A_745 = arith.constant 35 : index
    %swap3A_746 = vector.load %arg15[%swap3A_743, %swap3A_744, %swap3A_745] : memref<1x8x98xf32, #tpu.memory_space<vmem>>, vector<1x8x1xf32>
    %swap3A_747 = vector.shape_cast %swap3A_746 : vector<1x8x1xf32> to vector<8x1xf32>
    %swap3A_748 = vector.shape_cast %broadcast_in_dim3A_742 : vector<8x1xf32> to vector<1x8x1xf32>
    tpu.vector_store %arg15[%swap3A_743, %swap3A_744, %swap3A_745], %swap3A_748 {strides = array<i32>} : memref<1x8x98xf32, #tpu.memory_space<vmem>>, vector<1x8x1xf32>,
    %reduce_sum3A_749 = arith.constant dense<0.000000e+00> : vector<9xf32>
    %reduce_sum3A_750 = vector.multi_reduction <add>, %slice3A_739, %reduce_sum3A_749 [1] : vector<9x1024xf32> to vector<9xf32>
    %broadcast_in_dim3A_751 = vector.shape_cast %reduce_sum3A_750 : vector<9xf32> to vector<9x1xf32>
    %swap3A_752 = arith.constant 0 : index
    %swap3A_753 = arith.constant 0 : index
    %swap3A_754 = arith.constant 35 : index
    %swap3A_755 = vector.load %arg16[%swap3A_752, %swap3A_753, %swap3A_754] : memref<1x9x98xf32, #tpu.memory_space<vmem>>, vector<1x9x1xf32>
    %swap3A_756 = vector.shape_cast %swap3A_755 : vector<1x9x1xf32> to vector<9x1xf32>
    %swap3A_757 = vector.shape_cast %broadcast_in_dim3A_751 : vector<9x1xf32> to vector<1x9x1xf32>
    tpu.vector_store %arg16[%swap3A_752, %swap3A_753, %swap3A_754], %swap3A_757 {strides = array<i32>} : memref<1x9x98xf32, #tpu.memory_space<vmem>>, vector<1x9x1xf32>,
    %slice3A_758 = vector.extract_strided_slice %max3A_597 {offsets = [0, 8192], sizes = [8, 1024], strides = [1, 1]} : vector<8x14336xf32> to vector<8x1024xf32>
    %slice3A_759 = vector.extract_strided_slice %get3A_592 {offsets = [0, 8192], sizes = [9, 1024], strides = [1, 1]} : vector<9x14336xf32> to vector<9x1024xf32>
    %reduce_sum3A_760 = arith.constant dense<0.000000e+00> : vector<8xf32>
    %reduce_sum3A_761 = vector.multi_reduction <add>, %slice3A_758, %reduce_sum3A_760 [1] : vector<8x1024xf32> to vector<8xf32>
    %broadcast_in_dim3A_762 = vector.shape_cast %reduce_sum3A_761 : vector<8xf32> to vector<8x1xf32>
    %swap3A_763 = arith.constant 0 : index
    %swap3A_764 = arith.constant 0 : index
    %swap3A_765 = arith.constant 36 : index
    %swap3A_766 = vector.load %arg15[%swap3A_763, %swap3A_764, %swap3A_765] : memref<1x8x98xf32, #tpu.memory_space<vmem>>, vector<1x8x1xf32>
    %swap3A_767 = vector.shape_cast %swap3A_766 : vector<1x8x1xf32> to vector<8x1xf32>
    %swap3A_768 = vector.shape_cast %broadcast_in_dim3A_762 : vector<8x1xf32> to vector<1x8x1xf32>
    tpu.vector_store %arg15[%swap3A_763, %swap3A_764, %swap3A_765], %swap3A_768 {strides = array<i32>} : memref<1x8x98xf32, #tpu.memory_space<vmem>>, vector<1x8x1xf32>,
    %reduce_sum3A_769 = arith.constant dense<0.000000e+00> : vector<9xf32>
    %reduce_sum3A_770 = vector.multi_reduction <add>, %slice3A_759, %reduce_sum3A_769 [1] : vector<9x1024xf32> to vector<9xf32>
    %broadcast_in_dim3A_771 = vector.shape_cast %reduce_sum3A_770 : vector<9xf32> to vector<9x1xf32>
    %swap3A_772 = arith.constant 0 : index
    %swap3A_773 = arith.constant 0 : index
    %swap3A_774 = arith.constant 36 : index
    %swap3A_775 = vector.load %arg16[%swap3A_772, %swap3A_773, %swap3A_774] : memref<1x9x98xf32, #tpu.memory_space<vmem>>, vector<1x9x1xf32>
    %swap3A_776 = vector.shape_cast %swap3A_775 : vector<1x9x1xf32> to vector<9x1xf32>
    %swap3A_777 = vector.shape_cast %broadcast_in_dim3A_771 : vector<9x1xf32> to vector<1x9x1xf32>
    tpu.vector_store %arg16[%swap3A_772, %swap3A_773, %swap3A_774], %swap3A_777 {strides = array<i32>} : memref<1x9x98xf32, #tpu.memory_space<vmem>>, vector<1x9x1xf32>,
    %slice3A_778 = vector.extract_strided_slice %max3A_597 {offsets = [0, 9216], sizes = [8, 1024], strides = [1, 1]} : vector<8x14336xf32> to vector<8x1024xf32>
    %slice3A_779 = vector.extract_strided_slice %get3A_592 {offsets = [0, 9216], sizes = [9, 1024], strides = [1, 1]} : vector<9x14336xf32> to vector<9x1024xf32>
    %reduce_sum3A_780 = arith.constant dense<0.000000e+00> : vector<8xf32>
    %reduce_sum3A_781 = vector.multi_reduction <add>, %slice3A_778, %reduce_sum3A_780 [1] : vector<8x1024xf32> to vector<8xf32>
    %broadcast_in_dim3A_782 = vector.shape_cast %reduce_sum3A_781 : vector<8xf32> to vector<8x1xf32>
    %swap3A_783 = arith.constant 0 : index
    %swap3A_784 = arith.constant 0 : index
    %swap3A_785 = arith.constant 37 : index
    %swap3A_786 = vector.load %arg15[%swap3A_783, %swap3A_784, %swap3A_785] : memref<1x8x98xf32, #tpu.memory_space<vmem>>, vector<1x8x1xf32>
    %swap3A_787 = vector.shape_cast %swap3A_786 : vector<1x8x1xf32> to vector<8x1xf32>
    %swap3A_788 = vector.shape_cast %broadcast_in_dim3A_782 : vector<8x1xf32> to vector<1x8x1xf32>
    tpu.vector_store %arg15[%swap3A_783, %swap3A_784, %swap3A_785], %swap3A_788 {strides = array<i32>} : memref<1x8x98xf32, #tpu.memory_space<vmem>>, vector<1x8x1xf32>,
    %reduce_sum3A_789 = arith.constant dense<0.000000e+00> : vector<9xf32>
    %reduce_sum3A_790 = vector.multi_reduction <add>, %slice3A_779, %reduce_sum3A_789 [1] : vector<9x1024xf32> to vector<9xf32>
    %broadcast_in_dim3A_791 = vector.shape_cast %reduce_sum3A_790 : vector<9xf32> to vector<9x1xf32>
    %swap3A_792 = arith.constant 0 : index
    %swap3A_793 = arith.constant 0 : index
    %swap3A_794 = arith.constant 37 : index
    %swap3A_795 = vector.load %arg16[%swap3A_792, %swap3A_793, %swap3A_794] : memref<1x9x98xf32, #tpu.memory_space<vmem>>, vector<1x9x1xf32>
    %swap3A_796 = vector.shape_cast %swap3A_795 : vector<1x9x1xf32> to vector<9x1xf32>
    %swap3A_797 = vector.shape_cast %broadcast_in_dim3A_791 : vector<9x1xf32> to vector<1x9x1xf32>
    tpu.vector_store %arg16[%swap3A_792, %swap3A_793, %swap3A_794], %swap3A_797 {strides = array<i32>} : memref<1x9x98xf32, #tpu.memory_space<vmem>>, vector<1x9x1xf32>,
    %slice3A_798 = vector.extract_strided_slice %max3A_597 {offsets = [0, 10240], sizes = [8, 1024], strides = [1, 1]} : vector<8x14336xf32> to vector<8x1024xf32>
    %slice3A_799 = vector.extract_strided_slice %get3A_592 {offsets = [0, 10240], sizes = [9, 1024], strides = [1, 1]} : vector<9x14336xf32> to vector<9x1024xf32>
    %reduce_sum3A_800 = arith.constant dense<0.000000e+00> : vector<8xf32>
    %reduce_sum3A_801 = vector.multi_reduction <add>, %slice3A_798, %reduce_sum3A_800 [1] : vector<8x1024xf32> to vector<8xf32>
    %broadcast_in_dim3A_802 = vector.shape_cast %reduce_sum3A_801 : vector<8xf32> to vector<8x1xf32>
    %swap3A_803 = arith.constant 0 : index
    %swap3A_804 = arith.constant 0 : index
    %swap3A_805 = arith.constant 38 : index
    %swap3A_806 = vector.load %arg15[%swap3A_803, %swap3A_804, %swap3A_805] : memref<1x8x98xf32, #tpu.memory_space<vmem>>, vector<1x8x1xf32>
    %swap3A_807 = vector.shape_cast %swap3A_806 : vector<1x8x1xf32> to vector<8x1xf32>
    %swap3A_808 = vector.shape_cast %broadcast_in_dim3A_802 : vector<8x1xf32> to vector<1x8x1xf32>
    tpu.vector_store %arg15[%swap3A_803, %swap3A_804, %swap3A_805], %swap3A_808 {strides = array<i32>} : memref<1x8x98xf32, #tpu.memory_space<vmem>>, vector<1x8x1xf32>,
    %reduce_sum3A_809 = arith.constant dense<0.000000e+00> : vector<9xf32>
    %reduce_sum3A_810 = vector.multi_reduction <add>, %slice3A_799, %reduce_sum3A_809 [1] : vector<9x1024xf32> to vector<9xf32>
    %broadcast_in_dim3A_811 = vector.shape_cast %reduce_sum3A_810 : vector<9xf32> to vector<9x1xf32>
    %swap3A_812 = arith.constant 0 : index
    %swap3A_813 = arith.constant 0 : index
    %swap3A_814 = arith.constant 38 : index
    %swap3A_815 = vector.load %arg16[%swap3A_812, %swap3A_813, %swap3A_814] : memref<1x9x98xf32, #tpu.memory_space<vmem>>, vector<1x9x1xf32>
    %swap3A_816 = vector.shape_cast %swap3A_815 : vector<1x9x1xf32> to vector<9x1xf32>
    %swap3A_817 = vector.shape_cast %broadcast_in_dim3A_811 : vector<9x1xf32> to vector<1x9x1xf32>
    tpu.vector_store %arg16[%swap3A_812, %swap3A_813, %swap3A_814], %swap3A_817 {strides = array<i32>} : memref<1x9x98xf32, #tpu.memory_space<vmem>>, vector<1x9x1xf32>,
    %slice3A_818 = vector.extract_strided_slice %max3A_597 {offsets = [0, 11264], sizes = [8, 1024], strides = [1, 1]} : vector<8x14336xf32> to vector<8x1024xf32>
    %slice3A_819 = vector.extract_strided_slice %get3A_592 {offsets = [0, 11264], sizes = [9, 1024], strides = [1, 1]} : vector<9x14336xf32> to vector<9x1024xf32>
    %reduce_sum3A_820 = arith.constant dense<0.000000e+00> : vector<8xf32>
    %reduce_sum3A_821 = vector.multi_reduction <add>, %slice3A_818, %reduce_sum3A_820 [1] : vector<8x1024xf32> to vector<8xf32>
    %broadcast_in_dim3A_822 = vector.shape_cast %reduce_sum3A_821 : vector<8xf32> to vector<8x1xf32>
    %swap3A_823 = arith.constant 0 : index
    %swap3A_824 = arith.constant 0 : index
    %swap3A_825 = arith.constant 39 : index
    %swap3A_826 = vector.load %arg15[%swap3A_823, %swap3A_824, %swap3A_825] : memref<1x8x98xf32, #tpu.memory_space<vmem>>, vector<1x8x1xf32>
    %swap3A_827 = vector.shape_cast %swap3A_826 : vector<1x8x1xf32> to vector<8x1xf32>
    %swap3A_828 = vector.shape_cast %broadcast_in_dim3A_822 : vector<8x1xf32> to vector<1x8x1xf32>
    tpu.vector_store %arg15[%swap3A_823, %swap3A_824, %swap3A_825], %swap3A_828 {strides = array<i32>} : memref<1x8x98xf32, #tpu.memory_space<vmem>>, vector<1x8x1xf32>,
    %reduce_sum3A_829 = arith.constant dense<0.000000e+00> : vector<9xf32>
    %reduce_sum3A_830 = vector.multi_reduction <add>, %slice3A_819, %reduce_sum3A_829 [1] : vector<9x1024xf32> to vector<9xf32>
    %broadcast_in_dim3A_831 = vector.shape_cast %reduce_sum3A_830 : vector<9xf32> to vector<9x1xf32>
    %swap3A_832 = arith.constant 0 : index
    %swap3A_833 = arith.constant 0 : index
    %swap3A_834 = arith.constant 39 : index
    %swap3A_835 = vector.load %arg16[%swap3A_832, %swap3A_833, %swap3A_834] : memref<1x9x98xf32, #tpu.memory_space<vmem>>, vector<1x9x1xf32>
    %swap3A_836 = vector.shape_cast %swap3A_835 : vector<1x9x1xf32> to vector<9x1xf32>
    %swap3A_837 = vector.shape_cast %broadcast_in_dim3A_831 : vector<9x1xf32> to vector<1x9x1xf32>
    tpu.vector_store %arg16[%swap3A_832, %swap3A_833, %swap3A_834], %swap3A_837 {strides = array<i32>} : memref<1x9x98xf32, #tpu.memory_space<vmem>>, vector<1x9x1xf32>,
    %slice3A_838 = vector.extract_strided_slice %max3A_597 {offsets = [0, 12288], sizes = [8, 1024], strides = [1, 1]} : vector<8x14336xf32> to vector<8x1024xf32>
    %slice3A_839 = vector.extract_strided_slice %get3A_592 {offsets = [0, 12288], sizes = [9, 1024], strides = [1, 1]} : vector<9x14336xf32> to vector<9x1024xf32>
    %reduce_sum3A_840 = arith.constant dense<0.000000e+00> : vector<8xf32>
    %reduce_sum3A_841 = vector.multi_reduction <add>, %slice3A_838, %reduce_sum3A_840 [1] : vector<8x1024xf32> to vector<8xf32>
    %broadcast_in_dim3A_842 = vector.shape_cast %reduce_sum3A_841 : vector<8xf32> to vector<8x1xf32>
    %swap3A_843 = arith.constant 0 : index
    %swap3A_844 = arith.constant 0 : index
    %swap3A_845 = arith.constant 40 : index
    %swap3A_846 = vector.load %arg15[%swap3A_843, %swap3A_844, %swap3A_845] : memref<1x8x98xf32, #tpu.memory_space<vmem>>, vector<1x8x1xf32>
    %swap3A_847 = vector.shape_cast %swap3A_846 : vector<1x8x1xf32> to vector<8x1xf32>
    %swap3A_848 = vector.shape_cast %broadcast_in_dim3A_842 : vector<8x1xf32> to vector<1x8x1xf32>
    tpu.vector_store %arg15[%swap3A_843, %swap3A_844, %swap3A_845], %swap3A_848 {strides = array<i32>} : memref<1x8x98xf32, #tpu.memory_space<vmem>>, vector<1x8x1xf32>,
    %reduce_sum3A_849 = arith.constant dense<0.000000e+00> : vector<9xf32>
    %reduce_sum3A_850 = vector.multi_reduction <add>, %slice3A_839, %reduce_sum3A_849 [1] : vector<9x1024xf32> to vector<9xf32>
    %broadcast_in_dim3A_851 = vector.shape_cast %reduce_sum3A_850 : vector<9xf32> to vector<9x1xf32>
    %swap3A_852 = arith.constant 0 : index
    %swap3A_853 = arith.constant 0 : index
    %swap3A_854 = arith.constant 40 : index
    %swap3A_855 = vector.load %arg16[%swap3A_852, %swap3A_853, %swap3A_854] : memref<1x9x98xf32, #tpu.memory_space<vmem>>, vector<1x9x1xf32>
    %swap3A_856 = vector.shape_cast %swap3A_855 : vector<1x9x1xf32> to vector<9x1xf32>
    %swap3A_857 = vector.shape_cast %broadcast_in_dim3A_851 : vector<9x1xf32> to vector<1x9x1xf32>
    tpu.vector_store %arg16[%swap3A_852, %swap3A_853, %swap3A_854], %swap3A_857 {strides = array<i32>} : memref<1x9x98xf32, #tpu.memory_space<vmem>>, vector<1x9x1xf32>,
    %slice3A_858 = vector.extract_strided_slice %max3A_597 {offsets = [0, 13312], sizes = [8, 1024], strides = [1, 1]} : vector<8x14336xf32> to vector<8x1024xf32>
    %slice3A_859 = vector.extract_strided_slice %get3A_592 {offsets = [0, 13312], sizes = [9, 1024], strides = [1, 1]} : vector<9x14336xf32> to vector<9x1024xf32>
    %reduce_sum3A_860 = arith.constant dense<0.000000e+00> : vector<8xf32>
    %reduce_sum3A_861 = vector.multi_reduction <add>, %slice3A_858, %reduce_sum3A_860 [1] : vector<8x1024xf32> to vector<8xf32>
    %broadcast_in_dim3A_862 = vector.shape_cast %reduce_sum3A_861 : vector<8xf32> to vector<8x1xf32>
    %swap3A_863 = arith.constant 0 : index
    %swap3A_864 = arith.constant 0 : index
    %swap3A_865 = arith.constant 41 : index
    %swap3A_866 = vector.load %arg15[%swap3A_863, %swap3A_864, %swap3A_865] : memref<1x8x98xf32, #tpu.memory_space<vmem>>, vector<1x8x1xf32>
    %swap3A_867 = vector.shape_cast %swap3A_866 : vector<1x8x1xf32> to vector<8x1xf32>
    %swap3A_868 = vector.shape_cast %broadcast_in_dim3A_862 : vector<8x1xf32> to vector<1x8x1xf32>
    tpu.vector_store %arg15[%swap3A_863, %swap3A_864, %swap3A_865], %swap3A_868 {strides = array<i32>} : memref<1x8x98xf32, #tpu.memory_space<vmem>>, vector<1x8x1xf32>,
    %reduce_sum3A_869 = arith.constant dense<0.000000e+00> : vector<9xf32>
    %reduce_sum3A_870 = vector.multi_reduction <add>, %slice3A_859, %reduce_sum3A_869 [1] : vector<9x1024xf32> to vector<9xf32>
    %broadcast_in_dim3A_871 = vector.shape_cast %reduce_sum3A_870 : vector<9xf32> to vector<9x1xf32>
    %swap3A_872 = arith.constant 0 : index
    %swap3A_873 = arith.constant 0 : index
    %swap3A_874 = arith.constant 41 : index
    %swap3A_875 = vector.load %arg16[%swap3A_872, %swap3A_873, %swap3A_874] : memref<1x9x98xf32, #tpu.memory_space<vmem>>, vector<1x9x1xf32>
    %swap3A_876 = vector.shape_cast %swap3A_875 : vector<1x9x1xf32> to vector<9x1xf32>
    %swap3A_877 = vector.shape_cast %broadcast_in_dim3A_871 : vector<9x1xf32> to vector<1x9x1xf32>
    tpu.vector_store %arg16[%swap3A_872, %swap3A_873, %swap3A_874], %swap3A_877 {strides = array<i32>} : memref<1x9x98xf32, #tpu.memory_space<vmem>>, vector<1x9x1xf32>,
    %get3A_878 = arith.constant 0 : index
    %get3A_879 = arith.constant 0 : index
    %get3A_880 = arith.constant 0 : index
    %get3A_881 = vector.load %arg4[%get3A_878, %get3A_879, %get3A_880] : memref<1x8x14336xf32, #tpu.memory_space<vmem>>, vector<1x8x14336xf32>
    %get3A_882 = vector.shape_cast %get3A_881 : vector<1x8x14336xf32> to vector<8x14336xf32>
    %get3A_883 = arith.constant 0 : index
    %get3A_884 = arith.constant 0 : index
    %get3A_885 = arith.constant 0 : index
    %get3A_886 = vector.load %arg11[%get3A_883, %get3A_884, %get3A_885] : memref<1x9x14336xf32, #tpu.memory_space<vmem>>, vector<1x9x14336xf32>
    %get3A_887 = vector.shape_cast %get3A_886 : vector<1x9x14336xf32> to vector<9x14336xf32>
    %slice3A_888 = vector.extract_strided_slice %get3A_887 {offsets = [0, 0], sizes = [8, 14336], strides = [1, 1]} : vector<9x14336xf32> to vector<8x14336xf32>
    %sub3A_889 = arith.subf %slice3A_888, %get3A_882 : vector<8x14336xf32>
    %max3A_890 = arith.constant 0.000000e+00 : f32
    %max3A_891 = vector.broadcast %max3A_890 : f32 to vector<8x14336xf32>
    %max3A_892 = arith.maximumf %sub3A_889, %max3A_891 : vector<8x14336xf32>
    %slice3A_893 = vector.extract_strided_slice %max3A_892 {offsets = [0, 0], sizes = [8, 1024], strides = [1, 1]} : vector<8x14336xf32> to vector<8x1024xf32>
    %slice3A_894 = vector.extract_strided_slice %get3A_887 {offsets = [0, 0], sizes = [9, 1024], strides = [1, 1]} : vector<9x14336xf32> to vector<9x1024xf32>
    %reduce_sum3A_895 = arith.constant dense<0.000000e+00> : vector<8xf32>
    %reduce_sum3A_896 = vector.multi_reduction <add>, %slice3A_893, %reduce_sum3A_895 [1] : vector<8x1024xf32> to vector<8xf32>
    %broadcast_in_dim3A_897 = vector.shape_cast %reduce_sum3A_896 : vector<8xf32> to vector<8x1xf32>
    %swap3A_898 = arith.constant 0 : index
    %swap3A_899 = arith.constant 0 : index
    %swap3A_900 = arith.constant 42 : index
    %swap3A_901 = vector.load %arg15[%swap3A_898, %swap3A_899, %swap3A_900] : memref<1x8x98xf32, #tpu.memory_space<vmem>>, vector<1x8x1xf32>
    %swap3A_902 = vector.shape_cast %swap3A_901 : vector<1x8x1xf32> to vector<8x1xf32>
    %swap3A_903 = vector.shape_cast %broadcast_in_dim3A_897 : vector<8x1xf32> to vector<1x8x1xf32>
    tpu.vector_store %arg15[%swap3A_898, %swap3A_899, %swap3A_900], %swap3A_903 {strides = array<i32>} : memref<1x8x98xf32, #tpu.memory_space<vmem>>, vector<1x8x1xf32>,
    %reduce_sum3A_904 = arith.constant dense<0.000000e+00> : vector<9xf32>
    %reduce_sum3A_905 = vector.multi_reduction <add>, %slice3A_894, %reduce_sum3A_904 [1] : vector<9x1024xf32> to vector<9xf32>
    %broadcast_in_dim3A_906 = vector.shape_cast %reduce_sum3A_905 : vector<9xf32> to vector<9x1xf32>
    %swap3A_907 = arith.constant 0 : index
    %swap3A_908 = arith.constant 0 : index
    %swap3A_909 = arith.constant 42 : index
    %swap3A_910 = vector.load %arg16[%swap3A_907, %swap3A_908, %swap3A_909] : memref<1x9x98xf32, #tpu.memory_space<vmem>>, vector<1x9x1xf32>
    %swap3A_911 = vector.shape_cast %swap3A_910 : vector<1x9x1xf32> to vector<9x1xf32>
    %swap3A_912 = vector.shape_cast %broadcast_in_dim3A_906 : vector<9x1xf32> to vector<1x9x1xf32>
    tpu.vector_store %arg16[%swap3A_907, %swap3A_908, %swap3A_909], %swap3A_912 {strides = array<i32>} : memref<1x9x98xf32, #tpu.memory_space<vmem>>, vector<1x9x1xf32>,
    %slice3A_913 = vector.extract_strided_slice %max3A_892 {offsets = [0, 1024], sizes = [8, 1024], strides = [1, 1]} : vector<8x14336xf32> to vector<8x1024xf32>
    %slice3A_914 = vector.extract_strided_slice %get3A_887 {offsets = [0, 1024], sizes = [9, 1024], strides = [1, 1]} : vector<9x14336xf32> to vector<9x1024xf32>
    %reduce_sum3A_915 = arith.constant dense<0.000000e+00> : vector<8xf32>
    %reduce_sum3A_916 = vector.multi_reduction <add>, %slice3A_913, %reduce_sum3A_915 [1] : vector<8x1024xf32> to vector<8xf32>
    %broadcast_in_dim3A_917 = vector.shape_cast %reduce_sum3A_916 : vector<8xf32> to vector<8x1xf32>
    %swap3A_918 = arith.constant 0 : index
    %swap3A_919 = arith.constant 0 : index
    %swap3A_920 = arith.constant 43 : index
    %swap3A_921 = vector.load %arg15[%swap3A_918, %swap3A_919, %swap3A_920] : memref<1x8x98xf32, #tpu.memory_space<vmem>>, vector<1x8x1xf32>
    %swap3A_922 = vector.shape_cast %swap3A_921 : vector<1x8x1xf32> to vector<8x1xf32>
    %swap3A_923 = vector.shape_cast %broadcast_in_dim3A_917 : vector<8x1xf32> to vector<1x8x1xf32>
    tpu.vector_store %arg15[%swap3A_918, %swap3A_919, %swap3A_920], %swap3A_923 {strides = array<i32>} : memref<1x8x98xf32, #tpu.memory_space<vmem>>, vector<1x8x1xf32>,
    %reduce_sum3A_924 = arith.constant dense<0.000000e+00> : vector<9xf32>
    %reduce_sum3A_925 = vector.multi_reduction <add>, %slice3A_914, %reduce_sum3A_924 [1] : vector<9x1024xf32> to vector<9xf32>
    %broadcast_in_dim3A_926 = vector.shape_cast %reduce_sum3A_925 : vector<9xf32> to vector<9x1xf32>
    %swap3A_927 = arith.constant 0 : index
    %swap3A_928 = arith.constant 0 : index
    %swap3A_929 = arith.constant 43 : index
    %swap3A_930 = vector.load %arg16[%swap3A_927, %swap3A_928, %swap3A_929] : memref<1x9x98xf32, #tpu.memory_space<vmem>>, vector<1x9x1xf32>
    %swap3A_931 = vector.shape_cast %swap3A_930 : vector<1x9x1xf32> to vector<9x1xf32>
    %swap3A_932 = vector.shape_cast %broadcast_in_dim3A_926 : vector<9x1xf32> to vector<1x9x1xf32>
    tpu.vector_store %arg16[%swap3A_927, %swap3A_928, %swap3A_929], %swap3A_932 {strides = array<i32>} : memref<1x9x98xf32, #tpu.memory_space<vmem>>, vector<1x9x1xf32>,
    %slice3A_933 = vector.extract_strided_slice %max3A_892 {offsets = [0, 2048], sizes = [8, 1024], strides = [1, 1]} : vector<8x14336xf32> to vector<8x1024xf32>
    %slice3A_934 = vector.extract_strided_slice %get3A_887 {offsets = [0, 2048], sizes = [9, 1024], strides = [1, 1]} : vector<9x14336xf32> to vector<9x1024xf32>
    %reduce_sum3A_935 = arith.constant dense<0.000000e+00> : vector<8xf32>
    %reduce_sum3A_936 = vector.multi_reduction <add>, %slice3A_933, %reduce_sum3A_935 [1] : vector<8x1024xf32> to vector<8xf32>
    %broadcast_in_dim3A_937 = vector.shape_cast %reduce_sum3A_936 : vector<8xf32> to vector<8x1xf32>
    %swap3A_938 = arith.constant 0 : index
    %swap3A_939 = arith.constant 0 : index
    %swap3A_940 = arith.constant 44 : index
    %swap3A_941 = vector.load %arg15[%swap3A_938, %swap3A_939, %swap3A_940] : memref<1x8x98xf32, #tpu.memory_space<vmem>>, vector<1x8x1xf32>
    %swap3A_942 = vector.shape_cast %swap3A_941 : vector<1x8x1xf32> to vector<8x1xf32>
    %swap3A_943 = vector.shape_cast %broadcast_in_dim3A_937 : vector<8x1xf32> to vector<1x8x1xf32>
    tpu.vector_store %arg15[%swap3A_938, %swap3A_939, %swap3A_940], %swap3A_943 {strides = array<i32>} : memref<1x8x98xf32, #tpu.memory_space<vmem>>, vector<1x8x1xf32>,
    %reduce_sum3A_944 = arith.constant dense<0.000000e+00> : vector<9xf32>
    %reduce_sum3A_945 = vector.multi_reduction <add>, %slice3A_934, %reduce_sum3A_944 [1] : vector<9x1024xf32> to vector<9xf32>
    %broadcast_in_dim3A_946 = vector.shape_cast %reduce_sum3A_945 : vector<9xf32> to vector<9x1xf32>
    %swap3A_947 = arith.constant 0 : index
    %swap3A_948 = arith.constant 0 : index
    %swap3A_949 = arith.constant 44 : index
    %swap3A_950 = vector.load %arg16[%swap3A_947, %swap3A_948, %swap3A_949] : memref<1x9x98xf32, #tpu.memory_space<vmem>>, vector<1x9x1xf32>
    %swap3A_951 = vector.shape_cast %swap3A_950 : vector<1x9x1xf32> to vector<9x1xf32>
    %swap3A_952 = vector.shape_cast %broadcast_in_dim3A_946 : vector<9x1xf32> to vector<1x9x1xf32>
    tpu.vector_store %arg16[%swap3A_947, %swap3A_948, %swap3A_949], %swap3A_952 {strides = array<i32>} : memref<1x9x98xf32, #tpu.memory_space<vmem>>, vector<1x9x1xf32>,
    %slice3A_953 = vector.extract_strided_slice %max3A_892 {offsets = [0, 3072], sizes = [8, 1024], strides = [1, 1]} : vector<8x14336xf32> to vector<8x1024xf32>
    %slice3A_954 = vector.extract_strided_slice %get3A_887 {offsets = [0, 3072], sizes = [9, 1024], strides = [1, 1]} : vector<9x14336xf32> to vector<9x1024xf32>
    %reduce_sum3A_955 = arith.constant dense<0.000000e+00> : vector<8xf32>
    %reduce_sum3A_956 = vector.multi_reduction <add>, %slice3A_953, %reduce_sum3A_955 [1] : vector<8x1024xf32> to vector<8xf32>
    %broadcast_in_dim3A_957 = vector.shape_cast %reduce_sum3A_956 : vector<8xf32> to vector<8x1xf32>
    %swap3A_958 = arith.constant 0 : index
    %swap3A_959 = arith.constant 0 : index
    %swap3A_960 = arith.constant 45 : index
    %swap3A_961 = vector.load %arg15[%swap3A_958, %swap3A_959, %swap3A_960] : memref<1x8x98xf32, #tpu.memory_space<vmem>>, vector<1x8x1xf32>
    %swap3A_962 = vector.shape_cast %swap3A_961 : vector<1x8x1xf32> to vector<8x1xf32>
    %swap3A_963 = vector.shape_cast %broadcast_in_dim3A_957 : vector<8x1xf32> to vector<1x8x1xf32>
    tpu.vector_store %arg15[%swap3A_958, %swap3A_959, %swap3A_960], %swap3A_963 {strides = array<i32>} : memref<1x8x98xf32, #tpu.memory_space<vmem>>, vector<1x8x1xf32>,
    %reduce_sum3A_964 = arith.constant dense<0.000000e+00> : vector<9xf32>
    %reduce_sum3A_965 = vector.multi_reduction <add>, %slice3A_954, %reduce_sum3A_964 [1] : vector<9x1024xf32> to vector<9xf32>
    %broadcast_in_dim3A_966 = vector.shape_cast %reduce_sum3A_965 : vector<9xf32> to vector<9x1xf32>
    %swap3A_967 = arith.constant 0 : index
    %swap3A_968 = arith.constant 0 : index
    %swap3A_969 = arith.constant 45 : index
    %swap3A_970 = vector.load %arg16[%swap3A_967, %swap3A_968, %swap3A_969] : memref<1x9x98xf32, #tpu.memory_space<vmem>>, vector<1x9x1xf32>
    %swap3A_971 = vector.shape_cast %swap3A_970 : vector<1x9x1xf32> to vector<9x1xf32>
    %swap3A_972 = vector.shape_cast %broadcast_in_dim3A_966 : vector<9x1xf32> to vector<1x9x1xf32>
    tpu.vector_store %arg16[%swap3A_967, %swap3A_968, %swap3A_969], %swap3A_972 {strides = array<i32>} : memref<1x9x98xf32, #tpu.memory_space<vmem>>, vector<1x9x1xf32>,
    %slice3A_973 = vector.extract_strided_slice %max3A_892 {offsets = [0, 4096], sizes = [8, 1024], strides = [1, 1]} : vector<8x14336xf32> to vector<8x1024xf32>
    %slice3A_974 = vector.extract_strided_slice %get3A_887 {offsets = [0, 4096], sizes = [9, 1024], strides = [1, 1]} : vector<9x14336xf32> to vector<9x1024xf32>
    %reduce_sum3A_975 = arith.constant dense<0.000000e+00> : vector<8xf32>
    %reduce_sum3A_976 = vector.multi_reduction <add>, %slice3A_973, %reduce_sum3A_975 [1] : vector<8x1024xf32> to vector<8xf32>
    %broadcast_in_dim3A_977 = vector.shape_cast %reduce_sum3A_976 : vector<8xf32> to vector<8x1xf32>
    %swap3A_978 = arith.constant 0 : index
    %swap3A_979 = arith.constant 0 : index
    %swap3A_980 = arith.constant 46 : index
    %swap3A_981 = vector.load %arg15[%swap3A_978, %swap3A_979, %swap3A_980] : memref<1x8x98xf32, #tpu.memory_space<vmem>>, vector<1x8x1xf32>
    %swap3A_982 = vector.shape_cast %swap3A_981 : vector<1x8x1xf32> to vector<8x1xf32>
    %swap3A_983 = vector.shape_cast %broadcast_in_dim3A_977 : vector<8x1xf32> to vector<1x8x1xf32>
    tpu.vector_store %arg15[%swap3A_978, %swap3A_979, %swap3A_980], %swap3A_983 {strides = array<i32>} : memref<1x8x98xf32, #tpu.memory_space<vmem>>, vector<1x8x1xf32>,
    %reduce_sum3A_984 = arith.constant dense<0.000000e+00> : vector<9xf32>
    %reduce_sum3A_985 = vector.multi_reduction <add>, %slice3A_974, %reduce_sum3A_984 [1] : vector<9x1024xf32> to vector<9xf32>
    %broadcast_in_dim3A_986 = vector.shape_cast %reduce_sum3A_985 : vector<9xf32> to vector<9x1xf32>
    %swap3A_987 = arith.constant 0 : index
    %swap3A_988 = arith.constant 0 : index
    %swap3A_989 = arith.constant 46 : index
    %swap3A_990 = vector.load %arg16[%swap3A_987, %swap3A_988, %swap3A_989] : memref<1x9x98xf32, #tpu.memory_space<vmem>>, vector<1x9x1xf32>
    %swap3A_991 = vector.shape_cast %swap3A_990 : vector<1x9x1xf32> to vector<9x1xf32>
    %swap3A_992 = vector.shape_cast %broadcast_in_dim3A_986 : vector<9x1xf32> to vector<1x9x1xf32>
    tpu.vector_store %arg16[%swap3A_987, %swap3A_988, %swap3A_989], %swap3A_992 {strides = array<i32>} : memref<1x9x98xf32, #tpu.memory_space<vmem>>, vector<1x9x1xf32>,
    %slice3A_993 = vector.extract_strided_slice %max3A_892 {offsets = [0, 5120], sizes = [8, 1024], strides = [1, 1]} : vector<8x14336xf32> to vector<8x1024xf32>
    %slice3A_994 = vector.extract_strided_slice %get3A_887 {offsets = [0, 5120], sizes = [9, 1024], strides = [1, 1]} : vector<9x14336xf32> to vector<9x1024xf32>
    %reduce_sum3A_995 = arith.constant dense<0.000000e+00> : vector<8xf32>
    %reduce_sum3A_996 = vector.multi_reduction <add>, %slice3A_993, %reduce_sum3A_995 [1] : vector<8x1024xf32> to vector<8xf32>
    %broadcast_in_dim3A_997 = vector.shape_cast %reduce_sum3A_996 : vector<8xf32> to vector<8x1xf32>
    %swap3A_998 = arith.constant 0 : index
    %swap3A_999 = arith.constant 0 : index
    %swap3A_1000 = arith.constant 47 : index
    %swap3A_1001 = vector.load %arg15[%swap3A_998, %swap3A_999, %swap3A_1000] : memref<1x8x98xf32, #tpu.memory_space<vmem>>, vector<1x8x1xf32>
    %swap3A_1002 = vector.shape_cast %swap3A_1001 : vector<1x8x1xf32> to vector<8x1xf32>
    %swap3A_1003 = vector.shape_cast %broadcast_in_dim3A_997 : vector<8x1xf32> to vector<1x8x1xf32>
    tpu.vector_store %arg15[%swap3A_998, %swap3A_999, %swap3A_1000], %swap3A_1003 {strides = array<i32>} : memref<1x8x98xf32, #tpu.memory_space<vmem>>, vector<1x8x1xf32>,
    %reduce_sum3A_1004 = arith.constant dense<0.000000e+00> : vector<9xf32>
    %reduce_sum3A_1005 = vector.multi_reduction <add>, %slice3A_994, %reduce_sum3A_1004 [1] : vector<9x1024xf32> to vector<9xf32>
    %broadcast_in_dim3A_1006 = vector.shape_cast %reduce_sum3A_1005 : vector<9xf32> to vector<9x1xf32>
    %swap3A_1007 = arith.constant 0 : index
    %swap3A_1008 = arith.constant 0 : index
    %swap3A_1009 = arith.constant 47 : index
    %swap3A_1010 = vector.load %arg16[%swap3A_1007, %swap3A_1008, %swap3A_1009] : memref<1x9x98xf32, #tpu.memory_space<vmem>>, vector<1x9x1xf32>
    %swap3A_1011 = vector.shape_cast %swap3A_1010 : vector<1x9x1xf32> to vector<9x1xf32>
    %swap3A_1012 = vector.shape_cast %broadcast_in_dim3A_1006 : vector<9x1xf32> to vector<1x9x1xf32>
    tpu.vector_store %arg16[%swap3A_1007, %swap3A_1008, %swap3A_1009], %swap3A_1012 {strides = array<i32>} : memref<1x9x98xf32, #tpu.memory_space<vmem>>, vector<1x9x1xf32>,
    %slice3A_1013 = vector.extract_strided_slice %max3A_892 {offsets = [0, 6144], sizes = [8, 1024], strides = [1, 1]} : vector<8x14336xf32> to vector<8x1024xf32>
    %slice3A_1014 = vector.extract_strided_slice %get3A_887 {offsets = [0, 6144], sizes = [9, 1024], strides = [1, 1]} : vector<9x14336xf32> to vector<9x1024xf32>
    %reduce_sum3A_1015 = arith.constant dense<0.000000e+00> : vector<8xf32>
    %reduce_sum3A_1016 = vector.multi_reduction <add>, %slice3A_1013, %reduce_sum3A_1015 [1] : vector<8x1024xf32> to vector<8xf32>
    %broadcast_in_dim3A_1017 = vector.shape_cast %reduce_sum3A_1016 : vector<8xf32> to vector<8x1xf32>
    %swap3A_1018 = arith.constant 0 : index
    %swap3A_1019 = arith.constant 0 : index
    %swap3A_1020 = arith.constant 48 : index
    %swap3A_1021 = vector.load %arg15[%swap3A_1018, %swap3A_1019, %swap3A_1020] : memref<1x8x98xf32, #tpu.memory_space<vmem>>, vector<1x8x1xf32>
    %swap3A_1022 = vector.shape_cast %swap3A_1021 : vector<1x8x1xf32> to vector<8x1xf32>
    %swap3A_1023 = vector.shape_cast %broadcast_in_dim3A_1017 : vector<8x1xf32> to vector<1x8x1xf32>
    tpu.vector_store %arg15[%swap3A_1018, %swap3A_1019, %swap3A_1020], %swap3A_1023 {strides = array<i32>} : memref<1x8x98xf32, #tpu.memory_space<vmem>>, vector<1x8x1xf32>,
    %reduce_sum3A_1024 = arith.constant dense<0.000000e+00> : vector<9xf32>
    %reduce_sum3A_1025 = vector.multi_reduction <add>, %slice3A_1014, %reduce_sum3A_1024 [1] : vector<9x1024xf32> to vector<9xf32>
    %broadcast_in_dim3A_1026 = vector.shape_cast %reduce_sum3A_1025 : vector<9xf32> to vector<9x1xf32>
    %swap3A_1027 = arith.constant 0 : index
    %swap3A_1028 = arith.constant 0 : index
    %swap3A_1029 = arith.constant 48 : index
    %swap3A_1030 = vector.load %arg16[%swap3A_1027, %swap3A_1028, %swap3A_1029] : memref<1x9x98xf32, #tpu.memory_space<vmem>>, vector<1x9x1xf32>
    %swap3A_1031 = vector.shape_cast %swap3A_1030 : vector<1x9x1xf32> to vector<9x1xf32>
    %swap3A_1032 = vector.shape_cast %broadcast_in_dim3A_1026 : vector<9x1xf32> to vector<1x9x1xf32>
    tpu.vector_store %arg16[%swap3A_1027, %swap3A_1028, %swap3A_1029], %swap3A_1032 {strides = array<i32>} : memref<1x9x98xf32, #tpu.memory_space<vmem>>, vector<1x9x1xf32>,
    %slice3A_1033 = vector.extract_strided_slice %max3A_892 {offsets = [0, 7168], sizes = [8, 1024], strides = [1, 1]} : vector<8x14336xf32> to vector<8x1024xf32>
    %slice3A_1034 = vector.extract_strided_slice %get3A_887 {offsets = [0, 7168], sizes = [9, 1024], strides = [1, 1]} : vector<9x14336xf32> to vector<9x1024xf32>
    %reduce_sum3A_1035 = arith.constant dense<0.000000e+00> : vector<8xf32>
    %reduce_sum3A_1036 = vector.multi_reduction <add>, %slice3A_1033, %reduce_sum3A_1035 [1] : vector<8x1024xf32> to vector<8xf32>
    %broadcast_in_dim3A_1037 = vector.shape_cast %reduce_sum3A_1036 : vector<8xf32> to vector<8x1xf32>
    %swap3A_1038 = arith.constant 0 : index
    %swap3A_1039 = arith.constant 0 : index
    %swap3A_1040 = arith.constant 49 : index
    %swap3A_1041 = vector.load %arg15[%swap3A_1038, %swap3A_1039, %swap3A_1040] : memref<1x8x98xf32, #tpu.memory_space<vmem>>, vector<1x8x1xf32>
    %swap3A_1042 = vector.shape_cast %swap3A_1041 : vector<1x8x1xf32> to vector<8x1xf32>
    %swap3A_1043 = vector.shape_cast %broadcast_in_dim3A_1037 : vector<8x1xf32> to vector<1x8x1xf32>
    tpu.vector_store %arg15[%swap3A_1038, %swap3A_1039, %swap3A_1040], %swap3A_1043 {strides = array<i32>} : memref<1x8x98xf32, #tpu.memory_space<vmem>>, vector<1x8x1xf32>,
    %reduce_sum3A_1044 = arith.constant dense<0.000000e+00> : vector<9xf32>
    %reduce_sum3A_1045 = vector.multi_reduction <add>, %slice3A_1034, %reduce_sum3A_1044 [1] : vector<9x1024xf32> to vector<9xf32>
    %broadcast_in_dim3A_1046 = vector.shape_cast %reduce_sum3A_1045 : vector<9xf32> to vector<9x1xf32>
    %swap3A_1047 = arith.constant 0 : index
    %swap3A_1048 = arith.constant 0 : index
    %swap3A_1049 = arith.constant 49 : index
    %swap3A_1050 = vector.load %arg16[%swap3A_1047, %swap3A_1048, %swap3A_1049] : memref<1x9x98xf32, #tpu.memory_space<vmem>>, vector<1x9x1xf32>
    %swap3A_1051 = vector.shape_cast %swap3A_1050 : vector<1x9x1xf32> to vector<9x1xf32>
    %swap3A_1052 = vector.shape_cast %broadcast_in_dim3A_1046 : vector<9x1xf32> to vector<1x9x1xf32>
    tpu.vector_store %arg16[%swap3A_1047, %swap3A_1048, %swap3A_1049], %swap3A_1052 {strides = array<i32>} : memref<1x9x98xf32, #tpu.memory_space<vmem>>, vector<1x9x1xf32>,
    %slice3A_1053 = vector.extract_strided_slice %max3A_892 {offsets = [0, 8192], sizes = [8, 1024], strides = [1, 1]} : vector<8x14336xf32> to vector<8x1024xf32>
    %slice3A_1054 = vector.extract_strided_slice %get3A_887 {offsets = [0, 8192], sizes = [9, 1024], strides = [1, 1]} : vector<9x14336xf32> to vector<9x1024xf32>
    %reduce_sum3A_1055 = arith.constant dense<0.000000e+00> : vector<8xf32>
    %reduce_sum3A_1056 = vector.multi_reduction <add>, %slice3A_1053, %reduce_sum3A_1055 [1] : vector<8x1024xf32> to vector<8xf32>
    %broadcast_in_dim3A_1057 = vector.shape_cast %reduce_sum3A_1056 : vector<8xf32> to vector<8x1xf32>
    %swap3A_1058 = arith.constant 0 : index
    %swap3A_1059 = arith.constant 0 : index
    %swap3A_1060 = arith.constant 50 : index
    %swap3A_1061 = vector.load %arg15[%swap3A_1058, %swap3A_1059, %swap3A_1060] : memref<1x8x98xf32, #tpu.memory_space<vmem>>, vector<1x8x1xf32>
    %swap3A_1062 = vector.shape_cast %swap3A_1061 : vector<1x8x1xf32> to vector<8x1xf32>
    %swap3A_1063 = vector.shape_cast %broadcast_in_dim3A_1057 : vector<8x1xf32> to vector<1x8x1xf32>
    tpu.vector_store %arg15[%swap3A_1058, %swap3A_1059, %swap3A_1060], %swap3A_1063 {strides = array<i32>} : memref<1x8x98xf32, #tpu.memory_space<vmem>>, vector<1x8x1xf32>,
    %reduce_sum3A_1064 = arith.constant dense<0.000000e+00> : vector<9xf32>
    %reduce_sum3A_1065 = vector.multi_reduction <add>, %slice3A_1054, %reduce_sum3A_1064 [1] : vector<9x1024xf32> to vector<9xf32>
    %broadcast_in_dim3A_1066 = vector.shape_cast %reduce_sum3A_1065 : vector<9xf32> to vector<9x1xf32>
    %swap3A_1067 = arith.constant 0 : index
    %swap3A_1068 = arith.constant 0 : index
    %swap3A_1069 = arith.constant 50 : index
    %swap3A_1070 = vector.load %arg16[%swap3A_1067, %swap3A_1068, %swap3A_1069] : memref<1x9x98xf32, #tpu.memory_space<vmem>>, vector<1x9x1xf32>
    %swap3A_1071 = vector.shape_cast %swap3A_1070 : vector<1x9x1xf32> to vector<9x1xf32>
    %swap3A_1072 = vector.shape_cast %broadcast_in_dim3A_1066 : vector<9x1xf32> to vector<1x9x1xf32>
    tpu.vector_store %arg16[%swap3A_1067, %swap3A_1068, %swap3A_1069], %swap3A_1072 {strides = array<i32>} : memref<1x9x98xf32, #tpu.memory_space<vmem>>, vector<1x9x1xf32>,
    %slice3A_1073 = vector.extract_strided_slice %max3A_892 {offsets = [0, 9216], sizes = [8, 1024], strides = [1, 1]} : vector<8x14336xf32> to vector<8x1024xf32>
    %slice3A_1074 = vector.extract_strided_slice %get3A_887 {offsets = [0, 9216], sizes = [9, 1024], strides = [1, 1]} : vector<9x14336xf32> to vector<9x1024xf32>
    %reduce_sum3A_1075 = arith.constant dense<0.000000e+00> : vector<8xf32>
    %reduce_sum3A_1076 = vector.multi_reduction <add>, %slice3A_1073, %reduce_sum3A_1075 [1] : vector<8x1024xf32> to vector<8xf32>
    %broadcast_in_dim3A_1077 = vector.shape_cast %reduce_sum3A_1076 : vector<8xf32> to vector<8x1xf32>
    %swap3A_1078 = arith.constant 0 : index
    %swap3A_1079 = arith.constant 0 : index
    %swap3A_1080 = arith.constant 51 : index
    %swap3A_1081 = vector.load %arg15[%swap3A_1078, %swap3A_1079, %swap3A_1080] : memref<1x8x98xf32, #tpu.memory_space<vmem>>, vector<1x8x1xf32>
    %swap3A_1082 = vector.shape_cast %swap3A_1081 : vector<1x8x1xf32> to vector<8x1xf32>
    %swap3A_1083 = vector.shape_cast %broadcast_in_dim3A_1077 : vector<8x1xf32> to vector<1x8x1xf32>
    tpu.vector_store %arg15[%swap3A_1078, %swap3A_1079, %swap3A_1080], %swap3A_1083 {strides = array<i32>} : memref<1x8x98xf32, #tpu.memory_space<vmem>>, vector<1x8x1xf32>,
    %reduce_sum3A_1084 = arith.constant dense<0.000000e+00> : vector<9xf32>
    %reduce_sum3A_1085 = vector.multi_reduction <add>, %slice3A_1074, %reduce_sum3A_1084 [1] : vector<9x1024xf32> to vector<9xf32>
    %broadcast_in_dim3A_1086 = vector.shape_cast %reduce_sum3A_1085 : vector<9xf32> to vector<9x1xf32>
    %swap3A_1087 = arith.constant 0 : index
    %swap3A_1088 = arith.constant 0 : index
    %swap3A_1089 = arith.constant 51 : index
    %swap3A_1090 = vector.load %arg16[%swap3A_1087, %swap3A_1088, %swap3A_1089] : memref<1x9x98xf32, #tpu.memory_space<vmem>>, vector<1x9x1xf32>
    %swap3A_1091 = vector.shape_cast %swap3A_1090 : vector<1x9x1xf32> to vector<9x1xf32>
    %swap3A_1092 = vector.shape_cast %broadcast_in_dim3A_1086 : vector<9x1xf32> to vector<1x9x1xf32>
    tpu.vector_store %arg16[%swap3A_1087, %swap3A_1088, %swap3A_1089], %swap3A_1092 {strides = array<i32>} : memref<1x9x98xf32, #tpu.memory_space<vmem>>, vector<1x9x1xf32>,
    %slice3A_1093 = vector.extract_strided_slice %max3A_892 {offsets = [0, 10240], sizes = [8, 1024], strides = [1, 1]} : vector<8x14336xf32> to vector<8x1024xf32>
    %slice3A_1094 = vector.extract_strided_slice %get3A_887 {offsets = [0, 10240], sizes = [9, 1024], strides = [1, 1]} : vector<9x14336xf32> to vector<9x1024xf32>
    %reduce_sum3A_1095 = arith.constant dense<0.000000e+00> : vector<8xf32>
    %reduce_sum3A_1096 = vector.multi_reduction <add>, %slice3A_1093, %reduce_sum3A_1095 [1] : vector<8x1024xf32> to vector<8xf32>
    %broadcast_in_dim3A_1097 = vector.shape_cast %reduce_sum3A_1096 : vector<8xf32> to vector<8x1xf32>
    %swap3A_1098 = arith.constant 0 : index
    %swap3A_1099 = arith.constant 0 : index
    %swap3A_1100 = arith.constant 52 : index
    %swap3A_1101 = vector.load %arg15[%swap3A_1098, %swap3A_1099, %swap3A_1100] : memref<1x8x98xf32, #tpu.memory_space<vmem>>, vector<1x8x1xf32>
    %swap3A_1102 = vector.shape_cast %swap3A_1101 : vector<1x8x1xf32> to vector<8x1xf32>
    %swap3A_1103 = vector.shape_cast %broadcast_in_dim3A_1097 : vector<8x1xf32> to vector<1x8x1xf32>
    tpu.vector_store %arg15[%swap3A_1098, %swap3A_1099, %swap3A_1100], %swap3A_1103 {strides = array<i32>} : memref<1x8x98xf32, #tpu.memory_space<vmem>>, vector<1x8x1xf32>,
    %reduce_sum3A_1104 = arith.constant dense<0.000000e+00> : vector<9xf32>
    %reduce_sum3A_1105 = vector.multi_reduction <add>, %slice3A_1094, %reduce_sum3A_1104 [1] : vector<9x1024xf32> to vector<9xf32>
    %broadcast_in_dim3A_1106 = vector.shape_cast %reduce_sum3A_1105 : vector<9xf32> to vector<9x1xf32>
    %swap3A_1107 = arith.constant 0 : index
    %swap3A_1108 = arith.constant 0 : index
    %swap3A_1109 = arith.constant 52 : index
    %swap3A_1110 = vector.load %arg16[%swap3A_1107, %swap3A_1108, %swap3A_1109] : memref<1x9x98xf32, #tpu.memory_space<vmem>>, vector<1x9x1xf32>
    %swap3A_1111 = vector.shape_cast %swap3A_1110 : vector<1x9x1xf32> to vector<9x1xf32>
    %swap3A_1112 = vector.shape_cast %broadcast_in_dim3A_1106 : vector<9x1xf32> to vector<1x9x1xf32>
    tpu.vector_store %arg16[%swap3A_1107, %swap3A_1108, %swap3A_1109], %swap3A_1112 {strides = array<i32>} : memref<1x9x98xf32, #tpu.memory_space<vmem>>, vector<1x9x1xf32>,
    %slice3A_1113 = vector.extract_strided_slice %max3A_892 {offsets = [0, 11264], sizes = [8, 1024], strides = [1, 1]} : vector<8x14336xf32> to vector<8x1024xf32>
    %slice3A_1114 = vector.extract_strided_slice %get3A_887 {offsets = [0, 11264], sizes = [9, 1024], strides = [1, 1]} : vector<9x14336xf32> to vector<9x1024xf32>
    %reduce_sum3A_1115 = arith.constant dense<0.000000e+00> : vector<8xf32>
    %reduce_sum3A_1116 = vector.multi_reduction <add>, %slice3A_1113, %reduce_sum3A_1115 [1] : vector<8x1024xf32> to vector<8xf32>
    %broadcast_in_dim3A_1117 = vector.shape_cast %reduce_sum3A_1116 : vector<8xf32> to vector<8x1xf32>
    %swap3A_1118 = arith.constant 0 : index
    %swap3A_1119 = arith.constant 0 : index
    %swap3A_1120 = arith.constant 53 : index
    %swap3A_1121 = vector.load %arg15[%swap3A_1118, %swap3A_1119, %swap3A_1120] : memref<1x8x98xf32, #tpu.memory_space<vmem>>, vector<1x8x1xf32>
    %swap3A_1122 = vector.shape_cast %swap3A_1121 : vector<1x8x1xf32> to vector<8x1xf32>
    %swap3A_1123 = vector.shape_cast %broadcast_in_dim3A_1117 : vector<8x1xf32> to vector<1x8x1xf32>
    tpu.vector_store %arg15[%swap3A_1118, %swap3A_1119, %swap3A_1120], %swap3A_1123 {strides = array<i32>} : memref<1x8x98xf32, #tpu.memory_space<vmem>>, vector<1x8x1xf32>,
    %reduce_sum3A_1124 = arith.constant dense<0.000000e+00> : vector<9xf32>
    %reduce_sum3A_1125 = vector.multi_reduction <add>, %slice3A_1114, %reduce_sum3A_1124 [1] : vector<9x1024xf32> to vector<9xf32>
    %broadcast_in_dim3A_1126 = vector.shape_cast %reduce_sum3A_1125 : vector<9xf32> to vector<9x1xf32>
    %swap3A_1127 = arith.constant 0 : index
    %swap3A_1128 = arith.constant 0 : index
    %swap3A_1129 = arith.constant 53 : index
    %swap3A_1130 = vector.load %arg16[%swap3A_1127, %swap3A_1128, %swap3A_1129] : memref<1x9x98xf32, #tpu.memory_space<vmem>>, vector<1x9x1xf32>
    %swap3A_1131 = vector.shape_cast %swap3A_1130 : vector<1x9x1xf32> to vector<9x1xf32>
    %swap3A_1132 = vector.shape_cast %broadcast_in_dim3A_1126 : vector<9x1xf32> to vector<1x9x1xf32>
    tpu.vector_store %arg16[%swap3A_1127, %swap3A_1128, %swap3A_1129], %swap3A_1132 {strides = array<i32>} : memref<1x9x98xf32, #tpu.memory_space<vmem>>, vector<1x9x1xf32>,
    %slice3A_1133 = vector.extract_strided_slice %max3A_892 {offsets = [0, 12288], sizes = [8, 1024], strides = [1, 1]} : vector<8x14336xf32> to vector<8x1024xf32>
    %slice3A_1134 = vector.extract_strided_slice %get3A_887 {offsets = [0, 12288], sizes = [9, 1024], strides = [1, 1]} : vector<9x14336xf32> to vector<9x1024xf32>
    %reduce_sum3A_1135 = arith.constant dense<0.000000e+00> : vector<8xf32>
    %reduce_sum3A_1136 = vector.multi_reduction <add>, %slice3A_1133, %reduce_sum3A_1135 [1] : vector<8x1024xf32> to vector<8xf32>
    %broadcast_in_dim3A_1137 = vector.shape_cast %reduce_sum3A_1136 : vector<8xf32> to vector<8x1xf32>
    %swap3A_1138 = arith.constant 0 : index
    %swap3A_1139 = arith.constant 0 : index
    %swap3A_1140 = arith.constant 54 : index
    %swap3A_1141 = vector.load %arg15[%swap3A_1138, %swap3A_1139, %swap3A_1140] : memref<1x8x98xf32, #tpu.memory_space<vmem>>, vector<1x8x1xf32>
    %swap3A_1142 = vector.shape_cast %swap3A_1141 : vector<1x8x1xf32> to vector<8x1xf32>
    %swap3A_1143 = vector.shape_cast %broadcast_in_dim3A_1137 : vector<8x1xf32> to vector<1x8x1xf32>
    tpu.vector_store %arg15[%swap3A_1138, %swap3A_1139, %swap3A_1140], %swap3A_1143 {strides = array<i32>} : memref<1x8x98xf32, #tpu.memory_space<vmem>>, vector<1x8x1xf32>,
    %reduce_sum3A_1144 = arith.constant dense<0.000000e+00> : vector<9xf32>
    %reduce_sum3A_1145 = vector.multi_reduction <add>, %slice3A_1134, %reduce_sum3A_1144 [1] : vector<9x1024xf32> to vector<9xf32>
    %broadcast_in_dim3A_1146 = vector.shape_cast %reduce_sum3A_1145 : vector<9xf32> to vector<9x1xf32>
    %swap3A_1147 = arith.constant 0 : index
    %swap3A_1148 = arith.constant 0 : index
    %swap3A_1149 = arith.constant 54 : index
    %swap3A_1150 = vector.load %arg16[%swap3A_1147, %swap3A_1148, %swap3A_1149] : memref<1x9x98xf32, #tpu.memory_space<vmem>>, vector<1x9x1xf32>
    %swap3A_1151 = vector.shape_cast %swap3A_1150 : vector<1x9x1xf32> to vector<9x1xf32>
    %swap3A_1152 = vector.shape_cast %broadcast_in_dim3A_1146 : vector<9x1xf32> to vector<1x9x1xf32>
    tpu.vector_store %arg16[%swap3A_1147, %swap3A_1148, %swap3A_1149], %swap3A_1152 {strides = array<i32>} : memref<1x9x98xf32, #tpu.memory_space<vmem>>, vector<1x9x1xf32>,
    %slice3A_1153 = vector.extract_strided_slice %max3A_892 {offsets = [0, 13312], sizes = [8, 1024], strides = [1, 1]} : vector<8x14336xf32> to vector<8x1024xf32>
    %slice3A_1154 = vector.extract_strided_slice %get3A_887 {offsets = [0, 13312], sizes = [9, 1024], strides = [1, 1]} : vector<9x14336xf32> to vector<9x1024xf32>
    %reduce_sum3A_1155 = arith.constant dense<0.000000e+00> : vector<8xf32>
    %reduce_sum3A_1156 = vector.multi_reduction <add>, %slice3A_1153, %reduce_sum3A_1155 [1] : vector<8x1024xf32> to vector<8xf32>
    %broadcast_in_dim3A_1157 = vector.shape_cast %reduce_sum3A_1156 : vector<8xf32> to vector<8x1xf32>
    %swap3A_1158 = arith.constant 0 : index
    %swap3A_1159 = arith.constant 0 : index
    %swap3A_1160 = arith.constant 55 : index
    %swap3A_1161 = vector.load %arg15[%swap3A_1158, %swap3A_1159, %swap3A_1160] : memref<1x8x98xf32, #tpu.memory_space<vmem>>, vector<1x8x1xf32>
    %swap3A_1162 = vector.shape_cast %swap3A_1161 : vector<1x8x1xf32> to vector<8x1xf32>
    %swap3A_1163 = vector.shape_cast %broadcast_in_dim3A_1157 : vector<8x1xf32> to vector<1x8x1xf32>
    tpu.vector_store %arg15[%swap3A_1158, %swap3A_1159, %swap3A_1160], %swap3A_1163 {strides = array<i32>} : memref<1x8x98xf32, #tpu.memory_space<vmem>>, vector<1x8x1xf32>,
    %reduce_sum3A_1164 = arith.constant dense<0.000000e+00> : vector<9xf32>
    %reduce_sum3A_1165 = vector.multi_reduction <add>, %slice3A_1154, %reduce_sum3A_1164 [1] : vector<9x1024xf32> to vector<9xf32>
    %broadcast_in_dim3A_1166 = vector.shape_cast %reduce_sum3A_1165 : vector<9xf32> to vector<9x1xf32>
    %swap3A_1167 = arith.constant 0 : index
    %swap3A_1168 = arith.constant 0 : index
    %swap3A_1169 = arith.constant 55 : index
    %swap3A_1170 = vector.load %arg16[%swap3A_1167, %swap3A_1168, %swap3A_1169] : memref<1x9x98xf32, #tpu.memory_space<vmem>>, vector<1x9x1xf32>
    %swap3A_1171 = vector.shape_cast %swap3A_1170 : vector<1x9x1xf32> to vector<9x1xf32>
    %swap3A_1172 = vector.shape_cast %broadcast_in_dim3A_1166 : vector<9x1xf32> to vector<1x9x1xf32>
    tpu.vector_store %arg16[%swap3A_1167, %swap3A_1168, %swap3A_1169], %swap3A_1172 {strides = array<i32>} : memref<1x9x98xf32, #tpu.memory_space<vmem>>, vector<1x9x1xf32>,
    %get3A_1173 = arith.constant 0 : index
    %get3A_1174 = arith.constant 0 : index
    %get3A_1175 = arith.constant 0 : index
    %get3A_1176 = vector.load %arg5[%get3A_1173, %get3A_1174, %get3A_1175] : memref<1x8x14336xf32, #tpu.memory_space<vmem>>, vector<1x8x14336xf32>
    %get3A_1177 = vector.shape_cast %get3A_1176 : vector<1x8x14336xf32> to vector<8x14336xf32>
    %get3A_1178 = arith.constant 0 : index
    %get3A_1179 = arith.constant 0 : index
    %get3A_1180 = arith.constant 0 : index
    %get3A_1181 = vector.load %arg12[%get3A_1178, %get3A_1179, %get3A_1180] : memref<1x9x14336xf32, #tpu.memory_space<vmem>>, vector<1x9x14336xf32>
    %get3A_1182 = vector.shape_cast %get3A_1181 : vector<1x9x14336xf32> to vector<9x14336xf32>
    %slice3A_1183 = vector.extract_strided_slice %get3A_1182 {offsets = [0, 0], sizes = [8, 14336], strides = [1, 1]} : vector<9x14336xf32> to vector<8x14336xf32>
    %sub3A_1184 = arith.subf %slice3A_1183, %get3A_1177 : vector<8x14336xf32>
    %max3A_1185 = arith.constant 0.000000e+00 : f32
    %max3A_1186 = vector.broadcast %max3A_1185 : f32 to vector<8x14336xf32>
    %max3A_1187 = arith.maximumf %sub3A_1184, %max3A_1186 : vector<8x14336xf32>
    %slice3A_1188 = vector.extract_strided_slice %max3A_1187 {offsets = [0, 0], sizes = [8, 1024], strides = [1, 1]} : vector<8x14336xf32> to vector<8x1024xf32>
    %slice3A_1189 = vector.extract_strided_slice %get3A_1182 {offsets = [0, 0], sizes = [9, 1024], strides = [1, 1]} : vector<9x14336xf32> to vector<9x1024xf32>
    %reduce_sum3A_1190 = arith.constant dense<0.000000e+00> : vector<8xf32>
    %reduce_sum3A_1191 = vector.multi_reduction <add>, %slice3A_1188, %reduce_sum3A_1190 [1] : vector<8x1024xf32> to vector<8xf32>
    %broadcast_in_dim3A_1192 = vector.shape_cast %reduce_sum3A_1191 : vector<8xf32> to vector<8x1xf32>
    %swap3A_1193 = arith.constant 0 : index
    %swap3A_1194 = arith.constant 0 : index
    %swap3A_1195 = arith.constant 56 : index
    %swap3A_1196 = vector.load %arg15[%swap3A_1193, %swap3A_1194, %swap3A_1195] : memref<1x8x98xf32, #tpu.memory_space<vmem>>, vector<1x8x1xf32>
    %swap3A_1197 = vector.shape_cast %swap3A_1196 : vector<1x8x1xf32> to vector<8x1xf32>
    %swap3A_1198 = vector.shape_cast %broadcast_in_dim3A_1192 : vector<8x1xf32> to vector<1x8x1xf32>
    tpu.vector_store %arg15[%swap3A_1193, %swap3A_1194, %swap3A_1195], %swap3A_1198 {strides = array<i32>} : memref<1x8x98xf32, #tpu.memory_space<vmem>>, vector<1x8x1xf32>,
    %reduce_sum3A_1199 = arith.constant dense<0.000000e+00> : vector<9xf32>
    %reduce_sum3A_1200 = vector.multi_reduction <add>, %slice3A_1189, %reduce_sum3A_1199 [1] : vector<9x1024xf32> to vector<9xf32>
    %broadcast_in_dim3A_1201 = vector.shape_cast %reduce_sum3A_1200 : vector<9xf32> to vector<9x1xf32>
    %swap3A_1202 = arith.constant 0 : index
    %swap3A_1203 = arith.constant 0 : index
    %swap3A_1204 = arith.constant 56 : index
    %swap3A_1205 = vector.load %arg16[%swap3A_1202, %swap3A_1203, %swap3A_1204] : memref<1x9x98xf32, #tpu.memory_space<vmem>>, vector<1x9x1xf32>
    %swap3A_1206 = vector.shape_cast %swap3A_1205 : vector<1x9x1xf32> to vector<9x1xf32>
    %swap3A_1207 = vector.shape_cast %broadcast_in_dim3A_1201 : vector<9x1xf32> to vector<1x9x1xf32>
    tpu.vector_store %arg16[%swap3A_1202, %swap3A_1203, %swap3A_1204], %swap3A_1207 {strides = array<i32>} : memref<1x9x98xf32, #tpu.memory_space<vmem>>, vector<1x9x1xf32>,
    %slice3A_1208 = vector.extract_strided_slice %max3A_1187 {offsets = [0, 1024], sizes = [8, 1024], strides = [1, 1]} : vector<8x14336xf32> to vector<8x1024xf32>
    %slice3A_1209 = vector.extract_strided_slice %get3A_1182 {offsets = [0, 1024], sizes = [9, 1024], strides = [1, 1]} : vector<9x14336xf32> to vector<9x1024xf32>
    %reduce_sum3A_1210 = arith.constant dense<0.000000e+00> : vector<8xf32>
    %reduce_sum3A_1211 = vector.multi_reduction <add>, %slice3A_1208, %reduce_sum3A_1210 [1] : vector<8x1024xf32> to vector<8xf32>
    %broadcast_in_dim3A_1212 = vector.shape_cast %reduce_sum3A_1211 : vector<8xf32> to vector<8x1xf32>
    %swap3A_1213 = arith.constant 0 : index
    %swap3A_1214 = arith.constant 0 : index
    %swap3A_1215 = arith.constant 57 : index
    %swap3A_1216 = vector.load %arg15[%swap3A_1213, %swap3A_1214, %swap3A_1215] : memref<1x8x98xf32, #tpu.memory_space<vmem>>, vector<1x8x1xf32>
    %swap3A_1217 = vector.shape_cast %swap3A_1216 : vector<1x8x1xf32> to vector<8x1xf32>
    %swap3A_1218 = vector.shape_cast %broadcast_in_dim3A_1212 : vector<8x1xf32> to vector<1x8x1xf32>
    tpu.vector_store %arg15[%swap3A_1213, %swap3A_1214, %swap3A_1215], %swap3A_1218 {strides = array<i32>} : memref<1x8x98xf32, #tpu.memory_space<vmem>>, vector<1x8x1xf32>,
    %reduce_sum3A_1219 = arith.constant dense<0.000000e+00> : vector<9xf32>
    %reduce_sum3A_1220 = vector.multi_reduction <add>, %slice3A_1209, %reduce_sum3A_1219 [1] : vector<9x1024xf32> to vector<9xf32>
    %broadcast_in_dim3A_1221 = vector.shape_cast %reduce_sum3A_1220 : vector<9xf32> to vector<9x1xf32>
    %swap3A_1222 = arith.constant 0 : index
    %swap3A_1223 = arith.constant 0 : index
    %swap3A_1224 = arith.constant 57 : index
    %swap3A_1225 = vector.load %arg16[%swap3A_1222, %swap3A_1223, %swap3A_1224] : memref<1x9x98xf32, #tpu.memory_space<vmem>>, vector<1x9x1xf32>
    %swap3A_1226 = vector.shape_cast %swap3A_1225 : vector<1x9x1xf32> to vector<9x1xf32>
    %swap3A_1227 = vector.shape_cast %broadcast_in_dim3A_1221 : vector<9x1xf32> to vector<1x9x1xf32>
    tpu.vector_store %arg16[%swap3A_1222, %swap3A_1223, %swap3A_1224], %swap3A_1227 {strides = array<i32>} : memref<1x9x98xf32, #tpu.memory_space<vmem>>, vector<1x9x1xf32>,
    %slice3A_1228 = vector.extract_strided_slice %max3A_1187 {offsets = [0, 2048], sizes = [8, 1024], strides = [1, 1]} : vector<8x14336xf32> to vector<8x1024xf32>
    %slice3A_1229 = vector.extract_strided_slice %get3A_1182 {offsets = [0, 2048], sizes = [9, 1024], strides = [1, 1]} : vector<9x14336xf32> to vector<9x1024xf32>
    %reduce_sum3A_1230 = arith.constant dense<0.000000e+00> : vector<8xf32>
    %reduce_sum3A_1231 = vector.multi_reduction <add>, %slice3A_1228, %reduce_sum3A_1230 [1] : vector<8x1024xf32> to vector<8xf32>
    %broadcast_in_dim3A_1232 = vector.shape_cast %reduce_sum3A_1231 : vector<8xf32> to vector<8x1xf32>
    %swap3A_1233 = arith.constant 0 : index
    %swap3A_1234 = arith.constant 0 : index
    %swap3A_1235 = arith.constant 58 : index
    %swap3A_1236 = vector.load %arg15[%swap3A_1233, %swap3A_1234, %swap3A_1235] : memref<1x8x98xf32, #tpu.memory_space<vmem>>, vector<1x8x1xf32>
    %swap3A_1237 = vector.shape_cast %swap3A_1236 : vector<1x8x1xf32> to vector<8x1xf32>
    %swap3A_1238 = vector.shape_cast %broadcast_in_dim3A_1232 : vector<8x1xf32> to vector<1x8x1xf32>
    tpu.vector_store %arg15[%swap3A_1233, %swap3A_1234, %swap3A_1235], %swap3A_1238 {strides = array<i32>} : memref<1x8x98xf32, #tpu.memory_space<vmem>>, vector<1x8x1xf32>,
    %reduce_sum3A_1239 = arith.constant dense<0.000000e+00> : vector<9xf32>
    %reduce_sum3A_1240 = vector.multi_reduction <add>, %slice3A_1229, %reduce_sum3A_1239 [1] : vector<9x1024xf32> to vector<9xf32>
    %broadcast_in_dim3A_1241 = vector.shape_cast %reduce_sum3A_1240 : vector<9xf32> to vector<9x1xf32>
    %swap3A_1242 = arith.constant 0 : index
    %swap3A_1243 = arith.constant 0 : index
    %swap3A_1244 = arith.constant 58 : index
    %swap3A_1245 = vector.load %arg16[%swap3A_1242, %swap3A_1243, %swap3A_1244] : memref<1x9x98xf32, #tpu.memory_space<vmem>>, vector<1x9x1xf32>
    %swap3A_1246 = vector.shape_cast %swap3A_1245 : vector<1x9x1xf32> to vector<9x1xf32>
    %swap3A_1247 = vector.shape_cast %broadcast_in_dim3A_1241 : vector<9x1xf32> to vector<1x9x1xf32>
    tpu.vector_store %arg16[%swap3A_1242, %swap3A_1243, %swap3A_1244], %swap3A_1247 {strides = array<i32>} : memref<1x9x98xf32, #tpu.memory_space<vmem>>, vector<1x9x1xf32>,
    %slice3A_1248 = vector.extract_strided_slice %max3A_1187 {offsets = [0, 3072], sizes = [8, 1024], strides = [1, 1]} : vector<8x14336xf32> to vector<8x1024xf32>
    %slice3A_1249 = vector.extract_strided_slice %get3A_1182 {offsets = [0, 3072], sizes = [9, 1024], strides = [1, 1]} : vector<9x14336xf32> to vector<9x1024xf32>
    %reduce_sum3A_1250 = arith.constant dense<0.000000e+00> : vector<8xf32>
    %reduce_sum3A_1251 = vector.multi_reduction <add>, %slice3A_1248, %reduce_sum3A_1250 [1] : vector<8x1024xf32> to vector<8xf32>
    %broadcast_in_dim3A_1252 = vector.shape_cast %reduce_sum3A_1251 : vector<8xf32> to vector<8x1xf32>
    %swap3A_1253 = arith.constant 0 : index
    %swap3A_1254 = arith.constant 0 : index
    %swap3A_1255 = arith.constant 59 : index
    %swap3A_1256 = vector.load %arg15[%swap3A_1253, %swap3A_1254, %swap3A_1255] : memref<1x8x98xf32, #tpu.memory_space<vmem>>, vector<1x8x1xf32>
    %swap3A_1257 = vector.shape_cast %swap3A_1256 : vector<1x8x1xf32> to vector<8x1xf32>
    %swap3A_1258 = vector.shape_cast %broadcast_in_dim3A_1252 : vector<8x1xf32> to vector<1x8x1xf32>
    tpu.vector_store %arg15[%swap3A_1253, %swap3A_1254, %swap3A_1255], %swap3A_1258 {strides = array<i32>} : memref<1x8x98xf32, #tpu.memory_space<vmem>>, vector<1x8x1xf32>,
    %reduce_sum3A_1259 = arith.constant dense<0.000000e+00> : vector<9xf32>
    %reduce_sum3A_1260 = vector.multi_reduction <add>, %slice3A_1249, %reduce_sum3A_1259 [1] : vector<9x1024xf32> to vector<9xf32>
    %broadcast_in_dim3A_1261 = vector.shape_cast %reduce_sum3A_1260 : vector<9xf32> to vector<9x1xf32>
    %swap3A_1262 = arith.constant 0 : index
    %swap3A_1263 = arith.constant 0 : index
    %swap3A_1264 = arith.constant 59 : index
    %swap3A_1265 = vector.load %arg16[%swap3A_1262, %swap3A_1263, %swap3A_1264] : memref<1x9x98xf32, #tpu.memory_space<vmem>>, vector<1x9x1xf32>
    %swap3A_1266 = vector.shape_cast %swap3A_1265 : vector<1x9x1xf32> to vector<9x1xf32>
    %swap3A_1267 = vector.shape_cast %broadcast_in_dim3A_1261 : vector<9x1xf32> to vector<1x9x1xf32>
    tpu.vector_store %arg16[%swap3A_1262, %swap3A_1263, %swap3A_1264], %swap3A_1267 {strides = array<i32>} : memref<1x9x98xf32, #tpu.memory_space<vmem>>, vector<1x9x1xf32>,
    %slice3A_1268 = vector.extract_strided_slice %max3A_1187 {offsets = [0, 4096], sizes = [8, 1024], strides = [1, 1]} : vector<8x14336xf32> to vector<8x1024xf32>
    %slice3A_1269 = vector.extract_strided_slice %get3A_1182 {offsets = [0, 4096], sizes = [9, 1024], strides = [1, 1]} : vector<9x14336xf32> to vector<9x1024xf32>
    %reduce_sum3A_1270 = arith.constant dense<0.000000e+00> : vector<8xf32>
    %reduce_sum3A_1271 = vector.multi_reduction <add>, %slice3A_1268, %reduce_sum3A_1270 [1] : vector<8x1024xf32> to vector<8xf32>
    %broadcast_in_dim3A_1272 = vector.shape_cast %reduce_sum3A_1271 : vector<8xf32> to vector<8x1xf32>
    %swap3A_1273 = arith.constant 0 : index
    %swap3A_1274 = arith.constant 0 : index
    %swap3A_1275 = arith.constant 60 : index
    %swap3A_1276 = vector.load %arg15[%swap3A_1273, %swap3A_1274, %swap3A_1275] : memref<1x8x98xf32, #tpu.memory_space<vmem>>, vector<1x8x1xf32>
    %swap3A_1277 = vector.shape_cast %swap3A_1276 : vector<1x8x1xf32> to vector<8x1xf32>
    %swap3A_1278 = vector.shape_cast %broadcast_in_dim3A_1272 : vector<8x1xf32> to vector<1x8x1xf32>
    tpu.vector_store %arg15[%swap3A_1273, %swap3A_1274, %swap3A_1275], %swap3A_1278 {strides = array<i32>} : memref<1x8x98xf32, #tpu.memory_space<vmem>>, vector<1x8x1xf32>,
    %reduce_sum3A_1279 = arith.constant dense<0.000000e+00> : vector<9xf32>
    %reduce_sum3A_1280 = vector.multi_reduction <add>, %slice3A_1269, %reduce_sum3A_1279 [1] : vector<9x1024xf32> to vector<9xf32>
    %broadcast_in_dim3A_1281 = vector.shape_cast %reduce_sum3A_1280 : vector<9xf32> to vector<9x1xf32>
    %swap3A_1282 = arith.constant 0 : index
    %swap3A_1283 = arith.constant 0 : index
    %swap3A_1284 = arith.constant 60 : index
    %swap3A_1285 = vector.load %arg16[%swap3A_1282, %swap3A_1283, %swap3A_1284] : memref<1x9x98xf32, #tpu.memory_space<vmem>>, vector<1x9x1xf32>
    %swap3A_1286 = vector.shape_cast %swap3A_1285 : vector<1x9x1xf32> to vector<9x1xf32>
    %swap3A_1287 = vector.shape_cast %broadcast_in_dim3A_1281 : vector<9x1xf32> to vector<1x9x1xf32>
    tpu.vector_store %arg16[%swap3A_1282, %swap3A_1283, %swap3A_1284], %swap3A_1287 {strides = array<i32>} : memref<1x9x98xf32, #tpu.memory_space<vmem>>, vector<1x9x1xf32>,
    %slice3A_1288 = vector.extract_strided_slice %max3A_1187 {offsets = [0, 5120], sizes = [8, 1024], strides = [1, 1]} : vector<8x14336xf32> to vector<8x1024xf32>
    %slice3A_1289 = vector.extract_strided_slice %get3A_1182 {offsets = [0, 5120], sizes = [9, 1024], strides = [1, 1]} : vector<9x14336xf32> to vector<9x1024xf32>
    %reduce_sum3A_1290 = arith.constant dense<0.000000e+00> : vector<8xf32>
    %reduce_sum3A_1291 = vector.multi_reduction <add>, %slice3A_1288, %reduce_sum3A_1290 [1] : vector<8x1024xf32> to vector<8xf32>
    %broadcast_in_dim3A_1292 = vector.shape_cast %reduce_sum3A_1291 : vector<8xf32> to vector<8x1xf32>
    %swap3A_1293 = arith.constant 0 : index
    %swap3A_1294 = arith.constant 0 : index
    %swap3A_1295 = arith.constant 61 : index
    %swap3A_1296 = vector.load %arg15[%swap3A_1293, %swap3A_1294, %swap3A_1295] : memref<1x8x98xf32, #tpu.memory_space<vmem>>, vector<1x8x1xf32>
    %swap3A_1297 = vector.shape_cast %swap3A_1296 : vector<1x8x1xf32> to vector<8x1xf32>
    %swap3A_1298 = vector.shape_cast %broadcast_in_dim3A_1292 : vector<8x1xf32> to vector<1x8x1xf32>
    tpu.vector_store %arg15[%swap3A_1293, %swap3A_1294, %swap3A_1295], %swap3A_1298 {strides = array<i32>} : memref<1x8x98xf32, #tpu.memory_space<vmem>>, vector<1x8x1xf32>,
    %reduce_sum3A_1299 = arith.constant dense<0.000000e+00> : vector<9xf32>
    %reduce_sum3A_1300 = vector.multi_reduction <add>, %slice3A_1289, %reduce_sum3A_1299 [1] : vector<9x1024xf32> to vector<9xf32>
    %broadcast_in_dim3A_1301 = vector.shape_cast %reduce_sum3A_1300 : vector<9xf32> to vector<9x1xf32>
    %swap3A_1302 = arith.constant 0 : index
    %swap3A_1303 = arith.constant 0 : index
    %swap3A_1304 = arith.constant 61 : index
    %swap3A_1305 = vector.load %arg16[%swap3A_1302, %swap3A_1303, %swap3A_1304] : memref<1x9x98xf32, #tpu.memory_space<vmem>>, vector<1x9x1xf32>
    %swap3A_1306 = vector.shape_cast %swap3A_1305 : vector<1x9x1xf32> to vector<9x1xf32>
    %swap3A_1307 = vector.shape_cast %broadcast_in_dim3A_1301 : vector<9x1xf32> to vector<1x9x1xf32>
    tpu.vector_store %arg16[%swap3A_1302, %swap3A_1303, %swap3A_1304], %swap3A_1307 {strides = array<i32>} : memref<1x9x98xf32, #tpu.memory_space<vmem>>, vector<1x9x1xf32>,
    %slice3A_1308 = vector.extract_strided_slice %max3A_1187 {offsets = [0, 6144], sizes = [8, 1024], strides = [1, 1]} : vector<8x14336xf32> to vector<8x1024xf32>
    %slice3A_1309 = vector.extract_strided_slice %get3A_1182 {offsets = [0, 6144], sizes = [9, 1024], strides = [1, 1]} : vector<9x14336xf32> to vector<9x1024xf32>
    %reduce_sum3A_1310 = arith.constant dense<0.000000e+00> : vector<8xf32>
    %reduce_sum3A_1311 = vector.multi_reduction <add>, %slice3A_1308, %reduce_sum3A_1310 [1] : vector<8x1024xf32> to vector<8xf32>
    %broadcast_in_dim3A_1312 = vector.shape_cast %reduce_sum3A_1311 : vector<8xf32> to vector<8x1xf32>
    %swap3A_1313 = arith.constant 0 : index
    %swap3A_1314 = arith.constant 0 : index
    %swap3A_1315 = arith.constant 62 : index
    %swap3A_1316 = vector.load %arg15[%swap3A_1313, %swap3A_1314, %swap3A_1315] : memref<1x8x98xf32, #tpu.memory_space<vmem>>, vector<1x8x1xf32>
    %swap3A_1317 = vector.shape_cast %swap3A_1316 : vector<1x8x1xf32> to vector<8x1xf32>
    %swap3A_1318 = vector.shape_cast %broadcast_in_dim3A_1312 : vector<8x1xf32> to vector<1x8x1xf32>
    tpu.vector_store %arg15[%swap3A_1313, %swap3A_1314, %swap3A_1315], %swap3A_1318 {strides = array<i32>} : memref<1x8x98xf32, #tpu.memory_space<vmem>>, vector<1x8x1xf32>,
    %reduce_sum3A_1319 = arith.constant dense<0.000000e+00> : vector<9xf32>
    %reduce_sum3A_1320 = vector.multi_reduction <add>, %slice3A_1309, %reduce_sum3A_1319 [1] : vector<9x1024xf32> to vector<9xf32>
    %broadcast_in_dim3A_1321 = vector.shape_cast %reduce_sum3A_1320 : vector<9xf32> to vector<9x1xf32>
    %swap3A_1322 = arith.constant 0 : index
    %swap3A_1323 = arith.constant 0 : index
    %swap3A_1324 = arith.constant 62 : index
    %swap3A_1325 = vector.load %arg16[%swap3A_1322, %swap3A_1323, %swap3A_1324] : memref<1x9x98xf32, #tpu.memory_space<vmem>>, vector<1x9x1xf32>
    %swap3A_1326 = vector.shape_cast %swap3A_1325 : vector<1x9x1xf32> to vector<9x1xf32>
    %swap3A_1327 = vector.shape_cast %broadcast_in_dim3A_1321 : vector<9x1xf32> to vector<1x9x1xf32>
    tpu.vector_store %arg16[%swap3A_1322, %swap3A_1323, %swap3A_1324], %swap3A_1327 {strides = array<i32>} : memref<1x9x98xf32, #tpu.memory_space<vmem>>, vector<1x9x1xf32>,
    %slice3A_1328 = vector.extract_strided_slice %max3A_1187 {offsets = [0, 7168], sizes = [8, 1024], strides = [1, 1]} : vector<8x14336xf32> to vector<8x1024xf32>
    %slice3A_1329 = vector.extract_strided_slice %get3A_1182 {offsets = [0, 7168], sizes = [9, 1024], strides = [1, 1]} : vector<9x14336xf32> to vector<9x1024xf32>
    %reduce_sum3A_1330 = arith.constant dense<0.000000e+00> : vector<8xf32>
    %reduce_sum3A_1331 = vector.multi_reduction <add>, %slice3A_1328, %reduce_sum3A_1330 [1] : vector<8x1024xf32> to vector<8xf32>
    %broadcast_in_dim3A_1332 = vector.shape_cast %reduce_sum3A_1331 : vector<8xf32> to vector<8x1xf32>
    %swap3A_1333 = arith.constant 0 : index
    %swap3A_1334 = arith.constant 0 : index
    %swap3A_1335 = arith.constant 63 : index
    %swap3A_1336 = vector.load %arg15[%swap3A_1333, %swap3A_1334, %swap3A_1335] : memref<1x8x98xf32, #tpu.memory_space<vmem>>, vector<1x8x1xf32>
    %swap3A_1337 = vector.shape_cast %swap3A_1336 : vector<1x8x1xf32> to vector<8x1xf32>
    %swap3A_1338 = vector.shape_cast %broadcast_in_dim3A_1332 : vector<8x1xf32> to vector<1x8x1xf32>
    tpu.vector_store %arg15[%swap3A_1333, %swap3A_1334, %swap3A_1335], %swap3A_1338 {strides = array<i32>} : memref<1x8x98xf32, #tpu.memory_space<vmem>>, vector<1x8x1xf32>,
    %reduce_sum3A_1339 = arith.constant dense<0.000000e+00> : vector<9xf32>
    %reduce_sum3A_1340 = vector.multi_reduction <add>, %slice3A_1329, %reduce_sum3A_1339 [1] : vector<9x1024xf32> to vector<9xf32>
    %broadcast_in_dim3A_1341 = vector.shape_cast %reduce_sum3A_1340 : vector<9xf32> to vector<9x1xf32>
    %swap3A_1342 = arith.constant 0 : index
    %swap3A_1343 = arith.constant 0 : index
    %swap3A_1344 = arith.constant 63 : index
    %swap3A_1345 = vector.load %arg16[%swap3A_1342, %swap3A_1343, %swap3A_1344] : memref<1x9x98xf32, #tpu.memory_space<vmem>>, vector<1x9x1xf32>
    %swap3A_1346 = vector.shape_cast %swap3A_1345 : vector<1x9x1xf32> to vector<9x1xf32>
    %swap3A_1347 = vector.shape_cast %broadcast_in_dim3A_1341 : vector<9x1xf32> to vector<1x9x1xf32>
    tpu.vector_store %arg16[%swap3A_1342, %swap3A_1343, %swap3A_1344], %swap3A_1347 {strides = array<i32>} : memref<1x9x98xf32, #tpu.memory_space<vmem>>, vector<1x9x1xf32>,
    %slice3A_1348 = vector.extract_strided_slice %max3A_1187 {offsets = [0, 8192], sizes = [8, 1024], strides = [1, 1]} : vector<8x14336xf32> to vector<8x1024xf32>
    %slice3A_1349 = vector.extract_strided_slice %get3A_1182 {offsets = [0, 8192], sizes = [9, 1024], strides = [1, 1]} : vector<9x14336xf32> to vector<9x1024xf32>
    %reduce_sum3A_1350 = arith.constant dense<0.000000e+00> : vector<8xf32>
    %reduce_sum3A_1351 = vector.multi_reduction <add>, %slice3A_1348, %reduce_sum3A_1350 [1] : vector<8x1024xf32> to vector<8xf32>
    %broadcast_in_dim3A_1352 = vector.shape_cast %reduce_sum3A_1351 : vector<8xf32> to vector<8x1xf32>
    %swap3A_1353 = arith.constant 0 : index
    %swap3A_1354 = arith.constant 0 : index
    %swap3A_1355 = arith.constant 64 : index
    %swap3A_1356 = vector.load %arg15[%swap3A_1353, %swap3A_1354, %swap3A_1355] : memref<1x8x98xf32, #tpu.memory_space<vmem>>, vector<1x8x1xf32>
    %swap3A_1357 = vector.shape_cast %swap3A_1356 : vector<1x8x1xf32> to vector<8x1xf32>
    %swap3A_1358 = vector.shape_cast %broadcast_in_dim3A_1352 : vector<8x1xf32> to vector<1x8x1xf32>
    tpu.vector_store %arg15[%swap3A_1353, %swap3A_1354, %swap3A_1355], %swap3A_1358 {strides = array<i32>} : memref<1x8x98xf32, #tpu.memory_space<vmem>>, vector<1x8x1xf32>,
    %reduce_sum3A_1359 = arith.constant dense<0.000000e+00> : vector<9xf32>
    %reduce_sum3A_1360 = vector.multi_reduction <add>, %slice3A_1349, %reduce_sum3A_1359 [1] : vector<9x1024xf32> to vector<9xf32>
    %broadcast_in_dim3A_1361 = vector.shape_cast %reduce_sum3A_1360 : vector<9xf32> to vector<9x1xf32>
    %swap3A_1362 = arith.constant 0 : index
    %swap3A_1363 = arith.constant 0 : index
    %swap3A_1364 = arith.constant 64 : index
    %swap3A_1365 = vector.load %arg16[%swap3A_1362, %swap3A_1363, %swap3A_1364] : memref<1x9x98xf32, #tpu.memory_space<vmem>>, vector<1x9x1xf32>
    %swap3A_1366 = vector.shape_cast %swap3A_1365 : vector<1x9x1xf32> to vector<9x1xf32>
    %swap3A_1367 = vector.shape_cast %broadcast_in_dim3A_1361 : vector<9x1xf32> to vector<1x9x1xf32>
    tpu.vector_store %arg16[%swap3A_1362, %swap3A_1363, %swap3A_1364], %swap3A_1367 {strides = array<i32>} : memref<1x9x98xf32, #tpu.memory_space<vmem>>, vector<1x9x1xf32>,
    %slice3A_1368 = vector.extract_strided_slice %max3A_1187 {offsets = [0, 9216], sizes = [8, 1024], strides = [1, 1]} : vector<8x14336xf32> to vector<8x1024xf32>
    %slice3A_1369 = vector.extract_strided_slice %get3A_1182 {offsets = [0, 9216], sizes = [9, 1024], strides = [1, 1]} : vector<9x14336xf32> to vector<9x1024xf32>
    %reduce_sum3A_1370 = arith.constant dense<0.000000e+00> : vector<8xf32>
    %reduce_sum3A_1371 = vector.multi_reduction <add>, %slice3A_1368, %reduce_sum3A_1370 [1] : vector<8x1024xf32> to vector<8xf32>
    %broadcast_in_dim3A_1372 = vector.shape_cast %reduce_sum3A_1371 : vector<8xf32> to vector<8x1xf32>
    %swap3A_1373 = arith.constant 0 : index
    %swap3A_1374 = arith.constant 0 : index
    %swap3A_1375 = arith.constant 65 : index
    %swap3A_1376 = vector.load %arg15[%swap3A_1373, %swap3A_1374, %swap3A_1375] : memref<1x8x98xf32, #tpu.memory_space<vmem>>, vector<1x8x1xf32>
    %swap3A_1377 = vector.shape_cast %swap3A_1376 : vector<1x8x1xf32> to vector<8x1xf32>
    %swap3A_1378 = vector.shape_cast %broadcast_in_dim3A_1372 : vector<8x1xf32> to vector<1x8x1xf32>
    tpu.vector_store %arg15[%swap3A_1373, %swap3A_1374, %swap3A_1375], %swap3A_1378 {strides = array<i32>} : memref<1x8x98xf32, #tpu.memory_space<vmem>>, vector<1x8x1xf32>,
    %reduce_sum3A_1379 = arith.constant dense<0.000000e+00> : vector<9xf32>
    %reduce_sum3A_1380 = vector.multi_reduction <add>, %slice3A_1369, %reduce_sum3A_1379 [1] : vector<9x1024xf32> to vector<9xf32>
    %broadcast_in_dim3A_1381 = vector.shape_cast %reduce_sum3A_1380 : vector<9xf32> to vector<9x1xf32>
    %swap3A_1382 = arith.constant 0 : index
    %swap3A_1383 = arith.constant 0 : index
    %swap3A_1384 = arith.constant 65 : index
    %swap3A_1385 = vector.load %arg16[%swap3A_1382, %swap3A_1383, %swap3A_1384] : memref<1x9x98xf32, #tpu.memory_space<vmem>>, vector<1x9x1xf32>
    %swap3A_1386 = vector.shape_cast %swap3A_1385 : vector<1x9x1xf32> to vector<9x1xf32>
    %swap3A_1387 = vector.shape_cast %broadcast_in_dim3A_1381 : vector<9x1xf32> to vector<1x9x1xf32>
    tpu.vector_store %arg16[%swap3A_1382, %swap3A_1383, %swap3A_1384], %swap3A_1387 {strides = array<i32>} : memref<1x9x98xf32, #tpu.memory_space<vmem>>, vector<1x9x1xf32>,
    %slice3A_1388 = vector.extract_strided_slice %max3A_1187 {offsets = [0, 10240], sizes = [8, 1024], strides = [1, 1]} : vector<8x14336xf32> to vector<8x1024xf32>
    %slice3A_1389 = vector.extract_strided_slice %get3A_1182 {offsets = [0, 10240], sizes = [9, 1024], strides = [1, 1]} : vector<9x14336xf32> to vector<9x1024xf32>
    %reduce_sum3A_1390 = arith.constant dense<0.000000e+00> : vector<8xf32>
    %reduce_sum3A_1391 = vector.multi_reduction <add>, %slice3A_1388, %reduce_sum3A_1390 [1] : vector<8x1024xf32> to vector<8xf32>
    %broadcast_in_dim3A_1392 = vector.shape_cast %reduce_sum3A_1391 : vector<8xf32> to vector<8x1xf32>
    %swap3A_1393 = arith.constant 0 : index
    %swap3A_1394 = arith.constant 0 : index
    %swap3A_1395 = arith.constant 66 : index
    %swap3A_1396 = vector.load %arg15[%swap3A_1393, %swap3A_1394, %swap3A_1395] : memref<1x8x98xf32, #tpu.memory_space<vmem>>, vector<1x8x1xf32>
    %swap3A_1397 = vector.shape_cast %swap3A_1396 : vector<1x8x1xf32> to vector<8x1xf32>
    %swap3A_1398 = vector.shape_cast %broadcast_in_dim3A_1392 : vector<8x1xf32> to vector<1x8x1xf32>
    tpu.vector_store %arg15[%swap3A_1393, %swap3A_1394, %swap3A_1395], %swap3A_1398 {strides = array<i32>} : memref<1x8x98xf32, #tpu.memory_space<vmem>>, vector<1x8x1xf32>,
    %reduce_sum3A_1399 = arith.constant dense<0.000000e+00> : vector<9xf32>
    %reduce_sum3A_1400 = vector.multi_reduction <add>, %slice3A_1389, %reduce_sum3A_1399 [1] : vector<9x1024xf32> to vector<9xf32>
    %broadcast_in_dim3A_1401 = vector.shape_cast %reduce_sum3A_1400 : vector<9xf32> to vector<9x1xf32>
    %swap3A_1402 = arith.constant 0 : index
    %swap3A_1403 = arith.constant 0 : index
    %swap3A_1404 = arith.constant 66 : index
    %swap3A_1405 = vector.load %arg16[%swap3A_1402, %swap3A_1403, %swap3A_1404] : memref<1x9x98xf32, #tpu.memory_space<vmem>>, vector<1x9x1xf32>
    %swap3A_1406 = vector.shape_cast %swap3A_1405 : vector<1x9x1xf32> to vector<9x1xf32>
    %swap3A_1407 = vector.shape_cast %broadcast_in_dim3A_1401 : vector<9x1xf32> to vector<1x9x1xf32>
    tpu.vector_store %arg16[%swap3A_1402, %swap3A_1403, %swap3A_1404], %swap3A_1407 {strides = array<i32>} : memref<1x9x98xf32, #tpu.memory_space<vmem>>, vector<1x9x1xf32>,
    %slice3A_1408 = vector.extract_strided_slice %max3A_1187 {offsets = [0, 11264], sizes = [8, 1024], strides = [1, 1]} : vector<8x14336xf32> to vector<8x1024xf32>
    %slice3A_1409 = vector.extract_strided_slice %get3A_1182 {offsets = [0, 11264], sizes = [9, 1024], strides = [1, 1]} : vector<9x14336xf32> to vector<9x1024xf32>
    %reduce_sum3A_1410 = arith.constant dense<0.000000e+00> : vector<8xf32>
    %reduce_sum3A_1411 = vector.multi_reduction <add>, %slice3A_1408, %reduce_sum3A_1410 [1] : vector<8x1024xf32> to vector<8xf32>
    %broadcast_in_dim3A_1412 = vector.shape_cast %reduce_sum3A_1411 : vector<8xf32> to vector<8x1xf32>
    %swap3A_1413 = arith.constant 0 : index
    %swap3A_1414 = arith.constant 0 : index
    %swap3A_1415 = arith.constant 67 : index
    %swap3A_1416 = vector.load %arg15[%swap3A_1413, %swap3A_1414, %swap3A_1415] : memref<1x8x98xf32, #tpu.memory_space<vmem>>, vector<1x8x1xf32>
    %swap3A_1417 = vector.shape_cast %swap3A_1416 : vector<1x8x1xf32> to vector<8x1xf32>
    %swap3A_1418 = vector.shape_cast %broadcast_in_dim3A_1412 : vector<8x1xf32> to vector<1x8x1xf32>
    tpu.vector_store %arg15[%swap3A_1413, %swap3A_1414, %swap3A_1415], %swap3A_1418 {strides = array<i32>} : memref<1x8x98xf32, #tpu.memory_space<vmem>>, vector<1x8x1xf32>,
    %reduce_sum3A_1419 = arith.constant dense<0.000000e+00> : vector<9xf32>
    %reduce_sum3A_1420 = vector.multi_reduction <add>, %slice3A_1409, %reduce_sum3A_1419 [1] : vector<9x1024xf32> to vector<9xf32>
    %broadcast_in_dim3A_1421 = vector.shape_cast %reduce_sum3A_1420 : vector<9xf32> to vector<9x1xf32>
    %swap3A_1422 = arith.constant 0 : index
    %swap3A_1423 = arith.constant 0 : index
    %swap3A_1424 = arith.constant 67 : index
    %swap3A_1425 = vector.load %arg16[%swap3A_1422, %swap3A_1423, %swap3A_1424] : memref<1x9x98xf32, #tpu.memory_space<vmem>>, vector<1x9x1xf32>
    %swap3A_1426 = vector.shape_cast %swap3A_1425 : vector<1x9x1xf32> to vector<9x1xf32>
    %swap3A_1427 = vector.shape_cast %broadcast_in_dim3A_1421 : vector<9x1xf32> to vector<1x9x1xf32>
    tpu.vector_store %arg16[%swap3A_1422, %swap3A_1423, %swap3A_1424], %swap3A_1427 {strides = array<i32>} : memref<1x9x98xf32, #tpu.memory_space<vmem>>, vector<1x9x1xf32>,
    %slice3A_1428 = vector.extract_strided_slice %max3A_1187 {offsets = [0, 12288], sizes = [8, 1024], strides = [1, 1]} : vector<8x14336xf32> to vector<8x1024xf32>
    %slice3A_1429 = vector.extract_strided_slice %get3A_1182 {offsets = [0, 12288], sizes = [9, 1024], strides = [1, 1]} : vector<9x14336xf32> to vector<9x1024xf32>
    %reduce_sum3A_1430 = arith.constant dense<0.000000e+00> : vector<8xf32>
    %reduce_sum3A_1431 = vector.multi_reduction <add>, %slice3A_1428, %reduce_sum3A_1430 [1] : vector<8x1024xf32> to vector<8xf32>
    %broadcast_in_dim3A_1432 = vector.shape_cast %reduce_sum3A_1431 : vector<8xf32> to vector<8x1xf32>
    %swap3A_1433 = arith.constant 0 : index
    %swap3A_1434 = arith.constant 0 : index
    %swap3A_1435 = arith.constant 68 : index
    %swap3A_1436 = vector.load %arg15[%swap3A_1433, %swap3A_1434, %swap3A_1435] : memref<1x8x98xf32, #tpu.memory_space<vmem>>, vector<1x8x1xf32>
    %swap3A_1437 = vector.shape_cast %swap3A_1436 : vector<1x8x1xf32> to vector<8x1xf32>
    %swap3A_1438 = vector.shape_cast %broadcast_in_dim3A_1432 : vector<8x1xf32> to vector<1x8x1xf32>
    tpu.vector_store %arg15[%swap3A_1433, %swap3A_1434, %swap3A_1435], %swap3A_1438 {strides = array<i32>} : memref<1x8x98xf32, #tpu.memory_space<vmem>>, vector<1x8x1xf32>,
    %reduce_sum3A_1439 = arith.constant dense<0.000000e+00> : vector<9xf32>
    %reduce_sum3A_1440 = vector.multi_reduction <add>, %slice3A_1429, %reduce_sum3A_1439 [1] : vector<9x1024xf32> to vector<9xf32>
    %broadcast_in_dim3A_1441 = vector.shape_cast %reduce_sum3A_1440 : vector<9xf32> to vector<9x1xf32>
    %swap3A_1442 = arith.constant 0 : index
    %swap3A_1443 = arith.constant 0 : index
    %swap3A_1444 = arith.constant 68 : index
    %swap3A_1445 = vector.load %arg16[%swap3A_1442, %swap3A_1443, %swap3A_1444] : memref<1x9x98xf32, #tpu.memory_space<vmem>>, vector<1x9x1xf32>
    %swap3A_1446 = vector.shape_cast %swap3A_1445 : vector<1x9x1xf32> to vector<9x1xf32>
    %swap3A_1447 = vector.shape_cast %broadcast_in_dim3A_1441 : vector<9x1xf32> to vector<1x9x1xf32>
    tpu.vector_store %arg16[%swap3A_1442, %swap3A_1443, %swap3A_1444], %swap3A_1447 {strides = array<i32>} : memref<1x9x98xf32, #tpu.memory_space<vmem>>, vector<1x9x1xf32>,
    %slice3A_1448 = vector.extract_strided_slice %max3A_1187 {offsets = [0, 13312], sizes = [8, 1024], strides = [1, 1]} : vector<8x14336xf32> to vector<8x1024xf32>
    %slice3A_1449 = vector.extract_strided_slice %get3A_1182 {offsets = [0, 13312], sizes = [9, 1024], strides = [1, 1]} : vector<9x14336xf32> to vector<9x1024xf32>
    %reduce_sum3A_1450 = arith.constant dense<0.000000e+00> : vector<8xf32>
    %reduce_sum3A_1451 = vector.multi_reduction <add>, %slice3A_1448, %reduce_sum3A_1450 [1] : vector<8x1024xf32> to vector<8xf32>
    %broadcast_in_dim3A_1452 = vector.shape_cast %reduce_sum3A_1451 : vector<8xf32> to vector<8x1xf32>
    %swap3A_1453 = arith.constant 0 : index
    %swap3A_1454 = arith.constant 0 : index
    %swap3A_1455 = arith.constant 69 : index
    %swap3A_1456 = vector.load %arg15[%swap3A_1453, %swap3A_1454, %swap3A_1455] : memref<1x8x98xf32, #tpu.memory_space<vmem>>, vector<1x8x1xf32>
    %swap3A_1457 = vector.shape_cast %swap3A_1456 : vector<1x8x1xf32> to vector<8x1xf32>
    %swap3A_1458 = vector.shape_cast %broadcast_in_dim3A_1452 : vector<8x1xf32> to vector<1x8x1xf32>
    tpu.vector_store %arg15[%swap3A_1453, %swap3A_1454, %swap3A_1455], %swap3A_1458 {strides = array<i32>} : memref<1x8x98xf32, #tpu.memory_space<vmem>>, vector<1x8x1xf32>,
    %reduce_sum3A_1459 = arith.constant dense<0.000000e+00> : vector<9xf32>
    %reduce_sum3A_1460 = vector.multi_reduction <add>, %slice3A_1449, %reduce_sum3A_1459 [1] : vector<9x1024xf32> to vector<9xf32>
    %broadcast_in_dim3A_1461 = vector.shape_cast %reduce_sum3A_1460 : vector<9xf32> to vector<9x1xf32>
    %swap3A_1462 = arith.constant 0 : index
    %swap3A_1463 = arith.constant 0 : index
    %swap3A_1464 = arith.constant 69 : index
    %swap3A_1465 = vector.load %arg16[%swap3A_1462, %swap3A_1463, %swap3A_1464] : memref<1x9x98xf32, #tpu.memory_space<vmem>>, vector<1x9x1xf32>
    %swap3A_1466 = vector.shape_cast %swap3A_1465 : vector<1x9x1xf32> to vector<9x1xf32>
    %swap3A_1467 = vector.shape_cast %broadcast_in_dim3A_1461 : vector<9x1xf32> to vector<1x9x1xf32>
    tpu.vector_store %arg16[%swap3A_1462, %swap3A_1463, %swap3A_1464], %swap3A_1467 {strides = array<i32>} : memref<1x9x98xf32, #tpu.memory_space<vmem>>, vector<1x9x1xf32>,
    %get3A_1468 = arith.constant 0 : index
    %get3A_1469 = arith.constant 0 : index
    %get3A_1470 = arith.constant 0 : index
    %get3A_1471 = vector.load %arg6[%get3A_1468, %get3A_1469, %get3A_1470] : memref<1x8x14336xf32, #tpu.memory_space<vmem>>, vector<1x8x14336xf32>
    %get3A_1472 = vector.shape_cast %get3A_1471 : vector<1x8x14336xf32> to vector<8x14336xf32>
    %get3A_1473 = arith.constant 0 : index
    %get3A_1474 = arith.constant 0 : index
    %get3A_1475 = arith.constant 0 : index
    %get3A_1476 = vector.load %arg13[%get3A_1473, %get3A_1474, %get3A_1475] : memref<1x9x14336xf32, #tpu.memory_space<vmem>>, vector<1x9x14336xf32>
    %get3A_1477 = vector.shape_cast %get3A_1476 : vector<1x9x14336xf32> to vector<9x14336xf32>
    %slice3A_1478 = vector.extract_strided_slice %get3A_1477 {offsets = [0, 0], sizes = [8, 14336], strides = [1, 1]} : vector<9x14336xf32> to vector<8x14336xf32>
    %sub3A_1479 = arith.subf %slice3A_1478, %get3A_1472 : vector<8x14336xf32>
    %max3A_1480 = arith.constant 0.000000e+00 : f32
    %max3A_1481 = vector.broadcast %max3A_1480 : f32 to vector<8x14336xf32>
    %max3A_1482 = arith.maximumf %sub3A_1479, %max3A_1481 : vector<8x14336xf32>
    %slice3A_1483 = vector.extract_strided_slice %max3A_1482 {offsets = [0, 0], sizes = [8, 1024], strides = [1, 1]} : vector<8x14336xf32> to vector<8x1024xf32>
    %slice3A_1484 = vector.extract_strided_slice %get3A_1477 {offsets = [0, 0], sizes = [9, 1024], strides = [1, 1]} : vector<9x14336xf32> to vector<9x1024xf32>
    %reduce_sum3A_1485 = arith.constant dense<0.000000e+00> : vector<8xf32>
    %reduce_sum3A_1486 = vector.multi_reduction <add>, %slice3A_1483, %reduce_sum3A_1485 [1] : vector<8x1024xf32> to vector<8xf32>
    %broadcast_in_dim3A_1487 = vector.shape_cast %reduce_sum3A_1486 : vector<8xf32> to vector<8x1xf32>
    %swap3A_1488 = arith.constant 0 : index
    %swap3A_1489 = arith.constant 0 : index
    %swap3A_1490 = arith.constant 70 : index
    %swap3A_1491 = vector.load %arg15[%swap3A_1488, %swap3A_1489, %swap3A_1490] : memref<1x8x98xf32, #tpu.memory_space<vmem>>, vector<1x8x1xf32>
    %swap3A_1492 = vector.shape_cast %swap3A_1491 : vector<1x8x1xf32> to vector<8x1xf32>
    %swap3A_1493 = vector.shape_cast %broadcast_in_dim3A_1487 : vector<8x1xf32> to vector<1x8x1xf32>
    tpu.vector_store %arg15[%swap3A_1488, %swap3A_1489, %swap3A_1490], %swap3A_1493 {strides = array<i32>} : memref<1x8x98xf32, #tpu.memory_space<vmem>>, vector<1x8x1xf32>,
    %reduce_sum3A_1494 = arith.constant dense<0.000000e+00> : vector<9xf32>
    %reduce_sum3A_1495 = vector.multi_reduction <add>, %slice3A_1484, %reduce_sum3A_1494 [1] : vector<9x1024xf32> to vector<9xf32>
    %broadcast_in_dim3A_1496 = vector.shape_cast %reduce_sum3A_1495 : vector<9xf32> to vector<9x1xf32>
    %swap3A_1497 = arith.constant 0 : index
    %swap3A_1498 = arith.constant 0 : index
    %swap3A_1499 = arith.constant 70 : index
    %swap3A_1500 = vector.load %arg16[%swap3A_1497, %swap3A_1498, %swap3A_1499] : memref<1x9x98xf32, #tpu.memory_space<vmem>>, vector<1x9x1xf32>
    %swap3A_1501 = vector.shape_cast %swap3A_1500 : vector<1x9x1xf32> to vector<9x1xf32>
    %swap3A_1502 = vector.shape_cast %broadcast_in_dim3A_1496 : vector<9x1xf32> to vector<1x9x1xf32>
    tpu.vector_store %arg16[%swap3A_1497, %swap3A_1498, %swap3A_1499], %swap3A_1502 {strides = array<i32>} : memref<1x9x98xf32, #tpu.memory_space<vmem>>, vector<1x9x1xf32>,
    %slice3A_1503 = vector.extract_strided_slice %max3A_1482 {offsets = [0, 1024], sizes = [8, 1024], strides = [1, 1]} : vector<8x14336xf32> to vector<8x1024xf32>
    %slice3A_1504 = vector.extract_strided_slice %get3A_1477 {offsets = [0, 1024], sizes = [9, 1024], strides = [1, 1]} : vector<9x14336xf32> to vector<9x1024xf32>
    %reduce_sum3A_1505 = arith.constant dense<0.000000e+00> : vector<8xf32>
    %reduce_sum3A_1506 = vector.multi_reduction <add>, %slice3A_1503, %reduce_sum3A_1505 [1] : vector<8x1024xf32> to vector<8xf32>
    %broadcast_in_dim3A_1507 = vector.shape_cast %reduce_sum3A_1506 : vector<8xf32> to vector<8x1xf32>
    %swap3A_1508 = arith.constant 0 : index
    %swap3A_1509 = arith.constant 0 : index
    %swap3A_1510 = arith.constant 71 : index
    %swap3A_1511 = vector.load %arg15[%swap3A_1508, %swap3A_1509, %swap3A_1510] : memref<1x8x98xf32, #tpu.memory_space<vmem>>, vector<1x8x1xf32>
    %swap3A_1512 = vector.shape_cast %swap3A_1511 : vector<1x8x1xf32> to vector<8x1xf32>
    %swap3A_1513 = vector.shape_cast %broadcast_in_dim3A_1507 : vector<8x1xf32> to vector<1x8x1xf32>
    tpu.vector_store %arg15[%swap3A_1508, %swap3A_1509, %swap3A_1510], %swap3A_1513 {strides = array<i32>} : memref<1x8x98xf32, #tpu.memory_space<vmem>>, vector<1x8x1xf32>,
    %reduce_sum3A_1514 = arith.constant dense<0.000000e+00> : vector<9xf32>
    %reduce_sum3A_1515 = vector.multi_reduction <add>, %slice3A_1504, %reduce_sum3A_1514 [1] : vector<9x1024xf32> to vector<9xf32>
    %broadcast_in_dim3A_1516 = vector.shape_cast %reduce_sum3A_1515 : vector<9xf32> to vector<9x1xf32>
    %swap3A_1517 = arith.constant 0 : index
    %swap3A_1518 = arith.constant 0 : index
    %swap3A_1519 = arith.constant 71 : index
    %swap3A_1520 = vector.load %arg16[%swap3A_1517, %swap3A_1518, %swap3A_1519] : memref<1x9x98xf32, #tpu.memory_space<vmem>>, vector<1x9x1xf32>
    %swap3A_1521 = vector.shape_cast %swap3A_1520 : vector<1x9x1xf32> to vector<9x1xf32>
    %swap3A_1522 = vector.shape_cast %broadcast_in_dim3A_1516 : vector<9x1xf32> to vector<1x9x1xf32>
    tpu.vector_store %arg16[%swap3A_1517, %swap3A_1518, %swap3A_1519], %swap3A_1522 {strides = array<i32>} : memref<1x9x98xf32, #tpu.memory_space<vmem>>, vector<1x9x1xf32>,
    %slice3A_1523 = vector.extract_strided_slice %max3A_1482 {offsets = [0, 2048], sizes = [8, 1024], strides = [1, 1]} : vector<8x14336xf32> to vector<8x1024xf32>
    %slice3A_1524 = vector.extract_strided_slice %get3A_1477 {offsets = [0, 2048], sizes = [9, 1024], strides = [1, 1]} : vector<9x14336xf32> to vector<9x1024xf32>
    %reduce_sum3A_1525 = arith.constant dense<0.000000e+00> : vector<8xf32>
    %reduce_sum3A_1526 = vector.multi_reduction <add>, %slice3A_1523, %reduce_sum3A_1525 [1] : vector<8x1024xf32> to vector<8xf32>
    %broadcast_in_dim3A_1527 = vector.shape_cast %reduce_sum3A_1526 : vector<8xf32> to vector<8x1xf32>
    %swap3A_1528 = arith.constant 0 : index
    %swap3A_1529 = arith.constant 0 : index
    %swap3A_1530 = arith.constant 72 : index
    %swap3A_1531 = vector.load %arg15[%swap3A_1528, %swap3A_1529, %swap3A_1530] : memref<1x8x98xf32, #tpu.memory_space<vmem>>, vector<1x8x1xf32>
    %swap3A_1532 = vector.shape_cast %swap3A_1531 : vector<1x8x1xf32> to vector<8x1xf32>
    %swap3A_1533 = vector.shape_cast %broadcast_in_dim3A_1527 : vector<8x1xf32> to vector<1x8x1xf32>
    tpu.vector_store %arg15[%swap3A_1528, %swap3A_1529, %swap3A_1530], %swap3A_1533 {strides = array<i32>} : memref<1x8x98xf32, #tpu.memory_space<vmem>>, vector<1x8x1xf32>,
    %reduce_sum3A_1534 = arith.constant dense<0.000000e+00> : vector<9xf32>
    %reduce_sum3A_1535 = vector.multi_reduction <add>, %slice3A_1524, %reduce_sum3A_1534 [1] : vector<9x1024xf32> to vector<9xf32>
    %broadcast_in_dim3A_1536 = vector.shape_cast %reduce_sum3A_1535 : vector<9xf32> to vector<9x1xf32>
    %swap3A_1537 = arith.constant 0 : index
    %swap3A_1538 = arith.constant 0 : index
    %swap3A_1539 = arith.constant 72 : index
    %swap3A_1540 = vector.load %arg16[%swap3A_1537, %swap3A_1538, %swap3A_1539] : memref<1x9x98xf32, #tpu.memory_space<vmem>>, vector<1x9x1xf32>
    %swap3A_1541 = vector.shape_cast %swap3A_1540 : vector<1x9x1xf32> to vector<9x1xf32>
    %swap3A_1542 = vector.shape_cast %broadcast_in_dim3A_1536 : vector<9x1xf32> to vector<1x9x1xf32>
    tpu.vector_store %arg16[%swap3A_1537, %swap3A_1538, %swap3A_1539], %swap3A_1542 {strides = array<i32>} : memref<1x9x98xf32, #tpu.memory_space<vmem>>, vector<1x9x1xf32>,
    %slice3A_1543 = vector.extract_strided_slice %max3A_1482 {offsets = [0, 3072], sizes = [8, 1024], strides = [1, 1]} : vector<8x14336xf32> to vector<8x1024xf32>
    %slice3A_1544 = vector.extract_strided_slice %get3A_1477 {offsets = [0, 3072], sizes = [9, 1024], strides = [1, 1]} : vector<9x14336xf32> to vector<9x1024xf32>
    %reduce_sum3A_1545 = arith.constant dense<0.000000e+00> : vector<8xf32>
    %reduce_sum3A_1546 = vector.multi_reduction <add>, %slice3A_1543, %reduce_sum3A_1545 [1] : vector<8x1024xf32> to vector<8xf32>
    %broadcast_in_dim3A_1547 = vector.shape_cast %reduce_sum3A_1546 : vector<8xf32> to vector<8x1xf32>
    %swap3A_1548 = arith.constant 0 : index
    %swap3A_1549 = arith.constant 0 : index
    %swap3A_1550 = arith.constant 73 : index
    %swap3A_1551 = vector.load %arg15[%swap3A_1548, %swap3A_1549, %swap3A_1550] : memref<1x8x98xf32, #tpu.memory_space<vmem>>, vector<1x8x1xf32>
    %swap3A_1552 = vector.shape_cast %swap3A_1551 : vector<1x8x1xf32> to vector<8x1xf32>
    %swap3A_1553 = vector.shape_cast %broadcast_in_dim3A_1547 : vector<8x1xf32> to vector<1x8x1xf32>
    tpu.vector_store %arg15[%swap3A_1548, %swap3A_1549, %swap3A_1550], %swap3A_1553 {strides = array<i32>} : memref<1x8x98xf32, #tpu.memory_space<vmem>>, vector<1x8x1xf32>,
    %reduce_sum3A_1554 = arith.constant dense<0.000000e+00> : vector<9xf32>
    %reduce_sum3A_1555 = vector.multi_reduction <add>, %slice3A_1544, %reduce_sum3A_1554 [1] : vector<9x1024xf32> to vector<9xf32>
    %broadcast_in_dim3A_1556 = vector.shape_cast %reduce_sum3A_1555 : vector<9xf32> to vector<9x1xf32>
    %swap3A_1557 = arith.constant 0 : index
    %swap3A_1558 = arith.constant 0 : index
    %swap3A_1559 = arith.constant 73 : index
    %swap3A_1560 = vector.load %arg16[%swap3A_1557, %swap3A_1558, %swap3A_1559] : memref<1x9x98xf32, #tpu.memory_space<vmem>>, vector<1x9x1xf32>
    %swap3A_1561 = vector.shape_cast %swap3A_1560 : vector<1x9x1xf32> to vector<9x1xf32>
    %swap3A_1562 = vector.shape_cast %broadcast_in_dim3A_1556 : vector<9x1xf32> to vector<1x9x1xf32>
    tpu.vector_store %arg16[%swap3A_1557, %swap3A_1558, %swap3A_1559], %swap3A_1562 {strides = array<i32>} : memref<1x9x98xf32, #tpu.memory_space<vmem>>, vector<1x9x1xf32>,
    %slice3A_1563 = vector.extract_strided_slice %max3A_1482 {offsets = [0, 4096], sizes = [8, 1024], strides = [1, 1]} : vector<8x14336xf32> to vector<8x1024xf32>
    %slice3A_1564 = vector.extract_strided_slice %get3A_1477 {offsets = [0, 4096], sizes = [9, 1024], strides = [1, 1]} : vector<9x14336xf32> to vector<9x1024xf32>
    %reduce_sum3A_1565 = arith.constant dense<0.000000e+00> : vector<8xf32>
    %reduce_sum3A_1566 = vector.multi_reduction <add>, %slice3A_1563, %reduce_sum3A_1565 [1] : vector<8x1024xf32> to vector<8xf32>
    %broadcast_in_dim3A_1567 = vector.shape_cast %reduce_sum3A_1566 : vector<8xf32> to vector<8x1xf32>
    %swap3A_1568 = arith.constant 0 : index
    %swap3A_1569 = arith.constant 0 : index
    %swap3A_1570 = arith.constant 74 : index
    %swap3A_1571 = vector.load %arg15[%swap3A_1568, %swap3A_1569, %swap3A_1570] : memref<1x8x98xf32, #tpu.memory_space<vmem>>, vector<1x8x1xf32>
    %swap3A_1572 = vector.shape_cast %swap3A_1571 : vector<1x8x1xf32> to vector<8x1xf32>
    %swap3A_1573 = vector.shape_cast %broadcast_in_dim3A_1567 : vector<8x1xf32> to vector<1x8x1xf32>
    tpu.vector_store %arg15[%swap3A_1568, %swap3A_1569, %swap3A_1570], %swap3A_1573 {strides = array<i32>} : memref<1x8x98xf32, #tpu.memory_space<vmem>>, vector<1x8x1xf32>,
    %reduce_sum3A_1574 = arith.constant dense<0.000000e+00> : vector<9xf32>
    %reduce_sum3A_1575 = vector.multi_reduction <add>, %slice3A_1564, %reduce_sum3A_1574 [1] : vector<9x1024xf32> to vector<9xf32>
    %broadcast_in_dim3A_1576 = vector.shape_cast %reduce_sum3A_1575 : vector<9xf32> to vector<9x1xf32>
    %swap3A_1577 = arith.constant 0 : index
    %swap3A_1578 = arith.constant 0 : index
    %swap3A_1579 = arith.constant 74 : index
    %swap3A_1580 = vector.load %arg16[%swap3A_1577, %swap3A_1578, %swap3A_1579] : memref<1x9x98xf32, #tpu.memory_space<vmem>>, vector<1x9x1xf32>
    %swap3A_1581 = vector.shape_cast %swap3A_1580 : vector<1x9x1xf32> to vector<9x1xf32>
    %swap3A_1582 = vector.shape_cast %broadcast_in_dim3A_1576 : vector<9x1xf32> to vector<1x9x1xf32>
    tpu.vector_store %arg16[%swap3A_1577, %swap3A_1578, %swap3A_1579], %swap3A_1582 {strides = array<i32>} : memref<1x9x98xf32, #tpu.memory_space<vmem>>, vector<1x9x1xf32>,
    %slice3A_1583 = vector.extract_strided_slice %max3A_1482 {offsets = [0, 5120], sizes = [8, 1024], strides = [1, 1]} : vector<8x14336xf32> to vector<8x1024xf32>
    %slice3A_1584 = vector.extract_strided_slice %get3A_1477 {offsets = [0, 5120], sizes = [9, 1024], strides = [1, 1]} : vector<9x14336xf32> to vector<9x1024xf32>
    %reduce_sum3A_1585 = arith.constant dense<0.000000e+00> : vector<8xf32>
    %reduce_sum3A_1586 = vector.multi_reduction <add>, %slice3A_1583, %reduce_sum3A_1585 [1] : vector<8x1024xf32> to vector<8xf32>
    %broadcast_in_dim3A_1587 = vector.shape_cast %reduce_sum3A_1586 : vector<8xf32> to vector<8x1xf32>
    %swap3A_1588 = arith.constant 0 : index
    %swap3A_1589 = arith.constant 0 : index
    %swap3A_1590 = arith.constant 75 : index
    %swap3A_1591 = vector.load %arg15[%swap3A_1588, %swap3A_1589, %swap3A_1590] : memref<1x8x98xf32, #tpu.memory_space<vmem>>, vector<1x8x1xf32>
    %swap3A_1592 = vector.shape_cast %swap3A_1591 : vector<1x8x1xf32> to vector<8x1xf32>
    %swap3A_1593 = vector.shape_cast %broadcast_in_dim3A_1587 : vector<8x1xf32> to vector<1x8x1xf32>
    tpu.vector_store %arg15[%swap3A_1588, %swap3A_1589, %swap3A_1590], %swap3A_1593 {strides = array<i32>} : memref<1x8x98xf32, #tpu.memory_space<vmem>>, vector<1x8x1xf32>,
    %reduce_sum3A_1594 = arith.constant dense<0.000000e+00> : vector<9xf32>
    %reduce_sum3A_1595 = vector.multi_reduction <add>, %slice3A_1584, %reduce_sum3A_1594 [1] : vector<9x1024xf32> to vector<9xf32>
    %broadcast_in_dim3A_1596 = vector.shape_cast %reduce_sum3A_1595 : vector<9xf32> to vector<9x1xf32>
    %swap3A_1597 = arith.constant 0 : index
    %swap3A_1598 = arith.constant 0 : index
    %swap3A_1599 = arith.constant 75 : index
    %swap3A_1600 = vector.load %arg16[%swap3A_1597, %swap3A_1598, %swap3A_1599] : memref<1x9x98xf32, #tpu.memory_space<vmem>>, vector<1x9x1xf32>
    %swap3A_1601 = vector.shape_cast %swap3A_1600 : vector<1x9x1xf32> to vector<9x1xf32>
    %swap3A_1602 = vector.shape_cast %broadcast_in_dim3A_1596 : vector<9x1xf32> to vector<1x9x1xf32>
    tpu.vector_store %arg16[%swap3A_1597, %swap3A_1598, %swap3A_1599], %swap3A_1602 {strides = array<i32>} : memref<1x9x98xf32, #tpu.memory_space<vmem>>, vector<1x9x1xf32>,
    %slice3A_1603 = vector.extract_strided_slice %max3A_1482 {offsets = [0, 6144], sizes = [8, 1024], strides = [1, 1]} : vector<8x14336xf32> to vector<8x1024xf32>
    %slice3A_1604 = vector.extract_strided_slice %get3A_1477 {offsets = [0, 6144], sizes = [9, 1024], strides = [1, 1]} : vector<9x14336xf32> to vector<9x1024xf32>
    %reduce_sum3A_1605 = arith.constant dense<0.000000e+00> : vector<8xf32>
    %reduce_sum3A_1606 = vector.multi_reduction <add>, %slice3A_1603, %reduce_sum3A_1605 [1] : vector<8x1024xf32> to vector<8xf32>
    %broadcast_in_dim3A_1607 = vector.shape_cast %reduce_sum3A_1606 : vector<8xf32> to vector<8x1xf32>
    %swap3A_1608 = arith.constant 0 : index
    %swap3A_1609 = arith.constant 0 : index
    %swap3A_1610 = arith.constant 76 : index
    %swap3A_1611 = vector.load %arg15[%swap3A_1608, %swap3A_1609, %swap3A_1610] : memref<1x8x98xf32, #tpu.memory_space<vmem>>, vector<1x8x1xf32>
    %swap3A_1612 = vector.shape_cast %swap3A_1611 : vector<1x8x1xf32> to vector<8x1xf32>
    %swap3A_1613 = vector.shape_cast %broadcast_in_dim3A_1607 : vector<8x1xf32> to vector<1x8x1xf32>
    tpu.vector_store %arg15[%swap3A_1608, %swap3A_1609, %swap3A_1610], %swap3A_1613 {strides = array<i32>} : memref<1x8x98xf32, #tpu.memory_space<vmem>>, vector<1x8x1xf32>,
    %reduce_sum3A_1614 = arith.constant dense<0.000000e+00> : vector<9xf32>
    %reduce_sum3A_1615 = vector.multi_reduction <add>, %slice3A_1604, %reduce_sum3A_1614 [1] : vector<9x1024xf32> to vector<9xf32>
    %broadcast_in_dim3A_1616 = vector.shape_cast %reduce_sum3A_1615 : vector<9xf32> to vector<9x1xf32>
    %swap3A_1617 = arith.constant 0 : index
    %swap3A_1618 = arith.constant 0 : index
    %swap3A_1619 = arith.constant 76 : index
    %swap3A_1620 = vector.load %arg16[%swap3A_1617, %swap3A_1618, %swap3A_1619] : memref<1x9x98xf32, #tpu.memory_space<vmem>>, vector<1x9x1xf32>
    %swap3A_1621 = vector.shape_cast %swap3A_1620 : vector<1x9x1xf32> to vector<9x1xf32>
    %swap3A_1622 = vector.shape_cast %broadcast_in_dim3A_1616 : vector<9x1xf32> to vector<1x9x1xf32>
    tpu.vector_store %arg16[%swap3A_1617, %swap3A_1618, %swap3A_1619], %swap3A_1622 {strides = array<i32>} : memref<1x9x98xf32, #tpu.memory_space<vmem>>, vector<1x9x1xf32>,
    %slice3A_1623 = vector.extract_strided_slice %max3A_1482 {offsets = [0, 7168], sizes = [8, 1024], strides = [1, 1]} : vector<8x14336xf32> to vector<8x1024xf32>
    %slice3A_1624 = vector.extract_strided_slice %get3A_1477 {offsets = [0, 7168], sizes = [9, 1024], strides = [1, 1]} : vector<9x14336xf32> to vector<9x1024xf32>
    %reduce_sum3A_1625 = arith.constant dense<0.000000e+00> : vector<8xf32>
    %reduce_sum3A_1626 = vector.multi_reduction <add>, %slice3A_1623, %reduce_sum3A_1625 [1] : vector<8x1024xf32> to vector<8xf32>
    %broadcast_in_dim3A_1627 = vector.shape_cast %reduce_sum3A_1626 : vector<8xf32> to vector<8x1xf32>
    %swap3A_1628 = arith.constant 0 : index
    %swap3A_1629 = arith.constant 0 : index
    %swap3A_1630 = arith.constant 77 : index
    %swap3A_1631 = vector.load %arg15[%swap3A_1628, %swap3A_1629, %swap3A_1630] : memref<1x8x98xf32, #tpu.memory_space<vmem>>, vector<1x8x1xf32>
    %swap3A_1632 = vector.shape_cast %swap3A_1631 : vector<1x8x1xf32> to vector<8x1xf32>
    %swap3A_1633 = vector.shape_cast %broadcast_in_dim3A_1627 : vector<8x1xf32> to vector<1x8x1xf32>
    tpu.vector_store %arg15[%swap3A_1628, %swap3A_1629, %swap3A_1630], %swap3A_1633 {strides = array<i32>} : memref<1x8x98xf32, #tpu.memory_space<vmem>>, vector<1x8x1xf32>,
    %reduce_sum3A_1634 = arith.constant dense<0.000000e+00> : vector<9xf32>
    %reduce_sum3A_1635 = vector.multi_reduction <add>, %slice3A_1624, %reduce_sum3A_1634 [1] : vector<9x1024xf32> to vector<9xf32>
    %broadcast_in_dim3A_1636 = vector.shape_cast %reduce_sum3A_1635 : vector<9xf32> to vector<9x1xf32>
    %swap3A_1637 = arith.constant 0 : index
    %swap3A_1638 = arith.constant 0 : index
    %swap3A_1639 = arith.constant 77 : index
    %swap3A_1640 = vector.load %arg16[%swap3A_1637, %swap3A_1638, %swap3A_1639] : memref<1x9x98xf32, #tpu.memory_space<vmem>>, vector<1x9x1xf32>
    %swap3A_1641 = vector.shape_cast %swap3A_1640 : vector<1x9x1xf32> to vector<9x1xf32>
    %swap3A_1642 = vector.shape_cast %broadcast_in_dim3A_1636 : vector<9x1xf32> to vector<1x9x1xf32>
    tpu.vector_store %arg16[%swap3A_1637, %swap3A_1638, %swap3A_1639], %swap3A_1642 {strides = array<i32>} : memref<1x9x98xf32, #tpu.memory_space<vmem>>, vector<1x9x1xf32>,
    %slice3A_1643 = vector.extract_strided_slice %max3A_1482 {offsets = [0, 8192], sizes = [8, 1024], strides = [1, 1]} : vector<8x14336xf32> to vector<8x1024xf32>
    %slice3A_1644 = vector.extract_strided_slice %get3A_1477 {offsets = [0, 8192], sizes = [9, 1024], strides = [1, 1]} : vector<9x14336xf32> to vector<9x1024xf32>
    %reduce_sum3A_1645 = arith.constant dense<0.000000e+00> : vector<8xf32>
    %reduce_sum3A_1646 = vector.multi_reduction <add>, %slice3A_1643, %reduce_sum3A_1645 [1] : vector<8x1024xf32> to vector<8xf32>
    %broadcast_in_dim3A_1647 = vector.shape_cast %reduce_sum3A_1646 : vector<8xf32> to vector<8x1xf32>
    %swap3A_1648 = arith.constant 0 : index
    %swap3A_1649 = arith.constant 0 : index
    %swap3A_1650 = arith.constant 78 : index
    %swap3A_1651 = vector.load %arg15[%swap3A_1648, %swap3A_1649, %swap3A_1650] : memref<1x8x98xf32, #tpu.memory_space<vmem>>, vector<1x8x1xf32>
    %swap3A_1652 = vector.shape_cast %swap3A_1651 : vector<1x8x1xf32> to vector<8x1xf32>
    %swap3A_1653 = vector.shape_cast %broadcast_in_dim3A_1647 : vector<8x1xf32> to vector<1x8x1xf32>
    tpu.vector_store %arg15[%swap3A_1648, %swap3A_1649, %swap3A_1650], %swap3A_1653 {strides = array<i32>} : memref<1x8x98xf32, #tpu.memory_space<vmem>>, vector<1x8x1xf32>,
    %reduce_sum3A_1654 = arith.constant dense<0.000000e+00> : vector<9xf32>
    %reduce_sum3A_1655 = vector.multi_reduction <add>, %slice3A_1644, %reduce_sum3A_1654 [1] : vector<9x1024xf32> to vector<9xf32>
    %broadcast_in_dim3A_1656 = vector.shape_cast %reduce_sum3A_1655 : vector<9xf32> to vector<9x1xf32>
    %swap3A_1657 = arith.constant 0 : index
    %swap3A_1658 = arith.constant 0 : index
    %swap3A_1659 = arith.constant 78 : index
    %swap3A_1660 = vector.load %arg16[%swap3A_1657, %swap3A_1658, %swap3A_1659] : memref<1x9x98xf32, #tpu.memory_space<vmem>>, vector<1x9x1xf32>
    %swap3A_1661 = vector.shape_cast %swap3A_1660 : vector<1x9x1xf32> to vector<9x1xf32>
    %swap3A_1662 = vector.shape_cast %broadcast_in_dim3A_1656 : vector<9x1xf32> to vector<1x9x1xf32>
    tpu.vector_store %arg16[%swap3A_1657, %swap3A_1658, %swap3A_1659], %swap3A_1662 {strides = array<i32>} : memref<1x9x98xf32, #tpu.memory_space<vmem>>, vector<1x9x1xf32>,
    %slice3A_1663 = vector.extract_strided_slice %max3A_1482 {offsets = [0, 9216], sizes = [8, 1024], strides = [1, 1]} : vector<8x14336xf32> to vector<8x1024xf32>
    %slice3A_1664 = vector.extract_strided_slice %get3A_1477 {offsets = [0, 9216], sizes = [9, 1024], strides = [1, 1]} : vector<9x14336xf32> to vector<9x1024xf32>
    %reduce_sum3A_1665 = arith.constant dense<0.000000e+00> : vector<8xf32>
    %reduce_sum3A_1666 = vector.multi_reduction <add>, %slice3A_1663, %reduce_sum3A_1665 [1] : vector<8x1024xf32> to vector<8xf32>
    %broadcast_in_dim3A_1667 = vector.shape_cast %reduce_sum3A_1666 : vector<8xf32> to vector<8x1xf32>
    %swap3A_1668 = arith.constant 0 : index
    %swap3A_1669 = arith.constant 0 : index
    %swap3A_1670 = arith.constant 79 : index
    %swap3A_1671 = vector.load %arg15[%swap3A_1668, %swap3A_1669, %swap3A_1670] : memref<1x8x98xf32, #tpu.memory_space<vmem>>, vector<1x8x1xf32>
    %swap3A_1672 = vector.shape_cast %swap3A_1671 : vector<1x8x1xf32> to vector<8x1xf32>
    %swap3A_1673 = vector.shape_cast %broadcast_in_dim3A_1667 : vector<8x1xf32> to vector<1x8x1xf32>
    tpu.vector_store %arg15[%swap3A_1668, %swap3A_1669, %swap3A_1670], %swap3A_1673 {strides = array<i32>} : memref<1x8x98xf32, #tpu.memory_space<vmem>>, vector<1x8x1xf32>,
    %reduce_sum3A_1674 = arith.constant dense<0.000000e+00> : vector<9xf32>
    %reduce_sum3A_1675 = vector.multi_reduction <add>, %slice3A_1664, %reduce_sum3A_1674 [1] : vector<9x1024xf32> to vector<9xf32>
    %broadcast_in_dim3A_1676 = vector.shape_cast %reduce_sum3A_1675 : vector<9xf32> to vector<9x1xf32>
    %swap3A_1677 = arith.constant 0 : index
    %swap3A_1678 = arith.constant 0 : index
    %swap3A_1679 = arith.constant 79 : index
    %swap3A_1680 = vector.load %arg16[%swap3A_1677, %swap3A_1678, %swap3A_1679] : memref<1x9x98xf32, #tpu.memory_space<vmem>>, vector<1x9x1xf32>
    %swap3A_1681 = vector.shape_cast %swap3A_1680 : vector<1x9x1xf32> to vector<9x1xf32>
    %swap3A_1682 = vector.shape_cast %broadcast_in_dim3A_1676 : vector<9x1xf32> to vector<1x9x1xf32>
    tpu.vector_store %arg16[%swap3A_1677, %swap3A_1678, %swap3A_1679], %swap3A_1682 {strides = array<i32>} : memref<1x9x98xf32, #tpu.memory_space<vmem>>, vector<1x9x1xf32>,
    %slice3A_1683 = vector.extract_strided_slice %max3A_1482 {offsets = [0, 10240], sizes = [8, 1024], strides = [1, 1]} : vector<8x14336xf32> to vector<8x1024xf32>
    %slice3A_1684 = vector.extract_strided_slice %get3A_1477 {offsets = [0, 10240], sizes = [9, 1024], strides = [1, 1]} : vector<9x14336xf32> to vector<9x1024xf32>
    %reduce_sum3A_1685 = arith.constant dense<0.000000e+00> : vector<8xf32>
    %reduce_sum3A_1686 = vector.multi_reduction <add>, %slice3A_1683, %reduce_sum3A_1685 [1] : vector<8x1024xf32> to vector<8xf32>
    %broadcast_in_dim3A_1687 = vector.shape_cast %reduce_sum3A_1686 : vector<8xf32> to vector<8x1xf32>
    %swap3A_1688 = arith.constant 0 : index
    %swap3A_1689 = arith.constant 0 : index
    %swap3A_1690 = arith.constant 80 : index
    %swap3A_1691 = vector.load %arg15[%swap3A_1688, %swap3A_1689, %swap3A_1690] : memref<1x8x98xf32, #tpu.memory_space<vmem>>, vector<1x8x1xf32>
    %swap3A_1692 = vector.shape_cast %swap3A_1691 : vector<1x8x1xf32> to vector<8x1xf32>
    %swap3A_1693 = vector.shape_cast %broadcast_in_dim3A_1687 : vector<8x1xf32> to vector<1x8x1xf32>
    tpu.vector_store %arg15[%swap3A_1688, %swap3A_1689, %swap3A_1690], %swap3A_1693 {strides = array<i32>} : memref<1x8x98xf32, #tpu.memory_space<vmem>>, vector<1x8x1xf32>,
    %reduce_sum3A_1694 = arith.constant dense<0.000000e+00> : vector<9xf32>
    %reduce_sum3A_1695 = vector.multi_reduction <add>, %slice3A_1684, %reduce_sum3A_1694 [1] : vector<9x1024xf32> to vector<9xf32>
    %broadcast_in_dim3A_1696 = vector.shape_cast %reduce_sum3A_1695 : vector<9xf32> to vector<9x1xf32>
    %swap3A_1697 = arith.constant 0 : index
    %swap3A_1698 = arith.constant 0 : index
    %swap3A_1699 = arith.constant 80 : index
    %swap3A_1700 = vector.load %arg16[%swap3A_1697, %swap3A_1698, %swap3A_1699] : memref<1x9x98xf32, #tpu.memory_space<vmem>>, vector<1x9x1xf32>
    %swap3A_1701 = vector.shape_cast %swap3A_1700 : vector<1x9x1xf32> to vector<9x1xf32>
    %swap3A_1702 = vector.shape_cast %broadcast_in_dim3A_1696 : vector<9x1xf32> to vector<1x9x1xf32>
    tpu.vector_store %arg16[%swap3A_1697, %swap3A_1698, %swap3A_1699], %swap3A_1702 {strides = array<i32>} : memref<1x9x98xf32, #tpu.memory_space<vmem>>, vector<1x9x1xf32>,
    %slice3A_1703 = vector.extract_strided_slice %max3A_1482 {offsets = [0, 11264], sizes = [8, 1024], strides = [1, 1]} : vector<8x14336xf32> to vector<8x1024xf32>
    %slice3A_1704 = vector.extract_strided_slice %get3A_1477 {offsets = [0, 11264], sizes = [9, 1024], strides = [1, 1]} : vector<9x14336xf32> to vector<9x1024xf32>
    %reduce_sum3A_1705 = arith.constant dense<0.000000e+00> : vector<8xf32>
    %reduce_sum3A_1706 = vector.multi_reduction <add>, %slice3A_1703, %reduce_sum3A_1705 [1] : vector<8x1024xf32> to vector<8xf32>
    %broadcast_in_dim3A_1707 = vector.shape_cast %reduce_sum3A_1706 : vector<8xf32> to vector<8x1xf32>
    %swap3A_1708 = arith.constant 0 : index
    %swap3A_1709 = arith.constant 0 : index
    %swap3A_1710 = arith.constant 81 : index
    %swap3A_1711 = vector.load %arg15[%swap3A_1708, %swap3A_1709, %swap3A_1710] : memref<1x8x98xf32, #tpu.memory_space<vmem>>, vector<1x8x1xf32>
    %swap3A_1712 = vector.shape_cast %swap3A_1711 : vector<1x8x1xf32> to vector<8x1xf32>
    %swap3A_1713 = vector.shape_cast %broadcast_in_dim3A_1707 : vector<8x1xf32> to vector<1x8x1xf32>
    tpu.vector_store %arg15[%swap3A_1708, %swap3A_1709, %swap3A_1710], %swap3A_1713 {strides = array<i32>} : memref<1x8x98xf32, #tpu.memory_space<vmem>>, vector<1x8x1xf32>,
    %reduce_sum3A_1714 = arith.constant dense<0.000000e+00> : vector<9xf32>
    %reduce_sum3A_1715 = vector.multi_reduction <add>, %slice3A_1704, %reduce_sum3A_1714 [1] : vector<9x1024xf32> to vector<9xf32>
    %broadcast_in_dim3A_1716 = vector.shape_cast %reduce_sum3A_1715 : vector<9xf32> to vector<9x1xf32>
    %swap3A_1717 = arith.constant 0 : index
    %swap3A_1718 = arith.constant 0 : index
    %swap3A_1719 = arith.constant 81 : index
    %swap3A_1720 = vector.load %arg16[%swap3A_1717, %swap3A_1718, %swap3A_1719] : memref<1x9x98xf32, #tpu.memory_space<vmem>>, vector<1x9x1xf32>
    %swap3A_1721 = vector.shape_cast %swap3A_1720 : vector<1x9x1xf32> to vector<9x1xf32>
    %swap3A_1722 = vector.shape_cast %broadcast_in_dim3A_1716 : vector<9x1xf32> to vector<1x9x1xf32>
    tpu.vector_store %arg16[%swap3A_1717, %swap3A_1718, %swap3A_1719], %swap3A_1722 {strides = array<i32>} : memref<1x9x98xf32, #tpu.memory_space<vmem>>, vector<1x9x1xf32>,
    %slice3A_1723 = vector.extract_strided_slice %max3A_1482 {offsets = [0, 12288], sizes = [8, 1024], strides = [1, 1]} : vector<8x14336xf32> to vector<8x1024xf32>
    %slice3A_1724 = vector.extract_strided_slice %get3A_1477 {offsets = [0, 12288], sizes = [9, 1024], strides = [1, 1]} : vector<9x14336xf32> to vector<9x1024xf32>
    %reduce_sum3A_1725 = arith.constant dense<0.000000e+00> : vector<8xf32>
    %reduce_sum3A_1726 = vector.multi_reduction <add>, %slice3A_1723, %reduce_sum3A_1725 [1] : vector<8x1024xf32> to vector<8xf32>
    %broadcast_in_dim3A_1727 = vector.shape_cast %reduce_sum3A_1726 : vector<8xf32> to vector<8x1xf32>
    %swap3A_1728 = arith.constant 0 : index
    %swap3A_1729 = arith.constant 0 : index
    %swap3A_1730 = arith.constant 82 : index
    %swap3A_1731 = vector.load %arg15[%swap3A_1728, %swap3A_1729, %swap3A_1730] : memref<1x8x98xf32, #tpu.memory_space<vmem>>, vector<1x8x1xf32>
    %swap3A_1732 = vector.shape_cast %swap3A_1731 : vector<1x8x1xf32> to vector<8x1xf32>
    %swap3A_1733 = vector.shape_cast %broadcast_in_dim3A_1727 : vector<8x1xf32> to vector<1x8x1xf32>
    tpu.vector_store %arg15[%swap3A_1728, %swap3A_1729, %swap3A_1730], %swap3A_1733 {strides = array<i32>} : memref<1x8x98xf32, #tpu.memory_space<vmem>>, vector<1x8x1xf32>,
    %reduce_sum3A_1734 = arith.constant dense<0.000000e+00> : vector<9xf32>
    %reduce_sum3A_1735 = vector.multi_reduction <add>, %slice3A_1724, %reduce_sum3A_1734 [1] : vector<9x1024xf32> to vector<9xf32>
    %broadcast_in_dim3A_1736 = vector.shape_cast %reduce_sum3A_1735 : vector<9xf32> to vector<9x1xf32>
    %swap3A_1737 = arith.constant 0 : index
    %swap3A_1738 = arith.constant 0 : index
    %swap3A_1739 = arith.constant 82 : index
    %swap3A_1740 = vector.load %arg16[%swap3A_1737, %swap3A_1738, %swap3A_1739] : memref<1x9x98xf32, #tpu.memory_space<vmem>>, vector<1x9x1xf32>
    %swap3A_1741 = vector.shape_cast %swap3A_1740 : vector<1x9x1xf32> to vector<9x1xf32>
    %swap3A_1742 = vector.shape_cast %broadcast_in_dim3A_1736 : vector<9x1xf32> to vector<1x9x1xf32>
    tpu.vector_store %arg16[%swap3A_1737, %swap3A_1738, %swap3A_1739], %swap3A_1742 {strides = array<i32>} : memref<1x9x98xf32, #tpu.memory_space<vmem>>, vector<1x9x1xf32>,
    %slice3A_1743 = vector.extract_strided_slice %max3A_1482 {offsets = [0, 13312], sizes = [8, 1024], strides = [1, 1]} : vector<8x14336xf32> to vector<8x1024xf32>
    %slice3A_1744 = vector.extract_strided_slice %get3A_1477 {offsets = [0, 13312], sizes = [9, 1024], strides = [1, 1]} : vector<9x14336xf32> to vector<9x1024xf32>
    %reduce_sum3A_1745 = arith.constant dense<0.000000e+00> : vector<8xf32>
    %reduce_sum3A_1746 = vector.multi_reduction <add>, %slice3A_1743, %reduce_sum3A_1745 [1] : vector<8x1024xf32> to vector<8xf32>
    %broadcast_in_dim3A_1747 = vector.shape_cast %reduce_sum3A_1746 : vector<8xf32> to vector<8x1xf32>
    %swap3A_1748 = arith.constant 0 : index
    %swap3A_1749 = arith.constant 0 : index
    %swap3A_1750 = arith.constant 83 : index
    %swap3A_1751 = vector.load %arg15[%swap3A_1748, %swap3A_1749, %swap3A_1750] : memref<1x8x98xf32, #tpu.memory_space<vmem>>, vector<1x8x1xf32>
    %swap3A_1752 = vector.shape_cast %swap3A_1751 : vector<1x8x1xf32> to vector<8x1xf32>
    %swap3A_1753 = vector.shape_cast %broadcast_in_dim3A_1747 : vector<8x1xf32> to vector<1x8x1xf32>
    tpu.vector_store %arg15[%swap3A_1748, %swap3A_1749, %swap3A_1750], %swap3A_1753 {strides = array<i32>} : memref<1x8x98xf32, #tpu.memory_space<vmem>>, vector<1x8x1xf32>,
    %reduce_sum3A_1754 = arith.constant dense<0.000000e+00> : vector<9xf32>
    %reduce_sum3A_1755 = vector.multi_reduction <add>, %slice3A_1744, %reduce_sum3A_1754 [1] : vector<9x1024xf32> to vector<9xf32>
    %broadcast_in_dim3A_1756 = vector.shape_cast %reduce_sum3A_1755 : vector<9xf32> to vector<9x1xf32>
    %swap3A_1757 = arith.constant 0 : index
    %swap3A_1758 = arith.constant 0 : index
    %swap3A_1759 = arith.constant 83 : index
    %swap3A_1760 = vector.load %arg16[%swap3A_1757, %swap3A_1758, %swap3A_1759] : memref<1x9x98xf32, #tpu.memory_space<vmem>>, vector<1x9x1xf32>
    %swap3A_1761 = vector.shape_cast %swap3A_1760 : vector<1x9x1xf32> to vector<9x1xf32>
    %swap3A_1762 = vector.shape_cast %broadcast_in_dim3A_1756 : vector<9x1xf32> to vector<1x9x1xf32>
    tpu.vector_store %arg16[%swap3A_1757, %swap3A_1758, %swap3A_1759], %swap3A_1762 {strides = array<i32>} : memref<1x9x98xf32, #tpu.memory_space<vmem>>, vector<1x9x1xf32>,
    %get3A_1763 = arith.constant 0 : index
    %get3A_1764 = arith.constant 0 : index
    %get3A_1765 = arith.constant 0 : index
    %get3A_1766 = vector.load %arg7[%get3A_1763, %get3A_1764, %get3A_1765] : memref<1x8x14336xf32, #tpu.memory_space<vmem>>, vector<1x8x14336xf32>
    %get3A_1767 = vector.shape_cast %get3A_1766 : vector<1x8x14336xf32> to vector<8x14336xf32>
    %get3A_1768 = arith.constant 0 : index
    %get3A_1769 = arith.constant 0 : index
    %get3A_1770 = arith.constant 0 : index
    %get3A_1771 = vector.load %arg14[%get3A_1768, %get3A_1769, %get3A_1770] : memref<1x9x14336xf32, #tpu.memory_space<vmem>>, vector<1x9x14336xf32>
    %get3A_1772 = vector.shape_cast %get3A_1771 : vector<1x9x14336xf32> to vector<9x14336xf32>
    %slice3A_1773 = vector.extract_strided_slice %get3A_1772 {offsets = [0, 0], sizes = [8, 14336], strides = [1, 1]} : vector<9x14336xf32> to vector<8x14336xf32>
    %sub3A_1774 = arith.subf %slice3A_1773, %get3A_1767 : vector<8x14336xf32>
    %max3A_1775 = arith.constant 0.000000e+00 : f32
    %max3A_1776 = vector.broadcast %max3A_1775 : f32 to vector<8x14336xf32>
    %max3A_1777 = arith.maximumf %sub3A_1774, %max3A_1776 : vector<8x14336xf32>
    %slice3A_1778 = vector.extract_strided_slice %max3A_1777 {offsets = [0, 0], sizes = [8, 1024], strides = [1, 1]} : vector<8x14336xf32> to vector<8x1024xf32>
    %slice3A_1779 = vector.extract_strided_slice %get3A_1772 {offsets = [0, 0], sizes = [9, 1024], strides = [1, 1]} : vector<9x14336xf32> to vector<9x1024xf32>
    %reduce_sum3A_1780 = arith.constant dense<0.000000e+00> : vector<8xf32>
    %reduce_sum3A_1781 = vector.multi_reduction <add>, %slice3A_1778, %reduce_sum3A_1780 [1] : vector<8x1024xf32> to vector<8xf32>
    %broadcast_in_dim3A_1782 = vector.shape_cast %reduce_sum3A_1781 : vector<8xf32> to vector<8x1xf32>
    %swap3A_1783 = arith.constant 0 : index
    %swap3A_1784 = arith.constant 0 : index
    %swap3A_1785 = arith.constant 84 : index
    %swap3A_1786 = vector.load %arg15[%swap3A_1783, %swap3A_1784, %swap3A_1785] : memref<1x8x98xf32, #tpu.memory_space<vmem>>, vector<1x8x1xf32>
    %swap3A_1787 = vector.shape_cast %swap3A_1786 : vector<1x8x1xf32> to vector<8x1xf32>
    %swap3A_1788 = vector.shape_cast %broadcast_in_dim3A_1782 : vector<8x1xf32> to vector<1x8x1xf32>
    tpu.vector_store %arg15[%swap3A_1783, %swap3A_1784, %swap3A_1785], %swap3A_1788 {strides = array<i32>} : memref<1x8x98xf32, #tpu.memory_space<vmem>>, vector<1x8x1xf32>,
    %reduce_sum3A_1789 = arith.constant dense<0.000000e+00> : vector<9xf32>
    %reduce_sum3A_1790 = vector.multi_reduction <add>, %slice3A_1779, %reduce_sum3A_1789 [1] : vector<9x1024xf32> to vector<9xf32>
    %broadcast_in_dim3A_1791 = vector.shape_cast %reduce_sum3A_1790 : vector<9xf32> to vector<9x1xf32>
    %swap3A_1792 = arith.constant 0 : index
    %swap3A_1793 = arith.constant 0 : index
    %swap3A_1794 = arith.constant 84 : index
    %swap3A_1795 = vector.load %arg16[%swap3A_1792, %swap3A_1793, %swap3A_1794] : memref<1x9x98xf32, #tpu.memory_space<vmem>>, vector<1x9x1xf32>
    %swap3A_1796 = vector.shape_cast %swap3A_1795 : vector<1x9x1xf32> to vector<9x1xf32>
    %swap3A_1797 = vector.shape_cast %broadcast_in_dim3A_1791 : vector<9x1xf32> to vector<1x9x1xf32>
    tpu.vector_store %arg16[%swap3A_1792, %swap3A_1793, %swap3A_1794], %swap3A_1797 {strides = array<i32>} : memref<1x9x98xf32, #tpu.memory_space<vmem>>, vector<1x9x1xf32>,
    %slice3A_1798 = vector.extract_strided_slice %max3A_1777 {offsets = [0, 1024], sizes = [8, 1024], strides = [1, 1]} : vector<8x14336xf32> to vector<8x1024xf32>
    %slice3A_1799 = vector.extract_strided_slice %get3A_1772 {offsets = [0, 1024], sizes = [9, 1024], strides = [1, 1]} : vector<9x14336xf32> to vector<9x1024xf32>
    %reduce_sum3A_1800 = arith.constant dense<0.000000e+00> : vector<8xf32>
    %reduce_sum3A_1801 = vector.multi_reduction <add>, %slice3A_1798, %reduce_sum3A_1800 [1] : vector<8x1024xf32> to vector<8xf32>
    %broadcast_in_dim3A_1802 = vector.shape_cast %reduce_sum3A_1801 : vector<8xf32> to vector<8x1xf32>
    %swap3A_1803 = arith.constant 0 : index
    %swap3A_1804 = arith.constant 0 : index
    %swap3A_1805 = arith.constant 85 : index
    %swap3A_1806 = vector.load %arg15[%swap3A_1803, %swap3A_1804, %swap3A_1805] : memref<1x8x98xf32, #tpu.memory_space<vmem>>, vector<1x8x1xf32>
    %swap3A_1807 = vector.shape_cast %swap3A_1806 : vector<1x8x1xf32> to vector<8x1xf32>
    %swap3A_1808 = vector.shape_cast %broadcast_in_dim3A_1802 : vector<8x1xf32> to vector<1x8x1xf32>
    tpu.vector_store %arg15[%swap3A_1803, %swap3A_1804, %swap3A_1805], %swap3A_1808 {strides = array<i32>} : memref<1x8x98xf32, #tpu.memory_space<vmem>>, vector<1x8x1xf32>,
    %reduce_sum3A_1809 = arith.constant dense<0.000000e+00> : vector<9xf32>
    %reduce_sum3A_1810 = vector.multi_reduction <add>, %slice3A_1799, %reduce_sum3A_1809 [1] : vector<9x1024xf32> to vector<9xf32>
    %broadcast_in_dim3A_1811 = vector.shape_cast %reduce_sum3A_1810 : vector<9xf32> to vector<9x1xf32>
    %swap3A_1812 = arith.constant 0 : index
    %swap3A_1813 = arith.constant 0 : index
    %swap3A_1814 = arith.constant 85 : index
    %swap3A_1815 = vector.load %arg16[%swap3A_1812, %swap3A_1813, %swap3A_1814] : memref<1x9x98xf32, #tpu.memory_space<vmem>>, vector<1x9x1xf32>
    %swap3A_1816 = vector.shape_cast %swap3A_1815 : vector<1x9x1xf32> to vector<9x1xf32>
    %swap3A_1817 = vector.shape_cast %broadcast_in_dim3A_1811 : vector<9x1xf32> to vector<1x9x1xf32>
    tpu.vector_store %arg16[%swap3A_1812, %swap3A_1813, %swap3A_1814], %swap3A_1817 {strides = array<i32>} : memref<1x9x98xf32, #tpu.memory_space<vmem>>, vector<1x9x1xf32>,
    %slice3A_1818 = vector.extract_strided_slice %max3A_1777 {offsets = [0, 2048], sizes = [8, 1024], strides = [1, 1]} : vector<8x14336xf32> to vector<8x1024xf32>
    %slice3A_1819 = vector.extract_strided_slice %get3A_1772 {offsets = [0, 2048], sizes = [9, 1024], strides = [1, 1]} : vector<9x14336xf32> to vector<9x1024xf32>
    %reduce_sum3A_1820 = arith.constant dense<0.000000e+00> : vector<8xf32>
    %reduce_sum3A_1821 = vector.multi_reduction <add>, %slice3A_1818, %reduce_sum3A_1820 [1] : vector<8x1024xf32> to vector<8xf32>
    %broadcast_in_dim3A_1822 = vector.shape_cast %reduce_sum3A_1821 : vector<8xf32> to vector<8x1xf32>
    %swap3A_1823 = arith.constant 0 : index
    %swap3A_1824 = arith.constant 0 : index
    %swap3A_1825 = arith.constant 86 : index
    %swap3A_1826 = vector.load %arg15[%swap3A_1823, %swap3A_1824, %swap3A_1825] : memref<1x8x98xf32, #tpu.memory_space<vmem>>, vector<1x8x1xf32>
    %swap3A_1827 = vector.shape_cast %swap3A_1826 : vector<1x8x1xf32> to vector<8x1xf32>
    %swap3A_1828 = vector.shape_cast %broadcast_in_dim3A_1822 : vector<8x1xf32> to vector<1x8x1xf32>
    tpu.vector_store %arg15[%swap3A_1823, %swap3A_1824, %swap3A_1825], %swap3A_1828 {strides = array<i32>} : memref<1x8x98xf32, #tpu.memory_space<vmem>>, vector<1x8x1xf32>,
    %reduce_sum3A_1829 = arith.constant dense<0.000000e+00> : vector<9xf32>
    %reduce_sum3A_1830 = vector.multi_reduction <add>, %slice3A_1819, %reduce_sum3A_1829 [1] : vector<9x1024xf32> to vector<9xf32>
    %broadcast_in_dim3A_1831 = vector.shape_cast %reduce_sum3A_1830 : vector<9xf32> to vector<9x1xf32>
    %swap3A_1832 = arith.constant 0 : index
    %swap3A_1833 = arith.constant 0 : index
    %swap3A_1834 = arith.constant 86 : index
    %swap3A_1835 = vector.load %arg16[%swap3A_1832, %swap3A_1833, %swap3A_1834] : memref<1x9x98xf32, #tpu.memory_space<vmem>>, vector<1x9x1xf32>
    %swap3A_1836 = vector.shape_cast %swap3A_1835 : vector<1x9x1xf32> to vector<9x1xf32>
    %swap3A_1837 = vector.shape_cast %broadcast_in_dim3A_1831 : vector<9x1xf32> to vector<1x9x1xf32>
    tpu.vector_store %arg16[%swap3A_1832, %swap3A_1833, %swap3A_1834], %swap3A_1837 {strides = array<i32>} : memref<1x9x98xf32, #tpu.memory_space<vmem>>, vector<1x9x1xf32>,
    %slice3A_1838 = vector.extract_strided_slice %max3A_1777 {offsets = [0, 3072], sizes = [8, 1024], strides = [1, 1]} : vector<8x14336xf32> to vector<8x1024xf32>
    %slice3A_1839 = vector.extract_strided_slice %get3A_1772 {offsets = [0, 3072], sizes = [9, 1024], strides = [1, 1]} : vector<9x14336xf32> to vector<9x1024xf32>
    %reduce_sum3A_1840 = arith.constant dense<0.000000e+00> : vector<8xf32>
    %reduce_sum3A_1841 = vector.multi_reduction <add>, %slice3A_1838, %reduce_sum3A_1840 [1] : vector<8x1024xf32> to vector<8xf32>
    %broadcast_in_dim3A_1842 = vector.shape_cast %reduce_sum3A_1841 : vector<8xf32> to vector<8x1xf32>
    %swap3A_1843 = arith.constant 0 : index
    %swap3A_1844 = arith.constant 0 : index
    %swap3A_1845 = arith.constant 87 : index
    %swap3A_1846 = vector.load %arg15[%swap3A_1843, %swap3A_1844, %swap3A_1845] : memref<1x8x98xf32, #tpu.memory_space<vmem>>, vector<1x8x1xf32>
    %swap3A_1847 = vector.shape_cast %swap3A_1846 : vector<1x8x1xf32> to vector<8x1xf32>
    %swap3A_1848 = vector.shape_cast %broadcast_in_dim3A_1842 : vector<8x1xf32> to vector<1x8x1xf32>
    tpu.vector_store %arg15[%swap3A_1843, %swap3A_1844, %swap3A_1845], %swap3A_1848 {strides = array<i32>} : memref<1x8x98xf32, #tpu.memory_space<vmem>>, vector<1x8x1xf32>,
    %reduce_sum3A_1849 = arith.constant dense<0.000000e+00> : vector<9xf32>
    %reduce_sum3A_1850 = vector.multi_reduction <add>, %slice3A_1839, %reduce_sum3A_1849 [1] : vector<9x1024xf32> to vector<9xf32>
    %broadcast_in_dim3A_1851 = vector.shape_cast %reduce_sum3A_1850 : vector<9xf32> to vector<9x1xf32>
    %swap3A_1852 = arith.constant 0 : index
    %swap3A_1853 = arith.constant 0 : index
    %swap3A_1854 = arith.constant 87 : index
    %swap3A_1855 = vector.load %arg16[%swap3A_1852, %swap3A_1853, %swap3A_1854] : memref<1x9x98xf32, #tpu.memory_space<vmem>>, vector<1x9x1xf32>
    %swap3A_1856 = vector.shape_cast %swap3A_1855 : vector<1x9x1xf32> to vector<9x1xf32>
    %swap3A_1857 = vector.shape_cast %broadcast_in_dim3A_1851 : vector<9x1xf32> to vector<1x9x1xf32>
    tpu.vector_store %arg16[%swap3A_1852, %swap3A_1853, %swap3A_1854], %swap3A_1857 {strides = array<i32>} : memref<1x9x98xf32, #tpu.memory_space<vmem>>, vector<1x9x1xf32>,
    %slice3A_1858 = vector.extract_strided_slice %max3A_1777 {offsets = [0, 4096], sizes = [8, 1024], strides = [1, 1]} : vector<8x14336xf32> to vector<8x1024xf32>
    %slice3A_1859 = vector.extract_strided_slice %get3A_1772 {offsets = [0, 4096], sizes = [9, 1024], strides = [1, 1]} : vector<9x14336xf32> to vector<9x1024xf32>
    %reduce_sum3A_1860 = arith.constant dense<0.000000e+00> : vector<8xf32>
    %reduce_sum3A_1861 = vector.multi_reduction <add>, %slice3A_1858, %reduce_sum3A_1860 [1] : vector<8x1024xf32> to vector<8xf32>
    %broadcast_in_dim3A_1862 = vector.shape_cast %reduce_sum3A_1861 : vector<8xf32> to vector<8x1xf32>
    %swap3A_1863 = arith.constant 0 : index
    %swap3A_1864 = arith.constant 0 : index
    %swap3A_1865 = arith.constant 88 : index
    %swap3A_1866 = vector.load %arg15[%swap3A_1863, %swap3A_1864, %swap3A_1865] : memref<1x8x98xf32, #tpu.memory_space<vmem>>, vector<1x8x1xf32>
    %swap3A_1867 = vector.shape_cast %swap3A_1866 : vector<1x8x1xf32> to vector<8x1xf32>
    %swap3A_1868 = vector.shape_cast %broadcast_in_dim3A_1862 : vector<8x1xf32> to vector<1x8x1xf32>
    tpu.vector_store %arg15[%swap3A_1863, %swap3A_1864, %swap3A_1865], %swap3A_1868 {strides = array<i32>} : memref<1x8x98xf32, #tpu.memory_space<vmem>>, vector<1x8x1xf32>,
    %reduce_sum3A_1869 = arith.constant dense<0.000000e+00> : vector<9xf32>
    %reduce_sum3A_1870 = vector.multi_reduction <add>, %slice3A_1859, %reduce_sum3A_1869 [1] : vector<9x1024xf32> to vector<9xf32>
    %broadcast_in_dim3A_1871 = vector.shape_cast %reduce_sum3A_1870 : vector<9xf32> to vector<9x1xf32>
    %swap3A_1872 = arith.constant 0 : index
    %swap3A_1873 = arith.constant 0 : index
    %swap3A_1874 = arith.constant 88 : index
    %swap3A_1875 = vector.load %arg16[%swap3A_1872, %swap3A_1873, %swap3A_1874] : memref<1x9x98xf32, #tpu.memory_space<vmem>>, vector<1x9x1xf32>
    %swap3A_1876 = vector.shape_cast %swap3A_1875 : vector<1x9x1xf32> to vector<9x1xf32>
    %swap3A_1877 = vector.shape_cast %broadcast_in_dim3A_1871 : vector<9x1xf32> to vector<1x9x1xf32>
    tpu.vector_store %arg16[%swap3A_1872, %swap3A_1873, %swap3A_1874], %swap3A_1877 {strides = array<i32>} : memref<1x9x98xf32, #tpu.memory_space<vmem>>, vector<1x9x1xf32>,
    %slice3A_1878 = vector.extract_strided_slice %max3A_1777 {offsets = [0, 5120], sizes = [8, 1024], strides = [1, 1]} : vector<8x14336xf32> to vector<8x1024xf32>
    %slice3A_1879 = vector.extract_strided_slice %get3A_1772 {offsets = [0, 5120], sizes = [9, 1024], strides = [1, 1]} : vector<9x14336xf32> to vector<9x1024xf32>
    %reduce_sum3A_1880 = arith.constant dense<0.000000e+00> : vector<8xf32>
    %reduce_sum3A_1881 = vector.multi_reduction <add>, %slice3A_1878, %reduce_sum3A_1880 [1] : vector<8x1024xf32> to vector<8xf32>
    %broadcast_in_dim3A_1882 = vector.shape_cast %reduce_sum3A_1881 : vector<8xf32> to vector<8x1xf32>
    %swap3A_1883 = arith.constant 0 : index
    %swap3A_1884 = arith.constant 0 : index
    %swap3A_1885 = arith.constant 89 : index
    %swap3A_1886 = vector.load %arg15[%swap3A_1883, %swap3A_1884, %swap3A_1885] : memref<1x8x98xf32, #tpu.memory_space<vmem>>, vector<1x8x1xf32>
    %swap3A_1887 = vector.shape_cast %swap3A_1886 : vector<1x8x1xf32> to vector<8x1xf32>
    %swap3A_1888 = vector.shape_cast %broadcast_in_dim3A_1882 : vector<8x1xf32> to vector<1x8x1xf32>
    tpu.vector_store %arg15[%swap3A_1883, %swap3A_1884, %swap3A_1885], %swap3A_1888 {strides = array<i32>} : memref<1x8x98xf32, #tpu.memory_space<vmem>>, vector<1x8x1xf32>,
    %reduce_sum3A_1889 = arith.constant dense<0.000000e+00> : vector<9xf32>
    %reduce_sum3A_1890 = vector.multi_reduction <add>, %slice3A_1879, %reduce_sum3A_1889 [1] : vector<9x1024xf32> to vector<9xf32>
    %broadcast_in_dim3A_1891 = vector.shape_cast %reduce_sum3A_1890 : vector<9xf32> to vector<9x1xf32>
    %swap3A_1892 = arith.constant 0 : index
    %swap3A_1893 = arith.constant 0 : index
    %swap3A_1894 = arith.constant 89 : index
    %swap3A_1895 = vector.load %arg16[%swap3A_1892, %swap3A_1893, %swap3A_1894] : memref<1x9x98xf32, #tpu.memory_space<vmem>>, vector<1x9x1xf32>
    %swap3A_1896 = vector.shape_cast %swap3A_1895 : vector<1x9x1xf32> to vector<9x1xf32>
    %swap3A_1897 = vector.shape_cast %broadcast_in_dim3A_1891 : vector<9x1xf32> to vector<1x9x1xf32>
    tpu.vector_store %arg16[%swap3A_1892, %swap3A_1893, %swap3A_1894], %swap3A_1897 {strides = array<i32>} : memref<1x9x98xf32, #tpu.memory_space<vmem>>, vector<1x9x1xf32>,
    %slice3A_1898 = vector.extract_strided_slice %max3A_1777 {offsets = [0, 6144], sizes = [8, 1024], strides = [1, 1]} : vector<8x14336xf32> to vector<8x1024xf32>
    %slice3A_1899 = vector.extract_strided_slice %get3A_1772 {offsets = [0, 6144], sizes = [9, 1024], strides = [1, 1]} : vector<9x14336xf32> to vector<9x1024xf32>
    %reduce_sum3A_1900 = arith.constant dense<0.000000e+00> : vector<8xf32>
    %reduce_sum3A_1901 = vector.multi_reduction <add>, %slice3A_1898, %reduce_sum3A_1900 [1] : vector<8x1024xf32> to vector<8xf32>
    %broadcast_in_dim3A_1902 = vector.shape_cast %reduce_sum3A_1901 : vector<8xf32> to vector<8x1xf32>
    %swap3A_1903 = arith.constant 0 : index
    %swap3A_1904 = arith.constant 0 : index
    %swap3A_1905 = arith.constant 90 : index
    %swap3A_1906 = vector.load %arg15[%swap3A_1903, %swap3A_1904, %swap3A_1905] : memref<1x8x98xf32, #tpu.memory_space<vmem>>, vector<1x8x1xf32>
    %swap3A_1907 = vector.shape_cast %swap3A_1906 : vector<1x8x1xf32> to vector<8x1xf32>
    %swap3A_1908 = vector.shape_cast %broadcast_in_dim3A_1902 : vector<8x1xf32> to vector<1x8x1xf32>
    tpu.vector_store %arg15[%swap3A_1903, %swap3A_1904, %swap3A_1905], %swap3A_1908 {strides = array<i32>} : memref<1x8x98xf32, #tpu.memory_space<vmem>>, vector<1x8x1xf32>,
    %reduce_sum3A_1909 = arith.constant dense<0.000000e+00> : vector<9xf32>
    %reduce_sum3A_1910 = vector.multi_reduction <add>, %slice3A_1899, %reduce_sum3A_1909 [1] : vector<9x1024xf32> to vector<9xf32>
    %broadcast_in_dim3A_1911 = vector.shape_cast %reduce_sum3A_1910 : vector<9xf32> to vector<9x1xf32>
    %swap3A_1912 = arith.constant 0 : index
    %swap3A_1913 = arith.constant 0 : index
    %swap3A_1914 = arith.constant 90 : index
    %swap3A_1915 = vector.load %arg16[%swap3A_1912, %swap3A_1913, %swap3A_1914] : memref<1x9x98xf32, #tpu.memory_space<vmem>>, vector<1x9x1xf32>
    %swap3A_1916 = vector.shape_cast %swap3A_1915 : vector<1x9x1xf32> to vector<9x1xf32>
    %swap3A_1917 = vector.shape_cast %broadcast_in_dim3A_1911 : vector<9x1xf32> to vector<1x9x1xf32>
    tpu.vector_store %arg16[%swap3A_1912, %swap3A_1913, %swap3A_1914], %swap3A_1917 {strides = array<i32>} : memref<1x9x98xf32, #tpu.memory_space<vmem>>, vector<1x9x1xf32>,
    %slice3A_1918 = vector.extract_strided_slice %max3A_1777 {offsets = [0, 7168], sizes = [8, 1024], strides = [1, 1]} : vector<8x14336xf32> to vector<8x1024xf32>
    %slice3A_1919 = vector.extract_strided_slice %get3A_1772 {offsets = [0, 7168], sizes = [9, 1024], strides = [1, 1]} : vector<9x14336xf32> to vector<9x1024xf32>
    %reduce_sum3A_1920 = arith.constant dense<0.000000e+00> : vector<8xf32>
    %reduce_sum3A_1921 = vector.multi_reduction <add>, %slice3A_1918, %reduce_sum3A_1920 [1] : vector<8x1024xf32> to vector<8xf32>
    %broadcast_in_dim3A_1922 = vector.shape_cast %reduce_sum3A_1921 : vector<8xf32> to vector<8x1xf32>
    %swap3A_1923 = arith.constant 0 : index
    %swap3A_1924 = arith.constant 0 : index
    %swap3A_1925 = arith.constant 91 : index
    %swap3A_1926 = vector.load %arg15[%swap3A_1923, %swap3A_1924, %swap3A_1925] : memref<1x8x98xf32, #tpu.memory_space<vmem>>, vector<1x8x1xf32>
    %swap3A_1927 = vector.shape_cast %swap3A_1926 : vector<1x8x1xf32> to vector<8x1xf32>
    %swap3A_1928 = vector.shape_cast %broadcast_in_dim3A_1922 : vector<8x1xf32> to vector<1x8x1xf32>
    tpu.vector_store %arg15[%swap3A_1923, %swap3A_1924, %swap3A_1925], %swap3A_1928 {strides = array<i32>} : memref<1x8x98xf32, #tpu.memory_space<vmem>>, vector<1x8x1xf32>,
    %reduce_sum3A_1929 = arith.constant dense<0.000000e+00> : vector<9xf32>
    %reduce_sum3A_1930 = vector.multi_reduction <add>, %slice3A_1919, %reduce_sum3A_1929 [1] : vector<9x1024xf32> to vector<9xf32>
    %broadcast_in_dim3A_1931 = vector.shape_cast %reduce_sum3A_1930 : vector<9xf32> to vector<9x1xf32>
    %swap3A_1932 = arith.constant 0 : index
    %swap3A_1933 = arith.constant 0 : index
    %swap3A_1934 = arith.constant 91 : index
    %swap3A_1935 = vector.load %arg16[%swap3A_1932, %swap3A_1933, %swap3A_1934] : memref<1x9x98xf32, #tpu.memory_space<vmem>>, vector<1x9x1xf32>
    %swap3A_1936 = vector.shape_cast %swap3A_1935 : vector<1x9x1xf32> to vector<9x1xf32>
    %swap3A_1937 = vector.shape_cast %broadcast_in_dim3A_1931 : vector<9x1xf32> to vector<1x9x1xf32>
    tpu.vector_store %arg16[%swap3A_1932, %swap3A_1933, %swap3A_1934], %swap3A_1937 {strides = array<i32>} : memref<1x9x98xf32, #tpu.memory_space<vmem>>, vector<1x9x1xf32>,
    %slice3A_1938 = vector.extract_strided_slice %max3A_1777 {offsets = [0, 8192], sizes = [8, 1024], strides = [1, 1]} : vector<8x14336xf32> to vector<8x1024xf32>
    %slice3A_1939 = vector.extract_strided_slice %get3A_1772 {offsets = [0, 8192], sizes = [9, 1024], strides = [1, 1]} : vector<9x14336xf32> to vector<9x1024xf32>
    %reduce_sum3A_1940 = arith.constant dense<0.000000e+00> : vector<8xf32>
    %reduce_sum3A_1941 = vector.multi_reduction <add>, %slice3A_1938, %reduce_sum3A_1940 [1] : vector<8x1024xf32> to vector<8xf32>
    %broadcast_in_dim3A_1942 = vector.shape_cast %reduce_sum3A_1941 : vector<8xf32> to vector<8x1xf32>
    %swap3A_1943 = arith.constant 0 : index
    %swap3A_1944 = arith.constant 0 : index
    %swap3A_1945 = arith.constant 92 : index
    %swap3A_1946 = vector.load %arg15[%swap3A_1943, %swap3A_1944, %swap3A_1945] : memref<1x8x98xf32, #tpu.memory_space<vmem>>, vector<1x8x1xf32>
    %swap3A_1947 = vector.shape_cast %swap3A_1946 : vector<1x8x1xf32> to vector<8x1xf32>
    %swap3A_1948 = vector.shape_cast %broadcast_in_dim3A_1942 : vector<8x1xf32> to vector<1x8x1xf32>
    tpu.vector_store %arg15[%swap3A_1943, %swap3A_1944, %swap3A_1945], %swap3A_1948 {strides = array<i32>} : memref<1x8x98xf32, #tpu.memory_space<vmem>>, vector<1x8x1xf32>,
    %reduce_sum3A_1949 = arith.constant dense<0.000000e+00> : vector<9xf32>
    %reduce_sum3A_1950 = vector.multi_reduction <add>, %slice3A_1939, %reduce_sum3A_1949 [1] : vector<9x1024xf32> to vector<9xf32>
    %broadcast_in_dim3A_1951 = vector.shape_cast %reduce_sum3A_1950 : vector<9xf32> to vector<9x1xf32>
    %swap3A_1952 = arith.constant 0 : index
    %swap3A_1953 = arith.constant 0 : index
    %swap3A_1954 = arith.constant 92 : index
    %swap3A_1955 = vector.load %arg16[%swap3A_1952, %swap3A_1953, %swap3A_1954] : memref<1x9x98xf32, #tpu.memory_space<vmem>>, vector<1x9x1xf32>
    %swap3A_1956 = vector.shape_cast %swap3A_1955 : vector<1x9x1xf32> to vector<9x1xf32>
    %swap3A_1957 = vector.shape_cast %broadcast_in_dim3A_1951 : vector<9x1xf32> to vector<1x9x1xf32>
    tpu.vector_store %arg16[%swap3A_1952, %swap3A_1953, %swap3A_1954], %swap3A_1957 {strides = array<i32>} : memref<1x9x98xf32, #tpu.memory_space<vmem>>, vector<1x9x1xf32>,
    %slice3A_1958 = vector.extract_strided_slice %max3A_1777 {offsets = [0, 9216], sizes = [8, 1024], strides = [1, 1]} : vector<8x14336xf32> to vector<8x1024xf32>
    %slice3A_1959 = vector.extract_strided_slice %get3A_1772 {offsets = [0, 9216], sizes = [9, 1024], strides = [1, 1]} : vector<9x14336xf32> to vector<9x1024xf32>
    %reduce_sum3A_1960 = arith.constant dense<0.000000e+00> : vector<8xf32>
    %reduce_sum3A_1961 = vector.multi_reduction <add>, %slice3A_1958, %reduce_sum3A_1960 [1] : vector<8x1024xf32> to vector<8xf32>
    %broadcast_in_dim3A_1962 = vector.shape_cast %reduce_sum3A_1961 : vector<8xf32> to vector<8x1xf32>
    %swap3A_1963 = arith.constant 0 : index
    %swap3A_1964 = arith.constant 0 : index
    %swap3A_1965 = arith.constant 93 : index
    %swap3A_1966 = vector.load %arg15[%swap3A_1963, %swap3A_1964, %swap3A_1965] : memref<1x8x98xf32, #tpu.memory_space<vmem>>, vector<1x8x1xf32>
    %swap3A_1967 = vector.shape_cast %swap3A_1966 : vector<1x8x1xf32> to vector<8x1xf32>
    %swap3A_1968 = vector.shape_cast %broadcast_in_dim3A_1962 : vector<8x1xf32> to vector<1x8x1xf32>
    tpu.vector_store %arg15[%swap3A_1963, %swap3A_1964, %swap3A_1965], %swap3A_1968 {strides = array<i32>} : memref<1x8x98xf32, #tpu.memory_space<vmem>>, vector<1x8x1xf32>,
    %reduce_sum3A_1969 = arith.constant dense<0.000000e+00> : vector<9xf32>
    %reduce_sum3A_1970 = vector.multi_reduction <add>, %slice3A_1959, %reduce_sum3A_1969 [1] : vector<9x1024xf32> to vector<9xf32>
    %broadcast_in_dim3A_1971 = vector.shape_cast %reduce_sum3A_1970 : vector<9xf32> to vector<9x1xf32>
    %swap3A_1972 = arith.constant 0 : index
    %swap3A_1973 = arith.constant 0 : index
    %swap3A_1974 = arith.constant 93 : index
    %swap3A_1975 = vector.load %arg16[%swap3A_1972, %swap3A_1973, %swap3A_1974] : memref<1x9x98xf32, #tpu.memory_space<vmem>>, vector<1x9x1xf32>
    %swap3A_1976 = vector.shape_cast %swap3A_1975 : vector<1x9x1xf32> to vector<9x1xf32>
    %swap3A_1977 = vector.shape_cast %broadcast_in_dim3A_1971 : vector<9x1xf32> to vector<1x9x1xf32>
    tpu.vector_store %arg16[%swap3A_1972, %swap3A_1973, %swap3A_1974], %swap3A_1977 {strides = array<i32>} : memref<1x9x98xf32, #tpu.memory_space<vmem>>, vector<1x9x1xf32>,
    %slice3A_1978 = vector.extract_strided_slice %max3A_1777 {offsets = [0, 10240], sizes = [8, 1024], strides = [1, 1]} : vector<8x14336xf32> to vector<8x1024xf32>
    %slice3A_1979 = vector.extract_strided_slice %get3A_1772 {offsets = [0, 10240], sizes = [9, 1024], strides = [1, 1]} : vector<9x14336xf32> to vector<9x1024xf32>
    %reduce_sum3A_1980 = arith.constant dense<0.000000e+00> : vector<8xf32>
    %reduce_sum3A_1981 = vector.multi_reduction <add>, %slice3A_1978, %reduce_sum3A_1980 [1] : vector<8x1024xf32> to vector<8xf32>
    %broadcast_in_dim3A_1982 = vector.shape_cast %reduce_sum3A_1981 : vector<8xf32> to vector<8x1xf32>
    %swap3A_1983 = arith.constant 0 : index
    %swap3A_1984 = arith.constant 0 : index
    %swap3A_1985 = arith.constant 94 : index
    %swap3A_1986 = vector.load %arg15[%swap3A_1983, %swap3A_1984, %swap3A_1985] : memref<1x8x98xf32, #tpu.memory_space<vmem>>, vector<1x8x1xf32>
    %swap3A_1987 = vector.shape_cast %swap3A_1986 : vector<1x8x1xf32> to vector<8x1xf32>
    %swap3A_1988 = vector.shape_cast %broadcast_in_dim3A_1982 : vector<8x1xf32> to vector<1x8x1xf32>
    tpu.vector_store %arg15[%swap3A_1983, %swap3A_1984, %swap3A_1985], %swap3A_1988 {strides = array<i32>} : memref<1x8x98xf32, #tpu.memory_space<vmem>>, vector<1x8x1xf32>,
    %reduce_sum3A_1989 = arith.constant dense<0.000000e+00> : vector<9xf32>
    %reduce_sum3A_1990 = vector.multi_reduction <add>, %slice3A_1979, %reduce_sum3A_1989 [1] : vector<9x1024xf32> to vector<9xf32>
    %broadcast_in_dim3A_1991 = vector.shape_cast %reduce_sum3A_1990 : vector<9xf32> to vector<9x1xf32>
    %swap3A_1992 = arith.constant 0 : index
    %swap3A_1993 = arith.constant 0 : index
    %swap3A_1994 = arith.constant 94 : index
    %swap3A_1995 = vector.load %arg16[%swap3A_1992, %swap3A_1993, %swap3A_1994] : memref<1x9x98xf32, #tpu.memory_space<vmem>>, vector<1x9x1xf32>
    %swap3A_1996 = vector.shape_cast %swap3A_1995 : vector<1x9x1xf32> to vector<9x1xf32>
    %swap3A_1997 = vector.shape_cast %broadcast_in_dim3A_1991 : vector<9x1xf32> to vector<1x9x1xf32>
    tpu.vector_store %arg16[%swap3A_1992, %swap3A_1993, %swap3A_1994], %swap3A_1997 {strides = array<i32>} : memref<1x9x98xf32, #tpu.memory_space<vmem>>, vector<1x9x1xf32>,
    %slice3A_1998 = vector.extract_strided_slice %max3A_1777 {offsets = [0, 11264], sizes = [8, 1024], strides = [1, 1]} : vector<8x14336xf32> to vector<8x1024xf32>
    %slice3A_1999 = vector.extract_strided_slice %get3A_1772 {offsets = [0, 11264], sizes = [9, 1024], strides = [1, 1]} : vector<9x14336xf32> to vector<9x1024xf32>
    %reduce_sum3A_2000 = arith.constant dense<0.000000e+00> : vector<8xf32>
    %reduce_sum3A_2001 = vector.multi_reduction <add>, %slice3A_1998, %reduce_sum3A_2000 [1] : vector<8x1024xf32> to vector<8xf32>
    %broadcast_in_dim3A_2002 = vector.shape_cast %reduce_sum3A_2001 : vector<8xf32> to vector<8x1xf32>
    %swap3A_2003 = arith.constant 0 : index
    %swap3A_2004 = arith.constant 0 : index
    %swap3A_2005 = arith.constant 95 : index
    %swap3A_2006 = vector.load %arg15[%swap3A_2003, %swap3A_2004, %swap3A_2005] : memref<1x8x98xf32, #tpu.memory_space<vmem>>, vector<1x8x1xf32>
    %swap3A_2007 = vector.shape_cast %swap3A_2006 : vector<1x8x1xf32> to vector<8x1xf32>
    %swap3A_2008 = vector.shape_cast %broadcast_in_dim3A_2002 : vector<8x1xf32> to vector<1x8x1xf32>
    tpu.vector_store %arg15[%swap3A_2003, %swap3A_2004, %swap3A_2005], %swap3A_2008 {strides = array<i32>} : memref<1x8x98xf32, #tpu.memory_space<vmem>>, vector<1x8x1xf32>,
    %reduce_sum3A_2009 = arith.constant dense<0.000000e+00> : vector<9xf32>
    %reduce_sum3A_2010 = vector.multi_reduction <add>, %slice3A_1999, %reduce_sum3A_2009 [1] : vector<9x1024xf32> to vector<9xf32>
    %broadcast_in_dim3A_2011 = vector.shape_cast %reduce_sum3A_2010 : vector<9xf32> to vector<9x1xf32>
    %swap3A_2012 = arith.constant 0 : index
    %swap3A_2013 = arith.constant 0 : index
    %swap3A_2014 = arith.constant 95 : index
    %swap3A_2015 = vector.load %arg16[%swap3A_2012, %swap3A_2013, %swap3A_2014] : memref<1x9x98xf32, #tpu.memory_space<vmem>>, vector<1x9x1xf32>
    %swap3A_2016 = vector.shape_cast %swap3A_2015 : vector<1x9x1xf32> to vector<9x1xf32>
    %swap3A_2017 = vector.shape_cast %broadcast_in_dim3A_2011 : vector<9x1xf32> to vector<1x9x1xf32>
    tpu.vector_store %arg16[%swap3A_2012, %swap3A_2013, %swap3A_2014], %swap3A_2017 {strides = array<i32>} : memref<1x9x98xf32, #tpu.memory_space<vmem>>, vector<1x9x1xf32>,
    %slice3A_2018 = vector.extract_strided_slice %max3A_1777 {offsets = [0, 12288], sizes = [8, 1024], strides = [1, 1]} : vector<8x14336xf32> to vector<8x1024xf32>
    %slice3A_2019 = vector.extract_strided_slice %get3A_1772 {offsets = [0, 12288], sizes = [9, 1024], strides = [1, 1]} : vector<9x14336xf32> to vector<9x1024xf32>
    %reduce_sum3A_2020 = arith.constant dense<0.000000e+00> : vector<8xf32>
    %reduce_sum3A_2021 = vector.multi_reduction <add>, %slice3A_2018, %reduce_sum3A_2020 [1] : vector<8x1024xf32> to vector<8xf32>
    %broadcast_in_dim3A_2022 = vector.shape_cast %reduce_sum3A_2021 : vector<8xf32> to vector<8x1xf32>
    %swap3A_2023 = arith.constant 0 : index
    %swap3A_2024 = arith.constant 0 : index
    %swap3A_2025 = arith.constant 96 : index
    %swap3A_2026 = vector.load %arg15[%swap3A_2023, %swap3A_2024, %swap3A_2025] : memref<1x8x98xf32, #tpu.memory_space<vmem>>, vector<1x8x1xf32>
    %swap3A_2027 = vector.shape_cast %swap3A_2026 : vector<1x8x1xf32> to vector<8x1xf32>
    %swap3A_2028 = vector.shape_cast %broadcast_in_dim3A_2022 : vector<8x1xf32> to vector<1x8x1xf32>
    tpu.vector_store %arg15[%swap3A_2023, %swap3A_2024, %swap3A_2025], %swap3A_2028 {strides = array<i32>} : memref<1x8x98xf32, #tpu.memory_space<vmem>>, vector<1x8x1xf32>,
    %reduce_sum3A_2029 = arith.constant dense<0.000000e+00> : vector<9xf32>
    %reduce_sum3A_2030 = vector.multi_reduction <add>, %slice3A_2019, %reduce_sum3A_2029 [1] : vector<9x1024xf32> to vector<9xf32>
    %broadcast_in_dim3A_2031 = vector.shape_cast %reduce_sum3A_2030 : vector<9xf32> to vector<9x1xf32>
    %swap3A_2032 = arith.constant 0 : index
    %swap3A_2033 = arith.constant 0 : index
    %swap3A_2034 = arith.constant 96 : index
    %swap3A_2035 = vector.load %arg16[%swap3A_2032, %swap3A_2033, %swap3A_2034] : memref<1x9x98xf32, #tpu.memory_space<vmem>>, vector<1x9x1xf32>
    %swap3A_2036 = vector.shape_cast %swap3A_2035 : vector<1x9x1xf32> to vector<9x1xf32>
    %swap3A_2037 = vector.shape_cast %broadcast_in_dim3A_2031 : vector<9x1xf32> to vector<1x9x1xf32>
    tpu.vector_store %arg16[%swap3A_2032, %swap3A_2033, %swap3A_2034], %swap3A_2037 {strides = array<i32>} : memref<1x9x98xf32, #tpu.memory_space<vmem>>, vector<1x9x1xf32>,
    %slice3A_2038 = vector.extract_strided_slice %max3A_1777 {offsets = [0, 13312], sizes = [8, 1024], strides = [1, 1]} : vector<8x14336xf32> to vector<8x1024xf32>
    %slice3A_2039 = vector.extract_strided_slice %get3A_1772 {offsets = [0, 13312], sizes = [9, 1024], strides = [1, 1]} : vector<9x14336xf32> to vector<9x1024xf32>
    %iota3A = tpu.iota {dimensions = array<i32: 1>} : vector<9x1024xi32>
    %add3A = arith.constant 99328 : i32
    %add3A_2040 = vector.broadcast %add3A : i32 to vector<9x1024xi32>
    %add3A_2041 = arith.addi %iota3A, %add3A_2040 : vector<9x1024xi32>
    %lt3A = arith.constant 100000 : i32
    %lt3A_2042 = vector.broadcast %lt3A : i32 to vector<9x1024xi32>
    %lt3A_2043 = arith.cmpi slt, %add3A_2041, %lt3A_2042 : vector<9x1024xi32>
    %jit3A = arith.constant 0.000000e+00 : f32
    %broadcast_in_dim3A_2044 = vector.broadcast %jit3A : f32 to vector<9x1024xf32>
    %select_n3A = arith.select %lt3A_2043, %slice3A_2039, %broadcast_in_dim3A_2044 : vector<9x1024xi1>, vector<9x1024xf32>
    %slice3A_2045 = vector.extract_strided_slice %lt3A_2043 {offsets = [0, 0], sizes = [8, 1024], strides = [1, 1]} : vector<9x1024xi1> to vector<8x1024xi1>
    %jit3A_2046 = arith.constant 0.000000e+00 : f32
    %broadcast_in_dim3A_2047 = vector.broadcast %jit3A_2046 : f32 to vector<8x1024xf32>
    %select_n3A_2048 = arith.select %slice3A_2045, %slice3A_2038, %broadcast_in_dim3A_2047 : vector<8x1024xi1>, vector<8x1024xf32>
    %reduce_sum3A_2049 = arith.constant dense<0.000000e+00> : vector<8xf32>
    %reduce_sum3A_2050 = vector.multi_reduction <add>, %select_n3A_2048, %reduce_sum3A_2049 [1] : vector<8x1024xf32> to vector<8xf32>
    %broadcast_in_dim3A_2051 = vector.shape_cast %reduce_sum3A_2050 : vector<8xf32> to vector<8x1xf32>
    %swap3A_2052 = arith.constant 0 : index
    %swap3A_2053 = arith.constant 0 : index
    %swap3A_2054 = arith.constant 97 : index
    %swap3A_2055 = vector.load %arg15[%swap3A_2052, %swap3A_2053, %swap3A_2054] : memref<1x8x98xf32, #tpu.memory_space<vmem>>, vector<1x8x1xf32>
    %swap3A_2056 = vector.shape_cast %swap3A_2055 : vector<1x8x1xf32> to vector<8x1xf32>
    %swap3A_2057 = vector.shape_cast %broadcast_in_dim3A_2051 : vector<8x1xf32> to vector<1x8x1xf32>
    tpu.vector_store %arg15[%swap3A_2052, %swap3A_2053, %swap3A_2054], %swap3A_2057 {strides = array<i32>} : memref<1x8x98xf32, #tpu.memory_space<vmem>>, vector<1x8x1xf32>,
    %reduce_sum3A_2058 = arith.constant dense<0.000000e+00> : vector<9xf32>
    %reduce_sum3A_2059 = vector.multi_reduction <add>, %select_n3A, %reduce_sum3A_2058 [1] : vector<9x1024xf32> to vector<9xf32>
    %broadcast_in_dim3A_2060 = vector.shape_cast %reduce_sum3A_2059 : vector<9xf32> to vector<9x1xf32>
    %swap3A_2061 = arith.constant 0 : index
    %swap3A_2062 = arith.constant 0 : index
    %swap3A_2063 = arith.constant 97 : index
    %swap3A_2064 = vector.load %arg16[%swap3A_2061, %swap3A_2062, %swap3A_2063] : memref<1x9x98xf32, #tpu.memory_space<vmem>>, vector<1x9x1xf32>
    %swap3A_2065 = vector.shape_cast %swap3A_2064 : vector<1x9x1xf32> to vector<9x1xf32>
    %swap3A_2066 = vector.shape_cast %broadcast_in_dim3A_2060 : vector<9x1xf32> to vector<1x9x1xf32>
    tpu.vector_store %arg16[%swap3A_2061, %swap3A_2062, %swap3A_2063], %swap3A_2066 {strides = array<i32>} : memref<1x9x98xf32, #tpu.memory_space<vmem>>, vector<1x9x1xf32>,
    return
  }
  func.func @transform_0(%arg0: i32) -> (i32, i32, i32) {
    %c0_i32 = arith.constant 0 : i32
    %c0_i32_0 = arith.constant 0 : i32
    %c0_i32_1 = arith.constant 0 : i32
    return %arg0, %c0_i32, %c0_i32_0 : i32, i32, i32
  }
  func.func @transform_1(%arg0: i32) -> (i32, i32, i32) {
    %c0_i32 = arith.constant 0 : i32
    %c1_i32 = arith.constant 1 : i32
    %c0_i32_0 = arith.constant 0 : i32
    return %arg0, %c0_i32, %c1_i32 : i32, i32, i32
  }
  func.func @transform_2(%arg0: i32) -> (i32, i32, i32) {
    %c0_i32 = arith.constant 0 : i32
    %c2_i32 = arith.constant 2 : i32
    %c0_i32_0 = arith.constant 0 : i32
    return %arg0, %c0_i32, %c2_i32 : i32, i32, i32
  }
  func.func @transform_3(%arg0: i32) -> (i32, i32, i32) {
    %c0_i32 = arith.constant 0 : i32
    %c3_i32 = arith.constant 3 : i32
    %c0_i32_0 = arith.constant 0 : i32
    return %arg0, %c0_i32, %c3_i32 : i32, i32, i32
  }
  func.func @transform_4(%arg0: i32) -> (i32, i32, i32) {
    %c0_i32 = arith.constant 0 : i32
    %c4_i32 = arith.constant 4 : i32
    %c0_i32_0 = arith.constant 0 : i32
    return %arg0, %c0_i32, %c4_i32 : i32, i32, i32
  }
  func.func @transform_5(%arg0: i32) -> (i32, i32, i32) {
    %c0_i32 = arith.constant 0 : i32
    %c5_i32 = arith.constant 5 : i32
    %c0_i32_0 = arith.constant 0 : i32
    return %arg0, %c0_i32, %c5_i32 : i32, i32, i32
  }
  func.func @transform_6(%arg0: i32) -> (i32, i32, i32) {
    %c0_i32 = arith.constant 0 : i32
    %c6_i32 = arith.constant 6 : i32
    %c0_i32_0 = arith.constant 0 : i32
    return %arg0, %c0_i32, %c6_i32 : i32, i32, i32
  }
  func.func @transform_7(%arg0: i32) -> (i32, i32, i32) {
    %c0_i32 = arith.constant 0 : i32
    %c0_i32_0 = arith.constant 0 : i32
    %c0_i32_1 = arith.constant 0 : i32
    return %arg0, %c0_i32, %c0_i32_0 : i32, i32, i32
  }
  func.func @transform_8(%arg0: i32) -> (i32, i32, i32) {
    %c0_i32 = arith.constant 0 : i32
    %c1_i32 = arith.constant 1 : i32
    %c0_i32_0 = arith.constant 0 : i32
    return %arg0, %c0_i32, %c1_i32 : i32, i32, i32
  }
  func.func @transform_9(%arg0: i32) -> (i32, i32, i32) {
    %c0_i32 = arith.constant 0 : i32
    %c2_i32 = arith.constant 2 : i32
    %c0_i32_0 = arith.constant 0 : i32
    return %arg0, %c0_i32, %c2_i32 : i32, i32, i32
  }
  func.func @transform_10(%arg0: i32) -> (i32, i32, i32) {
    %c0_i32 = arith.constant 0 : i32
    %c3_i32 = arith.constant 3 : i32
    %c0_i32_0 = arith.constant 0 : i32
    return %arg0, %c0_i32, %c3_i32 : i32, i32, i32
  }
  func.func @transform_11(%arg0: i32) -> (i32, i32, i32) {
    %c0_i32 = arith.constant 0 : i32
    %c4_i32 = arith.constant 4 : i32
    %c0_i32_0 = arith.constant 0 : i32
    return %arg0, %c0_i32, %c4_i32 : i32, i32, i32
  }
  func.func @transform_12(%arg0: i32) -> (i32, i32, i32) {
    %c0_i32 = arith.constant 0 : i32
    %c5_i32 = arith.constant 5 : i32
    %c0_i32_0 = arith.constant 0 : i32
    return %arg0, %c0_i32, %c5_i32 : i32, i32, i32
  }
  func.func @transform_13(%arg0: i32) -> (i32, i32, i32) {
    %c0_i32 = arith.constant 0 : i32
    %c6_i32 = arith.constant 6 : i32
    %c0_i32_0 = arith.constant 0 : i32
    return %arg0, %c0_i32, %c6_i32 : i32, i32, i32
  }
  func.func @transform_14(%arg0: i32) -> (i32, i32, i32) {
    %c0_i32 = arith.constant 0 : i32
    %c0_i32_0 = arith.constant 0 : i32
    %c0_i32_1 = arith.constant 0 : i32
    return %arg0, %c0_i32, %c0_i32_0 : i32, i32, i32
  }
  func.func @transform_15(%arg0: i32) -> (i32, i32, i32) {
    %c0_i32 = arith.constant 0 : i32
    %c0_i32_0 = arith.constant 0 : i32
    %c0_i32_1 = arith.constant 0 : i32
    return %arg0, %c0_i32, %c0_i32_0 : i32, i32, i32
  }
}

module attributes {stable_mosaic.version = 14 : i64} {
  func.func @_k2_body(%arg0: memref<288x98xf32, #tpu.memory_space<vmem>>, %arg1: memref<288x98xf32, #tpu.memory_space<vmem>>, %arg2: memref<288x1xf32, #tpu.memory_space<vmem>>, %arg3: memref<32x8x128xf32, #tpu.memory_space<vmem>>, %arg4: memref<32x8x128xf32, #tpu.memory_space<vmem>>, %arg5: memref<32x8x128xf32, #tpu.memory_space<vmem>>, %arg6: memref<32x8x128xf32, #tpu.memory_space<vmem>>, %arg7: memref<32x8xf32, #tpu.memory_space<vmem>>, %arg8: memref<288x1xi32, #tpu.memory_space<vmem>>, %arg9: memref<288x1xf32, #tpu.memory_space<vmem>>, %arg10: memref<288x1xf32, #tpu.memory_space<vmem>>, %arg11: memref<288x1xi32, #tpu.memory_space<vmem>>, %arg12: memref<32x1xi32, #tpu.memory_space<vmem>>) attributes {dimension_semantics = [], scalar_prefetch = 0 : i64, scratch_operands = 0 : i64, tpu.core_type = #tpu.core_type<tc>} {
    %get3A = arith.constant 0 : index
    %get3A_0 = arith.constant 0 : index
    %get3A_1 = vector.load %arg0[%get3A, %get3A_0] : memref<288x98xf32, #tpu.memory_space<vmem>>, vector<288x98xf32>
    %get3A_2 = arith.constant 0 : index
    %get3A_3 = arith.constant 0 : index
    %get3A_4 = vector.load %arg1[%get3A_2, %get3A_3] : memref<288x98xf32, #tpu.memory_space<vmem>>, vector<288x98xf32>
    %get3A_5 = arith.constant 0 : index
    %get3A_6 = arith.constant 0 : index
    %get3A_7 = vector.load %arg2[%get3A_5, %get3A_6] : memref<288x1xf32, #tpu.memory_space<vmem>>, vector<288x1xf32>
    %reduce_sum3A = arith.constant dense<0.000000e+00> : vector<288xf32>
    %reduce_sum3A_8 = vector.multi_reduction <add>, %get3A_1, %reduce_sum3A [1] : vector<288x98xf32> to vector<288xf32>
    %broadcast_in_dim3A = vector.shape_cast %reduce_sum3A_8 : vector<288xf32> to vector<288x1xf32>
    %iota3A = tpu.iota {dimensions = array<i32: 0>} : vector<288x1xi32>
    %jit3A = arith.constant 9 : i32
    %eq3A = arith.constant 0 : i32
    %eq3A_9 = arith.cmpi eq, %jit3A, %eq3A : i32
    %jit3A_10 = arith.constant 1 : i32
    %select_n3A = arith.select %eq3A_9, %jit3A_10, %jit3A : i32
    %rem3A = vector.broadcast %select_n3A : i32 to vector<288x1xi32>
    %rem3A_11 = arith.remsi %iota3A, %rem3A : vector<288x1xi32>
    %ne3A = arith.constant 0 : i32
    %ne3A_12 = vector.broadcast %ne3A : i32 to vector<288x1xi32>
    %ne3A_13 = arith.cmpi ne, %rem3A_11, %ne3A_12 : vector<288x1xi32>
    %lt3A = arith.constant 0 : i32
    %lt3A_14 = vector.broadcast %lt3A : i32 to vector<288x1xi32>
    %lt3A_15 = arith.cmpi slt, %rem3A_11, %lt3A_14 : vector<288x1xi32>
    %lt3A_16 = arith.constant 0 : i32
    %lt3A_17 = arith.cmpi slt, %select_n3A, %lt3A_16 : i32
    %ne3A_18 = vector.broadcast %lt3A_17 : i1 to vector<288x1xi1>
    %ne3A_19 = vector.broadcast %ne3A_18 : vector<288x1xi1> to vector<288x1xi1>
    %ne3A_20 = arith.xori %lt3A_15, %ne3A_19 : vector<288x1xi1>
    %and3A = arith.andi %ne3A_20, %ne3A_13 : vector<288x1xi1>
    %add3A = vector.broadcast %select_n3A : i32 to vector<288x1xi32>
    %add3A_21 = arith.addi %rem3A_11, %add3A : vector<288x1xi32>
    %select_n3A_22 = arith.select %and3A, %add3A_21, %rem3A_11 : vector<288x1xi1>, vector<288x1xi32>
    %gt3A = arith.constant 1.000000e-10 : f32
    %gt3A_23 = vector.broadcast %gt3A : f32 to vector<288x1xf32>
    %gt3A_24 = arith.cmpf ogt, %broadcast_in_dim3A, %gt3A_23 : vector<288x1xf32>
    %lt3A_25 = arith.constant 8 : i32
    %lt3A_26 = vector.broadcast %lt3A_25 : i32 to vector<288x1xi32>
    %lt3A_27 = arith.cmpi slt, %select_n3A_22, %lt3A_26 : vector<288x1xi32>
    %and3A_28 = arith.andi %gt3A_24, %lt3A_27 : vector<288x1xi1>
    %broadcast_in_dim3A_29 = vector.shape_cast %and3A_28 : vector<288x1xi1> to vector<288x1xi1>
    %broadcast_in_dim3A_30 = vector.broadcast %broadcast_in_dim3A_29 : vector<288x1xi1> to vector<288x98xi1>
    %select_n3A_31 = arith.select %broadcast_in_dim3A_30, %get3A_1, %get3A_4 : vector<288x98xi1>, vector<288x98xf32>
    %mul3A = arith.mulf %get3A_7, %broadcast_in_dim3A : vector<288x1xf32>
    %select_n3A_32 = arith.select %and3A_28, %mul3A, %get3A_7 : vector<288x1xi1>, vector<288x1xf32>
    %iota3A_33 = tpu.iota {dimensions = array<i32: 0>} : vector<98x98xi32>
    %iota3A_34 = tpu.iota {dimensions = array<i32: 1>} : vector<98x98xi32>
    %le3A = arith.cmpi sle, %iota3A_33, %iota3A_34 : vector<98x98xi32>
    %convert_element_type3A = arith.extui %le3A : vector<98x98xi1> to vector<98x98xi32>
    %convert_element_type3A_35 = arith.sitofp %convert_element_type3A : vector<98x98xi32> to vector<98x98xf32>
    %dot_general3A = arith.constant dense<0.000000e+00> : vector<288x98xf32>
    %dot_general3A_36 = tpu.matmul %select_n3A_31, %convert_element_type3A_35, %dot_general3A {dimension_numbers = #tpu.dot_dimension_numbers<[1], [0], [0], [1], [0, 0, 1, 1], [], []>, transpose_lhs_hint = false} : vector<288x98xf32>, vector<98x98xf32>, vector<288x98xf32> -> vector<288x98xf32>
    %lt3A_37 = vector.broadcast %select_n3A_32 : vector<288x1xf32> to vector<288x98xf32>
    %lt3A_38 = arith.cmpf olt, %dot_general3A_36, %lt3A_37 : vector<288x98xf32>
    %convert_element_type3A_39 = arith.extui %lt3A_38 : vector<288x98xi1> to vector<288x98xi32>
    %reduce_sum3A_40 = arith.constant dense<0> : vector<288xi32>
    %reduce_sum3A_41 = vector.multi_reduction <add>, %convert_element_type3A_39, %reduce_sum3A_40 [1] : vector<288x98xi32> to vector<288xi32>
    %broadcast_in_dim3A_42 = vector.shape_cast %reduce_sum3A_41 : vector<288xi32> to vector<288x1xi32>
    %min3A = arith.constant 97 : i32
    %min3A_43 = vector.broadcast %min3A : i32 to vector<288x1xi32>
    %min3A_44 = arith.minsi %broadcast_in_dim3A_42, %min3A_43 : vector<288x1xi32>
    %iota3A_45 = tpu.iota {dimensions = array<i32: 1>} : vector<288x98xi32>
    %lt3A_46 = vector.broadcast %min3A_44 : vector<288x1xi32> to vector<288x98xi32>
    %lt3A_47 = arith.cmpi slt, %iota3A_45, %lt3A_46 : vector<288x98xi32>
    %jit3A_48 = arith.constant 0.000000e+00 : f32
    %broadcast_in_dim3A_49 = vector.broadcast %jit3A_48 : f32 to vector<288x98xf32>
    %select_n3A_50 = arith.select %lt3A_47, %select_n3A_31, %broadcast_in_dim3A_49 : vector<288x98xi1>, vector<288x98xf32>
    %reduce_sum3A_51 = arith.constant dense<0.000000e+00> : vector<288xf32>
    %reduce_sum3A_52 = vector.multi_reduction <add>, %select_n3A_50, %reduce_sum3A_51 [1] : vector<288x98xf32> to vector<288xf32>
    %broadcast_in_dim3A_53 = vector.shape_cast %reduce_sum3A_52 : vector<288xf32> to vector<288x1xf32>
    %swap3A = arith.constant 0 : index
    %swap3A_54 = arith.constant 0 : index
    %swap3A_55 = vector.load %arg8[%swap3A, %swap3A_54] : memref<288x1xi32, #tpu.memory_space<vmem>>, vector<288x1xi32>
    tpu.vector_store %arg8[%swap3A, %swap3A_54], %min3A_44 {strides = array<i32>} : memref<288x1xi32, #tpu.memory_space<vmem>>, vector<288x1xi32>,
    %swap3A_56 = arith.constant 0 : index
    %swap3A_57 = arith.constant 0 : index
    %swap3A_58 = vector.load %arg9[%swap3A_56, %swap3A_57] : memref<288x1xf32, #tpu.memory_space<vmem>>, vector<288x1xf32>
    tpu.vector_store %arg9[%swap3A_56, %swap3A_57], %broadcast_in_dim3A_53 {strides = array<i32>} : memref<288x1xf32, #tpu.memory_space<vmem>>, vector<288x1xf32>,
    %swap3A_59 = arith.constant 0 : index
    %swap3A_60 = arith.constant 0 : index
    %swap3A_61 = vector.load %arg10[%swap3A_59, %swap3A_60] : memref<288x1xf32, #tpu.memory_space<vmem>>, vector<288x1xf32>
    tpu.vector_store %arg10[%swap3A_59, %swap3A_60], %select_n3A_32 {strides = array<i32>} : memref<288x1xf32, #tpu.memory_space<vmem>>, vector<288x1xf32>,
    %convert_element_type3A_62 = arith.extui %and3A_28 : vector<288x1xi1> to vector<288x1xi32>
    %swap3A_63 = arith.constant 0 : index
    %swap3A_64 = arith.constant 0 : index
    %swap3A_65 = vector.load %arg11[%swap3A_63, %swap3A_64] : memref<288x1xi32, #tpu.memory_space<vmem>>, vector<288x1xi32>
    tpu.vector_store %arg11[%swap3A_63, %swap3A_64], %convert_element_type3A_62 {strides = array<i32>} : memref<288x1xi32, #tpu.memory_space<vmem>>, vector<288x1xi32>,
    %get3A_66 = arith.constant 0 : index
    %get3A_67 = arith.constant 0 : index
    %get3A_68 = arith.constant 0 : index
    %get3A_69 = vector.load %arg3[%get3A_66, %get3A_67, %get3A_68] : memref<32x8x128xf32, #tpu.memory_space<vmem>>, vector<32x8x128xf32>
    %get3A_70 = arith.constant 0 : index
    %get3A_71 = arith.constant 0 : index
    %get3A_72 = arith.constant 0 : index
    %get3A_73 = vector.load %arg5[%get3A_70, %get3A_71, %get3A_72] : memref<32x8x128xf32, #tpu.memory_space<vmem>>, vector<32x8x128xf32>
    %mul3A_74 = arith.mulf %get3A_69, %get3A_73 : vector<32x8x128xf32>
    %reduce_sum3A_75 = arith.constant dense<0.000000e+00> : vector<32x8xf32>
    %reduce_sum3A_76 = vector.multi_reduction <add>, %mul3A_74, %reduce_sum3A_75 [2] : vector<32x8x128xf32> to vector<32x8xf32>
    %get3A_77 = arith.constant 0 : index
    %get3A_78 = arith.constant 0 : index
    %get3A_79 = arith.constant 0 : index
    %get3A_80 = vector.load %arg4[%get3A_77, %get3A_78, %get3A_79] : memref<32x8x128xf32, #tpu.memory_space<vmem>>, vector<32x8x128xf32>
    %get3A_81 = arith.constant 0 : index
    %get3A_82 = arith.constant 0 : index
    %get3A_83 = arith.constant 0 : index
    %get3A_84 = vector.load %arg6[%get3A_81, %get3A_82, %get3A_83] : memref<32x8x128xf32, #tpu.memory_space<vmem>>, vector<32x8x128xf32>
    %mul3A_85 = arith.mulf %get3A_80, %get3A_84 : vector<32x8x128xf32>
    %reduce_sum3A_86 = arith.constant dense<0.000000e+00> : vector<32x8xf32>
    %reduce_sum3A_87 = vector.multi_reduction <add>, %mul3A_85, %reduce_sum3A_86 [2] : vector<32x8x128xf32> to vector<32x8xf32>
    %get3A_88 = arith.constant 0 : index
    %get3A_89 = arith.constant 0 : index
    %get3A_90 = vector.load %arg7[%get3A_88, %get3A_89] : memref<32x8xf32, #tpu.memory_space<vmem>>, vector<32x8xf32>
    %max3A = arith.constant 1.000000e-10 : f32
    %max3A_91 = vector.broadcast %max3A : f32 to vector<32x8xf32>
    %max3A_92 = arith.maximumf %reduce_sum3A_76, %max3A_91 : vector<32x8xf32>
    %div3A = arith.divf %reduce_sum3A_87, %max3A_92 : vector<32x8xf32>
    %min3A_93 = arith.constant 1.000000e+00 : f32
    %min3A_94 = vector.broadcast %min3A_93 : f32 to vector<32x8xf32>
    %min3A_95 = arith.minimumf %min3A_94, %div3A : vector<32x8xf32>
    %gt3A_96 = arith.cmpf ogt, %get3A_90, %min3A_95 : vector<32x8xf32>
    %convert_element_type3A_97 = arith.extui %gt3A_96 : vector<32x8xi1> to vector<32x8xi32>
    %convert_element_type3A_98 = arith.sitofp %convert_element_type3A_97 : vector<32x8xi32> to vector<32x8xf32>
    %iota3A_99 = tpu.iota {dimensions = array<i32: 0>} : vector<8x8xi32>
    %iota3A_100 = tpu.iota {dimensions = array<i32: 1>} : vector<8x8xi32>
    %le3A_101 = arith.cmpi sle, %iota3A_99, %iota3A_100 : vector<8x8xi32>
    %convert_element_type3A_102 = arith.extui %le3A_101 : vector<8x8xi1> to vector<8x8xi32>
    %convert_element_type3A_103 = arith.sitofp %convert_element_type3A_102 : vector<8x8xi32> to vector<8x8xf32>
    %dot_general3A_104 = arith.constant dense<0.000000e+00> : vector<32x8xf32>
    %dot_general3A_105 = tpu.matmul %convert_element_type3A_98, %convert_element_type3A_103, %dot_general3A_104 {dimension_numbers = #tpu.dot_dimension_numbers<[1], [0], [0], [1], [0, 0, 1, 1], [], []>, transpose_lhs_hint = false} : vector<32x8xf32>, vector<8x8xf32>, vector<32x8xf32> -> vector<32x8xf32>
    %eq3A_106 = arith.constant 0.000000e+00 : f32
    %eq3A_107 = vector.broadcast %eq3A_106 : f32 to vector<32x8xf32>
    %eq3A_108 = arith.cmpf oeq, %dot_general3A_105, %eq3A_107 : vector<32x8xf32>
    %convert_element_type3A_109 = arith.extui %eq3A_108 : vector<32x8xi1> to vector<32x8xi32>
    %reduce_sum3A_110 = arith.constant dense<0> : vector<32xi32>
    %reduce_sum3A_111 = vector.multi_reduction <add>, %convert_element_type3A_109, %reduce_sum3A_110 [1] : vector<32x8xi32> to vector<32xi32>
    %broadcast_in_dim3A_112 = vector.shape_cast %reduce_sum3A_111 : vector<32xi32> to vector<32x1xi32>
    %swap3A_113 = arith.constant 0 : index
    %swap3A_114 = arith.constant 0 : index
    %swap3A_115 = vector.load %arg12[%swap3A_113, %swap3A_114] : memref<32x1xi32, #tpu.memory_space<vmem>>, vector<32x1xi32>
    tpu.vector_store %arg12[%swap3A_113, %swap3A_114], %broadcast_in_dim3A_112 {strides = array<i32>} : memref<32x1xi32, #tpu.memory_space<vmem>>, vector<32x1xi32>,
    return
  }
}

module attributes {stable_mosaic.version = 14 : i64} {
  func.func @body(%arg0: i32, %arg1: memref<288xi32, #tpu.memory_space<smem>>, %arg2: memref<1x8x1024xf32, #tpu.memory_space<vmem>>, %arg3: memref<1x8x1024xf32, #tpu.memory_space<vmem>>, %arg4: memref<1x8x1024xf32, #tpu.memory_space<vmem>>, %arg5: memref<1x8x1024xf32, #tpu.memory_space<vmem>>, %arg6: memref<1x8x1024xf32, #tpu.memory_space<vmem>>, %arg7: memref<1x8x1024xf32, #tpu.memory_space<vmem>>, %arg8: memref<1x8x1024xf32, #tpu.memory_space<vmem>>, %arg9: memref<1x8x1024xf32, #tpu.memory_space<vmem>>, %arg10: memref<1x9x1024xf32, #tpu.memory_space<vmem>>, %arg11: memref<1x9x1024xf32, #tpu.memory_space<vmem>>, %arg12: memref<1x9x1024xf32, #tpu.memory_space<vmem>>, %arg13: memref<1x9x1024xf32, #tpu.memory_space<vmem>>, %arg14: memref<1x9x1024xf32, #tpu.memory_space<vmem>>, %arg15: memref<1x9x1024xf32, #tpu.memory_space<vmem>>, %arg16: memref<1x9x1024xf32, #tpu.memory_space<vmem>>, %arg17: memref<1x9x1024xf32, #tpu.memory_space<vmem>>, %arg18: memref<1x9x1024xf32, #tpu.memory_space<vmem>>, %arg19: memref<1x1x9xf32, #tpu.memory_space<vmem>>, %arg20: memref<1x1x9xf32, #tpu.memory_space<vmem>>, %arg21: memref<1x1x9xi32, #tpu.memory_space<vmem>>, %arg22: memref<1x1x1xi32, #tpu.memory_space<vmem>>, %arg23: memref<1x1x8xi32, #tpu.memory_space<vmem>>, %arg24: memref<1x1x9xi32, #tpu.memory_space<vmem>>) attributes {dimension_semantics = [#tpu.dimension_semantics<arbitrary>], iteration_bounds = array<i64: 32>, scalar_prefetch = 1 : i64, scratch_operands = 0 : i64, tpu.core_type = #tpu.core_type<tc>, window_params = [{transform_indices = @transform_0, window_bounds = array<i64: 1, 8, 1024>}, {transform_indices = @transform_1, window_bounds = array<i64: 1, 8, 1024>}, {transform_indices = @transform_2, window_bounds = array<i64: 1, 8, 1024>}, {transform_indices = @transform_3, window_bounds = array<i64: 1, 8, 1024>}, {transform_indices = @transform_4, window_bounds = array<i64: 1, 8, 1024>}, {transform_indices = @transform_5, window_bounds = array<i64: 1, 8, 1024>}, {transform_indices = @transform_6, window_bounds = array<i64: 1, 8, 1024>}, {transform_indices = @transform_7, window_bounds = array<i64: 1, 8, 1024>}, {transform_indices = @transform_8, window_bounds = array<i64: 1, 9, 1024>}, {transform_indices = @transform_9, window_bounds = array<i64: 1, 9, 1024>}, {transform_indices = @transform_10, window_bounds = array<i64: 1, 9, 1024>}, {transform_indices = @transform_11, window_bounds = array<i64: 1, 9, 1024>}, {transform_indices = @transform_12, window_bounds = array<i64: 1, 9, 1024>}, {transform_indices = @transform_13, window_bounds = array<i64: 1, 9, 1024>}, {transform_indices = @transform_14, window_bounds = array<i64: 1, 9, 1024>}, {transform_indices = @transform_15, window_bounds = array<i64: 1, 9, 1024>}, {transform_indices = @transform_16, window_bounds = array<i64: 1, 9, 1024>}, {transform_indices = @transform_17, window_bounds = array<i64: 1, 1, 9>}, {transform_indices = @transform_18, window_bounds = array<i64: 1, 1, 9>}, {transform_indices = @transform_19, window_bounds = array<i64: 1, 1, 9>}, {transform_indices = @transform_20, window_bounds = array<i64: 1, 1, 1>}, {transform_indices = @transform_21, window_bounds = array<i64: 1, 1, 8>}, {transform_indices = @transform_22, window_bounds = array<i64: 1, 1, 9>}]} {
    %get3A = arith.constant 0 : index
    %get3A_0 = arith.constant 0 : index
    %get3A_1 = arith.constant 0 : index
    %get3A_2 = vector.load %arg19[%get3A, %get3A_0, %get3A_1] : memref<1x1x9xf32, #tpu.memory_space<vmem>>, vector<1x1x9xf32>
    %get3A_3 = vector.shape_cast %get3A_2 : vector<1x1x9xf32> to vector<1x9xf32>
    %get3A_4 = arith.constant 0 : index
    %get3A_5 = arith.constant 0 : index
    %get3A_6 = arith.constant 0 : index
    %get3A_7 = vector.load %arg20[%get3A_4, %get3A_5, %get3A_6] : memref<1x1x9xf32, #tpu.memory_space<vmem>>, vector<1x1x9xf32>
    %get3A_8 = vector.shape_cast %get3A_7 : vector<1x1x9xf32> to vector<1x9xf32>
    %get3A_9 = arith.constant 0 : index
    %get3A_10 = arith.constant 0 : index
    %get3A_11 = arith.constant 0 : index
    %get3A_12 = vector.load %arg21[%get3A_9, %get3A_10, %get3A_11] : memref<1x1x9xi32, #tpu.memory_space<vmem>>, vector<1x1x9xi32>
    %get3A_13 = vector.shape_cast %get3A_12 : vector<1x1x9xi32> to vector<1x9xi32>
    %mul3A = arith.constant 9 : i32
    %mul3A_14 = arith.muli %arg0, %mul3A : i32
    %add3A = arith.constant 0 : i32
    %add3A_15 = arith.addi %mul3A_14, %add3A : i32
    %get3A_16 = arith.index_cast %add3A_15 : i32 to index
    %get3A_17 = memref.load %arg1[%get3A_16] : memref<288xi32, #tpu.memory_space<smem>>
    %get3A_18 = arith.constant 0 : index
    %get3A_19 = arith.constant 0 : index
    %get3A_20 = arith.constant 0 : index
    %get3A_21 = vector.load %arg10[%get3A_18, %get3A_19, %get3A_20] : memref<1x9x1024xf32, #tpu.memory_space<vmem>>, vector<1x1x1024xf32>
    %squeeze3A = vector.shape_cast %get3A_21 : vector<1x1x1024xf32> to vector<1x1024xf32>
    %get3A_22 = arith.constant 0 : index
    %get3A_23 = arith.constant 0 : index
    %get3A_24 = arith.constant 0 : index
    %get3A_25 = vector.load %arg2[%get3A_22, %get3A_23, %get3A_24] : memref<1x8x1024xf32, #tpu.memory_space<vmem>>, vector<1x1x1024xf32>
    %squeeze3A_26 = vector.shape_cast %get3A_25 : vector<1x1x1024xf32> to vector<1x1024xf32>
    %slice3A = vector.extract_strided_slice %get3A_13 {offsets = [0, 0], sizes = [1, 1], strides = [1, 1]} : vector<1x9xi32> to vector<1x1xi32>
    %gt3A = arith.constant 0 : i32
    %gt3A_27 = vector.broadcast %gt3A : i32 to vector<1x1xi32>
    %gt3A_28 = arith.cmpi sgt, %slice3A, %gt3A_27 : vector<1x1xi32>
    %sub3A = arith.subf %squeeze3A, %squeeze3A_26 : vector<1x1024xf32>
    %max3A = arith.constant 0.000000e+00 : f32
    %max3A_29 = vector.broadcast %max3A : f32 to vector<1x1024xf32>
    %max3A_30 = arith.maximumf %sub3A, %max3A_29 : vector<1x1024xf32>
    %broadcast_in_dim3A = vector.shape_cast %gt3A_28 : vector<1x1xi1> to vector<1x1xi1>
    %broadcast_in_dim3A_31 = vector.broadcast %broadcast_in_dim3A : vector<1x1xi1> to vector<1x1024xi1>
    %select_n3A = arith.select %broadcast_in_dim3A_31, %max3A_30, %squeeze3A : vector<1x1024xi1>, vector<1x1024xf32>
    %iota3A = tpu.iota {dimensions = array<i32: 1>} : vector<1x1024xi32>
    %mul3A_32 = arith.constant 1024 : i32
    %mul3A_33 = arith.muli %get3A_17, %mul3A_32 : i32
    %add3A_34 = vector.broadcast %mul3A_33 : i32 to vector<1x1024xi32>
    %add3A_35 = arith.addi %iota3A, %add3A_34 : vector<1x1024xi32>
    %lt3A = arith.constant 100000 : i32
    %lt3A_36 = vector.broadcast %lt3A : i32 to vector<1x1024xi32>
    %lt3A_37 = arith.cmpi slt, %add3A_35, %lt3A_36 : vector<1x1024xi32>
    %jit3A = arith.constant 0.000000e+00 : f32
    %broadcast_in_dim3A_38 = vector.broadcast %jit3A : f32 to vector<1x1024xf32>
    %select_n3A_39 = arith.select %lt3A_37, %select_n3A, %broadcast_in_dim3A_38 : vector<1x1024xi1>, vector<1x1024xf32>
    %mul3A_40 = arith.constant 1024 : i32
    %mul3A_41 = arith.muli %get3A_17, %mul3A_40 : i32
    %mul3A_42 = arith.constant 9 : i32
    %mul3A_43 = arith.muli %arg0, %mul3A_42 : i32
    %add3A_44 = arith.constant 1 : i32
    %add3A_45 = arith.addi %mul3A_43, %add3A_44 : i32
    %get3A_46 = arith.index_cast %add3A_45 : i32 to index
    %get3A_47 = memref.load %arg1[%get3A_46] : memref<288xi32, #tpu.memory_space<smem>>
    %get3A_48 = arith.constant 0 : index
    %get3A_49 = arith.constant 1 : index
    %get3A_50 = arith.constant 0 : index
    %get3A_51 = vector.load %arg11[%get3A_48, %get3A_49, %get3A_50] : memref<1x9x1024xf32, #tpu.memory_space<vmem>>, vector<1x1x1024xf32>
    %squeeze3A_52 = vector.shape_cast %get3A_51 : vector<1x1x1024xf32> to vector<1x1024xf32>
    %get3A_53 = arith.constant 0 : index
    %get3A_54 = arith.constant 1 : index
    %get3A_55 = arith.constant 0 : index
    %get3A_56 = vector.load %arg3[%get3A_53, %get3A_54, %get3A_55] : memref<1x8x1024xf32, #tpu.memory_space<vmem>>, vector<1x1x1024xf32>
    %squeeze3A_57 = vector.shape_cast %get3A_56 : vector<1x1x1024xf32> to vector<1x1024xf32>
    %slice3A_58 = vector.extract_strided_slice %get3A_13 {offsets = [0, 1], sizes = [1, 1], strides = [1, 1]} : vector<1x9xi32> to vector<1x1xi32>
    %gt3A_59 = arith.constant 0 : i32
    %gt3A_60 = vector.broadcast %gt3A_59 : i32 to vector<1x1xi32>
    %gt3A_61 = arith.cmpi sgt, %slice3A_58, %gt3A_60 : vector<1x1xi32>
    %sub3A_62 = arith.subf %squeeze3A_52, %squeeze3A_57 : vector<1x1024xf32>
    %max3A_63 = arith.constant 0.000000e+00 : f32
    %max3A_64 = vector.broadcast %max3A_63 : f32 to vector<1x1024xf32>
    %max3A_65 = arith.maximumf %sub3A_62, %max3A_64 : vector<1x1024xf32>
    %broadcast_in_dim3A_66 = vector.shape_cast %gt3A_61 : vector<1x1xi1> to vector<1x1xi1>
    %broadcast_in_dim3A_67 = vector.broadcast %broadcast_in_dim3A_66 : vector<1x1xi1> to vector<1x1024xi1>
    %select_n3A_68 = arith.select %broadcast_in_dim3A_67, %max3A_65, %squeeze3A_52 : vector<1x1024xi1>, vector<1x1024xf32>
    %iota3A_69 = tpu.iota {dimensions = array<i32: 1>} : vector<1x1024xi32>
    %mul3A_70 = arith.constant 1024 : i32
    %mul3A_71 = arith.muli %get3A_47, %mul3A_70 : i32
    %add3A_72 = vector.broadcast %mul3A_71 : i32 to vector<1x1024xi32>
    %add3A_73 = arith.addi %iota3A_69, %add3A_72 : vector<1x1024xi32>
    %lt3A_74 = arith.constant 100000 : i32
    %lt3A_75 = vector.broadcast %lt3A_74 : i32 to vector<1x1024xi32>
    %lt3A_76 = arith.cmpi slt, %add3A_73, %lt3A_75 : vector<1x1024xi32>
    %jit3A_77 = arith.constant 0.000000e+00 : f32
    %broadcast_in_dim3A_78 = vector.broadcast %jit3A_77 : f32 to vector<1x1024xf32>
    %select_n3A_79 = arith.select %lt3A_76, %select_n3A_68, %broadcast_in_dim3A_78 : vector<1x1024xi1>, vector<1x1024xf32>
    %mul3A_80 = arith.constant 1024 : i32
    %mul3A_81 = arith.muli %get3A_47, %mul3A_80 : i32
    %mul3A_82 = arith.constant 9 : i32
    %mul3A_83 = arith.muli %arg0, %mul3A_82 : i32
    %add3A_84 = arith.constant 2 : i32
    %add3A_85 = arith.addi %mul3A_83, %add3A_84 : i32
    %get3A_86 = arith.index_cast %add3A_85 : i32 to index
    %get3A_87 = memref.load %arg1[%get3A_86] : memref<288xi32, #tpu.memory_space<smem>>
    %get3A_88 = arith.constant 0 : index
    %get3A_89 = arith.constant 2 : index
    %get3A_90 = arith.constant 0 : index
    %get3A_91 = vector.load %arg12[%get3A_88, %get3A_89, %get3A_90] : memref<1x9x1024xf32, #tpu.memory_space<vmem>>, vector<1x1x1024xf32>
    %squeeze3A_92 = vector.shape_cast %get3A_91 : vector<1x1x1024xf32> to vector<1x1024xf32>
    %get3A_93 = arith.constant 0 : index
    %get3A_94 = arith.constant 2 : index
    %get3A_95 = arith.constant 0 : index
    %get3A_96 = vector.load %arg4[%get3A_93, %get3A_94, %get3A_95] : memref<1x8x1024xf32, #tpu.memory_space<vmem>>, vector<1x1x1024xf32>
    %squeeze3A_97 = vector.shape_cast %get3A_96 : vector<1x1x1024xf32> to vector<1x1024xf32>
    %slice3A_98 = vector.extract_strided_slice %get3A_13 {offsets = [0, 2], sizes = [1, 1], strides = [1, 1]} : vector<1x9xi32> to vector<1x1xi32>
    %gt3A_99 = arith.constant 0 : i32
    %gt3A_100 = vector.broadcast %gt3A_99 : i32 to vector<1x1xi32>
    %gt3A_101 = arith.cmpi sgt, %slice3A_98, %gt3A_100 : vector<1x1xi32>
    %sub3A_102 = arith.subf %squeeze3A_92, %squeeze3A_97 : vector<1x1024xf32>
    %max3A_103 = arith.constant 0.000000e+00 : f32
    %max3A_104 = vector.broadcast %max3A_103 : f32 to vector<1x1024xf32>
    %max3A_105 = arith.maximumf %sub3A_102, %max3A_104 : vector<1x1024xf32>
    %broadcast_in_dim3A_106 = vector.shape_cast %gt3A_101 : vector<1x1xi1> to vector<1x1xi1>
    %broadcast_in_dim3A_107 = vector.broadcast %broadcast_in_dim3A_106 : vector<1x1xi1> to vector<1x1024xi1>
    %select_n3A_108 = arith.select %broadcast_in_dim3A_107, %max3A_105, %squeeze3A_92 : vector<1x1024xi1>, vector<1x1024xf32>
    %iota3A_109 = tpu.iota {dimensions = array<i32: 1>} : vector<1x1024xi32>
    %mul3A_110 = arith.constant 1024 : i32
    %mul3A_111 = arith.muli %get3A_87, %mul3A_110 : i32
    %add3A_112 = vector.broadcast %mul3A_111 : i32 to vector<1x1024xi32>
    %add3A_113 = arith.addi %iota3A_109, %add3A_112 : vector<1x1024xi32>
    %lt3A_114 = arith.constant 100000 : i32
    %lt3A_115 = vector.broadcast %lt3A_114 : i32 to vector<1x1024xi32>
    %lt3A_116 = arith.cmpi slt, %add3A_113, %lt3A_115 : vector<1x1024xi32>
    %jit3A_117 = arith.constant 0.000000e+00 : f32
    %broadcast_in_dim3A_118 = vector.broadcast %jit3A_117 : f32 to vector<1x1024xf32>
    %select_n3A_119 = arith.select %lt3A_116, %select_n3A_108, %broadcast_in_dim3A_118 : vector<1x1024xi1>, vector<1x1024xf32>
    %mul3A_120 = arith.constant 1024 : i32
    %mul3A_121 = arith.muli %get3A_87, %mul3A_120 : i32
    %mul3A_122 = arith.constant 9 : i32
    %mul3A_123 = arith.muli %arg0, %mul3A_122 : i32
    %add3A_124 = arith.constant 3 : i32
    %add3A_125 = arith.addi %mul3A_123, %add3A_124 : i32
    %get3A_126 = arith.index_cast %add3A_125 : i32 to index
    %get3A_127 = memref.load %arg1[%get3A_126] : memref<288xi32, #tpu.memory_space<smem>>
    %get3A_128 = arith.constant 0 : index
    %get3A_129 = arith.constant 3 : index
    %get3A_130 = arith.constant 0 : index
    %get3A_131 = vector.load %arg13[%get3A_128, %get3A_129, %get3A_130] : memref<1x9x1024xf32, #tpu.memory_space<vmem>>, vector<1x1x1024xf32>
    %squeeze3A_132 = vector.shape_cast %get3A_131 : vector<1x1x1024xf32> to vector<1x1024xf32>
    %get3A_133 = arith.constant 0 : index
    %get3A_134 = arith.constant 3 : index
    %get3A_135 = arith.constant 0 : index
    %get3A_136 = vector.load %arg5[%get3A_133, %get3A_134, %get3A_135] : memref<1x8x1024xf32, #tpu.memory_space<vmem>>, vector<1x1x1024xf32>
    %squeeze3A_137 = vector.shape_cast %get3A_136 : vector<1x1x1024xf32> to vector<1x1024xf32>
    %slice3A_138 = vector.extract_strided_slice %get3A_13 {offsets = [0, 3], sizes = [1, 1], strides = [1, 1]} : vector<1x9xi32> to vector<1x1xi32>
    %gt3A_139 = arith.constant 0 : i32
    %gt3A_140 = vector.broadcast %gt3A_139 : i32 to vector<1x1xi32>
    %gt3A_141 = arith.cmpi sgt, %slice3A_138, %gt3A_140 : vector<1x1xi32>
    %sub3A_142 = arith.subf %squeeze3A_132, %squeeze3A_137 : vector<1x1024xf32>
    %max3A_143 = arith.constant 0.000000e+00 : f32
    %max3A_144 = vector.broadcast %max3A_143 : f32 to vector<1x1024xf32>
    %max3A_145 = arith.maximumf %sub3A_142, %max3A_144 : vector<1x1024xf32>
    %broadcast_in_dim3A_146 = vector.shape_cast %gt3A_141 : vector<1x1xi1> to vector<1x1xi1>
    %broadcast_in_dim3A_147 = vector.broadcast %broadcast_in_dim3A_146 : vector<1x1xi1> to vector<1x1024xi1>
    %select_n3A_148 = arith.select %broadcast_in_dim3A_147, %max3A_145, %squeeze3A_132 : vector<1x1024xi1>, vector<1x1024xf32>
    %iota3A_149 = tpu.iota {dimensions = array<i32: 1>} : vector<1x1024xi32>
    %mul3A_150 = arith.constant 1024 : i32
    %mul3A_151 = arith.muli %get3A_127, %mul3A_150 : i32
    %add3A_152 = vector.broadcast %mul3A_151 : i32 to vector<1x1024xi32>
    %add3A_153 = arith.addi %iota3A_149, %add3A_152 : vector<1x1024xi32>
    %lt3A_154 = arith.constant 100000 : i32
    %lt3A_155 = vector.broadcast %lt3A_154 : i32 to vector<1x1024xi32>
    %lt3A_156 = arith.cmpi slt, %add3A_153, %lt3A_155 : vector<1x1024xi32>
    %jit3A_157 = arith.constant 0.000000e+00 : f32
    %broadcast_in_dim3A_158 = vector.broadcast %jit3A_157 : f32 to vector<1x1024xf32>
    %select_n3A_159 = arith.select %lt3A_156, %select_n3A_148, %broadcast_in_dim3A_158 : vector<1x1024xi1>, vector<1x1024xf32>
    %mul3A_160 = arith.constant 1024 : i32
    %mul3A_161 = arith.muli %get3A_127, %mul3A_160 : i32
    %mul3A_162 = arith.constant 9 : i32
    %mul3A_163 = arith.muli %arg0, %mul3A_162 : i32
    %add3A_164 = arith.constant 4 : i32
    %add3A_165 = arith.addi %mul3A_163, %add3A_164 : i32
    %get3A_166 = arith.index_cast %add3A_165 : i32 to index
    %get3A_167 = memref.load %arg1[%get3A_166] : memref<288xi32, #tpu.memory_space<smem>>
    %get3A_168 = arith.constant 0 : index
    %get3A_169 = arith.constant 4 : index
    %get3A_170 = arith.constant 0 : index
    %get3A_171 = vector.load %arg14[%get3A_168, %get3A_169, %get3A_170] : memref<1x9x1024xf32, #tpu.memory_space<vmem>>, vector<1x1x1024xf32>
    %squeeze3A_172 = vector.shape_cast %get3A_171 : vector<1x1x1024xf32> to vector<1x1024xf32>
    %get3A_173 = arith.constant 0 : index
    %get3A_174 = arith.constant 4 : index
    %get3A_175 = arith.constant 0 : index
    %get3A_176 = vector.load %arg6[%get3A_173, %get3A_174, %get3A_175] : memref<1x8x1024xf32, #tpu.memory_space<vmem>>, vector<1x1x1024xf32>
    %squeeze3A_177 = vector.shape_cast %get3A_176 : vector<1x1x1024xf32> to vector<1x1024xf32>
    %slice3A_178 = vector.extract_strided_slice %get3A_13 {offsets = [0, 4], sizes = [1, 1], strides = [1, 1]} : vector<1x9xi32> to vector<1x1xi32>
    %gt3A_179 = arith.constant 0 : i32
    %gt3A_180 = vector.broadcast %gt3A_179 : i32 to vector<1x1xi32>
    %gt3A_181 = arith.cmpi sgt, %slice3A_178, %gt3A_180 : vector<1x1xi32>
    %sub3A_182 = arith.subf %squeeze3A_172, %squeeze3A_177 : vector<1x1024xf32>
    %max3A_183 = arith.constant 0.000000e+00 : f32
    %max3A_184 = vector.broadcast %max3A_183 : f32 to vector<1x1024xf32>
    %max3A_185 = arith.maximumf %sub3A_182, %max3A_184 : vector<1x1024xf32>
    %broadcast_in_dim3A_186 = vector.shape_cast %gt3A_181 : vector<1x1xi1> to vector<1x1xi1>
    %broadcast_in_dim3A_187 = vector.broadcast %broadcast_in_dim3A_186 : vector<1x1xi1> to vector<1x1024xi1>
    %select_n3A_188 = arith.select %broadcast_in_dim3A_187, %max3A_185, %squeeze3A_172 : vector<1x1024xi1>, vector<1x1024xf32>
    %iota3A_189 = tpu.iota {dimensions = array<i32: 1>} : vector<1x1024xi32>
    %mul3A_190 = arith.constant 1024 : i32
    %mul3A_191 = arith.muli %get3A_167, %mul3A_190 : i32
    %add3A_192 = vector.broadcast %mul3A_191 : i32 to vector<1x1024xi32>
    %add3A_193 = arith.addi %iota3A_189, %add3A_192 : vector<1x1024xi32>
    %lt3A_194 = arith.constant 100000 : i32
    %lt3A_195 = vector.broadcast %lt3A_194 : i32 to vector<1x1024xi32>
    %lt3A_196 = arith.cmpi slt, %add3A_193, %lt3A_195 : vector<1x1024xi32>
    %jit3A_197 = arith.constant 0.000000e+00 : f32
    %broadcast_in_dim3A_198 = vector.broadcast %jit3A_197 : f32 to vector<1x1024xf32>
    %select_n3A_199 = arith.select %lt3A_196, %select_n3A_188, %broadcast_in_dim3A_198 : vector<1x1024xi1>, vector<1x1024xf32>
    %mul3A_200 = arith.constant 1024 : i32
    %mul3A_201 = arith.muli %get3A_167, %mul3A_200 : i32
    %mul3A_202 = arith.constant 9 : i32
    %mul3A_203 = arith.muli %arg0, %mul3A_202 : i32
    %add3A_204 = arith.constant 5 : i32
    %add3A_205 = arith.addi %mul3A_203, %add3A_204 : i32
    %get3A_206 = arith.index_cast %add3A_205 : i32 to index
    %get3A_207 = memref.load %arg1[%get3A_206] : memref<288xi32, #tpu.memory_space<smem>>
    %get3A_208 = arith.constant 0 : index
    %get3A_209 = arith.constant 5 : index
    %get3A_210 = arith.constant 0 : index
    %get3A_211 = vector.load %arg15[%get3A_208, %get3A_209, %get3A_210] : memref<1x9x1024xf32, #tpu.memory_space<vmem>>, vector<1x1x1024xf32>
    %squeeze3A_212 = vector.shape_cast %get3A_211 : vector<1x1x1024xf32> to vector<1x1024xf32>
    %get3A_213 = arith.constant 0 : index
    %get3A_214 = arith.constant 5 : index
    %get3A_215 = arith.constant 0 : index
    %get3A_216 = vector.load %arg7[%get3A_213, %get3A_214, %get3A_215] : memref<1x8x1024xf32, #tpu.memory_space<vmem>>, vector<1x1x1024xf32>
    %squeeze3A_217 = vector.shape_cast %get3A_216 : vector<1x1x1024xf32> to vector<1x1024xf32>
    %slice3A_218 = vector.extract_strided_slice %get3A_13 {offsets = [0, 5], sizes = [1, 1], strides = [1, 1]} : vector<1x9xi32> to vector<1x1xi32>
    %gt3A_219 = arith.constant 0 : i32
    %gt3A_220 = vector.broadcast %gt3A_219 : i32 to vector<1x1xi32>
    %gt3A_221 = arith.cmpi sgt, %slice3A_218, %gt3A_220 : vector<1x1xi32>
    %sub3A_222 = arith.subf %squeeze3A_212, %squeeze3A_217 : vector<1x1024xf32>
    %max3A_223 = arith.constant 0.000000e+00 : f32
    %max3A_224 = vector.broadcast %max3A_223 : f32 to vector<1x1024xf32>
    %max3A_225 = arith.maximumf %sub3A_222, %max3A_224 : vector<1x1024xf32>
    %broadcast_in_dim3A_226 = vector.shape_cast %gt3A_221 : vector<1x1xi1> to vector<1x1xi1>
    %broadcast_in_dim3A_227 = vector.broadcast %broadcast_in_dim3A_226 : vector<1x1xi1> to vector<1x1024xi1>
    %select_n3A_228 = arith.select %broadcast_in_dim3A_227, %max3A_225, %squeeze3A_212 : vector<1x1024xi1>, vector<1x1024xf32>
    %iota3A_229 = tpu.iota {dimensions = array<i32: 1>} : vector<1x1024xi32>
    %mul3A_230 = arith.constant 1024 : i32
    %mul3A_231 = arith.muli %get3A_207, %mul3A_230 : i32
    %add3A_232 = vector.broadcast %mul3A_231 : i32 to vector<1x1024xi32>
    %add3A_233 = arith.addi %iota3A_229, %add3A_232 : vector<1x1024xi32>
    %lt3A_234 = arith.constant 100000 : i32
    %lt3A_235 = vector.broadcast %lt3A_234 : i32 to vector<1x1024xi32>
    %lt3A_236 = arith.cmpi slt, %add3A_233, %lt3A_235 : vector<1x1024xi32>
    %jit3A_237 = arith.constant 0.000000e+00 : f32
    %broadcast_in_dim3A_238 = vector.broadcast %jit3A_237 : f32 to vector<1x1024xf32>
    %select_n3A_239 = arith.select %lt3A_236, %select_n3A_228, %broadcast_in_dim3A_238 : vector<1x1024xi1>, vector<1x1024xf32>
    %mul3A_240 = arith.constant 1024 : i32
    %mul3A_241 = arith.muli %get3A_207, %mul3A_240 : i32
    %mul3A_242 = arith.constant 9 : i32
    %mul3A_243 = arith.muli %arg0, %mul3A_242 : i32
    %add3A_244 = arith.constant 6 : i32
    %add3A_245 = arith.addi %mul3A_243, %add3A_244 : i32
    %get3A_246 = arith.index_cast %add3A_245 : i32 to index
    %get3A_247 = memref.load %arg1[%get3A_246] : memref<288xi32, #tpu.memory_space<smem>>
    %get3A_248 = arith.constant 0 : index
    %get3A_249 = arith.constant 6 : index
    %get3A_250 = arith.constant 0 : index
    %get3A_251 = vector.load %arg16[%get3A_248, %get3A_249, %get3A_250] : memref<1x9x1024xf32, #tpu.memory_space<vmem>>, vector<1x1x1024xf32>
    %squeeze3A_252 = vector.shape_cast %get3A_251 : vector<1x1x1024xf32> to vector<1x1024xf32>
    %get3A_253 = arith.constant 0 : index
    %get3A_254 = arith.constant 6 : index
    %get3A_255 = arith.constant 0 : index
    %get3A_256 = vector.load %arg8[%get3A_253, %get3A_254, %get3A_255] : memref<1x8x1024xf32, #tpu.memory_space<vmem>>, vector<1x1x1024xf32>
    %squeeze3A_257 = vector.shape_cast %get3A_256 : vector<1x1x1024xf32> to vector<1x1024xf32>
    %slice3A_258 = vector.extract_strided_slice %get3A_13 {offsets = [0, 6], sizes = [1, 1], strides = [1, 1]} : vector<1x9xi32> to vector<1x1xi32>
    %gt3A_259 = arith.constant 0 : i32
    %gt3A_260 = vector.broadcast %gt3A_259 : i32 to vector<1x1xi32>
    %gt3A_261 = arith.cmpi sgt, %slice3A_258, %gt3A_260 : vector<1x1xi32>
    %sub3A_262 = arith.subf %squeeze3A_252, %squeeze3A_257 : vector<1x1024xf32>
    %max3A_263 = arith.constant 0.000000e+00 : f32
    %max3A_264 = vector.broadcast %max3A_263 : f32 to vector<1x1024xf32>
    %max3A_265 = arith.maximumf %sub3A_262, %max3A_264 : vector<1x1024xf32>
    %broadcast_in_dim3A_266 = vector.shape_cast %gt3A_261 : vector<1x1xi1> to vector<1x1xi1>
    %broadcast_in_dim3A_267 = vector.broadcast %broadcast_in_dim3A_266 : vector<1x1xi1> to vector<1x1024xi1>
    %select_n3A_268 = arith.select %broadcast_in_dim3A_267, %max3A_265, %squeeze3A_252 : vector<1x1024xi1>, vector<1x1024xf32>
    %iota3A_269 = tpu.iota {dimensions = array<i32: 1>} : vector<1x1024xi32>
    %mul3A_270 = arith.constant 1024 : i32
    %mul3A_271 = arith.muli %get3A_247, %mul3A_270 : i32
    %add3A_272 = vector.broadcast %mul3A_271 : i32 to vector<1x1024xi32>
    %add3A_273 = arith.addi %iota3A_269, %add3A_272 : vector<1x1024xi32>
    %lt3A_274 = arith.constant 100000 : i32
    %lt3A_275 = vector.broadcast %lt3A_274 : i32 to vector<1x1024xi32>
    %lt3A_276 = arith.cmpi slt, %add3A_273, %lt3A_275 : vector<1x1024xi32>
    %jit3A_277 = arith.constant 0.000000e+00 : f32
    %broadcast_in_dim3A_278 = vector.broadcast %jit3A_277 : f32 to vector<1x1024xf32>
    %select_n3A_279 = arith.select %lt3A_276, %select_n3A_268, %broadcast_in_dim3A_278 : vector<1x1024xi1>, vector<1x1024xf32>
    %mul3A_280 = arith.constant 1024 : i32
    %mul3A_281 = arith.muli %get3A_247, %mul3A_280 : i32
    %mul3A_282 = arith.constant 9 : i32
    %mul3A_283 = arith.muli %arg0, %mul3A_282 : i32
    %add3A_284 = arith.constant 7 : i32
    %add3A_285 = arith.addi %mul3A_283, %add3A_284 : i32
    %get3A_286 = arith.index_cast %add3A_285 : i32 to index
    %get3A_287 = memref.load %arg1[%get3A_286] : memref<288xi32, #tpu.memory_space<smem>>
    %get3A_288 = arith.constant 0 : index
    %get3A_289 = arith.constant 7 : index
    %get3A_290 = arith.constant 0 : index
    %get3A_291 = vector.load %arg17[%get3A_288, %get3A_289, %get3A_290] : memref<1x9x1024xf32, #tpu.memory_space<vmem>>, vector<1x1x1024xf32>
    %squeeze3A_292 = vector.shape_cast %get3A_291 : vector<1x1x1024xf32> to vector<1x1024xf32>
    %get3A_293 = arith.constant 0 : index
    %get3A_294 = arith.constant 7 : index
    %get3A_295 = arith.constant 0 : index
    %get3A_296 = vector.load %arg9[%get3A_293, %get3A_294, %get3A_295] : memref<1x8x1024xf32, #tpu.memory_space<vmem>>, vector<1x1x1024xf32>
    %squeeze3A_297 = vector.shape_cast %get3A_296 : vector<1x1x1024xf32> to vector<1x1024xf32>
    %slice3A_298 = vector.extract_strided_slice %get3A_13 {offsets = [0, 7], sizes = [1, 1], strides = [1, 1]} : vector<1x9xi32> to vector<1x1xi32>
    %gt3A_299 = arith.constant 0 : i32
    %gt3A_300 = vector.broadcast %gt3A_299 : i32 to vector<1x1xi32>
    %gt3A_301 = arith.cmpi sgt, %slice3A_298, %gt3A_300 : vector<1x1xi32>
    %sub3A_302 = arith.subf %squeeze3A_292, %squeeze3A_297 : vector<1x1024xf32>
    %max3A_303 = arith.constant 0.000000e+00 : f32
    %max3A_304 = vector.broadcast %max3A_303 : f32 to vector<1x1024xf32>
    %max3A_305 = arith.maximumf %sub3A_302, %max3A_304 : vector<1x1024xf32>
    %broadcast_in_dim3A_306 = vector.shape_cast %gt3A_301 : vector<1x1xi1> to vector<1x1xi1>
    %broadcast_in_dim3A_307 = vector.broadcast %broadcast_in_dim3A_306 : vector<1x1xi1> to vector<1x1024xi1>
    %select_n3A_308 = arith.select %broadcast_in_dim3A_307, %max3A_305, %squeeze3A_292 : vector<1x1024xi1>, vector<1x1024xf32>
    %iota3A_309 = tpu.iota {dimensions = array<i32: 1>} : vector<1x1024xi32>
    %mul3A_310 = arith.constant 1024 : i32
    %mul3A_311 = arith.muli %get3A_287, %mul3A_310 : i32
    %add3A_312 = vector.broadcast %mul3A_311 : i32 to vector<1x1024xi32>
    %add3A_313 = arith.addi %iota3A_309, %add3A_312 : vector<1x1024xi32>
    %lt3A_314 = arith.constant 100000 : i32
    %lt3A_315 = vector.broadcast %lt3A_314 : i32 to vector<1x1024xi32>
    %lt3A_316 = arith.cmpi slt, %add3A_313, %lt3A_315 : vector<1x1024xi32>
    %jit3A_317 = arith.constant 0.000000e+00 : f32
    %broadcast_in_dim3A_318 = vector.broadcast %jit3A_317 : f32 to vector<1x1024xf32>
    %select_n3A_319 = arith.select %lt3A_316, %select_n3A_308, %broadcast_in_dim3A_318 : vector<1x1024xi1>, vector<1x1024xf32>
    %mul3A_320 = arith.constant 1024 : i32
    %mul3A_321 = arith.muli %get3A_287, %mul3A_320 : i32
    %mul3A_322 = arith.constant 9 : i32
    %mul3A_323 = arith.muli %arg0, %mul3A_322 : i32
    %add3A_324 = arith.constant 8 : i32
    %add3A_325 = arith.addi %mul3A_323, %add3A_324 : i32
    %get3A_326 = arith.index_cast %add3A_325 : i32 to index
    %get3A_327 = memref.load %arg1[%get3A_326] : memref<288xi32, #tpu.memory_space<smem>>
    %get3A_328 = arith.constant 0 : index
    %get3A_329 = arith.constant 8 : index
    %get3A_330 = arith.constant 0 : index
    %get3A_331 = vector.load %arg18[%get3A_328, %get3A_329, %get3A_330] : memref<1x9x1024xf32, #tpu.memory_space<vmem>>, vector<1x1x1024xf32>
    %squeeze3A_332 = vector.shape_cast %get3A_331 : vector<1x1x1024xf32> to vector<1x1024xf32>
    %iota3A_333 = tpu.iota {dimensions = array<i32: 1>} : vector<1x1024xi32>
    %mul3A_334 = arith.constant 1024 : i32
    %mul3A_335 = arith.muli %get3A_327, %mul3A_334 : i32
    %add3A_336 = vector.broadcast %mul3A_335 : i32 to vector<1x1024xi32>
    %add3A_337 = arith.addi %iota3A_333, %add3A_336 : vector<1x1024xi32>
    %lt3A_338 = arith.constant 100000 : i32
    %lt3A_339 = vector.broadcast %lt3A_338 : i32 to vector<1x1024xi32>
    %lt3A_340 = arith.cmpi slt, %add3A_337, %lt3A_339 : vector<1x1024xi32>
    %jit3A_341 = arith.constant 0.000000e+00 : f32
    %broadcast_in_dim3A_342 = vector.broadcast %jit3A_341 : f32 to vector<1x1024xf32>
    %select_n3A_343 = arith.select %lt3A_340, %squeeze3A_332, %broadcast_in_dim3A_342 : vector<1x1024xi1>, vector<1x1024xf32>
    %mul3A_344 = arith.constant 1024 : i32
    %mul3A_345 = arith.muli %get3A_327, %mul3A_344 : i32
    %concatenate3A = tpu.concatenate %select_n3A_39, %select_n3A_79, %select_n3A_119, %select_n3A_159, %select_n3A_199, %select_n3A_239, %select_n3A_279, %select_n3A_319, %select_n3A_343 in 0 : vector<1x1024xf32>, vector<1x1024xf32>, vector<1x1024xf32>, vector<1x1024xf32>, vector<1x1024xf32>, vector<1x1024xf32>, vector<1x1024xf32>, vector<1x1024xf32>, vector<1x1024xf32> -> vector<9x1024xf32>
    %iota3A_346 = tpu.iota {dimensions = array<i32: 0>} : vector<1024x1024xi32>
    %iota3A_347 = tpu.iota {dimensions = array<i32: 1>} : vector<1024x1024xi32>
    %le3A = arith.cmpi sle, %iota3A_346, %iota3A_347 : vector<1024x1024xi32>
    %convert_element_type3A = arith.extui %le3A : vector<1024x1024xi1> to vector<1024x1024xi32>
    %convert_element_type3A_348 = arith.sitofp %convert_element_type3A : vector<1024x1024xi32> to vector<1024x1024xf32>
    %dot_general3A = arith.constant dense<0.000000e+00> : vector<9x1024xf32>
    %dot_general3A_349 = tpu.matmul %concatenate3A, %convert_element_type3A_348, %dot_general3A {dimension_numbers = #tpu.dot_dimension_numbers<[1], [0], [0], [1], [0, 0, 1, 1], [], []>, transpose_lhs_hint = false} : vector<9x1024xf32>, vector<1024x1024xf32>, vector<9x1024xf32> -> vector<9x1024xf32>
    %slice3A_350 = vector.extract_strided_slice %dot_general3A_349 {offsets = [0, 0], sizes = [1, 1024], strides = [1, 1]} : vector<9x1024xf32> to vector<1x1024xf32>
    %slice3A_351 = vector.extract_strided_slice %get3A_8 {offsets = [0, 0], sizes = [1, 1], strides = [1, 1]} : vector<1x9xf32> to vector<1x1xf32>
    %add3A_352 = vector.broadcast %slice3A_351 : vector<1x1xf32> to vector<1x1024xf32>
    %add3A_353 = arith.addf %slice3A_350, %add3A_352 : vector<1x1024xf32>
    %slice3A_354 = vector.extract_strided_slice %get3A_3 {offsets = [0, 0], sizes = [1, 1], strides = [1, 1]} : vector<1x9xf32> to vector<1x1xf32>
    %lt3A_355 = vector.broadcast %slice3A_354 : vector<1x1xf32> to vector<1x1024xf32>
    %lt3A_356 = arith.cmpf olt, %add3A_353, %lt3A_355 : vector<1x1024xf32>
    %convert_element_type3A_357 = arith.extui %lt3A_356 : vector<1x1024xi1> to vector<1x1024xi32>
    %reduce_sum3A = arith.constant dense<0> : vector<1xi32>
    %reduce_sum3A_358 = vector.multi_reduction <add>, %convert_element_type3A_357, %reduce_sum3A [1] : vector<1x1024xi32> to vector<1xi32>
    %broadcast_in_dim3A_359 = vector.shape_cast %reduce_sum3A_358 : vector<1xi32> to vector<1x1xi32>
    %add3A_360 = vector.broadcast %mul3A_41 : i32 to vector<1x1xi32>
    %add3A_361 = arith.addi %add3A_360, %broadcast_in_dim3A_359 : vector<1x1xi32>
    %min3A = arith.constant 99999 : i32
    %min3A_362 = vector.broadcast %min3A : i32 to vector<1x1xi32>
    %min3A_363 = arith.minsi %add3A_361, %min3A_362 : vector<1x1xi32>
    %slice3A_364 = vector.extract_strided_slice %dot_general3A_349 {offsets = [1, 0], sizes = [1, 1024], strides = [1, 1]} : vector<9x1024xf32> to vector<1x1024xf32>
    %slice3A_365 = vector.extract_strided_slice %get3A_8 {offsets = [0, 1], sizes = [1, 1], strides = [1, 1]} : vector<1x9xf32> to vector<1x1xf32>
    %add3A_366 = vector.broadcast %slice3A_365 : vector<1x1xf32> to vector<1x1024xf32>
    %add3A_367 = arith.addf %slice3A_364, %add3A_366 : vector<1x1024xf32>
    %slice3A_368 = vector.extract_strided_slice %get3A_3 {offsets = [0, 1], sizes = [1, 1], strides = [1, 1]} : vector<1x9xf32> to vector<1x1xf32>
    %lt3A_369 = vector.broadcast %slice3A_368 : vector<1x1xf32> to vector<1x1024xf32>
    %lt3A_370 = arith.cmpf olt, %add3A_367, %lt3A_369 : vector<1x1024xf32>
    %convert_element_type3A_371 = arith.extui %lt3A_370 : vector<1x1024xi1> to vector<1x1024xi32>
    %reduce_sum3A_372 = arith.constant dense<0> : vector<1xi32>
    %reduce_sum3A_373 = vector.multi_reduction <add>, %convert_element_type3A_371, %reduce_sum3A_372 [1] : vector<1x1024xi32> to vector<1xi32>
    %broadcast_in_dim3A_374 = vector.shape_cast %reduce_sum3A_373 : vector<1xi32> to vector<1x1xi32>
    %add3A_375 = vector.broadcast %mul3A_81 : i32 to vector<1x1xi32>
    %add3A_376 = arith.addi %add3A_375, %broadcast_in_dim3A_374 : vector<1x1xi32>
    %min3A_377 = arith.constant 99999 : i32
    %min3A_378 = vector.broadcast %min3A_377 : i32 to vector<1x1xi32>
    %min3A_379 = arith.minsi %add3A_376, %min3A_378 : vector<1x1xi32>
    %slice3A_380 = vector.extract_strided_slice %dot_general3A_349 {offsets = [2, 0], sizes = [1, 1024], strides = [1, 1]} : vector<9x1024xf32> to vector<1x1024xf32>
    %slice3A_381 = vector.extract_strided_slice %get3A_8 {offsets = [0, 2], sizes = [1, 1], strides = [1, 1]} : vector<1x9xf32> to vector<1x1xf32>
    %add3A_382 = vector.broadcast %slice3A_381 : vector<1x1xf32> to vector<1x1024xf32>
    %add3A_383 = arith.addf %slice3A_380, %add3A_382 : vector<1x1024xf32>
    %slice3A_384 = vector.extract_strided_slice %get3A_3 {offsets = [0, 2], sizes = [1, 1], strides = [1, 1]} : vector<1x9xf32> to vector<1x1xf32>
    %lt3A_385 = vector.broadcast %slice3A_384 : vector<1x1xf32> to vector<1x1024xf32>
    %lt3A_386 = arith.cmpf olt, %add3A_383, %lt3A_385 : vector<1x1024xf32>
    %convert_element_type3A_387 = arith.extui %lt3A_386 : vector<1x1024xi1> to vector<1x1024xi32>
    %reduce_sum3A_388 = arith.constant dense<0> : vector<1xi32>
    %reduce_sum3A_389 = vector.multi_reduction <add>, %convert_element_type3A_387, %reduce_sum3A_388 [1] : vector<1x1024xi32> to vector<1xi32>
    %broadcast_in_dim3A_390 = vector.shape_cast %reduce_sum3A_389 : vector<1xi32> to vector<1x1xi32>
    %add3A_391 = vector.broadcast %mul3A_121 : i32 to vector<1x1xi32>
    %add3A_392 = arith.addi %add3A_391, %broadcast_in_dim3A_390 : vector<1x1xi32>
    %min3A_393 = arith.constant 99999 : i32
    %min3A_394 = vector.broadcast %min3A_393 : i32 to vector<1x1xi32>
    %min3A_395 = arith.minsi %add3A_392, %min3A_394 : vector<1x1xi32>
    %slice3A_396 = vector.extract_strided_slice %dot_general3A_349 {offsets = [3, 0], sizes = [1, 1024], strides = [1, 1]} : vector<9x1024xf32> to vector<1x1024xf32>
    %slice3A_397 = vector.extract_strided_slice %get3A_8 {offsets = [0, 3], sizes = [1, 1], strides = [1, 1]} : vector<1x9xf32> to vector<1x1xf32>
    %add3A_398 = vector.broadcast %slice3A_397 : vector<1x1xf32> to vector<1x1024xf32>
    %add3A_399 = arith.addf %slice3A_396, %add3A_398 : vector<1x1024xf32>
    %slice3A_400 = vector.extract_strided_slice %get3A_3 {offsets = [0, 3], sizes = [1, 1], strides = [1, 1]} : vector<1x9xf32> to vector<1x1xf32>
    %lt3A_401 = vector.broadcast %slice3A_400 : vector<1x1xf32> to vector<1x1024xf32>
    %lt3A_402 = arith.cmpf olt, %add3A_399, %lt3A_401 : vector<1x1024xf32>
    %convert_element_type3A_403 = arith.extui %lt3A_402 : vector<1x1024xi1> to vector<1x1024xi32>
    %reduce_sum3A_404 = arith.constant dense<0> : vector<1xi32>
    %reduce_sum3A_405 = vector.multi_reduction <add>, %convert_element_type3A_403, %reduce_sum3A_404 [1] : vector<1x1024xi32> to vector<1xi32>
    %broadcast_in_dim3A_406 = vector.shape_cast %reduce_sum3A_405 : vector<1xi32> to vector<1x1xi32>
    %add3A_407 = vector.broadcast %mul3A_161 : i32 to vector<1x1xi32>
    %add3A_408 = arith.addi %add3A_407, %broadcast_in_dim3A_406 : vector<1x1xi32>
    %min3A_409 = arith.constant 99999 : i32
    %min3A_410 = vector.broadcast %min3A_409 : i32 to vector<1x1xi32>
    %min3A_411 = arith.minsi %add3A_408, %min3A_410 : vector<1x1xi32>
    %slice3A_412 = vector.extract_strided_slice %dot_general3A_349 {offsets = [4, 0], sizes = [1, 1024], strides = [1, 1]} : vector<9x1024xf32> to vector<1x1024xf32>
    %slice3A_413 = vector.extract_strided_slice %get3A_8 {offsets = [0, 4], sizes = [1, 1], strides = [1, 1]} : vector<1x9xf32> to vector<1x1xf32>
    %add3A_414 = vector.broadcast %slice3A_413 : vector<1x1xf32> to vector<1x1024xf32>
    %add3A_415 = arith.addf %slice3A_412, %add3A_414 : vector<1x1024xf32>
    %slice3A_416 = vector.extract_strided_slice %get3A_3 {offsets = [0, 4], sizes = [1, 1], strides = [1, 1]} : vector<1x9xf32> to vector<1x1xf32>
    %lt3A_417 = vector.broadcast %slice3A_416 : vector<1x1xf32> to vector<1x1024xf32>
    %lt3A_418 = arith.cmpf olt, %add3A_415, %lt3A_417 : vector<1x1024xf32>
    %convert_element_type3A_419 = arith.extui %lt3A_418 : vector<1x1024xi1> to vector<1x1024xi32>
    %reduce_sum3A_420 = arith.constant dense<0> : vector<1xi32>
    %reduce_sum3A_421 = vector.multi_reduction <add>, %convert_element_type3A_419, %reduce_sum3A_420 [1] : vector<1x1024xi32> to vector<1xi32>
    %broadcast_in_dim3A_422 = vector.shape_cast %reduce_sum3A_421 : vector<1xi32> to vector<1x1xi32>
    %add3A_423 = vector.broadcast %mul3A_201 : i32 to vector<1x1xi32>
    %add3A_424 = arith.addi %add3A_423, %broadcast_in_dim3A_422 : vector<1x1xi32>
    %min3A_425 = arith.constant 99999 : i32
    %min3A_426 = vector.broadcast %min3A_425 : i32 to vector<1x1xi32>
    %min3A_427 = arith.minsi %add3A_424, %min3A_426 : vector<1x1xi32>
    %slice3A_428 = vector.extract_strided_slice %dot_general3A_349 {offsets = [5, 0], sizes = [1, 1024], strides = [1, 1]} : vector<9x1024xf32> to vector<1x1024xf32>
    %slice3A_429 = vector.extract_strided_slice %get3A_8 {offsets = [0, 5], sizes = [1, 1], strides = [1, 1]} : vector<1x9xf32> to vector<1x1xf32>
    %add3A_430 = vector.broadcast %slice3A_429 : vector<1x1xf32> to vector<1x1024xf32>
    %add3A_431 = arith.addf %slice3A_428, %add3A_430 : vector<1x1024xf32>
    %slice3A_432 = vector.extract_strided_slice %get3A_3 {offsets = [0, 5], sizes = [1, 1], strides = [1, 1]} : vector<1x9xf32> to vector<1x1xf32>
    %lt3A_433 = vector.broadcast %slice3A_432 : vector<1x1xf32> to vector<1x1024xf32>
    %lt3A_434 = arith.cmpf olt, %add3A_431, %lt3A_433 : vector<1x1024xf32>
    %convert_element_type3A_435 = arith.extui %lt3A_434 : vector<1x1024xi1> to vector<1x1024xi32>
    %reduce_sum3A_436 = arith.constant dense<0> : vector<1xi32>
    %reduce_sum3A_437 = vector.multi_reduction <add>, %convert_element_type3A_435, %reduce_sum3A_436 [1] : vector<1x1024xi32> to vector<1xi32>
    %broadcast_in_dim3A_438 = vector.shape_cast %reduce_sum3A_437 : vector<1xi32> to vector<1x1xi32>
    %add3A_439 = vector.broadcast %mul3A_241 : i32 to vector<1x1xi32>
    %add3A_440 = arith.addi %add3A_439, %broadcast_in_dim3A_438 : vector<1x1xi32>
    %min3A_441 = arith.constant 99999 : i32
    %min3A_442 = vector.broadcast %min3A_441 : i32 to vector<1x1xi32>
    %min3A_443 = arith.minsi %add3A_440, %min3A_442 : vector<1x1xi32>
    %slice3A_444 = vector.extract_strided_slice %dot_general3A_349 {offsets = [6, 0], sizes = [1, 1024], strides = [1, 1]} : vector<9x1024xf32> to vector<1x1024xf32>
    %slice3A_445 = vector.extract_strided_slice %get3A_8 {offsets = [0, 6], sizes = [1, 1], strides = [1, 1]} : vector<1x9xf32> to vector<1x1xf32>
    %add3A_446 = vector.broadcast %slice3A_445 : vector<1x1xf32> to vector<1x1024xf32>
    %add3A_447 = arith.addf %slice3A_444, %add3A_446 : vector<1x1024xf32>
    %slice3A_448 = vector.extract_strided_slice %get3A_3 {offsets = [0, 6], sizes = [1, 1], strides = [1, 1]} : vector<1x9xf32> to vector<1x1xf32>
    %lt3A_449 = vector.broadcast %slice3A_448 : vector<1x1xf32> to vector<1x1024xf32>
    %lt3A_450 = arith.cmpf olt, %add3A_447, %lt3A_449 : vector<1x1024xf32>
    %convert_element_type3A_451 = arith.extui %lt3A_450 : vector<1x1024xi1> to vector<1x1024xi32>
    %reduce_sum3A_452 = arith.constant dense<0> : vector<1xi32>
    %reduce_sum3A_453 = vector.multi_reduction <add>, %convert_element_type3A_451, %reduce_sum3A_452 [1] : vector<1x1024xi32> to vector<1xi32>
    %broadcast_in_dim3A_454 = vector.shape_cast %reduce_sum3A_453 : vector<1xi32> to vector<1x1xi32>
    %add3A_455 = vector.broadcast %mul3A_281 : i32 to vector<1x1xi32>
    %add3A_456 = arith.addi %add3A_455, %broadcast_in_dim3A_454 : vector<1x1xi32>
    %min3A_457 = arith.constant 99999 : i32
    %min3A_458 = vector.broadcast %min3A_457 : i32 to vector<1x1xi32>
    %min3A_459 = arith.minsi %add3A_456, %min3A_458 : vector<1x1xi32>
    %slice3A_460 = vector.extract_strided_slice %dot_general3A_349 {offsets = [7, 0], sizes = [1, 1024], strides = [1, 1]} : vector<9x1024xf32> to vector<1x1024xf32>
    %slice3A_461 = vector.extract_strided_slice %get3A_8 {offsets = [0, 7], sizes = [1, 1], strides = [1, 1]} : vector<1x9xf32> to vector<1x1xf32>
    %add3A_462 = vector.broadcast %slice3A_461 : vector<1x1xf32> to vector<1x1024xf32>
    %add3A_463 = arith.addf %slice3A_460, %add3A_462 : vector<1x1024xf32>
    %slice3A_464 = vector.extract_strided_slice %get3A_3 {offsets = [0, 7], sizes = [1, 1], strides = [1, 1]} : vector<1x9xf32> to vector<1x1xf32>
    %lt3A_465 = vector.broadcast %slice3A_464 : vector<1x1xf32> to vector<1x1024xf32>
    %lt3A_466 = arith.cmpf olt, %add3A_463, %lt3A_465 : vector<1x1024xf32>
    %convert_element_type3A_467 = arith.extui %lt3A_466 : vector<1x1024xi1> to vector<1x1024xi32>
    %reduce_sum3A_468 = arith.constant dense<0> : vector<1xi32>
    %reduce_sum3A_469 = vector.multi_reduction <add>, %convert_element_type3A_467, %reduce_sum3A_468 [1] : vector<1x1024xi32> to vector<1xi32>
    %broadcast_in_dim3A_470 = vector.shape_cast %reduce_sum3A_469 : vector<1xi32> to vector<1x1xi32>
    %add3A_471 = vector.broadcast %mul3A_321 : i32 to vector<1x1xi32>
    %add3A_472 = arith.addi %add3A_471, %broadcast_in_dim3A_470 : vector<1x1xi32>
    %min3A_473 = arith.constant 99999 : i32
    %min3A_474 = vector.broadcast %min3A_473 : i32 to vector<1x1xi32>
    %min3A_475 = arith.minsi %add3A_472, %min3A_474 : vector<1x1xi32>
    %slice3A_476 = vector.extract_strided_slice %dot_general3A_349 {offsets = [8, 0], sizes = [1, 1024], strides = [1, 1]} : vector<9x1024xf32> to vector<1x1024xf32>
    %slice3A_477 = vector.extract_strided_slice %get3A_8 {offsets = [0, 8], sizes = [1, 1], strides = [1, 1]} : vector<1x9xf32> to vector<1x1xf32>
    %add3A_478 = vector.broadcast %slice3A_477 : vector<1x1xf32> to vector<1x1024xf32>
    %add3A_479 = arith.addf %slice3A_476, %add3A_478 : vector<1x1024xf32>
    %slice3A_480 = vector.extract_strided_slice %get3A_3 {offsets = [0, 8], sizes = [1, 1], strides = [1, 1]} : vector<1x9xf32> to vector<1x1xf32>
    %lt3A_481 = vector.broadcast %slice3A_480 : vector<1x1xf32> to vector<1x1024xf32>
    %lt3A_482 = arith.cmpf olt, %add3A_479, %lt3A_481 : vector<1x1024xf32>
    %convert_element_type3A_483 = arith.extui %lt3A_482 : vector<1x1024xi1> to vector<1x1024xi32>
    %reduce_sum3A_484 = arith.constant dense<0> : vector<1xi32>
    %reduce_sum3A_485 = vector.multi_reduction <add>, %convert_element_type3A_483, %reduce_sum3A_484 [1] : vector<1x1024xi32> to vector<1xi32>
    %broadcast_in_dim3A_486 = vector.shape_cast %reduce_sum3A_485 : vector<1xi32> to vector<1x1xi32>
    %add3A_487 = vector.broadcast %mul3A_345 : i32 to vector<1x1xi32>
    %add3A_488 = arith.addi %add3A_487, %broadcast_in_dim3A_486 : vector<1x1xi32>
    %min3A_489 = arith.constant 99999 : i32
    %min3A_490 = vector.broadcast %min3A_489 : i32 to vector<1x1xi32>
    %min3A_491 = arith.minsi %add3A_488, %min3A_490 : vector<1x1xi32>
    %concatenate3A_492 = tpu.concatenate %min3A_363, %min3A_379, %min3A_395, %min3A_411, %min3A_427, %min3A_443, %min3A_459, %min3A_475, %min3A_491 in 1 : vector<1x1xi32>, vector<1x1xi32>, vector<1x1xi32>, vector<1x1xi32>, vector<1x1xi32>, vector<1x1xi32>, vector<1x1xi32>, vector<1x1xi32>, vector<1x1xi32> -> vector<1x9xi32>
    %get3A_493 = arith.constant 0 : index
    %get3A_494 = arith.constant 0 : index
    %get3A_495 = arith.constant 0 : index
    %get3A_496 = vector.load %arg23[%get3A_493, %get3A_494, %get3A_495] : memref<1x1x8xi32, #tpu.memory_space<vmem>>, vector<1x1x8xi32>
    %get3A_497 = vector.shape_cast %get3A_496 : vector<1x1x8xi32> to vector<1x8xi32>
    %broadcast_in_dim3A_498 = arith.constant 0 : i32
    %broadcast_in_dim3A_499 = vector.broadcast %broadcast_in_dim3A_498 : i32 to vector<1x1xi32>
    %concatenate3A_500 = tpu.concatenate %get3A_497, %broadcast_in_dim3A_499 in 1 : vector<1x8xi32>, vector<1x1xi32> -> vector<1x9xi32>
    %iota3A_501 = tpu.iota {dimensions = array<i32: 1>} : vector<1x9xi32>
    %get3A_502 = arith.constant 0 : index
    %get3A_503 = arith.constant 0 : index
    %get3A_504 = arith.constant 0 : index
    %get3A_505 = vector.load %arg22[%get3A_502, %get3A_503, %get3A_504] : memref<1x1x1xi32, #tpu.memory_space<vmem>>, vector<1x1x1xi32>
    %get3A_506 = vector.shape_cast %get3A_505 : vector<1x1x1xi32> to vector<1x1xi32>
    %lt3A_507 = vector.broadcast %get3A_506 : vector<1x1xi32> to vector<1x9xi32>
    %lt3A_508 = arith.cmpi slt, %iota3A_501, %lt3A_507 : vector<1x9xi32>
    %eq3A = vector.broadcast %get3A_506 : vector<1x1xi32> to vector<1x9xi32>
    %eq3A_509 = arith.cmpi eq, %iota3A_501, %eq3A : vector<1x9xi32>
    %broadcast_in_dim3A_510 = arith.constant -1 : i32
    %broadcast_in_dim3A_511 = vector.broadcast %broadcast_in_dim3A_510 : i32 to vector<1x9xi32>
    %select_n3A_512 = arith.select %eq3A_509, %concatenate3A_492, %broadcast_in_dim3A_511 : vector<1x9xi1>, vector<1x9xi32>
    %select_n3A_513 = arith.select %lt3A_508, %concatenate3A_500, %select_n3A_512 : vector<1x9xi1>, vector<1x9xi32>
    %swap3A = arith.constant 0 : index
    %swap3A_514 = arith.constant 0 : index
    %swap3A_515 = arith.constant 0 : index
    %swap3A_516 = vector.load %arg24[%swap3A, %swap3A_514, %swap3A_515] : memref<1x1x9xi32, #tpu.memory_space<vmem>>, vector<1x1x9xi32>
    %swap3A_517 = vector.shape_cast %swap3A_516 : vector<1x1x9xi32> to vector<1x9xi32>
    %swap3A_518 = vector.shape_cast %select_n3A_513 : vector<1x9xi32> to vector<1x1x9xi32>
    tpu.vector_store %arg24[%swap3A, %swap3A_514, %swap3A_515], %swap3A_518 {strides = array<i32>} : memref<1x1x9xi32, #tpu.memory_space<vmem>>, vector<1x1x9xi32>,
    return
  }
  func.func @transform_0(%arg0: i32, %arg1: memref<288xi32, #tpu.memory_space<smem>>) -> (i32, i32, i32) {
    %mul3A = arith.constant 9 : i32
    %mul3A_0 = arith.muli %arg0, %mul3A : i32
    %add3A = arith.constant 0 : i32
    %add3A_1 = arith.addi %mul3A_0, %add3A : i32
    %get3A = arith.index_cast %add3A_1 : i32 to index
    %get3A_2 = memref.load %arg1[%get3A] : memref<288xi32, #tpu.memory_space<smem>>
    %c0_i32 = arith.constant 0 : i32
    %c0_i32_3 = arith.constant 0 : i32
    return %arg0, %c0_i32, %get3A_2 : i32, i32, i32
  }
  func.func @transform_1(%arg0: i32, %arg1: memref<288xi32, #tpu.memory_space<smem>>) -> (i32, i32, i32) {
    %mul3A = arith.constant 9 : i32
    %mul3A_0 = arith.muli %arg0, %mul3A : i32
    %add3A = arith.constant 1 : i32
    %add3A_1 = arith.addi %mul3A_0, %add3A : i32
    %get3A = arith.index_cast %add3A_1 : i32 to index
    %get3A_2 = memref.load %arg1[%get3A] : memref<288xi32, #tpu.memory_space<smem>>
    %c0_i32 = arith.constant 0 : i32
    %c0_i32_3 = arith.constant 0 : i32
    return %arg0, %c0_i32, %get3A_2 : i32, i32, i32
  }
  func.func @transform_2(%arg0: i32, %arg1: memref<288xi32, #tpu.memory_space<smem>>) -> (i32, i32, i32) {
    %mul3A = arith.constant 9 : i32
    %mul3A_0 = arith.muli %arg0, %mul3A : i32
    %add3A = arith.constant 2 : i32
    %add3A_1 = arith.addi %mul3A_0, %add3A : i32
    %get3A = arith.index_cast %add3A_1 : i32 to index
    %get3A_2 = memref.load %arg1[%get3A] : memref<288xi32, #tpu.memory_space<smem>>
    %c0_i32 = arith.constant 0 : i32
    %c0_i32_3 = arith.constant 0 : i32
    return %arg0, %c0_i32, %get3A_2 : i32, i32, i32
  }
  func.func @transform_3(%arg0: i32, %arg1: memref<288xi32, #tpu.memory_space<smem>>) -> (i32, i32, i32) {
    %mul3A = arith.constant 9 : i32
    %mul3A_0 = arith.muli %arg0, %mul3A : i32
    %add3A = arith.constant 3 : i32
    %add3A_1 = arith.addi %mul3A_0, %add3A : i32
    %get3A = arith.index_cast %add3A_1 : i32 to index
    %get3A_2 = memref.load %arg1[%get3A] : memref<288xi32, #tpu.memory_space<smem>>
    %c0_i32 = arith.constant 0 : i32
    %c0_i32_3 = arith.constant 0 : i32
    return %arg0, %c0_i32, %get3A_2 : i32, i32, i32
  }
  func.func @transform_4(%arg0: i32, %arg1: memref<288xi32, #tpu.memory_space<smem>>) -> (i32, i32, i32) {
    %mul3A = arith.constant 9 : i32
    %mul3A_0 = arith.muli %arg0, %mul3A : i32
    %add3A = arith.constant 4 : i32
    %add3A_1 = arith.addi %mul3A_0, %add3A : i32
    %get3A = arith.index_cast %add3A_1 : i32 to index
    %get3A_2 = memref.load %arg1[%get3A] : memref<288xi32, #tpu.memory_space<smem>>
    %c0_i32 = arith.constant 0 : i32
    %c0_i32_3 = arith.constant 0 : i32
    return %arg0, %c0_i32, %get3A_2 : i32, i32, i32
  }
  func.func @transform_5(%arg0: i32, %arg1: memref<288xi32, #tpu.memory_space<smem>>) -> (i32, i32, i32) {
    %mul3A = arith.constant 9 : i32
    %mul3A_0 = arith.muli %arg0, %mul3A : i32
    %add3A = arith.constant 5 : i32
    %add3A_1 = arith.addi %mul3A_0, %add3A : i32
    %get3A = arith.index_cast %add3A_1 : i32 to index
    %get3A_2 = memref.load %arg1[%get3A] : memref<288xi32, #tpu.memory_space<smem>>
    %c0_i32 = arith.constant 0 : i32
    %c0_i32_3 = arith.constant 0 : i32
    return %arg0, %c0_i32, %get3A_2 : i32, i32, i32
  }
  func.func @transform_6(%arg0: i32, %arg1: memref<288xi32, #tpu.memory_space<smem>>) -> (i32, i32, i32) {
    %mul3A = arith.constant 9 : i32
    %mul3A_0 = arith.muli %arg0, %mul3A : i32
    %add3A = arith.constant 6 : i32
    %add3A_1 = arith.addi %mul3A_0, %add3A : i32
    %get3A = arith.index_cast %add3A_1 : i32 to index
    %get3A_2 = memref.load %arg1[%get3A] : memref<288xi32, #tpu.memory_space<smem>>
    %c0_i32 = arith.constant 0 : i32
    %c0_i32_3 = arith.constant 0 : i32
    return %arg0, %c0_i32, %get3A_2 : i32, i32, i32
  }
  func.func @transform_7(%arg0: i32, %arg1: memref<288xi32, #tpu.memory_space<smem>>) -> (i32, i32, i32) {
    %mul3A = arith.constant 9 : i32
    %mul3A_0 = arith.muli %arg0, %mul3A : i32
    %add3A = arith.constant 7 : i32
    %add3A_1 = arith.addi %mul3A_0, %add3A : i32
    %get3A = arith.index_cast %add3A_1 : i32 to index
    %get3A_2 = memref.load %arg1[%get3A] : memref<288xi32, #tpu.memory_space<smem>>
    %c0_i32 = arith.constant 0 : i32
    %c0_i32_3 = arith.constant 0 : i32
    return %arg0, %c0_i32, %get3A_2 : i32, i32, i32
  }
  func.func @transform_8(%arg0: i32, %arg1: memref<288xi32, #tpu.memory_space<smem>>) -> (i32, i32, i32) {
    %mul3A = arith.constant 9 : i32
    %mul3A_0 = arith.muli %arg0, %mul3A : i32
    %add3A = arith.constant 0 : i32
    %add3A_1 = arith.addi %mul3A_0, %add3A : i32
    %get3A = arith.index_cast %add3A_1 : i32 to index
    %get3A_2 = memref.load %arg1[%get3A] : memref<288xi32, #tpu.memory_space<smem>>
    %c0_i32 = arith.constant 0 : i32
    %c0_i32_3 = arith.constant 0 : i32
    return %arg0, %c0_i32, %get3A_2 : i32, i32, i32
  }
  func.func @transform_9(%arg0: i32, %arg1: memref<288xi32, #tpu.memory_space<smem>>) -> (i32, i32, i32) {
    %mul3A = arith.constant 9 : i32
    %mul3A_0 = arith.muli %arg0, %mul3A : i32
    %add3A = arith.constant 1 : i32
    %add3A_1 = arith.addi %mul3A_0, %add3A : i32
    %get3A = arith.index_cast %add3A_1 : i32 to index
    %get3A_2 = memref.load %arg1[%get3A] : memref<288xi32, #tpu.memory_space<smem>>
    %c0_i32 = arith.constant 0 : i32
    %c0_i32_3 = arith.constant 0 : i32
    return %arg0, %c0_i32, %get3A_2 : i32, i32, i32
  }
  func.func @transform_10(%arg0: i32, %arg1: memref<288xi32, #tpu.memory_space<smem>>) -> (i32, i32, i32) {
    %mul3A = arith.constant 9 : i32
    %mul3A_0 = arith.muli %arg0, %mul3A : i32
    %add3A = arith.constant 2 : i32
    %add3A_1 = arith.addi %mul3A_0, %add3A : i32
    %get3A = arith.index_cast %add3A_1 : i32 to index
    %get3A_2 = memref.load %arg1[%get3A] : memref<288xi32, #tpu.memory_space<smem>>
    %c0_i32 = arith.constant 0 : i32
    %c0_i32_3 = arith.constant 0 : i32
    return %arg0, %c0_i32, %get3A_2 : i32, i32, i32
  }
  func.func @transform_11(%arg0: i32, %arg1: memref<288xi32, #tpu.memory_space<smem>>) -> (i32, i32, i32) {
    %mul3A = arith.constant 9 : i32
    %mul3A_0 = arith.muli %arg0, %mul3A : i32
    %add3A = arith.constant 3 : i32
    %add3A_1 = arith.addi %mul3A_0, %add3A : i32
    %get3A = arith.index_cast %add3A_1 : i32 to index
    %get3A_2 = memref.load %arg1[%get3A] : memref<288xi32, #tpu.memory_space<smem>>
    %c0_i32 = arith.constant 0 : i32
    %c0_i32_3 = arith.constant 0 : i32
    return %arg0, %c0_i32, %get3A_2 : i32, i32, i32
  }
  func.func @transform_12(%arg0: i32, %arg1: memref<288xi32, #tpu.memory_space<smem>>) -> (i32, i32, i32) {
    %mul3A = arith.constant 9 : i32
    %mul3A_0 = arith.muli %arg0, %mul3A : i32
    %add3A = arith.constant 4 : i32
    %add3A_1 = arith.addi %mul3A_0, %add3A : i32
    %get3A = arith.index_cast %add3A_1 : i32 to index
    %get3A_2 = memref.load %arg1[%get3A] : memref<288xi32, #tpu.memory_space<smem>>
    %c0_i32 = arith.constant 0 : i32
    %c0_i32_3 = arith.constant 0 : i32
    return %arg0, %c0_i32, %get3A_2 : i32, i32, i32
  }
  func.func @transform_13(%arg0: i32, %arg1: memref<288xi32, #tpu.memory_space<smem>>) -> (i32, i32, i32) {
    %mul3A = arith.constant 9 : i32
    %mul3A_0 = arith.muli %arg0, %mul3A : i32
    %add3A = arith.constant 5 : i32
    %add3A_1 = arith.addi %mul3A_0, %add3A : i32
    %get3A = arith.index_cast %add3A_1 : i32 to index
    %get3A_2 = memref.load %arg1[%get3A] : memref<288xi32, #tpu.memory_space<smem>>
    %c0_i32 = arith.constant 0 : i32
    %c0_i32_3 = arith.constant 0 : i32
    return %arg0, %c0_i32, %get3A_2 : i32, i32, i32
  }
  func.func @transform_14(%arg0: i32, %arg1: memref<288xi32, #tpu.memory_space<smem>>) -> (i32, i32, i32) {
    %mul3A = arith.constant 9 : i32
    %mul3A_0 = arith.muli %arg0, %mul3A : i32
    %add3A = arith.constant 6 : i32
    %add3A_1 = arith.addi %mul3A_0, %add3A : i32
    %get3A = arith.index_cast %add3A_1 : i32 to index
    %get3A_2 = memref.load %arg1[%get3A] : memref<288xi32, #tpu.memory_space<smem>>
    %c0_i32 = arith.constant 0 : i32
    %c0_i32_3 = arith.constant 0 : i32
    return %arg0, %c0_i32, %get3A_2 : i32, i32, i32
  }
  func.func @transform_15(%arg0: i32, %arg1: memref<288xi32, #tpu.memory_space<smem>>) -> (i32, i32, i32) {
    %mul3A = arith.constant 9 : i32
    %mul3A_0 = arith.muli %arg0, %mul3A : i32
    %add3A = arith.constant 7 : i32
    %add3A_1 = arith.addi %mul3A_0, %add3A : i32
    %get3A = arith.index_cast %add3A_1 : i32 to index
    %get3A_2 = memref.load %arg1[%get3A] : memref<288xi32, #tpu.memory_space<smem>>
    %c0_i32 = arith.constant 0 : i32
    %c0_i32_3 = arith.constant 0 : i32
    return %arg0, %c0_i32, %get3A_2 : i32, i32, i32
  }
  func.func @transform_16(%arg0: i32, %arg1: memref<288xi32, #tpu.memory_space<smem>>) -> (i32, i32, i32) {
    %mul3A = arith.constant 9 : i32
    %mul3A_0 = arith.muli %arg0, %mul3A : i32
    %add3A = arith.constant 8 : i32
    %add3A_1 = arith.addi %mul3A_0, %add3A : i32
    %get3A = arith.index_cast %add3A_1 : i32 to index
    %get3A_2 = memref.load %arg1[%get3A] : memref<288xi32, #tpu.memory_space<smem>>
    %c0_i32 = arith.constant 0 : i32
    %c0_i32_3 = arith.constant 0 : i32
    return %arg0, %c0_i32, %get3A_2 : i32, i32, i32
  }
  func.func @transform_17(%arg0: i32, %arg1: memref<288xi32, #tpu.memory_space<smem>>) -> (i32, i32, i32) {
    %c0_i32 = arith.constant 0 : i32
    %c0_i32_0 = arith.constant 0 : i32
    %c0_i32_1 = arith.constant 0 : i32
    return %arg0, %c0_i32, %c0_i32_0 : i32, i32, i32
  }
  func.func @transform_18(%arg0: i32, %arg1: memref<288xi32, #tpu.memory_space<smem>>) -> (i32, i32, i32) {
    %c0_i32 = arith.constant 0 : i32
    %c0_i32_0 = arith.constant 0 : i32
    %c0_i32_1 = arith.constant 0 : i32
    return %arg0, %c0_i32, %c0_i32_0 : i32, i32, i32
  }
  func.func @transform_19(%arg0: i32, %arg1: memref<288xi32, #tpu.memory_space<smem>>) -> (i32, i32, i32) {
    %c0_i32 = arith.constant 0 : i32
    %c0_i32_0 = arith.constant 0 : i32
    %c0_i32_1 = arith.constant 0 : i32
    return %arg0, %c0_i32, %c0_i32_0 : i32, i32, i32
  }
  func.func @transform_20(%arg0: i32, %arg1: memref<288xi32, #tpu.memory_space<smem>>) -> (i32, i32, i32) {
    %c0_i32 = arith.constant 0 : i32
    %c0_i32_0 = arith.constant 0 : i32
    %c0_i32_1 = arith.constant 0 : i32
    return %arg0, %c0_i32, %c0_i32_0 : i32, i32, i32
  }
  func.func @transform_21(%arg0: i32, %arg1: memref<288xi32, #tpu.memory_space<smem>>) -> (i32, i32, i32) {
    %c0_i32 = arith.constant 0 : i32
    %c0_i32_0 = arith.constant 0 : i32
    %c0_i32_1 = arith.constant 0 : i32
    return %arg0, %c0_i32, %c0_i32_0 : i32, i32, i32
  }
  func.func @transform_22(%arg0: i32, %arg1: memref<288xi32, #tpu.memory_space<smem>>) -> (i32, i32, i32) {
    %c0_i32 = arith.constant 0 : i32
    %c0_i32_0 = arith.constant 0 : i32
    %c0_i32_1 = arith.constant 0 : i32
    return %arg0, %c0_i32, %c0_i32_0 : i32, i32, i32
  }
}

</mosaic_0001>

<sc_bundles>
// kernel: kernel.6.cloned.1.call-start
scs
__scs_entry_jumppad:
0x0: {  	(pc) =	sbr.rel $0x88, $3  }
0x1: {  	(tag) =	ssettag $0x0;
	lr =	simm.s32 $0x1  }
0x2: {  	[smem:$0x3F9C] =	sst lr;
	_ =	strace $0xD0000000  }
0x3: {  	_ = 	snop  }
0x4: {  	_ = 	snop  }
0x5: {  	_ = 	snop  }
0x6: {  	_ = 	snop  }
0x7: {  	_ = 	snop  }
__scs_overlays_trampoline_lowered:
0x8: {  	[smem:$0x3FAB] =	sst s0  }
0x9: {  	[smem:$0x3FAC] =	sst s1  }
0xa: {  	[smem:$0x3FAD] =	sst s2  }
0xb: {  	[smem:$0x3FAE] =	sst s3  }
0xc: {  	[smem:$0x3FAF] =	sst s4  }
0xd: {  	[smem:$0x3FB0] =	sst s5  }
0xe: {  	[smem:$0x3FB1] =	sst s6  }
0xf: {  	[smem:$0x3FB2] =	sst s7  }
0x10: {  	[smem:$0x3FB3] =	sst s8  }
0x11: {  	[smem:$0x3FB4] =	sst s9;
	s0 =	simm.s32 @!p0 $0x0  }
0x12: {  	s1 =	sld [smem:$0x3F9A];
	s0 =	simm.s32 @p0 $0x1  }
0x13: {  	[smem:$0x3FB5] =	sst s0;
	s0 =	simm.s32 @!p1 $0x0  }
0x14: {  	s2 =	sld [smem:$0x3F99];
	s0 =	simm.s32 @p1 $0x1  }
0x15: {  	[smem:$0x3FB6] =	sst s0;
	s0 =	simm.s32 @!p2 $0x0  }
0x16: {  	s3 =	sld [smem:$0x3FDB];
	s0 =	simm.s32 @p2 $0x1  }
0x17: {  	s4 =	simm.s32 $0x1BF5;
	[smem:$0x3FB8] =	sst s0  }
0x18: {  	s0 =	sld [smem:$0x3F9B];
	_ =	swait.ge [sflag:s4], $0x0  }
0x19: {  	s7 =	sld [smem:$0x3F9C]  }
0x1a: {  	s8 =	sadd.s32 $0xFFFFE003, lr  }
0x1b: {  	s9 =	sadd.s32 $0xFFFFFEF7, lr;
	s5 =	simm.s32 $0xFFFFFFFF;
	p2 =	slt.u32 s8, $0xFFFFF086  }
0x1c: {  	p1 =	slt.u32 s9, $0xF7A;
	s5 =	simm.s32 @!p2 $0x0  }
0x1d: {  	s5 =	simm.s32 @p1 $0x1;
	p0 =	seq.s32 s7, s2  }
0x1e: {  	s7 =	smul.u32 @!p0 $0xF7A, s2;
	p2 =	seq.s32 @!p0 s5, $0x0  }
0x1f: {  	s9 =	smul.u32 $0xF7A, s1;
	s8 =	simm.s32 @!p0 $0x1BF5;
	p2 =	por !p2, p0  }
0x20: {  	[sflag:s8] =	ssyncset.s32 @!p0 $0xFFFFF086;
	s6 =	sadd.s32 @!p0 s3, s7;
	s7 =	simm.s32 @!p0 $0x108  }
0x21: {  	s3 =	sadd.s32 s3, s9;
	s6 =	sadd.s32 @!p0 $0x88, s6;
	s7 =	simm.s32 @p2 $0x1082  }
0x22: {  	[simem:s7], [sflag:s8] =	dma.local @!p0 [hbm:s6], $0xF7A  }
0x23: {  	s9 =	sor.u32 $0xD0000000, s2;
	s6 =	simm.s32 $0x108;
	_ =	swait.ge @!p0 [sflag:s8], $0x0  }
0x24: {  	s3 =	sadd.s32 $0x88, s3;
	s6 =	simm.s32 @!p1 $0x1082;
	[sflag:s4] =	ssyncset.s32 $0xFFFFF086  }
0x25: {  	[simem:s6], [sflag:s4] =	dma.local [hbm:s3], $0xF7A  }
0x26: {  	[smem:$0x3F9C] =	sst s1;
	(tag) =	ssettag s2;
	_ =	strace s9  }
0x27: {  	s1 =	sld [smem:$0x3FAC]  }
0x28: {  	s2 =	sld [smem:$0x3FAD]  }
0x29: {  	s4 =	sld [smem:$0x3FAF]  }
0x2a: {  	p0 =	seq.s32 s5, $0x0;
	s5 =	sld [smem:$0x3FB0]  }
0x2b: {  	s6 =	sld [smem:$0x3FB1]  }
0x2c: {  	s7 =	sld [smem:$0x3FB2]  }
0x2d: {  	s3 =	simm.s32 $0x108;
	s8 =	sld [smem:$0x3FB3]  }
0x2e: {  	s3 =	simm.s32 @!p0 $0x1082;
	s9 =	sld [smem:$0x3FB4]  }
0x2f: {  	lr =	sadd.s32 s0, s3;
	s0 =	sld [smem:$0x3FAB]  }
0x30: {  	s3 =	sld [smem:$0x3FAE]  }
0x31: {  	[smem:$0x3FB7] =	sst s10  }
0x32: {  	s10 =	sld [smem:$0x3FB5];
	_ =	sdelay $0x3  }
0x33: {  	p0 =	seq.s32 s10, $0x1;
	s10 =	sld [smem:$0x3FB7];
	_ =	sdelay $0x3  }
0x34: {  	[smem:$0x3FB7] =	sst s10  }
0x35: {  	s10 =	sld [smem:$0x3FB6];
	_ =	sdelay $0x3  }
0x36: {  	p1 =	seq.s32 s10, $0x1;
	s10 =	sld [smem:$0x3FB7];
	_ =	sdelay $0x3  }
0x37: {  	[smem:$0x3FB7] =	sst s10  }
0x38: {  	s10 =	sld [smem:$0x3FB8]  }
0x39: {  	_ = 	snop;
	(pc) =	sbr.ind lr, $3  }
0x3a: {  	_ = 	snop  }
0x3b: {  	_ = 	snop  }
0x3c: {  	p2 =	seq.s32 s10, $0x1;
	s10 =	sld [smem:$0x3FB7]  }
0x3d: {  	_ =	shalt  }
0x3e: {  	_ =	shalt  }
0x3f: {  	_ =	shalt  }
0x40: {  	_ =	shalt  }
0x41: {  	_ =	shalt  }
0x42: {  	_ =	shalt  }
0x43: {  	_ =	shalt  }
0x44: {  	_ =	shalt  }
0x45: {  	_ =	shalt  }
0x46: {  	_ =	shalt  }
0x47: {  	_ =	shalt  }
0x48: {  	_ =	shalt  }
0x49: {  	_ =	shalt  }
0x4a: {  	_ =	shalt  }
0x4b: {  	_ =	shalt  }
0x4c: {  	_ =	shalt  }
0x4d: {  	_ =	shalt  }
0x4e: {  	_ =	shalt  }
0x4f: {  	_ =	shalt  }
0x50: {  	_ =	shalt  }
0x51: {  	_ =	shalt  }
0x52: {  	_ =	shalt  }
0x53: {  	_ =	shalt  }
0x54: {  	_ =	shalt  }
0x55: {  	_ =	shalt  }
0x56: {  	_ =	shalt  }
0x57: {  	_ =	shalt  }
0x58: {  	_ =	shalt  }
0x59: {  	_ =	shalt  }
0x5a: {  	_ =	shalt  }
0x5b: {  	_ =	shalt  }
0x5c: {  	_ =	shalt  }
0x5d: {  	_ =	shalt  }
0x5e: {  	_ =	shalt  }
0x5f: {  	_ =	shalt  }
0x60: {  	_ =	shalt  }
0x61: {  	_ =	shalt  }
0x62: {  	_ =	shalt  }
0x63: {  	_ =	shalt  }
0x64: {  	_ =	shalt  }
0x65: {  	_ =	shalt  }
0x66: {  	_ =	shalt  }
0x67: {  	_ =	shalt  }
0x68: {  	_ =	shalt  }
0x69: {  	_ =	shalt  }
0x6a: {  	_ =	shalt  }
0x6b: {  	_ =	shalt  }
0x6c: {  	_ =	shalt  }
0x6d: {  	_ =	shalt  }
0x6e: {  	_ =	shalt  }
0x6f: {  	_ =	shalt  }
0x70: {  	_ =	shalt  }
0x71: {  	_ =	shalt  }
0x72: {  	_ =	shalt  }
0x73: {  	_ =	shalt  }
0x74: {  	_ =	shalt  }
0x75: {  	_ =	shalt  }
0x76: {  	_ =	shalt  }
0x77: {  	_ =	shalt  }
0x78: {  	_ =	shalt  }
0x79: {  	_ =	shalt  }
0x7a: {  	_ =	shalt  }
0x7b: {  	_ =	shalt  }
0x7c: {  	_ =	shalt  }
0x7d: {  	_ =	shalt  }
0x7e: {  	_ =	shalt  }
0x7f: {  	_ =	shalt  }
0x80: {  	_ =	shalt  }
0x81: {  	_ =	shalt  }
0x82: {  	_ =	shalt  }
0x83: {  	_ =	shalt  }
0x84: {  	_ =	shalt  }
0x85: {  	_ =	shalt  }
0x86: {  	_ =	shalt  }
0x87: {  	_ =	shalt  }
.Lfunc_end0:
.L_simem_size_0:
called_computation_lowered:
.L_overlay_start_0:
0x88: {  	s2 =	sld [smem:$0x3FD9]  }
0x89: {  	s3 =	sld [smem:$0x3FFE];
	_ =	sdelay $0x1  }
0x8a: {  	s1 =	srdreg.scid  }
0x8b: {  	s0 =	sand.u32 $0x1, s1  }
0x8c: {  	s17 =	sshll.u32 s0, $0xA;
	s2 =	sadd.s32 s3, s2  }
0x8d: {  	s2 =	sadd.s32 s2, s17  }
0x8e: {  	[smem:$0x3FC3] =	sst s2  }
0x8f: {  	_ = 	snop  }
0x90: {  	s2 =	sld [smem:$0x3FD0];
	(tm) =	ssettm $0x1  }
0x91: {  	s18 =	sld [smem:$0x3FFB];
	_ =	sdelay $0x3  }
0x92: {  	_ =	strace s18  }
0x93: {  	s3 =	sld [smem:$0x3FFC];
	_ =	sdelay $0x3  }
0x94: {  	_ =	strace s3  }
0x95: {  	s3 =	sld [smem:$0x3FFD];
	_ =	sdelay $0x3  }
0x96: {  	_ =	strace s3  }
0x97: {  	_ =	strace $0x8FFFFFFF  }
0x98: {  	s19 =	sld [smem:$0x3FDB];
	_ =	sdelay $0x1  }
0x99: {  	s4 =	simm.s32 $_scs_section_size  }
0x9a: {  	s5 =	simm.s32 $_size__tile_overlayer_lowered;
	s6 =	simm.s32 $_tile_overlayer_lowered  }
0x9b: {  	s22 =	simm.s32 $0x1BFF;
	s21 =	sshll.u32 s6, $0x1;
	s3 =	sadd.s32 s4, s19  }
0x9c: {  	s7 =	simm.s32 $0x0;
	s20 =	sshll.u32 s5, $0x1;
	s5 =	sadd.s32 s21, s3  }
0x9d: {  	[timem:s7], [sflag:s22] =	dma.local [hbm:s5], s20  }
0x9e: {  	_ =	swait.ge [sflag:s22], s20  }
0x9f: {  	s4 =	ssub.s32 $0x0, s20;
	[sflag:s22] =	ssyncset.done $0x0  }
0xa0: {  	[sflag:s22] =	ssyncadd.s32 s4;
	_ =	sdelay $0x1  }
0xa1: {  	s23 =	simm.s32 $0x1B8B  }
0xa2: {  	_ =	swait.ge [sflag:s23], $0x1  }
0xa3: {  	[sflag:s23] =	ssyncset.done $0x0  }
0xa4: {  	s25 =	simm.s32 $0x1B8E;
	s24 =	sld [smem:$0x3FFE];
	[sflag:s23] =	ssyncadd.s32 $0xFFFFFFFF  }
0xa5: {  	s26 =	simm.s32 $execute0_lowered;
	[smem:$0x3FD2] =	sst s25  }
0xa6: {  	s5 =	sshll.u32 s26, $0x1;
	_ =	strace $0x80000046;
	[dreg:$0x1] =	wrdreg $0xFFFFFFFF  }
0xa7: {  	s28 =	simm.s32 $_size_execute0_lowered;
	s3 =	sadd.s32 s3, s5;
	[dreg:$0x0] =	wrdreg $0x0  }
0xa8: {  	s5 =	sshll.u32 s28, $0x1;
	[dreg:$0x2] =	wrdreg s3  }
0xa9: {  	[dreg:$0x3] =	wrdreg s5  }
0xaa: {  	[dreg:$0x4] =	wrdreg $0xC0  }
0xab: {  	_ =	task [dreg:s7], $0x5FFFF  }
0xac: {  	[dreg:$0x1] =	wrdreg $0xFFFFFFFF  }
0xad: {  	[dreg:$0x0] =	wrdreg $0x60  }
0xae: {  	[dreg:$0x2] =	wrdreg s24  }
0xaf: {  	[dreg:$0x3] =	wrdreg s2  }
0xb0: {  	[dreg:$0x4] =	wrdreg $0x9  }
0xb1: {  	_ =	task.clear_ibuf [dreg:s7], $0x5FFFF;
	_ =	strace $0x90000046  }
0xb2: {  	s29 =	simm.s32 $0x9;
	_ =	strace $0x80000048  }
0xb3: {  	_ =	swait.ge [sflag:s29], $0x1  }
0xb4: {  	[sflag:s29] =	ssyncadd.s32 $0xFFFFFFFF  }
0xb5: {  	_ =	strace $0x90000048  }
0xb6: {  	_ =	sfence  }
0xb7: {  	s30 =	sld [smem:$0x0];
	_ =	sdelay $0x2  }
0xb8: {  	s31 =	sshll.u32 s1, $0xD;
	s1 =	sshrl.u32 s1, $0x2  }
0xb9: {  	s3 =	sand.u32 $0x4000, s31;
	s1 =	sadd.s32 s1, s30  }
0xba: {  	s0 =	sor.u32 s3, s0;
	s1 =	sshll.u32 s1, $0x11  }
0xbb: {  	s0 =	sor.u32 s1, s0  }
0xbc: {  	s0 =	sadd.s32 $0x8F2B, s0  }
0xbd: {  	[sflag:s0] =	ssyncadd.remote.s32 $0x1  }
0xbe: {  	_ =	sfence.sel $0xFFFF  }
0xbf: {  	[dreg:$0x0] =	wrdreg $0xFFFFFFFF;
	(pc) =	sbr.abs _section_cstart, $3  }
0xc0: {  	[dreg:$0x1] =	wrdreg $0xFFFFFFFF  }
0xc1: {  	_ =	task.clear_ibuf [dreg:s7], $0x2FFFF;
	_ =	strace $0x9FFFFFFF  }
0xc2: {  	(tm) =	ssettm $0x7FFFFFFF  }
0xc3: {  	_ =	shalt  }
tec
execute0_lowered:
.L_overlay_start_1:
0x0: {  	(tag) =	ssettag $0x1  }
0x1: {  	s1 =	srdreg.scid  }
0x2: {  	s0 =	stileid.u32;
	s14 =	sand.u32 $0x1, s1  }
0x3: {  	s15 =	rddreg [dreg:$0x0];
	s30 =	sshll.u32 s0, $0x4;
	s2 =	sshll.u32 s14, $0x3  }
0x4: {  	s5 =	rddreg [dreg:$0x1];
	s16 =	sor.u32 s2, s30  }
0x5: {  	s1 =	rddreg [dreg:$0x2];
	s2 =	simm.s32 $0x0;
	s6 =	sshrl.u32 s16, $0x3  }
0x6: {  	[smem:$0x7FF] =	sst s2;
	s3 =	sadd.s32 s6, s15  }
0x7: {  	_ =	strace $0x80000047;
	s4 =	sadd.s32 $0x1000, s3;
	s3 =	simm.s32 $0x3  }
0x8: {  	[tilespmem:s2], [sflag:$0x3] =	stream.linear.gather [hbm4b:s4+s2], $0x8, $0x38;
	[tilespmem:$0x900] =	vst v63  }
0x9: {  	_ =	swait.ge [sflag:s3], $0x8  }
0xa: {  	[sflag:s3] =	ssyncset.done $0x0  }
0xb: {  	s5 =	sadd.s32 s5, s6;
	s6 =	simm.s32 $0x80;
	[sflag:s3] =	ssyncadd.s32 $0xFFFFFFF8  }
0xc: {  	[tilespmem:s6], [sflag:$0x3] =	stream.linear.gather [hbm4b:s5+s2], $0x8, $0x38;
	[tilespmem:$0x900] =	vst v63  }
0xd: {  	_ =	swait.ge [sflag:s3], $0x8  }
0xe: {  	s8 =	simm.s32 $0x8;
	[sflag:s3] =	ssyncset.done $0x0  }
0xf: {  	s9 =	simm.s32 $0x100;
	s7 =	sadd.s32 $0x1200, s15;
	[sflag:s3] =	ssyncadd.s32 $0xFFFFFFF8  }
0x10: {  	[tilespmem:s9], [sflag:$0x1] =	stream.indirect.gather [hbm4b:s7+s8], $0x80, s2, s8, $0xb8;
	[tilespmem:$0x900] =	vst v63  }
0x11: {  	s11 =	simm.s32 $0x500;
	s12 =	simm.s32 $0x1;
	s10 =	sadd.s32 $0x98BE00, s15  }
0x12: {  	[tilespmem:s11], [sflag:$0x2] =	stream.indirect.gather [hbm4b:s10+s8], $0x80, s6, s8, $0xb8;
	[tilespmem:$0x900] =	vst v63  }
0x13: {  	_ =	swait.ge [sflag:s12], $0x400  }
0x14: {  	[sflag:s12] =	ssyncset.done $0x0  }
0x15: {  	s13 =	simm.s32 $0x2;
	s31 =	ssub.s32 $0x2, s14;
	[sflag:s12] =	ssyncadd.s32 $0xFFFFFC00  }
0x16: {  	s17 =	sshrl.u32 s31, $0x1;
	s16 =	sshll.u32 s16, $0x4;
	_ =	swait.ge [sflag:s13], $0x400  }
0x17: {  	s15 =	sadd.s32 s16, s15;
	s16 =	ssub.s32 s31, s17;
	[sflag:s13] =	ssyncset.done $0x0  }
0x18: {  	s14 =	sadd.s32 $0x30E600, s15;
	s16 =	smax.u32 s16, $0x1;
	[sflag:s13] =	ssyncadd.s32 $0xFFFFFC00  }
0x19: {  	[hbm4b:s14+s2] =	stream.linear.scatter [tilespmem:s9], [sflag:$0x3], $0x400, $0x38;
	[tilespmem:$0x900] =	vst v63  }
0x1a: {  	p0 =	sne.s32 s16, $0x1;
	_ =	swait.ge [sflag:s3], $0x400  }
.Ltmp0:
0x1b: {  	[sflag:s3] =	ssyncset.done $0x0;
	(pc) =	sbr.rel @!p0 .LBB2_2-.Ltmp0, $4  }
0x1c: {  	s15 =	sadd.s32 $0x30F600, s15;
	[sflag:s3] =	ssyncadd.s32 $0xFFFFFC00  }
0x1d: {  	[hbm4b:s15+s2] =	stream.linear.scatter [tilespmem:s11], [sflag:$0x3], $0x400, $0x38;
	[tilespmem:$0x900] =	vst v63  }
0x1e: {  	_ =	swait.ge [sflag:s3], $0x400  }
0x1f: {  	s16 =	sadd.s32 $0xFFFFFFFF, s16;
	[sflag:s3] =	ssyncset.done $0x0  }
.LBB2_1:
0x20: {  	p0 =	sne.s32 s16, $0x1;
	s16 =	sadd.s32 $0xFFFFFFFF, s16;
	[sflag:s3] =	ssyncadd.s32 $0xFFFFFC00  }
0x21: {  	[tilespmem:s2], [sflag:$0x3] =	stream.linear.gather [hbm4b:s4+s2], $0x8, $0x38;
	[tilespmem:$0x900] =	vst v63  }
0x22: {  	_ =	swait.ge [sflag:s3], $0x8  }
0x23: {  	[sflag:s3] =	ssyncset.done $0x0  }
0x24: {  	[sflag:s3] =	ssyncadd.s32 $0xFFFFFFF8  }
0x25: {  	[tilespmem:s6], [sflag:$0x3] =	stream.linear.gather [hbm4b:s5+s2], $0x8, $0x38;
	[tilespmem:$0x900] =	vst v63  }
0x26: {  	_ =	swait.ge [sflag:s3], $0x8  }
0x27: {  	[sflag:s3] =	ssyncset.done $0x0  }
0x28: {  	[sflag:s3] =	ssyncadd.s32 $0xFFFFFFF8  }
0x29: {  	[tilespmem:s9], [sflag:$0x1] =	stream.indirect.gather [hbm4b:s7+s8], $0x80, s2, s8, $0xb8;
	[tilespmem:$0x900] =	vst v63  }
0x2a: {  	_ = 	snop  }
0x2b: {  	[tilespmem:s11], [sflag:$0x2] =	stream.indirect.gather [hbm4b:s10+s8], $0x80, s6, s8, $0xb8;
	[tilespmem:$0x900] =	vst v63  }
0x2c: {  	_ =	swait.ge [sflag:s12], $0x400  }
0x2d: {  	[sflag:s12] =	ssyncset.done $0x0  }
0x2e: {  	[sflag:s12] =	ssyncadd.s32 $0xFFFFFC00  }
0x2f: {  	_ =	swait.ge [sflag:s13], $0x400  }
0x30: {  	[sflag:s13] =	ssyncset.done $0x0  }
0x31: {  	[sflag:s13] =	ssyncadd.s32 $0xFFFFFC00  }
0x32: {  	[hbm4b:s14+s2] =	stream.linear.scatter [tilespmem:s9], [sflag:$0x3], $0x400, $0x38;
	[tilespmem:$0x900] =	vst v63  }
0x33: {  	_ =	swait.ge [sflag:s3], $0x400  }
.Ltmp1:
0x34: {  	[sflag:s3] =	ssyncset.done $0x0;
	(pc) =	sbr.rel @p0 .LBB2_1-.Ltmp1, $4  }
0x35: {  	[sflag:s3] =	ssyncadd.s32 $0xFFFFFC00  }
0x36: {  	[hbm4b:s15+s2] =	stream.linear.scatter [tilespmem:s11], [sflag:$0x3], $0x400, $0x38;
	[tilespmem:$0x900] =	vst v63  }
0x37: {  	_ =	swait.ge [sflag:s3], $0x400  }
0x38: {  	[sflag:s3] =	ssyncset.done $0x0  }
.LBB2_2:
0x39: {  	[sflag:s3] =	ssyncadd.s32 $0xFFFFFC00  }
0x3a: {  	_ =	sfence.sel $0x180000  }
0x3b: {  	[bflag:$0x0] =	sbarrier.arrive $0xFFFF  }
0x3c: {  	p0 =	sne.s32 s0, $0x0;
	_ =	strace $0x90000047  }
0x3d: {  	s0 =	sadd.s32 @!p0 $0x100000, s1;
	[bflag:$0x2] =	sbarrier.arrive $0xFFFF  }
0x3e: {  	[sflag:s0] =	ssyncadd.tile.s32 @!p0 $0x1;
	_ =	shalt  }
.Lfunc_end2:
_tile_overlayer_lowered:
.L_overlay_start_2:
0x3f: {  	(tag) =	ssettag $0x2  }
0x40: {  	s0 =	rddreg [dreg:$0x0];
	s2 =	stileid.u32  }
0x41: {  	s1 =	rddreg [dreg:$0x1];
	p0 =	sne.s32 s2, $0x0  }
0x42: {  	s3 =	rddreg [dreg:$0x2];
	[bflag:$0x3] =	sbarrier.arrive $0xFFFF;
	s2 =	simm.s32 @!p0 $0x1C03  }
0x43: {  	[timem:s3], [sflag:s2] =	dma.local @!p0 [hbm:s0], s1  }
0x44: {  	s0 =	simm.s32 @!p0 $0x3  }
0x45: {  	_ =	swait.ge @!p0 [sflag:s0], s1  }
0x46: {  	s1 =	ssub.s32 @!p0 $0x0, s1;
	[sflag:s0] =	ssyncset.done @!p0 $0x0  }
0x47: {  	[sflag:s0] =	ssyncadd.s32 @!p0 s1  }
0x48: {  	[bflag:$0x3] =	sbarrier.arrive $0xFFFF  }
0x49: {  	_ =	shalt  }

</sc_bundles>
